<compile_context>
chip_gen: v7x
topology: tpu7x:2x2x1
jax: 0.10.2.dev20260603
libtpu: 0.0.44.dev20260713+nightly
codegen_flags: <defaults>
</compile_context>

<pallas_src>
import functools

import jax
import jax.numpy as jnp
from jax import lax
from jax.experimental import pallas as pl
from jax.experimental.pallas import tpu as pltpu
from jax.experimental.pallas import tpu_sc as plsc

_D = 64
_NW = 32
_CHUNK = 128


@functools.lru_cache(maxsize=None)
def _build(T: int, B: int):
    bpw = B // _NW
    nck = bpw // _CHUNK
    total = T * nck
    nbh = B // _CHUNK
    mesh = plsc.VectorSubcoreMesh(core_axis_name="c", subcore_axis_name="s")

    scratch = dict(
        tidb=pltpu.VMEM((bpw,), jnp.int32),
        gbufs=[pltpu.VMEM((_CHUNK, _D), jnp.float32) for _ in range(2)],
        obufs=[pltpu.VMEM((8, 8, _CHUNK), jnp.float32) for _ in range(2)],
        gsems=[pltpu.SemaphoreType.DMA for _ in range(2)],
        osems=[pltpu.SemaphoreType.DMA for _ in range(2)],
    )

    @functools.partial(
        pl.kernel,
        mesh=mesh,
        out_type=jax.ShapeDtypeStruct((T, 8, nbh, 8, _CHUNK), jnp.float32),
        scratch_types=scratch,
        compiler_params=pltpu.CompilerParams(
            use_tc_tiling_on_sc=False,
            needs_layout_passes=False,
            disable_bounds_checks=True,
        ),
    )
    def gather_kernel(tid_hbm, tab_hbm, out_hbm, *, tidb,
                      gbufs, obufs, gsems, osems):
        wid = lax.axis_index("s") * 2 + lax.axis_index("c")
        b0w = wid * bpw
        lane = lax.iota(jnp.int32, 16)
        rots = []
        for d in range(16):
            rot = (lane + d) & 15
            rots.append((rot, lax.shift_right_logical(rot, 3), rot & 7))

        def stage_tid(t):
            pltpu.sync_copy(tid_hbm.at[t, pl.ds(b0w, bpw)], tidb)

        def idx_ref(k):
            return tidb.at[pl.ds(k * _CHUNK, _CHUNK)]

        def start_gather(slot, k):
            pltpu.async_copy(tab_hbm.at[idx_ref(k)], gbufs[slot], gsems[slot])

        def wait_gather(slot, k):
            pltpu.make_async_copy(tab_hbm.at[idx_ref(k)], gbufs[slot],
                                  gsems[slot]).wait()

        def transpose_chunk(slot):
            gbuf, obuf = gbufs[slot], obufs[slot]

            @plsc.parallel_loop(0, _CHUNK // 16, 1)
            def lgroup(g):
                l_ids = g * 16 + lane
                for rot, roth, rotl in rots:
                    for cg in range(_D // 16):
                        vals = plsc.load_gather(gbuf, [l_ids, rot + cg * 16])
                        plsc.store_scatter(obuf, [roth + cg * 2, rotl, l_ids],
                                           vals)

        def out_ref(t, k):
            return out_hbm.at[t, :, wid * nck + k, :, :]

        def start_store(slot, t, k):
            pltpu.async_copy(obufs[slot], out_ref(t, k), osems[slot])

        def wait_store(slot, t, k):
            pltpu.make_async_copy(obufs[slot], out_ref(t, k),
                                  osems[slot]).wait()

        stage_tid(0)
        start_gather(0, 0)

        def step(j, slot):
            t = j // nck
            k = j - t * nck
            jn = j + 1
            tn = jn // nck
            kn = jn - tn * nck
            nslot = 1 - slot

            wait_gather(slot, k)

            @pl.when(jn < total)
            def _():
                @pl.when(kn == 0)
                def _():
                    stage_tid(tn)
                @pl.when(jn >= 2)
                def _():
                    jp = jn - 2
                    tp = jp // nck
                    wait_store(nslot, tp, jp - tp * nck)
                start_gather(nslot, kn)

            transpose_chunk(slot)
            start_store(slot, t, k)

        def group(g, carry):
            for b in range(2):
                step(2 * g + b, b)
            return carry

        lax.fori_loop(0, total // 2, group, 0)
        for back in (2, 1):
            j = total - back
            t = j // nck
            wait_store(j & 1, t, j - t * nck)

    return gather_kernel


def kernel(token_ids, weights):
    Bt, T = token_ids.shape
    V = weights.shape[0]
    tid_t = token_ids.T.astype(jnp.int32) * 2
    tab = jnp.pad(weights, ((0, 0), (0, 128 - weights.shape[1])))
    tab2 = tab.reshape(2 * V, _D)
    out5 = _build(T, Bt)(tid_t, tab2)
    return out5.transpose(2, 4, 0, 1, 3).reshape(Bt, T, _D)

# --- scband reference (transcript-rebuilt; emitter-appended) ---
"""Pipeline reference for scband-embedding-85229331021892 (READ-ONLY COPY).

The authoritative reference and input builder live on the scoring server;
editing this copy changes nothing except your own understanding.
"""

import jax, jax.numpy as jnp
import numpy as np

NUM_EMBEDDINGS = 1000000
D_MODEL = 64

def setup_inputs(seed: int = 0) -> dict:
    key = jax.random.key(seed)
    k_idx, k_w = jax.random.split(key)
    token_ids = jax.random.randint(k_idx, (16384, 20), 0, NUM_EMBEDDINGS, dtype=jnp.int64 if jax.config.jax_enable_x64 else jnp.int32)
    # truncated normal init, std=1.0, truncated to [-3, 3]
    weights = jax.random.truncated_normal(k_w, -3.0, 3.0, (NUM_EMBEDDINGS, D_MODEL), dtype=jnp.float32)
    return {"token_ids": token_ids, "weights": weights}

def reference(token_ids, weights):
    # Faithful translation of: return self.weights[token_ids]
    return jnp.take(weights, token_ids, axis=0)

if __name__ == "__main__":
    import jax
    _d = setup_inputs()
    print(jax.jit(kernel)(*tuple(_d.values())))

</pallas_src>

<mosaic_0001>
#map = affine_map<(d0, d1) -> (0, 0)>
#map1 = affine_map<(d0, d1) -> (0, 0, 0, 0, 0)>
module attributes {stable_mosaic.version = 14 : i64} {
  func.func @gather_kernel(%arg0: i32, %arg1: i32, %arg2: memref<20x16384xi32, #tpu.memory_space<hbm>>, %arg3: memref<2000000x64xf32, #tpu.memory_space<hbm>>, %arg4: memref<20x8x128x8x128xf32, #tpu.memory_space<hbm>>, %arg5: memref<128x64xf32, #tpu.memory_space<vmem>>, %arg6: memref<128x64xf32, #tpu.memory_space<vmem>>, %arg7: memref<!tpu.dma_semaphore, #tpu.memory_space<semaphore_mem>>, %arg8: memref<!tpu.dma_semaphore, #tpu.memory_space<semaphore_mem>>, %arg9: memref<8x8x128xf32, #tpu.memory_space<vmem>>, %arg10: memref<8x8x128xf32, #tpu.memory_space<vmem>>, %arg11: memref<!tpu.dma_semaphore, #tpu.memory_space<semaphore_mem>>, %arg12: memref<!tpu.dma_semaphore, #tpu.memory_space<semaphore_mem>>, %arg13: memref<512xi32, #tpu.memory_space<vmem>>) attributes {dimension_semantics = [#tpu.dimension_semantics<core_parallel>, #tpu.dimension_semantics<subcore_parallel>], iteration_bounds = array<i64: 2, 16>, scalar_prefetch = 0 : i64, scratch_operands = 9 : i64, tpu.core_type = #tpu.core_type<sc_vector_subcore>, window_params = [{transform_indices = #map}, {transform_indices = #map}, {transform_indices = #map1}]} {
    %mul3A = arith.constant 2 : i32
    %mul3A_0 = arith.muli %arg1, %mul3A : i32
    %add3A = arith.addi %mul3A_0, %arg0 : i32
    %mul3A_1 = arith.constant 512 : i32
    %mul3A_2 = arith.muli %add3A, %mul3A_1 : i32
    %iota3A = tpu.iota {dimensions = array<i32: 0>} : vector<16xi32>
    %add3A_3 = arith.constant 0 : i32
    %add3A_4 = vector.broadcast %add3A_3 : i32 to vector<16xi32>
    %add3A_5 = arith.addi %iota3A, %add3A_4 : vector<16xi32>
    %and3A = arith.constant 15 : i32
    %and3A_6 = vector.broadcast %and3A : i32 to vector<16xi32>
    %and3A_7 = arith.andi %add3A_5, %and3A_6 : vector<16xi32>
    %shift_right_logical3A = arith.constant 3 : i32
    %shift_right_logical3A_8 = vector.broadcast %shift_right_logical3A : i32 to vector<16xi32>
    %shift_right_logical3A_9 = arith.shrui %and3A_7, %shift_right_logical3A_8 : vector<16xi32>
    %and3A_10 = arith.constant 7 : i32
    %and3A_11 = vector.broadcast %and3A_10 : i32 to vector<16xi32>
    %and3A_12 = arith.andi %and3A_7, %and3A_11 : vector<16xi32>
    %add3A_13 = arith.constant 1 : i32
    %add3A_14 = vector.broadcast %add3A_13 : i32 to vector<16xi32>
    %add3A_15 = arith.addi %iota3A, %add3A_14 : vector<16xi32>
    %and3A_16 = arith.constant 15 : i32
    %and3A_17 = vector.broadcast %and3A_16 : i32 to vector<16xi32>
    %and3A_18 = arith.andi %add3A_15, %and3A_17 : vector<16xi32>
    %shift_right_logical3A_19 = arith.constant 3 : i32
    %shift_right_logical3A_20 = vector.broadcast %shift_right_logical3A_19 : i32 to vector<16xi32>
    %shift_right_logical3A_21 = arith.shrui %and3A_18, %shift_right_logical3A_20 : vector<16xi32>
    %and3A_22 = arith.constant 7 : i32
    %and3A_23 = vector.broadcast %and3A_22 : i32 to vector<16xi32>
    %and3A_24 = arith.andi %and3A_18, %and3A_23 : vector<16xi32>
    %add3A_25 = arith.constant 2 : i32
    %add3A_26 = vector.broadcast %add3A_25 : i32 to vector<16xi32>
    %add3A_27 = arith.addi %iota3A, %add3A_26 : vector<16xi32>
    %and3A_28 = arith.constant 15 : i32
    %and3A_29 = vector.broadcast %and3A_28 : i32 to vector<16xi32>
    %and3A_30 = arith.andi %add3A_27, %and3A_29 : vector<16xi32>
    %shift_right_logical3A_31 = arith.constant 3 : i32
    %shift_right_logical3A_32 = vector.broadcast %shift_right_logical3A_31 : i32 to vector<16xi32>
    %shift_right_logical3A_33 = arith.shrui %and3A_30, %shift_right_logical3A_32 : vector<16xi32>
    %and3A_34 = arith.constant 7 : i32
    %and3A_35 = vector.broadcast %and3A_34 : i32 to vector<16xi32>
    %and3A_36 = arith.andi %and3A_30, %and3A_35 : vector<16xi32>
    %add3A_37 = arith.constant 3 : i32
    %add3A_38 = vector.broadcast %add3A_37 : i32 to vector<16xi32>
    %add3A_39 = arith.addi %iota3A, %add3A_38 : vector<16xi32>
    %and3A_40 = arith.constant 15 : i32
    %and3A_41 = vector.broadcast %and3A_40 : i32 to vector<16xi32>
    %and3A_42 = arith.andi %add3A_39, %and3A_41 : vector<16xi32>
    %shift_right_logical3A_43 = arith.constant 3 : i32
    %shift_right_logical3A_44 = vector.broadcast %shift_right_logical3A_43 : i32 to vector<16xi32>
    %shift_right_logical3A_45 = arith.shrui %and3A_42, %shift_right_logical3A_44 : vector<16xi32>
    %and3A_46 = arith.constant 7 : i32
    %and3A_47 = vector.broadcast %and3A_46 : i32 to vector<16xi32>
    %and3A_48 = arith.andi %and3A_42, %and3A_47 : vector<16xi32>
    %add3A_49 = arith.constant 4 : i32
    %add3A_50 = vector.broadcast %add3A_49 : i32 to vector<16xi32>
    %add3A_51 = arith.addi %iota3A, %add3A_50 : vector<16xi32>
    %and3A_52 = arith.constant 15 : i32
    %and3A_53 = vector.broadcast %and3A_52 : i32 to vector<16xi32>
    %and3A_54 = arith.andi %add3A_51, %and3A_53 : vector<16xi32>
    %shift_right_logical3A_55 = arith.constant 3 : i32
    %shift_right_logical3A_56 = vector.broadcast %shift_right_logical3A_55 : i32 to vector<16xi32>
    %shift_right_logical3A_57 = arith.shrui %and3A_54, %shift_right_logical3A_56 : vector<16xi32>
    %and3A_58 = arith.constant 7 : i32
    %and3A_59 = vector.broadcast %and3A_58 : i32 to vector<16xi32>
    %and3A_60 = arith.andi %and3A_54, %and3A_59 : vector<16xi32>
    %add3A_61 = arith.constant 5 : i32
    %add3A_62 = vector.broadcast %add3A_61 : i32 to vector<16xi32>
    %add3A_63 = arith.addi %iota3A, %add3A_62 : vector<16xi32>
    %and3A_64 = arith.constant 15 : i32
    %and3A_65 = vector.broadcast %and3A_64 : i32 to vector<16xi32>
    %and3A_66 = arith.andi %add3A_63, %and3A_65 : vector<16xi32>
    %shift_right_logical3A_67 = arith.constant 3 : i32
    %shift_right_logical3A_68 = vector.broadcast %shift_right_logical3A_67 : i32 to vector<16xi32>
    %shift_right_logical3A_69 = arith.shrui %and3A_66, %shift_right_logical3A_68 : vector<16xi32>
    %and3A_70 = arith.constant 7 : i32
    %and3A_71 = vector.broadcast %and3A_70 : i32 to vector<16xi32>
    %and3A_72 = arith.andi %and3A_66, %and3A_71 : vector<16xi32>
    %add3A_73 = arith.constant 6 : i32
    %add3A_74 = vector.broadcast %add3A_73 : i32 to vector<16xi32>
    %add3A_75 = arith.addi %iota3A, %add3A_74 : vector<16xi32>
    %and3A_76 = arith.constant 15 : i32
    %and3A_77 = vector.broadcast %and3A_76 : i32 to vector<16xi32>
    %and3A_78 = arith.andi %add3A_75, %and3A_77 : vector<16xi32>
    %shift_right_logical3A_79 = arith.constant 3 : i32
    %shift_right_logical3A_80 = vector.broadcast %shift_right_logical3A_79 : i32 to vector<16xi32>
    %shift_right_logical3A_81 = arith.shrui %and3A_78, %shift_right_logical3A_80 : vector<16xi32>
    %and3A_82 = arith.constant 7 : i32
    %and3A_83 = vector.broadcast %and3A_82 : i32 to vector<16xi32>
    %and3A_84 = arith.andi %and3A_78, %and3A_83 : vector<16xi32>
    %add3A_85 = arith.constant 7 : i32
    %add3A_86 = vector.broadcast %add3A_85 : i32 to vector<16xi32>
    %add3A_87 = arith.addi %iota3A, %add3A_86 : vector<16xi32>
    %and3A_88 = arith.constant 15 : i32
    %and3A_89 = vector.broadcast %and3A_88 : i32 to vector<16xi32>
    %and3A_90 = arith.andi %add3A_87, %and3A_89 : vector<16xi32>
    %shift_right_logical3A_91 = arith.constant 3 : i32
    %shift_right_logical3A_92 = vector.broadcast %shift_right_logical3A_91 : i32 to vector<16xi32>
    %shift_right_logical3A_93 = arith.shrui %and3A_90, %shift_right_logical3A_92 : vector<16xi32>
    %and3A_94 = arith.constant 7 : i32
    %and3A_95 = vector.broadcast %and3A_94 : i32 to vector<16xi32>
    %and3A_96 = arith.andi %and3A_90, %and3A_95 : vector<16xi32>
    %add3A_97 = arith.constant 8 : i32
    %add3A_98 = vector.broadcast %add3A_97 : i32 to vector<16xi32>
    %add3A_99 = arith.addi %iota3A, %add3A_98 : vector<16xi32>
    %and3A_100 = arith.constant 15 : i32
    %and3A_101 = vector.broadcast %and3A_100 : i32 to vector<16xi32>
    %and3A_102 = arith.andi %add3A_99, %and3A_101 : vector<16xi32>
    %shift_right_logical3A_103 = arith.constant 3 : i32
    %shift_right_logical3A_104 = vector.broadcast %shift_right_logical3A_103 : i32 to vector<16xi32>
    %shift_right_logical3A_105 = arith.shrui %and3A_102, %shift_right_logical3A_104 : vector<16xi32>
    %and3A_106 = arith.constant 7 : i32
    %and3A_107 = vector.broadcast %and3A_106 : i32 to vector<16xi32>
    %and3A_108 = arith.andi %and3A_102, %and3A_107 : vector<16xi32>
    %add3A_109 = arith.constant 9 : i32
    %add3A_110 = vector.broadcast %add3A_109 : i32 to vector<16xi32>
    %add3A_111 = arith.addi %iota3A, %add3A_110 : vector<16xi32>
    %and3A_112 = arith.constant 15 : i32
    %and3A_113 = vector.broadcast %and3A_112 : i32 to vector<16xi32>
    %and3A_114 = arith.andi %add3A_111, %and3A_113 : vector<16xi32>
    %shift_right_logical3A_115 = arith.constant 3 : i32
    %shift_right_logical3A_116 = vector.broadcast %shift_right_logical3A_115 : i32 to vector<16xi32>
    %shift_right_logical3A_117 = arith.shrui %and3A_114, %shift_right_logical3A_116 : vector<16xi32>
    %and3A_118 = arith.constant 7 : i32
    %and3A_119 = vector.broadcast %and3A_118 : i32 to vector<16xi32>
    %and3A_120 = arith.andi %and3A_114, %and3A_119 : vector<16xi32>
    %add3A_121 = arith.constant 10 : i32
    %add3A_122 = vector.broadcast %add3A_121 : i32 to vector<16xi32>
    %add3A_123 = arith.addi %iota3A, %add3A_122 : vector<16xi32>
    %and3A_124 = arith.constant 15 : i32
    %and3A_125 = vector.broadcast %and3A_124 : i32 to vector<16xi32>
    %and3A_126 = arith.andi %add3A_123, %and3A_125 : vector<16xi32>
    %shift_right_logical3A_127 = arith.constant 3 : i32
    %shift_right_logical3A_128 = vector.broadcast %shift_right_logical3A_127 : i32 to vector<16xi32>
    %shift_right_logical3A_129 = arith.shrui %and3A_126, %shift_right_logical3A_128 : vector<16xi32>
    %and3A_130 = arith.constant 7 : i32
    %and3A_131 = vector.broadcast %and3A_130 : i32 to vector<16xi32>
    %and3A_132 = arith.andi %and3A_126, %and3A_131 : vector<16xi32>
    %add3A_133 = arith.constant 11 : i32
    %add3A_134 = vector.broadcast %add3A_133 : i32 to vector<16xi32>
    %add3A_135 = arith.addi %iota3A, %add3A_134 : vector<16xi32>
    %and3A_136 = arith.constant 15 : i32
    %and3A_137 = vector.broadcast %and3A_136 : i32 to vector<16xi32>
    %and3A_138 = arith.andi %add3A_135, %and3A_137 : vector<16xi32>
    %shift_right_logical3A_139 = arith.constant 3 : i32
    %shift_right_logical3A_140 = vector.broadcast %shift_right_logical3A_139 : i32 to vector<16xi32>
    %shift_right_logical3A_141 = arith.shrui %and3A_138, %shift_right_logical3A_140 : vector<16xi32>
    %and3A_142 = arith.constant 7 : i32
    %and3A_143 = vector.broadcast %and3A_142 : i32 to vector<16xi32>
    %and3A_144 = arith.andi %and3A_138, %and3A_143 : vector<16xi32>
    %add3A_145 = arith.constant 12 : i32
    %add3A_146 = vector.broadcast %add3A_145 : i32 to vector<16xi32>
    %add3A_147 = arith.addi %iota3A, %add3A_146 : vector<16xi32>
    %and3A_148 = arith.constant 15 : i32
    %and3A_149 = vector.broadcast %and3A_148 : i32 to vector<16xi32>
    %and3A_150 = arith.andi %add3A_147, %and3A_149 : vector<16xi32>
    %shift_right_logical3A_151 = arith.constant 3 : i32
    %shift_right_logical3A_152 = vector.broadcast %shift_right_logical3A_151 : i32 to vector<16xi32>
    %shift_right_logical3A_153 = arith.shrui %and3A_150, %shift_right_logical3A_152 : vector<16xi32>
    %and3A_154 = arith.constant 7 : i32
    %and3A_155 = vector.broadcast %and3A_154 : i32 to vector<16xi32>
    %and3A_156 = arith.andi %and3A_150, %and3A_155 : vector<16xi32>
    %add3A_157 = arith.constant 13 : i32
    %add3A_158 = vector.broadcast %add3A_157 : i32 to vector<16xi32>
    %add3A_159 = arith.addi %iota3A, %add3A_158 : vector<16xi32>
    %and3A_160 = arith.constant 15 : i32
    %and3A_161 = vector.broadcast %and3A_160 : i32 to vector<16xi32>
    %and3A_162 = arith.andi %add3A_159, %and3A_161 : vector<16xi32>
    %shift_right_logical3A_163 = arith.constant 3 : i32
    %shift_right_logical3A_164 = vector.broadcast %shift_right_logical3A_163 : i32 to vector<16xi32>
    %shift_right_logical3A_165 = arith.shrui %and3A_162, %shift_right_logical3A_164 : vector<16xi32>
    %and3A_166 = arith.constant 7 : i32
    %and3A_167 = vector.broadcast %and3A_166 : i32 to vector<16xi32>
    %and3A_168 = arith.andi %and3A_162, %and3A_167 : vector<16xi32>
    %add3A_169 = arith.constant 14 : i32
    %add3A_170 = vector.broadcast %add3A_169 : i32 to vector<16xi32>
    %add3A_171 = arith.addi %iota3A, %add3A_170 : vector<16xi32>
    %and3A_172 = arith.constant 15 : i32
    %and3A_173 = vector.broadcast %and3A_172 : i32 to vector<16xi32>
    %and3A_174 = arith.andi %add3A_171, %and3A_173 : vector<16xi32>
    %shift_right_logical3A_175 = arith.constant 3 : i32
    %shift_right_logical3A_176 = vector.broadcast %shift_right_logical3A_175 : i32 to vector<16xi32>
    %shift_right_logical3A_177 = arith.shrui %and3A_174, %shift_right_logical3A_176 : vector<16xi32>
    %and3A_178 = arith.constant 7 : i32
    %and3A_179 = vector.broadcast %and3A_178 : i32 to vector<16xi32>
    %and3A_180 = arith.andi %and3A_174, %and3A_179 : vector<16xi32>
    %add3A_181 = arith.constant 15 : i32
    %add3A_182 = vector.broadcast %add3A_181 : i32 to vector<16xi32>
    %add3A_183 = arith.addi %iota3A, %add3A_182 : vector<16xi32>
    %and3A_184 = arith.constant 15 : i32
    %and3A_185 = vector.broadcast %and3A_184 : i32 to vector<16xi32>
    %and3A_186 = arith.andi %add3A_183, %and3A_185 : vector<16xi32>
    %shift_right_logical3A_187 = arith.constant 3 : i32
    %shift_right_logical3A_188 = vector.broadcast %shift_right_logical3A_187 : i32 to vector<16xi32>
    %shift_right_logical3A_189 = arith.shrui %and3A_186, %shift_right_logical3A_188 : vector<16xi32>
    %and3A_190 = arith.constant 7 : i32
    %and3A_191 = vector.broadcast %and3A_190 : i32 to vector<16xi32>
    %and3A_192 = arith.andi %and3A_186, %and3A_191 : vector<16xi32>
    %run_scoped3A = arith.constant 0 : i32
    "tpu.region"() ({
      %run_scoped3A_231 = tpu.sem_alloc : memref<!tpu.dma_semaphore, #tpu.memory_space<semaphore_mem>>
      %dma_start3A_232 = tpu.memref_slice %arg2[%run_scoped3A, %mul3A_2] : memref<20x16384xi32, #tpu.memory_space<hbm>> -> memref<1x512xi32, #tpu.memory_space<hbm>>
      %dma_start3A_233 = tpu.memref_squeeze %dma_start3A_232 : memref<1x512xi32, #tpu.memory_space<hbm>> -> memref<512xi32, #tpu.memory_space<hbm>>
      %dma_start3A_234 = tpu.memref_slice %arg2[%run_scoped3A, %mul3A_2] : memref<20x16384xi32, #tpu.memory_space<hbm>> -> memref<1x512xi32, #tpu.memory_space<hbm>>
      %dma_start3A_235 = tpu.memref_squeeze %dma_start3A_234 : memref<1x512xi32, #tpu.memory_space<hbm>> -> memref<512xi32, #tpu.memory_space<hbm>>
      tpu.enqueue_dma source(%dma_start3A_235 : memref<512xi32, #tpu.memory_space<hbm>>) target(%arg13 : memref<512xi32, #tpu.memory_space<vmem>>) target_semaphore(%run_scoped3A_231 : memref<!tpu.dma_semaphore, #tpu.memory_space<semaphore_mem>>)
      %dma_wait3A_236 = tpu.memref_slice %arg2[%run_scoped3A, %mul3A_2] : memref<20x16384xi32, #tpu.memory_space<hbm>> -> memref<1x512xi32, #tpu.memory_space<hbm>>
      %dma_wait3A_237 = tpu.memref_squeeze %dma_wait3A_236 : memref<1x512xi32, #tpu.memory_space<hbm>> -> memref<512xi32, #tpu.memory_space<hbm>>
      %dma_wait3A_238 = tpu.memref_slice %arg2[%run_scoped3A, %mul3A_2] : memref<20x16384xi32, #tpu.memory_space<hbm>> -> memref<1x512xi32, #tpu.memory_space<hbm>>
      %dma_wait3A_239 = tpu.memref_squeeze %dma_wait3A_238 : memref<1x512xi32, #tpu.memory_space<hbm>> -> memref<512xi32, #tpu.memory_space<hbm>>
      tpu.wait_dma2 semaphore(%run_scoped3A_231 : memref<!tpu.dma_semaphore, #tpu.memory_space<semaphore_mem>>) src(%dma_wait3A_239 : memref<512xi32, #tpu.memory_space<hbm>>) dst(%arg13 : memref<512xi32, #tpu.memory_space<vmem>>)
      tpu.yield
    }) : () -> ()
    %dma_start3A = arith.constant 0 : i32
    %dma_start3A_193 = tpu.memref_slice %arg13[%dma_start3A] : memref<512xi32, #tpu.memory_space<vmem>> -> memref<128xi32, #tpu.memory_space<vmem>>
    %dma_start3A_194 = arith.constant 0 : i32
    %dma_start3A_195 = arith.constant 0 : i32
    %dma_start3A_196 = tpu.memref_slice %arg3[%dma_start3A_194, %dma_start3A_195] : memref<2000000x64xf32, #tpu.memory_space<hbm>> -> memref<2000000x64xf32, #tpu.memory_space<hbm>>
    tpu.enqueue_indirect_dma source(%dma_start3A_196 : memref<2000000x64xf32, #tpu.memory_space<hbm>>) target(%arg5 : memref<128x64xf32, #tpu.memory_space<vmem>>) offsets(%dma_start3A_193 : memref<128xi32, #tpu.memory_space<vmem>>) semaphore(%arg7 : memref<!tpu.dma_semaphore, #tpu.memory_space<semaphore_mem>>)
    %scan3A = arith.constant 0 : i32
    %scan3A_197 = arith.constant 0 : i32
    %scan3A_198 = arith.constant 40 : i32
    %scan3A_199 = arith.addi %scan3A_197, %scan3A_198 : i32
    %scan3A_200 = arith.constant 1 : i32
    scf.for %scan3A_231 = %scan3A_197 to %scan3A_199 step %scan3A_200  : i32 {
      %mul3A_232 = arith.constant 2 : i32
      %mul3A_233 = arith.muli %mul3A_232, %scan3A_231 : i32
      %add3A_234 = arith.constant 0 : i32
      %add3A_235 = arith.addi %mul3A_233, %add3A_234 : i32
      %jit3A = arith.constant 4 : i32
      %div3A = arith.divsi %add3A_235, %jit3A : i32
      %sign3A = arith.constant 0 : i32
      %sign3A_236 = arith.cmpi sgt, %add3A_235, %sign3A : i32
      %sign3A_237 = arith.extui %sign3A_236 : i1 to i32
      %sign3A_238 = arith.constant 0 : i32
      %sign3A_239 = arith.cmpi slt, %add3A_235, %sign3A_238 : i32
      %sign3A_240 = arith.extui %sign3A_239 : i1 to i32
      %sign3A_241 = arith.subi %sign3A_237, %sign3A_240 : i32
      %sign3A_242 = arith.constant 0 : i32
      %sign3A_243 = arith.cmpi sgt, %jit3A, %sign3A_242 : i32
      %sign3A_244 = arith.extui %sign3A_243 : i1 to i32
      %sign3A_245 = arith.constant 0 : i32
      %sign3A_246 = arith.cmpi slt, %jit3A, %sign3A_245 : i32
      %sign3A_247 = arith.extui %sign3A_246 : i1 to i32
      %sign3A_248 = arith.subi %sign3A_244, %sign3A_247 : i32
      %ne3A = arith.cmpi ne, %sign3A_241, %sign3A_248 : i32
      %rem3A = arith.remsi %add3A_235, %jit3A : i32
      %ne3A_249 = arith.constant 0 : i32
      %ne3A_250 = arith.cmpi ne, %rem3A, %ne3A_249 : i32
      %and3A_251 = arith.andi %ne3A, %ne3A_250 : i1
      %sub3A = arith.constant 1 : i32
      %sub3A_252 = arith.subi %div3A, %sub3A : i32
      %select_n3A = arith.select %and3A_251, %sub3A_252, %div3A : i32
      %mul3A_253 = arith.constant 4 : i32
      %mul3A_254 = arith.muli %select_n3A, %mul3A_253 : i32
      %sub3A_255 = arith.subi %add3A_235, %mul3A_254 : i32
      %add3A_256 = arith.constant 1 : i32
      %add3A_257 = arith.addi %add3A_235, %add3A_256 : i32
      %jit3A_258 = arith.constant 4 : i32
      %div3A_259 = arith.divsi %add3A_257, %jit3A_258 : i32
      %sign3A_260 = arith.constant 0 : i32
      %sign3A_261 = arith.cmpi sgt, %add3A_257, %sign3A_260 : i32
      %sign3A_262 = arith.extui %sign3A_261 : i1 to i32
      %sign3A_263 = arith.constant 0 : i32
      %sign3A_264 = arith.cmpi slt, %add3A_257, %sign3A_263 : i32
      %sign3A_265 = arith.extui %sign3A_264 : i1 to i32
      %sign3A_266 = arith.subi %sign3A_262, %sign3A_265 : i32
      %sign3A_267 = arith.constant 0 : i32
      %sign3A_268 = arith.cmpi sgt, %jit3A_258, %sign3A_267 : i32
      %sign3A_269 = arith.extui %sign3A_268 : i1 to i32
      %sign3A_270 = arith.constant 0 : i32
      %sign3A_271 = arith.cmpi slt, %jit3A_258, %sign3A_270 : i32
      %sign3A_272 = arith.extui %sign3A_271 : i1 to i32
      %sign3A_273 = arith.subi %sign3A_269, %sign3A_272 : i32
      %ne3A_274 = arith.cmpi ne, %sign3A_266, %sign3A_273 : i32
      %rem3A_275 = arith.remsi %add3A_257, %jit3A_258 : i32
      %ne3A_276 = arith.constant 0 : i32
      %ne3A_277 = arith.cmpi ne, %rem3A_275, %ne3A_276 : i32
      %and3A_278 = arith.andi %ne3A_274, %ne3A_277 : i1
      %sub3A_279 = arith.constant 1 : i32
      %sub3A_280 = arith.subi %div3A_259, %sub3A_279 : i32
      %select_n3A_281 = arith.select %and3A_278, %sub3A_280, %div3A_259 : i32
      %mul3A_282 = arith.constant 4 : i32
      %mul3A_283 = arith.muli %select_n3A_281, %mul3A_282 : i32
      %sub3A_284 = arith.subi %add3A_257, %mul3A_283 : i32
      %mul3A_285 = arith.constant 128 : i32
      %mul3A_286 = arith.muli %sub3A_255, %mul3A_285 : i32
      %dma_wait3A_287 = tpu.memref_slice %arg13[%mul3A_286] : memref<512xi32, #tpu.memory_space<vmem>> -> memref<128xi32, #tpu.memory_space<vmem>>
      %dma_wait3A_288 = arith.constant 0 : i32
      %dma_wait3A_289 = arith.constant 0 : i32
      %dma_wait3A_290 = tpu.memref_slice %arg3[%dma_wait3A_288, %dma_wait3A_289] : memref<2000000x64xf32, #tpu.memory_space<hbm>> -> memref<2000000x64xf32, #tpu.memory_space<hbm>>
      tpu.wait_indirect_dma semaphore(%arg7 : memref<!tpu.dma_semaphore, #tpu.memory_space<semaphore_mem>>) src(%dma_wait3A_290 : memref<2000000x64xf32, #tpu.memory_space<hbm>>) dst(%arg5 : memref<128x64xf32, #tpu.memory_space<vmem>>)
      %lt3A = arith.constant 80 : i32
      %lt3A_291 = arith.cmpi slt, %add3A_257, %lt3A : i32
      %convert_element_type3A = arith.extui %lt3A_291 : i1 to i32
      %cond3A = arith.constant 0 : i32
      %cond3A_292 = arith.cmpi ne, %convert_element_type3A, %cond3A : i32
      scf.if %cond3A_292 {
        %eq3A = arith.constant 0 : i32
        %eq3A_395 = arith.cmpi eq, %sub3A_284, %eq3A : i32
        %convert_element_type3A_396 = arith.extui %eq3A_395 : i1 to i32
        %cond3A_397 = arith.constant 0 : i32
        %cond3A_398 = arith.cmpi ne, %convert_element_type3A_396, %cond3A_397 : i32
        scf.if %cond3A_398 {
          "tpu.region"() ({
            %run_scoped3A_409 = tpu.sem_alloc : memref<!tpu.dma_semaphore, #tpu.memory_space<semaphore_mem>>
            %dma_start3A_410 = tpu.memref_slice %arg2[%select_n3A_281, %mul3A_2] : memref<20x16384xi32, #tpu.memory_space<hbm>> -> memref<1x512xi32, #tpu.memory_space<hbm>>
            %dma_start3A_411 = tpu.memref_squeeze %dma_start3A_410 : memref<1x512xi32, #tpu.memory_space<hbm>> -> memref<512xi32, #tpu.memory_space<hbm>>
            %dma_start3A_412 = tpu.memref_slice %arg2[%select_n3A_281, %mul3A_2] : memref<20x16384xi32, #tpu.memory_space<hbm>> -> memref<1x512xi32, #tpu.memory_space<hbm>>
            %dma_start3A_413 = tpu.memref_squeeze %dma_start3A_412 : memref<1x512xi32, #tpu.memory_space<hbm>> -> memref<512xi32, #tpu.memory_space<hbm>>
            tpu.enqueue_dma source(%dma_start3A_413 : memref<512xi32, #tpu.memory_space<hbm>>) target(%arg13 : memref<512xi32, #tpu.memory_space<vmem>>) target_semaphore(%run_scoped3A_409 : memref<!tpu.dma_semaphore, #tpu.memory_space<semaphore_mem>>)
            %dma_wait3A_414 = tpu.memref_slice %arg2[%select_n3A_281, %mul3A_2] : memref<20x16384xi32, #tpu.memory_space<hbm>> -> memref<1x512xi32, #tpu.memory_space<hbm>>
            %dma_wait3A_415 = tpu.memref_squeeze %dma_wait3A_414 : memref<1x512xi32, #tpu.memory_space<hbm>> -> memref<512xi32, #tpu.memory_space<hbm>>
            %dma_wait3A_416 = tpu.memref_slice %arg2[%select_n3A_281, %mul3A_2] : memref<20x16384xi32, #tpu.memory_space<hbm>> -> memref<1x512xi32, #tpu.memory_space<hbm>>
            %dma_wait3A_417 = tpu.memref_squeeze %dma_wait3A_416 : memref<1x512xi32, #tpu.memory_space<hbm>> -> memref<512xi32, #tpu.memory_space<hbm>>
            tpu.wait_dma2 semaphore(%run_scoped3A_409 : memref<!tpu.dma_semaphore, #tpu.memory_space<semaphore_mem>>) src(%dma_wait3A_417 : memref<512xi32, #tpu.memory_space<hbm>>) dst(%arg13 : memref<512xi32, #tpu.memory_space<vmem>>)
            tpu.yield
          }) : () -> ()
        } else {
        }
        %ge3A = arith.constant 2 : i32
        %ge3A_399 = arith.cmpi sge, %add3A_257, %ge3A : i32
        %convert_element_type3A_400 = arith.extui %ge3A_399 : i1 to i32
        %cond3A_401 = arith.constant 0 : i32
        %cond3A_402 = arith.cmpi ne, %convert_element_type3A_400, %cond3A_401 : i32
        scf.if %cond3A_402 {
          %sub3A_409 = arith.constant 2 : i32
          %sub3A_410 = arith.subi %add3A_257, %sub3A_409 : i32
          %jit3A_411 = arith.constant 4 : i32
          %div3A_412 = arith.divsi %sub3A_410, %jit3A_411 : i32
          %sign3A_413 = arith.constant 0 : i32
          %sign3A_414 = arith.cmpi sgt, %sub3A_410, %sign3A_413 : i32
          %sign3A_415 = arith.extui %sign3A_414 : i1 to i32
          %sign3A_416 = arith.constant 0 : i32
          %sign3A_417 = arith.cmpi slt, %sub3A_410, %sign3A_416 : i32
          %sign3A_418 = arith.extui %sign3A_417 : i1 to i32
          %sign3A_419 = arith.subi %sign3A_415, %sign3A_418 : i32
          %sign3A_420 = arith.constant 0 : i32
          %sign3A_421 = arith.cmpi sgt, %jit3A_411, %sign3A_420 : i32
          %sign3A_422 = arith.extui %sign3A_421 : i1 to i32
          %sign3A_423 = arith.constant 0 : i32
          %sign3A_424 = arith.cmpi slt, %jit3A_411, %sign3A_423 : i32
          %sign3A_425 = arith.extui %sign3A_424 : i1 to i32
          %sign3A_426 = arith.subi %sign3A_422, %sign3A_425 : i32
          %ne3A_427 = arith.cmpi ne, %sign3A_419, %sign3A_426 : i32
          %rem3A_428 = arith.remsi %sub3A_410, %jit3A_411 : i32
          %ne3A_429 = arith.constant 0 : i32
          %ne3A_430 = arith.cmpi ne, %rem3A_428, %ne3A_429 : i32
          %and3A_431 = arith.andi %ne3A_427, %ne3A_430 : i1
          %sub3A_432 = arith.constant 1 : i32
          %sub3A_433 = arith.subi %div3A_412, %sub3A_432 : i32
          %select_n3A_434 = arith.select %and3A_431, %sub3A_433, %div3A_412 : i32
          %mul3A_435 = arith.constant 4 : i32
          %mul3A_436 = arith.muli %select_n3A_434, %mul3A_435 : i32
          %sub3A_437 = arith.subi %sub3A_410, %mul3A_436 : i32
          %mul3A_438 = arith.constant 4 : i32
          %mul3A_439 = arith.muli %add3A, %mul3A_438 : i32
          %add3A_440 = arith.addi %mul3A_439, %sub3A_437 : i32
          %dma_wait3A_441 = arith.constant 0 : i32
          %dma_wait3A_442 = arith.constant 0 : i32
          %dma_wait3A_443 = arith.constant 0 : i32
          %dma_wait3A_444 = tpu.memref_slice %arg4[%select_n3A_434, %dma_wait3A_441, %add3A_440, %dma_wait3A_442, %dma_wait3A_443] : memref<20x8x128x8x128xf32, #tpu.memory_space<hbm>> -> memref<1x8x1x8x128xf32, #tpu.memory_space<hbm>>
          %dma_wait3A_445 = tpu.memref_squeeze %dma_wait3A_444 : memref<1x8x1x8x128xf32, #tpu.memory_space<hbm>> -> memref<8x8x128xf32, #tpu.memory_space<hbm>>
          %dma_wait3A_446 = arith.constant 0 : i32
          %dma_wait3A_447 = arith.constant 0 : i32
          %dma_wait3A_448 = arith.constant 0 : i32
          %dma_wait3A_449 = tpu.memref_slice %arg4[%select_n3A_434, %dma_wait3A_446, %add3A_440, %dma_wait3A_447, %dma_wait3A_448] : memref<20x8x128x8x128xf32, #tpu.memory_space<hbm>> -> memref<1x8x1x8x128xf32, #tpu.memory_space<hbm>>
          %dma_wait3A_450 = tpu.memref_squeeze %dma_wait3A_449 : memref<1x8x1x8x128xf32, #tpu.memory_space<hbm>> -> memref<8x8x128xf32, #tpu.memory_space<hbm>>
          tpu.wait_dma2 semaphore(%arg12 : memref<!tpu.dma_semaphore, #tpu.memory_space<semaphore_mem>>) src(%arg10 : memref<8x8x128xf32, #tpu.memory_space<vmem>>) dst(%dma_wait3A_450 : memref<8x8x128xf32, #tpu.memory_space<hbm>>)
        } else {
        }
        %mul3A_403 = arith.constant 128 : i32
        %mul3A_404 = arith.muli %sub3A_284, %mul3A_403 : i32
        %dma_start3A_405 = tpu.memref_slice %arg13[%mul3A_404] : memref<512xi32, #tpu.memory_space<vmem>> -> memref<128xi32, #tpu.memory_space<vmem>>
        %dma_start3A_406 = arith.constant 0 : i32
        %dma_start3A_407 = arith.constant 0 : i32
        %dma_start3A_408 = tpu.memref_slice %arg3[%dma_start3A_406, %dma_start3A_407] : memref<2000000x64xf32, #tpu.memory_space<hbm>> -> memref<2000000x64xf32, #tpu.memory_space<hbm>>
        tpu.enqueue_indirect_dma source(%dma_start3A_408 : memref<2000000x64xf32, #tpu.memory_space<hbm>>) target(%arg6 : memref<128x64xf32, #tpu.memory_space<vmem>>) offsets(%dma_start3A_405 : memref<128xi32, #tpu.memory_space<vmem>>) semaphore(%arg8 : memref<!tpu.dma_semaphore, #tpu.memory_space<semaphore_mem>>)
      } else {
      }
      %parallel_loop3A = arith.constant 0 : i32
      %parallel_loop3A_293 = arith.constant 8 : i32
      %parallel_loop3A_294 = arith.constant 1 : i32
      scf.for %parallel_loop3A_395 = %parallel_loop3A to %parallel_loop3A_293 step %parallel_loop3A_294  : i32 {
        %parallel_loop3A_396 = arith.constant 16 : i32
        %parallel_loop3A_397 = arith.muli %parallel_loop3A_395, %parallel_loop3A_396 : i32
        %parallel_loop3A_398 = vector.broadcast %parallel_loop3A_397 : i32 to vector<16xi32>
        %parallel_loop3A_399 = arith.addi %parallel_loop3A_398, %iota3A : vector<16xi32>
        %parallel_loop3A_400 = arith.constant 0 : i32
        %parallel_loop3A_401 = vector.broadcast %parallel_loop3A_400 : i32 to vector<16xi32>
        %parallel_loop3A_402 = arith.addi %and3A_7, %parallel_loop3A_401 : vector<16xi32>
        %parallel_loop3A_403 = tpu.vector_load_idx %arg5[%parallel_loop3A_399, %parallel_loop3A_402] : memref<128x64xf32, #tpu.memory_space<vmem>>[vector<16xi32>, vector<16xi32>], vector<16xf32>,
        %parallel_loop3A_404 = arith.constant 0 : i32
        %parallel_loop3A_405 = vector.broadcast %parallel_loop3A_404 : i32 to vector<16xi32>
        %parallel_loop3A_406 = arith.addi %shift_right_logical3A_9, %parallel_loop3A_405 : vector<16xi32>
        tpu.vector_store_idx %arg9[%parallel_loop3A_406, %and3A_12, %parallel_loop3A_399], %parallel_loop3A_403 : memref<8x8x128xf32, #tpu.memory_space<vmem>>[vector<16xi32>, vector<16xi32>, vector<16xi32>], vector<16xf32>,
        %parallel_loop3A_407 = arith.constant 16 : i32
        %parallel_loop3A_408 = vector.broadcast %parallel_loop3A_407 : i32 to vector<16xi32>
        %parallel_loop3A_409 = arith.addi %and3A_7, %parallel_loop3A_408 : vector<16xi32>
        %parallel_loop3A_410 = tpu.vector_load_idx %arg5[%parallel_loop3A_399, %parallel_loop3A_409] : memref<128x64xf32, #tpu.memory_space<vmem>>[vector<16xi32>, vector<16xi32>], vector<16xf32>,
        %parallel_loop3A_411 = arith.constant 2 : i32
        %parallel_loop3A_412 = vector.broadcast %parallel_loop3A_411 : i32 to vector<16xi32>
        %parallel_loop3A_413 = arith.addi %shift_right_logical3A_9, %parallel_loop3A_412 : vector<16xi32>
        tpu.vector_store_idx %arg9[%parallel_loop3A_413, %and3A_12, %parallel_loop3A_399], %parallel_loop3A_410 : memref<8x8x128xf32, #tpu.memory_space<vmem>>[vector<16xi32>, vector<16xi32>, vector<16xi32>], vector<16xf32>,
        %parallel_loop3A_414 = arith.constant 32 : i32
        %parallel_loop3A_415 = vector.broadcast %parallel_loop3A_414 : i32 to vector<16xi32>
        %parallel_loop3A_416 = arith.addi %and3A_7, %parallel_loop3A_415 : vector<16xi32>
        %parallel_loop3A_417 = tpu.vector_load_idx %arg5[%parallel_loop3A_399, %parallel_loop3A_416] : memref<128x64xf32, #tpu.memory_space<vmem>>[vector<16xi32>, vector<16xi32>], vector<16xf32>,
        %parallel_loop3A_418 = arith.constant 4 : i32
        %parallel_loop3A_419 = vector.broadcast %parallel_loop3A_418 : i32 to vector<16xi32>
        %parallel_loop3A_420 = arith.addi %shift_right_logical3A_9, %parallel_loop3A_419 : vector<16xi32>
        tpu.vector_store_idx %arg9[%parallel_loop3A_420, %and3A_12, %parallel_loop3A_399], %parallel_loop3A_417 : memref<8x8x128xf32, #tpu.memory_space<vmem>>[vector<16xi32>, vector<16xi32>, vector<16xi32>], vector<16xf32>,
        %parallel_loop3A_421 = arith.constant 48 : i32
        %parallel_loop3A_422 = vector.broadcast %parallel_loop3A_421 : i32 to vector<16xi32>
        %parallel_loop3A_423 = arith.addi %and3A_7, %parallel_loop3A_422 : vector<16xi32>
        %parallel_loop3A_424 = tpu.vector_load_idx %arg5[%parallel_loop3A_399, %parallel_loop3A_423] : memref<128x64xf32, #tpu.memory_space<vmem>>[vector<16xi32>, vector<16xi32>], vector<16xf32>,
        %parallel_loop3A_425 = arith.constant 6 : i32
        %parallel_loop3A_426 = vector.broadcast %parallel_loop3A_425 : i32 to vector<16xi32>
        %parallel_loop3A_427 = arith.addi %shift_right_logical3A_9, %parallel_loop3A_426 : vector<16xi32>
        tpu.vector_store_idx %arg9[%parallel_loop3A_427, %and3A_12, %parallel_loop3A_399], %parallel_loop3A_424 : memref<8x8x128xf32, #tpu.memory_space<vmem>>[vector<16xi32>, vector<16xi32>, vector<16xi32>], vector<16xf32>,
        %parallel_loop3A_428 = arith.constant 0 : i32
        %parallel_loop3A_429 = vector.broadcast %parallel_loop3A_428 : i32 to vector<16xi32>
        %parallel_loop3A_430 = arith.addi %and3A_18, %parallel_loop3A_429 : vector<16xi32>
        %parallel_loop3A_431 = tpu.vector_load_idx %arg5[%parallel_loop3A_399, %parallel_loop3A_430] : memref<128x64xf32, #tpu.memory_space<vmem>>[vector<16xi32>, vector<16xi32>], vector<16xf32>,
        %parallel_loop3A_432 = arith.constant 0 : i32
        %parallel_loop3A_433 = vector.broadcast %parallel_loop3A_432 : i32 to vector<16xi32>
        %parallel_loop3A_434 = arith.addi %shift_right_logical3A_21, %parallel_loop3A_433 : vector<16xi32>
        tpu.vector_store_idx %arg9[%parallel_loop3A_434, %and3A_24, %parallel_loop3A_399], %parallel_loop3A_431 : memref<8x8x128xf32, #tpu.memory_space<vmem>>[vector<16xi32>, vector<16xi32>, vector<16xi32>], vector<16xf32>,
        %parallel_loop3A_435 = arith.constant 16 : i32
        %parallel_loop3A_436 = vector.broadcast %parallel_loop3A_435 : i32 to vector<16xi32>
        %parallel_loop3A_437 = arith.addi %and3A_18, %parallel_loop3A_436 : vector<16xi32>
        %parallel_loop3A_438 = tpu.vector_load_idx %arg5[%parallel_loop3A_399, %parallel_loop3A_437] : memref<128x64xf32, #tpu.memory_space<vmem>>[vector<16xi32>, vector<16xi32>], vector<16xf32>,
        %parallel_loop3A_439 = arith.constant 2 : i32
        %parallel_loop3A_440 = vector.broadcast %parallel_loop3A_439 : i32 to vector<16xi32>
        %parallel_loop3A_441 = arith.addi %shift_right_logical3A_21, %parallel_loop3A_440 : vector<16xi32>
        tpu.vector_store_idx %arg9[%parallel_loop3A_441, %and3A_24, %parallel_loop3A_399], %parallel_loop3A_438 : memref<8x8x128xf32, #tpu.memory_space<vmem>>[vector<16xi32>, vector<16xi32>, vector<16xi32>], vector<16xf32>,
        %parallel_loop3A_442 = arith.constant 32 : i32
        %parallel_loop3A_443 = vector.broadcast %parallel_loop3A_442 : i32 to vector<16xi32>
        %parallel_loop3A_444 = arith.addi %and3A_18, %parallel_loop3A_443 : vector<16xi32>
        %parallel_loop3A_445 = tpu.vector_load_idx %arg5[%parallel_loop3A_399, %parallel_loop3A_444] : memref<128x64xf32, #tpu.memory_space<vmem>>[vector<16xi32>, vector<16xi32>], vector<16xf32>,
        %parallel_loop3A_446 = arith.constant 4 : i32
        %parallel_loop3A_447 = vector.broadcast %parallel_loop3A_446 : i32 to vector<16xi32>
        %parallel_loop3A_448 = arith.addi %shift_right_logical3A_21, %parallel_loop3A_447 : vector<16xi32>
        tpu.vector_store_idx %arg9[%parallel_loop3A_448, %and3A_24, %parallel_loop3A_399], %parallel_loop3A_445 : memref<8x8x128xf32, #tpu.memory_space<vmem>>[vector<16xi32>, vector<16xi32>, vector<16xi32>], vector<16xf32>,
        %parallel_loop3A_449 = arith.constant 48 : i32
        %parallel_loop3A_450 = vector.broadcast %parallel_loop3A_449 : i32 to vector<16xi32>
        %parallel_loop3A_451 = arith.addi %and3A_18, %parallel_loop3A_450 : vector<16xi32>
        %parallel_loop3A_452 = tpu.vector_load_idx %arg5[%parallel_loop3A_399, %parallel_loop3A_451] : memref<128x64xf32, #tpu.memory_space<vmem>>[vector<16xi32>, vector<16xi32>], vector<16xf32>,
        %parallel_loop3A_453 = arith.constant 6 : i32
        %parallel_loop3A_454 = vector.broadcast %parallel_loop3A_453 : i32 to vector<16xi32>
        %parallel_loop3A_455 = arith.addi %shift_right_logical3A_21, %parallel_loop3A_454 : vector<16xi32>
        tpu.vector_store_idx %arg9[%parallel_loop3A_455, %and3A_24, %parallel_loop3A_399], %parallel_loop3A_452 : memref<8x8x128xf32, #tpu.memory_space<vmem>>[vector<16xi32>, vector<16xi32>, vector<16xi32>], vector<16xf32>,
        %parallel_loop3A_456 = arith.constant 0 : i32
        %parallel_loop3A_457 = vector.broadcast %parallel_loop3A_456 : i32 to vector<16xi32>
        %parallel_loop3A_458 = arith.addi %and3A_30, %parallel_loop3A_457 : vector<16xi32>
        %parallel_loop3A_459 = tpu.vector_load_idx %arg5[%parallel_loop3A_399, %parallel_loop3A_458] : memref<128x64xf32, #tpu.memory_space<vmem>>[vector<16xi32>, vector<16xi32>], vector<16xf32>,
        %parallel_loop3A_460 = arith.constant 0 : i32
        %parallel_loop3A_461 = vector.broadcast %parallel_loop3A_460 : i32 to vector<16xi32>
        %parallel_loop3A_462 = arith.addi %shift_right_logical3A_33, %parallel_loop3A_461 : vector<16xi32>
        tpu.vector_store_idx %arg9[%parallel_loop3A_462, %and3A_36, %parallel_loop3A_399], %parallel_loop3A_459 : memref<8x8x128xf32, #tpu.memory_space<vmem>>[vector<16xi32>, vector<16xi32>, vector<16xi32>], vector<16xf32>,
        %parallel_loop3A_463 = arith.constant 16 : i32
        %parallel_loop3A_464 = vector.broadcast %parallel_loop3A_463 : i32 to vector<16xi32>
        %parallel_loop3A_465 = arith.addi %and3A_30, %parallel_loop3A_464 : vector<16xi32>
        %parallel_loop3A_466 = tpu.vector_load_idx %arg5[%parallel_loop3A_399, %parallel_loop3A_465] : memref<128x64xf32, #tpu.memory_space<vmem>>[vector<16xi32>, vector<16xi32>], vector<16xf32>,
        %parallel_loop3A_467 = arith.constant 2 : i32
        %parallel_loop3A_468 = vector.broadcast %parallel_loop3A_467 : i32 to vector<16xi32>
        %parallel_loop3A_469 = arith.addi %shift_right_logical3A_33, %parallel_loop3A_468 : vector<16xi32>
        tpu.vector_store_idx %arg9[%parallel_loop3A_469, %and3A_36, %parallel_loop3A_399], %parallel_loop3A_466 : memref<8x8x128xf32, #tpu.memory_space<vmem>>[vector<16xi32>, vector<16xi32>, vector<16xi32>], vector<16xf32>,
        %parallel_loop3A_470 = arith.constant 32 : i32
        %parallel_loop3A_471 = vector.broadcast %parallel_loop3A_470 : i32 to vector<16xi32>
        %parallel_loop3A_472 = arith.addi %and3A_30, %parallel_loop3A_471 : vector<16xi32>
        %parallel_loop3A_473 = tpu.vector_load_idx %arg5[%parallel_loop3A_399, %parallel_loop3A_472] : memref<128x64xf32, #tpu.memory_space<vmem>>[vector<16xi32>, vector<16xi32>], vector<16xf32>,
        %parallel_loop3A_474 = arith.constant 4 : i32
        %parallel_loop3A_475 = vector.broadcast %parallel_loop3A_474 : i32 to vector<16xi32>
        %parallel_loop3A_476 = arith.addi %shift_right_logical3A_33, %parallel_loop3A_475 : vector<16xi32>
        tpu.vector_store_idx %arg9[%parallel_loop3A_476, %and3A_36, %parallel_loop3A_399], %parallel_loop3A_473 : memref<8x8x128xf32, #tpu.memory_space<vmem>>[vector<16xi32>, vector<16xi32>, vector<16xi32>], vector<16xf32>,
        %parallel_loop3A_477 = arith.constant 48 : i32
        %parallel_loop3A_478 = vector.broadcast %parallel_loop3A_477 : i32 to vector<16xi32>
        %parallel_loop3A_479 = arith.addi %and3A_30, %parallel_loop3A_478 : vector<16xi32>
        %parallel_loop3A_480 = tpu.vector_load_idx %arg5[%parallel_loop3A_399, %parallel_loop3A_479] : memref<128x64xf32, #tpu.memory_space<vmem>>[vector<16xi32>, vector<16xi32>], vector<16xf32>,
        %parallel_loop3A_481 = arith.constant 6 : i32
        %parallel_loop3A_482 = vector.broadcast %parallel_loop3A_481 : i32 to vector<16xi32>
        %parallel_loop3A_483 = arith.addi %shift_right_logical3A_33, %parallel_loop3A_482 : vector<16xi32>
        tpu.vector_store_idx %arg9[%parallel_loop3A_483, %and3A_36, %parallel_loop3A_399], %parallel_loop3A_480 : memref<8x8x128xf32, #tpu.memory_space<vmem>>[vector<16xi32>, vector<16xi32>, vector<16xi32>], vector<16xf32>,
        %parallel_loop3A_484 = arith.constant 0 : i32
        %parallel_loop3A_485 = vector.broadcast %parallel_loop3A_484 : i32 to vector<16xi32>
        %parallel_loop3A_486 = arith.addi %and3A_42, %parallel_loop3A_485 : vector<16xi32>
        %parallel_loop3A_487 = tpu.vector_load_idx %arg5[%parallel_loop3A_399, %parallel_loop3A_486] : memref<128x64xf32, #tpu.memory_space<vmem>>[vector<16xi32>, vector<16xi32>], vector<16xf32>,
        %parallel_loop3A_488 = arith.constant 0 : i32
        %parallel_loop3A_489 = vector.broadcast %parallel_loop3A_488 : i32 to vector<16xi32>
        %parallel_loop3A_490 = arith.addi %shift_right_logical3A_45, %parallel_loop3A_489 : vector<16xi32>
        tpu.vector_store_idx %arg9[%parallel_loop3A_490, %and3A_48, %parallel_loop3A_399], %parallel_loop3A_487 : memref<8x8x128xf32, #tpu.memory_space<vmem>>[vector<16xi32>, vector<16xi32>, vector<16xi32>], vector<16xf32>,
        %parallel_loop3A_491 = arith.constant 16 : i32
        %parallel_loop3A_492 = vector.broadcast %parallel_loop3A_491 : i32 to vector<16xi32>
        %parallel_loop3A_493 = arith.addi %and3A_42, %parallel_loop3A_492 : vector<16xi32>
        %parallel_loop3A_494 = tpu.vector_load_idx %arg5[%parallel_loop3A_399, %parallel_loop3A_493] : memref<128x64xf32, #tpu.memory_space<vmem>>[vector<16xi32>, vector<16xi32>], vector<16xf32>,
        %parallel_loop3A_495 = arith.constant 2 : i32
        %parallel_loop3A_496 = vector.broadcast %parallel_loop3A_495 : i32 to vector<16xi32>
        %parallel_loop3A_497 = arith.addi %shift_right_logical3A_45, %parallel_loop3A_496 : vector<16xi32>
        tpu.vector_store_idx %arg9[%parallel_loop3A_497, %and3A_48, %parallel_loop3A_399], %parallel_loop3A_494 : memref<8x8x128xf32, #tpu.memory_space<vmem>>[vector<16xi32>, vector<16xi32>, vector<16xi32>], vector<16xf32>,
        %parallel_loop3A_498 = arith.constant 32 : i32
        %parallel_loop3A_499 = vector.broadcast %parallel_loop3A_498 : i32 to vector<16xi32>
        %parallel_loop3A_500 = arith.addi %and3A_42, %parallel_loop3A_499 : vector<16xi32>
        %parallel_loop3A_501 = tpu.vector_load_idx %arg5[%parallel_loop3A_399, %parallel_loop3A_500] : memref<128x64xf32, #tpu.memory_space<vmem>>[vector<16xi32>, vector<16xi32>], vector<16xf32>,
        %parallel_loop3A_502 = arith.constant 4 : i32
        %parallel_loop3A_503 = vector.broadcast %parallel_loop3A_502 : i32 to vector<16xi32>
        %parallel_loop3A_504 = arith.addi %shift_right_logical3A_45, %parallel_loop3A_503 : vector<16xi32>
        tpu.vector_store_idx %arg9[%parallel_loop3A_504, %and3A_48, %parallel_loop3A_399], %parallel_loop3A_501 : memref<8x8x128xf32, #tpu.memory_space<vmem>>[vector<16xi32>, vector<16xi32>, vector<16xi32>], vector<16xf32>,
        %parallel_loop3A_505 = arith.constant 48 : i32
        %parallel_loop3A_506 = vector.broadcast %parallel_loop3A_505 : i32 to vector<16xi32>
        %parallel_loop3A_507 = arith.addi %and3A_42, %parallel_loop3A_506 : vector<16xi32>
        %parallel_loop3A_508 = tpu.vector_load_idx %arg5[%parallel_loop3A_399, %parallel_loop3A_507] : memref<128x64xf32, #tpu.memory_space<vmem>>[vector<16xi32>, vector<16xi32>], vector<16xf32>,
        %parallel_loop3A_509 = arith.constant 6 : i32
        %parallel_loop3A_510 = vector.broadcast %parallel_loop3A_509 : i32 to vector<16xi32>
        %parallel_loop3A_511 = arith.addi %shift_right_logical3A_45, %parallel_loop3A_510 : vector<16xi32>
        tpu.vector_store_idx %arg9[%parallel_loop3A_511, %and3A_48, %parallel_loop3A_399], %parallel_loop3A_508 : memref<8x8x128xf32, #tpu.memory_space<vmem>>[vector<16xi32>, vector<16xi32>, vector<16xi32>], vector<16xf32>,
        %parallel_loop3A_512 = arith.constant 0 : i32
        %parallel_loop3A_513 = vector.broadcast %parallel_loop3A_512 : i32 to vector<16xi32>
        %parallel_loop3A_514 = arith.addi %and3A_54, %parallel_loop3A_513 : vector<16xi32>
        %parallel_loop3A_515 = tpu.vector_load_idx %arg5[%parallel_loop3A_399, %parallel_loop3A_514] : memref<128x64xf32, #tpu.memory_space<vmem>>[vector<16xi32>, vector<16xi32>], vector<16xf32>,
        %parallel_loop3A_516 = arith.constant 0 : i32
        %parallel_loop3A_517 = vector.broadcast %parallel_loop3A_516 : i32 to vector<16xi32>
        %parallel_loop3A_518 = arith.addi %shift_right_logical3A_57, %parallel_loop3A_517 : vector<16xi32>
        tpu.vector_store_idx %arg9[%parallel_loop3A_518, %and3A_60, %parallel_loop3A_399], %parallel_loop3A_515 : memref<8x8x128xf32, #tpu.memory_space<vmem>>[vector<16xi32>, vector<16xi32>, vector<16xi32>], vector<16xf32>,
        %parallel_loop3A_519 = arith.constant 16 : i32
        %parallel_loop3A_520 = vector.broadcast %parallel_loop3A_519 : i32 to vector<16xi32>
        %parallel_loop3A_521 = arith.addi %and3A_54, %parallel_loop3A_520 : vector<16xi32>
        %parallel_loop3A_522 = tpu.vector_load_idx %arg5[%parallel_loop3A_399, %parallel_loop3A_521] : memref<128x64xf32, #tpu.memory_space<vmem>>[vector<16xi32>, vector<16xi32>], vector<16xf32>,
        %parallel_loop3A_523 = arith.constant 2 : i32
        %parallel_loop3A_524 = vector.broadcast %parallel_loop3A_523 : i32 to vector<16xi32>
        %parallel_loop3A_525 = arith.addi %shift_right_logical3A_57, %parallel_loop3A_524 : vector<16xi32>
        tpu.vector_store_idx %arg9[%parallel_loop3A_525, %and3A_60, %parallel_loop3A_399], %parallel_loop3A_522 : memref<8x8x128xf32, #tpu.memory_space<vmem>>[vector<16xi32>, vector<16xi32>, vector<16xi32>], vector<16xf32>,
        %parallel_loop3A_526 = arith.constant 32 : i32
        %parallel_loop3A_527 = vector.broadcast %parallel_loop3A_526 : i32 to vector<16xi32>
        %parallel_loop3A_528 = arith.addi %and3A_54, %parallel_loop3A_527 : vector<16xi32>
        %parallel_loop3A_529 = tpu.vector_load_idx %arg5[%parallel_loop3A_399, %parallel_loop3A_528] : memref<128x64xf32, #tpu.memory_space<vmem>>[vector<16xi32>, vector<16xi32>], vector<16xf32>,
        %parallel_loop3A_530 = arith.constant 4 : i32
        %parallel_loop3A_531 = vector.broadcast %parallel_loop3A_530 : i32 to vector<16xi32>
        %parallel_loop3A_532 = arith.addi %shift_right_logical3A_57, %parallel_loop3A_531 : vector<16xi32>
        tpu.vector_store_idx %arg9[%parallel_loop3A_532, %and3A_60, %parallel_loop3A_399], %parallel_loop3A_529 : memref<8x8x128xf32, #tpu.memory_space<vmem>>[vector<16xi32>, vector<16xi32>, vector<16xi32>], vector<16xf32>,
        %parallel_loop3A_533 = arith.constant 48 : i32
        %parallel_loop3A_534 = vector.broadcast %parallel_loop3A_533 : i32 to vector<16xi32>
        %parallel_loop3A_535 = arith.addi %and3A_54, %parallel_loop3A_534 : vector<16xi32>
        %parallel_loop3A_536 = tpu.vector_load_idx %arg5[%parallel_loop3A_399, %parallel_loop3A_535] : memref<128x64xf32, #tpu.memory_space<vmem>>[vector<16xi32>, vector<16xi32>], vector<16xf32>,
        %parallel_loop3A_537 = arith.constant 6 : i32
        %parallel_loop3A_538 = vector.broadcast %parallel_loop3A_537 : i32 to vector<16xi32>
        %parallel_loop3A_539 = arith.addi %shift_right_logical3A_57, %parallel_loop3A_538 : vector<16xi32>
        tpu.vector_store_idx %arg9[%parallel_loop3A_539, %and3A_60, %parallel_loop3A_399], %parallel_loop3A_536 : memref<8x8x128xf32, #tpu.memory_space<vmem>>[vector<16xi32>, vector<16xi32>, vector<16xi32>], vector<16xf32>,
        %parallel_loop3A_540 = arith.constant 0 : i32
        %parallel_loop3A_541 = vector.broadcast %parallel_loop3A_540 : i32 to vector<16xi32>
        %parallel_loop3A_542 = arith.addi %and3A_66, %parallel_loop3A_541 : vector<16xi32>
        %parallel_loop3A_543 = tpu.vector_load_idx %arg5[%parallel_loop3A_399, %parallel_loop3A_542] : memref<128x64xf32, #tpu.memory_space<vmem>>[vector<16xi32>, vector<16xi32>], vector<16xf32>,
        %parallel_loop3A_544 = arith.constant 0 : i32
        %parallel_loop3A_545 = vector.broadcast %parallel_loop3A_544 : i32 to vector<16xi32>
        %parallel_loop3A_546 = arith.addi %shift_right_logical3A_69, %parallel_loop3A_545 : vector<16xi32>
        tpu.vector_store_idx %arg9[%parallel_loop3A_546, %and3A_72, %parallel_loop3A_399], %parallel_loop3A_543 : memref<8x8x128xf32, #tpu.memory_space<vmem>>[vector<16xi32>, vector<16xi32>, vector<16xi32>], vector<16xf32>,
        %parallel_loop3A_547 = arith.constant 16 : i32
        %parallel_loop3A_548 = vector.broadcast %parallel_loop3A_547 : i32 to vector<16xi32>
        %parallel_loop3A_549 = arith.addi %and3A_66, %parallel_loop3A_548 : vector<16xi32>
        %parallel_loop3A_550 = tpu.vector_load_idx %arg5[%parallel_loop3A_399, %parallel_loop3A_549] : memref<128x64xf32, #tpu.memory_space<vmem>>[vector<16xi32>, vector<16xi32>], vector<16xf32>,
        %parallel_loop3A_551 = arith.constant 2 : i32
        %parallel_loop3A_552 = vector.broadcast %parallel_loop3A_551 : i32 to vector<16xi32>
        %parallel_loop3A_553 = arith.addi %shift_right_logical3A_69, %parallel_loop3A_552 : vector<16xi32>
        tpu.vector_store_idx %arg9[%parallel_loop3A_553, %and3A_72, %parallel_loop3A_399], %parallel_loop3A_550 : memref<8x8x128xf32, #tpu.memory_space<vmem>>[vector<16xi32>, vector<16xi32>, vector<16xi32>], vector<16xf32>,
        %parallel_loop3A_554 = arith.constant 32 : i32
        %parallel_loop3A_555 = vector.broadcast %parallel_loop3A_554 : i32 to vector<16xi32>
        %parallel_loop3A_556 = arith.addi %and3A_66, %parallel_loop3A_555 : vector<16xi32>
        %parallel_loop3A_557 = tpu.vector_load_idx %arg5[%parallel_loop3A_399, %parallel_loop3A_556] : memref<128x64xf32, #tpu.memory_space<vmem>>[vector<16xi32>, vector<16xi32>], vector<16xf32>,
        %parallel_loop3A_558 = arith.constant 4 : i32
        %parallel_loop3A_559 = vector.broadcast %parallel_loop3A_558 : i32 to vector<16xi32>
        %parallel_loop3A_560 = arith.addi %shift_right_logical3A_69, %parallel_loop3A_559 : vector<16xi32>
        tpu.vector_store_idx %arg9[%parallel_loop3A_560, %and3A_72, %parallel_loop3A_399], %parallel_loop3A_557 : memref<8x8x128xf32, #tpu.memory_space<vmem>>[vector<16xi32>, vector<16xi32>, vector<16xi32>], vector<16xf32>,
        %parallel_loop3A_561 = arith.constant 48 : i32
        %parallel_loop3A_562 = vector.broadcast %parallel_loop3A_561 : i32 to vector<16xi32>
        %parallel_loop3A_563 = arith.addi %and3A_66, %parallel_loop3A_562 : vector<16xi32>
        %parallel_loop3A_564 = tpu.vector_load_idx %arg5[%parallel_loop3A_399, %parallel_loop3A_563] : memref<128x64xf32, #tpu.memory_space<vmem>>[vector<16xi32>, vector<16xi32>], vector<16xf32>,
        %parallel_loop3A_565 = arith.constant 6 : i32
        %parallel_loop3A_566 = vector.broadcast %parallel_loop3A_565 : i32 to vector<16xi32>
        %parallel_loop3A_567 = arith.addi %shift_right_logical3A_69, %parallel_loop3A_566 : vector<16xi32>
        tpu.vector_store_idx %arg9[%parallel_loop3A_567, %and3A_72, %parallel_loop3A_399], %parallel_loop3A_564 : memref<8x8x128xf32, #tpu.memory_space<vmem>>[vector<16xi32>, vector<16xi32>, vector<16xi32>], vector<16xf32>,
        %parallel_loop3A_568 = arith.constant 0 : i32
        %parallel_loop3A_569 = vector.broadcast %parallel_loop3A_568 : i32 to vector<16xi32>
        %parallel_loop3A_570 = arith.addi %and3A_78, %parallel_loop3A_569 : vector<16xi32>
        %parallel_loop3A_571 = tpu.vector_load_idx %arg5[%parallel_loop3A_399, %parallel_loop3A_570] : memref<128x64xf32, #tpu.memory_space<vmem>>[vector<16xi32>, vector<16xi32>], vector<16xf32>,
        %parallel_loop3A_572 = arith.constant 0 : i32
        %parallel_loop3A_573 = vector.broadcast %parallel_loop3A_572 : i32 to vector<16xi32>
        %parallel_loop3A_574 = arith.addi %shift_right_logical3A_81, %parallel_loop3A_573 : vector<16xi32>
        tpu.vector_store_idx %arg9[%parallel_loop3A_574, %and3A_84, %parallel_loop3A_399], %parallel_loop3A_571 : memref<8x8x128xf32, #tpu.memory_space<vmem>>[vector<16xi32>, vector<16xi32>, vector<16xi32>], vector<16xf32>,
        %parallel_loop3A_575 = arith.constant 16 : i32
        %parallel_loop3A_576 = vector.broadcast %parallel_loop3A_575 : i32 to vector<16xi32>
        %parallel_loop3A_577 = arith.addi %and3A_78, %parallel_loop3A_576 : vector<16xi32>
        %parallel_loop3A_578 = tpu.vector_load_idx %arg5[%parallel_loop3A_399, %parallel_loop3A_577] : memref<128x64xf32, #tpu.memory_space<vmem>>[vector<16xi32>, vector<16xi32>], vector<16xf32>,
        %parallel_loop3A_579 = arith.constant 2 : i32
        %parallel_loop3A_580 = vector.broadcast %parallel_loop3A_579 : i32 to vector<16xi32>
        %parallel_loop3A_581 = arith.addi %shift_right_logical3A_81, %parallel_loop3A_580 : vector<16xi32>
        tpu.vector_store_idx %arg9[%parallel_loop3A_581, %and3A_84, %parallel_loop3A_399], %parallel_loop3A_578 : memref<8x8x128xf32, #tpu.memory_space<vmem>>[vector<16xi32>, vector<16xi32>, vector<16xi32>], vector<16xf32>,
        %parallel_loop3A_582 = arith.constant 32 : i32
        %parallel_loop3A_583 = vector.broadcast %parallel_loop3A_582 : i32 to vector<16xi32>
        %parallel_loop3A_584 = arith.addi %and3A_78, %parallel_loop3A_583 : vector<16xi32>
        %parallel_loop3A_585 = tpu.vector_load_idx %arg5[%parallel_loop3A_399, %parallel_loop3A_584] : memref<128x64xf32, #tpu.memory_space<vmem>>[vector<16xi32>, vector<16xi32>], vector<16xf32>,
        %parallel_loop3A_586 = arith.constant 4 : i32
        %parallel_loop3A_587 = vector.broadcast %parallel_loop3A_586 : i32 to vector<16xi32>
        %parallel_loop3A_588 = arith.addi %shift_right_logical3A_81, %parallel_loop3A_587 : vector<16xi32>
        tpu.vector_store_idx %arg9[%parallel_loop3A_588, %and3A_84, %parallel_loop3A_399], %parallel_loop3A_585 : memref<8x8x128xf32, #tpu.memory_space<vmem>>[vector<16xi32>, vector<16xi32>, vector<16xi32>], vector<16xf32>,
        %parallel_loop3A_589 = arith.constant 48 : i32
        %parallel_loop3A_590 = vector.broadcast %parallel_loop3A_589 : i32 to vector<16xi32>
        %parallel_loop3A_591 = arith.addi %and3A_78, %parallel_loop3A_590 : vector<16xi32>
        %parallel_loop3A_592 = tpu.vector_load_idx %arg5[%parallel_loop3A_399, %parallel_loop3A_591] : memref<128x64xf32, #tpu.memory_space<vmem>>[vector<16xi32>, vector<16xi32>], vector<16xf32>,
        %parallel_loop3A_593 = arith.constant 6 : i32
        %parallel_loop3A_594 = vector.broadcast %parallel_loop3A_593 : i32 to vector<16xi32>
        %parallel_loop3A_595 = arith.addi %shift_right_logical3A_81, %parallel_loop3A_594 : vector<16xi32>
        tpu.vector_store_idx %arg9[%parallel_loop3A_595, %and3A_84, %parallel_loop3A_399], %parallel_loop3A_592 : memref<8x8x128xf32, #tpu.memory_space<vmem>>[vector<16xi32>, vector<16xi32>, vector<16xi32>], vector<16xf32>,
        %parallel_loop3A_596 = arith.constant 0 : i32
        %parallel_loop3A_597 = vector.broadcast %parallel_loop3A_596 : i32 to vector<16xi32>
        %parallel_loop3A_598 = arith.addi %and3A_90, %parallel_loop3A_597 : vector<16xi32>
        %parallel_loop3A_599 = tpu.vector_load_idx %arg5[%parallel_loop3A_399, %parallel_loop3A_598] : memref<128x64xf32, #tpu.memory_space<vmem>>[vector<16xi32>, vector<16xi32>], vector<16xf32>,
        %parallel_loop3A_600 = arith.constant 0 : i32
        %parallel_loop3A_601 = vector.broadcast %parallel_loop3A_600 : i32 to vector<16xi32>
        %parallel_loop3A_602 = arith.addi %shift_right_logical3A_93, %parallel_loop3A_601 : vector<16xi32>
        tpu.vector_store_idx %arg9[%parallel_loop3A_602, %and3A_96, %parallel_loop3A_399], %parallel_loop3A_599 : memref<8x8x128xf32, #tpu.memory_space<vmem>>[vector<16xi32>, vector<16xi32>, vector<16xi32>], vector<16xf32>,
        %parallel_loop3A_603 = arith.constant 16 : i32
        %parallel_loop3A_604 = vector.broadcast %parallel_loop3A_603 : i32 to vector<16xi32>
        %parallel_loop3A_605 = arith.addi %and3A_90, %parallel_loop3A_604 : vector<16xi32>
        %parallel_loop3A_606 = tpu.vector_load_idx %arg5[%parallel_loop3A_399, %parallel_loop3A_605] : memref<128x64xf32, #tpu.memory_space<vmem>>[vector<16xi32>, vector<16xi32>], vector<16xf32>,
        %parallel_loop3A_607 = arith.constant 2 : i32
        %parallel_loop3A_608 = vector.broadcast %parallel_loop3A_607 : i32 to vector<16xi32>
        %parallel_loop3A_609 = arith.addi %shift_right_logical3A_93, %parallel_loop3A_608 : vector<16xi32>
        tpu.vector_store_idx %arg9[%parallel_loop3A_609, %and3A_96, %parallel_loop3A_399], %parallel_loop3A_606 : memref<8x8x128xf32, #tpu.memory_space<vmem>>[vector<16xi32>, vector<16xi32>, vector<16xi32>], vector<16xf32>,
        %parallel_loop3A_610 = arith.constant 32 : i32
        %parallel_loop3A_611 = vector.broadcast %parallel_loop3A_610 : i32 to vector<16xi32>
        %parallel_loop3A_612 = arith.addi %and3A_90, %parallel_loop3A_611 : vector<16xi32>
        %parallel_loop3A_613 = tpu.vector_load_idx %arg5[%parallel_loop3A_399, %parallel_loop3A_612] : memref<128x64xf32, #tpu.memory_space<vmem>>[vector<16xi32>, vector<16xi32>], vector<16xf32>,
        %parallel_loop3A_614 = arith.constant 4 : i32
        %parallel_loop3A_615 = vector.broadcast %parallel_loop3A_614 : i32 to vector<16xi32>
        %parallel_loop3A_616 = arith.addi %shift_right_logical3A_93, %parallel_loop3A_615 : vector<16xi32>
        tpu.vector_store_idx %arg9[%parallel_loop3A_616, %and3A_96, %parallel_loop3A_399], %parallel_loop3A_613 : memref<8x8x128xf32, #tpu.memory_space<vmem>>[vector<16xi32>, vector<16xi32>, vector<16xi32>], vector<16xf32>,
        %parallel_loop3A_617 = arith.constant 48 : i32
        %parallel_loop3A_618 = vector.broadcast %parallel_loop3A_617 : i32 to vector<16xi32>
        %parallel_loop3A_619 = arith.addi %and3A_90, %parallel_loop3A_618 : vector<16xi32>
        %parallel_loop3A_620 = tpu.vector_load_idx %arg5[%parallel_loop3A_399, %parallel_loop3A_619] : memref<128x64xf32, #tpu.memory_space<vmem>>[vector<16xi32>, vector<16xi32>], vector<16xf32>,
        %parallel_loop3A_621 = arith.constant 6 : i32
        %parallel_loop3A_622 = vector.broadcast %parallel_loop3A_621 : i32 to vector<16xi32>
        %parallel_loop3A_623 = arith.addi %shift_right_logical3A_93, %parallel_loop3A_622 : vector<16xi32>
        tpu.vector_store_idx %arg9[%parallel_loop3A_623, %and3A_96, %parallel_loop3A_399], %parallel_loop3A_620 : memref<8x8x128xf32, #tpu.memory_space<vmem>>[vector<16xi32>, vector<16xi32>, vector<16xi32>], vector<16xf32>,
        %parallel_loop3A_624 = arith.constant 0 : i32
        %parallel_loop3A_625 = vector.broadcast %parallel_loop3A_624 : i32 to vector<16xi32>
        %parallel_loop3A_626 = arith.addi %and3A_102, %parallel_loop3A_625 : vector<16xi32>
        %parallel_loop3A_627 = tpu.vector_load_idx %arg5[%parallel_loop3A_399, %parallel_loop3A_626] : memref<128x64xf32, #tpu.memory_space<vmem>>[vector<16xi32>, vector<16xi32>], vector<16xf32>,
        %parallel_loop3A_628 = arith.constant 0 : i32
        %parallel_loop3A_629 = vector.broadcast %parallel_loop3A_628 : i32 to vector<16xi32>
        %parallel_loop3A_630 = arith.addi %shift_right_logical3A_105, %parallel_loop3A_629 : vector<16xi32>
        tpu.vector_store_idx %arg9[%parallel_loop3A_630, %and3A_108, %parallel_loop3A_399], %parallel_loop3A_627 : memref<8x8x128xf32, #tpu.memory_space<vmem>>[vector<16xi32>, vector<16xi32>, vector<16xi32>], vector<16xf32>,
        %parallel_loop3A_631 = arith.constant 16 : i32
        %parallel_loop3A_632 = vector.broadcast %parallel_loop3A_631 : i32 to vector<16xi32>
        %parallel_loop3A_633 = arith.addi %and3A_102, %parallel_loop3A_632 : vector<16xi32>
        %parallel_loop3A_634 = tpu.vector_load_idx %arg5[%parallel_loop3A_399, %parallel_loop3A_633] : memref<128x64xf32, #tpu.memory_space<vmem>>[vector<16xi32>, vector<16xi32>], vector<16xf32>,
        %parallel_loop3A_635 = arith.constant 2 : i32
        %parallel_loop3A_636 = vector.broadcast %parallel_loop3A_635 : i32 to vector<16xi32>
        %parallel_loop3A_637 = arith.addi %shift_right_logical3A_105, %parallel_loop3A_636 : vector<16xi32>
        tpu.vector_store_idx %arg9[%parallel_loop3A_637, %and3A_108, %parallel_loop3A_399], %parallel_loop3A_634 : memref<8x8x128xf32, #tpu.memory_space<vmem>>[vector<16xi32>, vector<16xi32>, vector<16xi32>], vector<16xf32>,
        %parallel_loop3A_638 = arith.constant 32 : i32
        %parallel_loop3A_639 = vector.broadcast %parallel_loop3A_638 : i32 to vector<16xi32>
        %parallel_loop3A_640 = arith.addi %and3A_102, %parallel_loop3A_639 : vector<16xi32>
        %parallel_loop3A_641 = tpu.vector_load_idx %arg5[%parallel_loop3A_399, %parallel_loop3A_640] : memref<128x64xf32, #tpu.memory_space<vmem>>[vector<16xi32>, vector<16xi32>], vector<16xf32>,
        %parallel_loop3A_642 = arith.constant 4 : i32
        %parallel_loop3A_643 = vector.broadcast %parallel_loop3A_642 : i32 to vector<16xi32>
        %parallel_loop3A_644 = arith.addi %shift_right_logical3A_105, %parallel_loop3A_643 : vector<16xi32>
        tpu.vector_store_idx %arg9[%parallel_loop3A_644, %and3A_108, %parallel_loop3A_399], %parallel_loop3A_641 : memref<8x8x128xf32, #tpu.memory_space<vmem>>[vector<16xi32>, vector<16xi32>, vector<16xi32>], vector<16xf32>,
        %parallel_loop3A_645 = arith.constant 48 : i32
        %parallel_loop3A_646 = vector.broadcast %parallel_loop3A_645 : i32 to vector<16xi32>
        %parallel_loop3A_647 = arith.addi %and3A_102, %parallel_loop3A_646 : vector<16xi32>
        %parallel_loop3A_648 = tpu.vector_load_idx %arg5[%parallel_loop3A_399, %parallel_loop3A_647] : memref<128x64xf32, #tpu.memory_space<vmem>>[vector<16xi32>, vector<16xi32>], vector<16xf32>,
        %parallel_loop3A_649 = arith.constant 6 : i32
        %parallel_loop3A_650 = vector.broadcast %parallel_loop3A_649 : i32 to vector<16xi32>
        %parallel_loop3A_651 = arith.addi %shift_right_logical3A_105, %parallel_loop3A_650 : vector<16xi32>
        tpu.vector_store_idx %arg9[%parallel_loop3A_651, %and3A_108, %parallel_loop3A_399], %parallel_loop3A_648 : memref<8x8x128xf32, #tpu.memory_space<vmem>>[vector<16xi32>, vector<16xi32>, vector<16xi32>], vector<16xf32>,
        %parallel_loop3A_652 = arith.constant 0 : i32
        %parallel_loop3A_653 = vector.broadcast %parallel_loop3A_652 : i32 to vector<16xi32>
        %parallel_loop3A_654 = arith.addi %and3A_114, %parallel_loop3A_653 : vector<16xi32>
        %parallel_loop3A_655 = tpu.vector_load_idx %arg5[%parallel_loop3A_399, %parallel_loop3A_654] : memref<128x64xf32, #tpu.memory_space<vmem>>[vector<16xi32>, vector<16xi32>], vector<16xf32>,
        %parallel_loop3A_656 = arith.constant 0 : i32
        %parallel_loop3A_657 = vector.broadcast %parallel_loop3A_656 : i32 to vector<16xi32>
        %parallel_loop3A_658 = arith.addi %shift_right_logical3A_117, %parallel_loop3A_657 : vector<16xi32>
        tpu.vector_store_idx %arg9[%parallel_loop3A_658, %and3A_120, %parallel_loop3A_399], %parallel_loop3A_655 : memref<8x8x128xf32, #tpu.memory_space<vmem>>[vector<16xi32>, vector<16xi32>, vector<16xi32>], vector<16xf32>,
        %parallel_loop3A_659 = arith.constant 16 : i32
        %parallel_loop3A_660 = vector.broadcast %parallel_loop3A_659 : i32 to vector<16xi32>
        %parallel_loop3A_661 = arith.addi %and3A_114, %parallel_loop3A_660 : vector<16xi32>
        %parallel_loop3A_662 = tpu.vector_load_idx %arg5[%parallel_loop3A_399, %parallel_loop3A_661] : memref<128x64xf32, #tpu.memory_space<vmem>>[vector<16xi32>, vector<16xi32>], vector<16xf32>,
        %parallel_loop3A_663 = arith.constant 2 : i32
        %parallel_loop3A_664 = vector.broadcast %parallel_loop3A_663 : i32 to vector<16xi32>
        %parallel_loop3A_665 = arith.addi %shift_right_logical3A_117, %parallel_loop3A_664 : vector<16xi32>
        tpu.vector_store_idx %arg9[%parallel_loop3A_665, %and3A_120, %parallel_loop3A_399], %parallel_loop3A_662 : memref<8x8x128xf32, #tpu.memory_space<vmem>>[vector<16xi32>, vector<16xi32>, vector<16xi32>], vector<16xf32>,
        %parallel_loop3A_666 = arith.constant 32 : i32
        %parallel_loop3A_667 = vector.broadcast %parallel_loop3A_666 : i32 to vector<16xi32>
        %parallel_loop3A_668 = arith.addi %and3A_114, %parallel_loop3A_667 : vector<16xi32>
        %parallel_loop3A_669 = tpu.vector_load_idx %arg5[%parallel_loop3A_399, %parallel_loop3A_668] : memref<128x64xf32, #tpu.memory_space<vmem>>[vector<16xi32>, vector<16xi32>], vector<16xf32>,
        %parallel_loop3A_670 = arith.constant 4 : i32
        %parallel_loop3A_671 = vector.broadcast %parallel_loop3A_670 : i32 to vector<16xi32>
        %parallel_loop3A_672 = arith.addi %shift_right_logical3A_117, %parallel_loop3A_671 : vector<16xi32>
        tpu.vector_store_idx %arg9[%parallel_loop3A_672, %and3A_120, %parallel_loop3A_399], %parallel_loop3A_669 : memref<8x8x128xf32, #tpu.memory_space<vmem>>[vector<16xi32>, vector<16xi32>, vector<16xi32>], vector<16xf32>,
        %parallel_loop3A_673 = arith.constant 48 : i32
        %parallel_loop3A_674 = vector.broadcast %parallel_loop3A_673 : i32 to vector<16xi32>
        %parallel_loop3A_675 = arith.addi %and3A_114, %parallel_loop3A_674 : vector<16xi32>
        %parallel_loop3A_676 = tpu.vector_load_idx %arg5[%parallel_loop3A_399, %parallel_loop3A_675] : memref<128x64xf32, #tpu.memory_space<vmem>>[vector<16xi32>, vector<16xi32>], vector<16xf32>,
        %parallel_loop3A_677 = arith.constant 6 : i32
        %parallel_loop3A_678 = vector.broadcast %parallel_loop3A_677 : i32 to vector<16xi32>
        %parallel_loop3A_679 = arith.addi %shift_right_logical3A_117, %parallel_loop3A_678 : vector<16xi32>
        tpu.vector_store_idx %arg9[%parallel_loop3A_679, %and3A_120, %parallel_loop3A_399], %parallel_loop3A_676 : memref<8x8x128xf32, #tpu.memory_space<vmem>>[vector<16xi32>, vector<16xi32>, vector<16xi32>], vector<16xf32>,
        %parallel_loop3A_680 = arith.constant 0 : i32
        %parallel_loop3A_681 = vector.broadcast %parallel_loop3A_680 : i32 to vector<16xi32>
        %parallel_loop3A_682 = arith.addi %and3A_126, %parallel_loop3A_681 : vector<16xi32>
        %parallel_loop3A_683 = tpu.vector_load_idx %arg5[%parallel_loop3A_399, %parallel_loop3A_682] : memref<128x64xf32, #tpu.memory_space<vmem>>[vector<16xi32>, vector<16xi32>], vector<16xf32>,
        %parallel_loop3A_684 = arith.constant 0 : i32
        %parallel_loop3A_685 = vector.broadcast %parallel_loop3A_684 : i32 to vector<16xi32>
        %parallel_loop3A_686 = arith.addi %shift_right_logical3A_129, %parallel_loop3A_685 : vector<16xi32>
        tpu.vector_store_idx %arg9[%parallel_loop3A_686, %and3A_132, %parallel_loop3A_399], %parallel_loop3A_683 : memref<8x8x128xf32, #tpu.memory_space<vmem>>[vector<16xi32>, vector<16xi32>, vector<16xi32>], vector<16xf32>,
        %parallel_loop3A_687 = arith.constant 16 : i32
        %parallel_loop3A_688 = vector.broadcast %parallel_loop3A_687 : i32 to vector<16xi32>
        %parallel_loop3A_689 = arith.addi %and3A_126, %parallel_loop3A_688 : vector<16xi32>
        %parallel_loop3A_690 = tpu.vector_load_idx %arg5[%parallel_loop3A_399, %parallel_loop3A_689] : memref<128x64xf32, #tpu.memory_space<vmem>>[vector<16xi32>, vector<16xi32>], vector<16xf32>,
        %parallel_loop3A_691 = arith.constant 2 : i32
        %parallel_loop3A_692 = vector.broadcast %parallel_loop3A_691 : i32 to vector<16xi32>
        %parallel_loop3A_693 = arith.addi %shift_right_logical3A_129, %parallel_loop3A_692 : vector<16xi32>
        tpu.vector_store_idx %arg9[%parallel_loop3A_693, %and3A_132, %parallel_loop3A_399], %parallel_loop3A_690 : memref<8x8x128xf32, #tpu.memory_space<vmem>>[vector<16xi32>, vector<16xi32>, vector<16xi32>], vector<16xf32>,
        %parallel_loop3A_694 = arith.constant 32 : i32
        %parallel_loop3A_695 = vector.broadcast %parallel_loop3A_694 : i32 to vector<16xi32>
        %parallel_loop3A_696 = arith.addi %and3A_126, %parallel_loop3A_695 : vector<16xi32>
        %parallel_loop3A_697 = tpu.vector_load_idx %arg5[%parallel_loop3A_399, %parallel_loop3A_696] : memref<128x64xf32, #tpu.memory_space<vmem>>[vector<16xi32>, vector<16xi32>], vector<16xf32>,
        %parallel_loop3A_698 = arith.constant 4 : i32
        %parallel_loop3A_699 = vector.broadcast %parallel_loop3A_698 : i32 to vector<16xi32>
        %parallel_loop3A_700 = arith.addi %shift_right_logical3A_129, %parallel_loop3A_699 : vector<16xi32>
        tpu.vector_store_idx %arg9[%parallel_loop3A_700, %and3A_132, %parallel_loop3A_399], %parallel_loop3A_697 : memref<8x8x128xf32, #tpu.memory_space<vmem>>[vector<16xi32>, vector<16xi32>, vector<16xi32>], vector<16xf32>,
        %parallel_loop3A_701 = arith.constant 48 : i32
        %parallel_loop3A_702 = vector.broadcast %parallel_loop3A_701 : i32 to vector<16xi32>
        %parallel_loop3A_703 = arith.addi %and3A_126, %parallel_loop3A_702 : vector<16xi32>
        %parallel_loop3A_704 = tpu.vector_load_idx %arg5[%parallel_loop3A_399, %parallel_loop3A_703] : memref<128x64xf32, #tpu.memory_space<vmem>>[vector<16xi32>, vector<16xi32>], vector<16xf32>,
        %parallel_loop3A_705 = arith.constant 6 : i32
        %parallel_loop3A_706 = vector.broadcast %parallel_loop3A_705 : i32 to vector<16xi32>
        %parallel_loop3A_707 = arith.addi %shift_right_logical3A_129, %parallel_loop3A_706 : vector<16xi32>
        tpu.vector_store_idx %arg9[%parallel_loop3A_707, %and3A_132, %parallel_loop3A_399], %parallel_loop3A_704 : memref<8x8x128xf32, #tpu.memory_space<vmem>>[vector<16xi32>, vector<16xi32>, vector<16xi32>], vector<16xf32>,
        %parallel_loop3A_708 = arith.constant 0 : i32
        %parallel_loop3A_709 = vector.broadcast %parallel_loop3A_708 : i32 to vector<16xi32>
        %parallel_loop3A_710 = arith.addi %and3A_138, %parallel_loop3A_709 : vector<16xi32>
        %parallel_loop3A_711 = tpu.vector_load_idx %arg5[%parallel_loop3A_399, %parallel_loop3A_710] : memref<128x64xf32, #tpu.memory_space<vmem>>[vector<16xi32>, vector<16xi32>], vector<16xf32>,
        %parallel_loop3A_712 = arith.constant 0 : i32
        %parallel_loop3A_713 = vector.broadcast %parallel_loop3A_712 : i32 to vector<16xi32>
        %parallel_loop3A_714 = arith.addi %shift_right_logical3A_141, %parallel_loop3A_713 : vector<16xi32>
        tpu.vector_store_idx %arg9[%parallel_loop3A_714, %and3A_144, %parallel_loop3A_399], %parallel_loop3A_711 : memref<8x8x128xf32, #tpu.memory_space<vmem>>[vector<16xi32>, vector<16xi32>, vector<16xi32>], vector<16xf32>,
        %parallel_loop3A_715 = arith.constant 16 : i32
        %parallel_loop3A_716 = vector.broadcast %parallel_loop3A_715 : i32 to vector<16xi32>
        %parallel_loop3A_717 = arith.addi %and3A_138, %parallel_loop3A_716 : vector<16xi32>
        %parallel_loop3A_718 = tpu.vector_load_idx %arg5[%parallel_loop3A_399, %parallel_loop3A_717] : memref<128x64xf32, #tpu.memory_space<vmem>>[vector<16xi32>, vector<16xi32>], vector<16xf32>,
        %parallel_loop3A_719 = arith.constant 2 : i32
        %parallel_loop3A_720 = vector.broadcast %parallel_loop3A_719 : i32 to vector<16xi32>
        %parallel_loop3A_721 = arith.addi %shift_right_logical3A_141, %parallel_loop3A_720 : vector<16xi32>
        tpu.vector_store_idx %arg9[%parallel_loop3A_721, %and3A_144, %parallel_loop3A_399], %parallel_loop3A_718 : memref<8x8x128xf32, #tpu.memory_space<vmem>>[vector<16xi32>, vector<16xi32>, vector<16xi32>], vector<16xf32>,
        %parallel_loop3A_722 = arith.constant 32 : i32
        %parallel_loop3A_723 = vector.broadcast %parallel_loop3A_722 : i32 to vector<16xi32>
        %parallel_loop3A_724 = arith.addi %and3A_138, %parallel_loop3A_723 : vector<16xi32>
        %parallel_loop3A_725 = tpu.vector_load_idx %arg5[%parallel_loop3A_399, %parallel_loop3A_724] : memref<128x64xf32, #tpu.memory_space<vmem>>[vector<16xi32>, vector<16xi32>], vector<16xf32>,
        %parallel_loop3A_726 = arith.constant 4 : i32
        %parallel_loop3A_727 = vector.broadcast %parallel_loop3A_726 : i32 to vector<16xi32>
        %parallel_loop3A_728 = arith.addi %shift_right_logical3A_141, %parallel_loop3A_727 : vector<16xi32>
        tpu.vector_store_idx %arg9[%parallel_loop3A_728, %and3A_144, %parallel_loop3A_399], %parallel_loop3A_725 : memref<8x8x128xf32, #tpu.memory_space<vmem>>[vector<16xi32>, vector<16xi32>, vector<16xi32>], vector<16xf32>,
        %parallel_loop3A_729 = arith.constant 48 : i32
        %parallel_loop3A_730 = vector.broadcast %parallel_loop3A_729 : i32 to vector<16xi32>
        %parallel_loop3A_731 = arith.addi %and3A_138, %parallel_loop3A_730 : vector<16xi32>
        %parallel_loop3A_732 = tpu.vector_load_idx %arg5[%parallel_loop3A_399, %parallel_loop3A_731] : memref<128x64xf32, #tpu.memory_space<vmem>>[vector<16xi32>, vector<16xi32>], vector<16xf32>,
        %parallel_loop3A_733 = arith.constant 6 : i32
        %parallel_loop3A_734 = vector.broadcast %parallel_loop3A_733 : i32 to vector<16xi32>
        %parallel_loop3A_735 = arith.addi %shift_right_logical3A_141, %parallel_loop3A_734 : vector<16xi32>
        tpu.vector_store_idx %arg9[%parallel_loop3A_735, %and3A_144, %parallel_loop3A_399], %parallel_loop3A_732 : memref<8x8x128xf32, #tpu.memory_space<vmem>>[vector<16xi32>, vector<16xi32>, vector<16xi32>], vector<16xf32>,
        %parallel_loop3A_736 = arith.constant 0 : i32
        %parallel_loop3A_737 = vector.broadcast %parallel_loop3A_736 : i32 to vector<16xi32>
        %parallel_loop3A_738 = arith.addi %and3A_150, %parallel_loop3A_737 : vector<16xi32>
        %parallel_loop3A_739 = tpu.vector_load_idx %arg5[%parallel_loop3A_399, %parallel_loop3A_738] : memref<128x64xf32, #tpu.memory_space<vmem>>[vector<16xi32>, vector<16xi32>], vector<16xf32>,
        %parallel_loop3A_740 = arith.constant 0 : i32
        %parallel_loop3A_741 = vector.broadcast %parallel_loop3A_740 : i32 to vector<16xi32>
        %parallel_loop3A_742 = arith.addi %shift_right_logical3A_153, %parallel_loop3A_741 : vector<16xi32>
        tpu.vector_store_idx %arg9[%parallel_loop3A_742, %and3A_156, %parallel_loop3A_399], %parallel_loop3A_739 : memref<8x8x128xf32, #tpu.memory_space<vmem>>[vector<16xi32>, vector<16xi32>, vector<16xi32>], vector<16xf32>,
        %parallel_loop3A_743 = arith.constant 16 : i32
        %parallel_loop3A_744 = vector.broadcast %parallel_loop3A_743 : i32 to vector<16xi32>
        %parallel_loop3A_745 = arith.addi %and3A_150, %parallel_loop3A_744 : vector<16xi32>
        %parallel_loop3A_746 = tpu.vector_load_idx %arg5[%parallel_loop3A_399, %parallel_loop3A_745] : memref<128x64xf32, #tpu.memory_space<vmem>>[vector<16xi32>, vector<16xi32>], vector<16xf32>,
        %parallel_loop3A_747 = arith.constant 2 : i32
        %parallel_loop3A_748 = vector.broadcast %parallel_loop3A_747 : i32 to vector<16xi32>
        %parallel_loop3A_749 = arith.addi %shift_right_logical3A_153, %parallel_loop3A_748 : vector<16xi32>
        tpu.vector_store_idx %arg9[%parallel_loop3A_749, %and3A_156, %parallel_loop3A_399], %parallel_loop3A_746 : memref<8x8x128xf32, #tpu.memory_space<vmem>>[vector<16xi32>, vector<16xi32>, vector<16xi32>], vector<16xf32>,
        %parallel_loop3A_750 = arith.constant 32 : i32
        %parallel_loop3A_751 = vector.broadcast %parallel_loop3A_750 : i32 to vector<16xi32>
        %parallel_loop3A_752 = arith.addi %and3A_150, %parallel_loop3A_751 : vector<16xi32>
        %parallel_loop3A_753 = tpu.vector_load_idx %arg5[%parallel_loop3A_399, %parallel_loop3A_752] : memref<128x64xf32, #tpu.memory_space<vmem>>[vector<16xi32>, vector<16xi32>], vector<16xf32>,
        %parallel_loop3A_754 = arith.constant 4 : i32
        %parallel_loop3A_755 = vector.broadcast %parallel_loop3A_754 : i32 to vector<16xi32>
        %parallel_loop3A_756 = arith.addi %shift_right_logical3A_153, %parallel_loop3A_755 : vector<16xi32>
        tpu.vector_store_idx %arg9[%parallel_loop3A_756, %and3A_156, %parallel_loop3A_399], %parallel_loop3A_753 : memref<8x8x128xf32, #tpu.memory_space<vmem>>[vector<16xi32>, vector<16xi32>, vector<16xi32>], vector<16xf32>,
        %parallel_loop3A_757 = arith.constant 48 : i32
        %parallel_loop3A_758 = vector.broadcast %parallel_loop3A_757 : i32 to vector<16xi32>
        %parallel_loop3A_759 = arith.addi %and3A_150, %parallel_loop3A_758 : vector<16xi32>
        %parallel_loop3A_760 = tpu.vector_load_idx %arg5[%parallel_loop3A_399, %parallel_loop3A_759] : memref<128x64xf32, #tpu.memory_space<vmem>>[vector<16xi32>, vector<16xi32>], vector<16xf32>,
        %parallel_loop3A_761 = arith.constant 6 : i32
        %parallel_loop3A_762 = vector.broadcast %parallel_loop3A_761 : i32 to vector<16xi32>
        %parallel_loop3A_763 = arith.addi %shift_right_logical3A_153, %parallel_loop3A_762 : vector<16xi32>
        tpu.vector_store_idx %arg9[%parallel_loop3A_763, %and3A_156, %parallel_loop3A_399], %parallel_loop3A_760 : memref<8x8x128xf32, #tpu.memory_space<vmem>>[vector<16xi32>, vector<16xi32>, vector<16xi32>], vector<16xf32>,
        %parallel_loop3A_764 = arith.constant 0 : i32
        %parallel_loop3A_765 = vector.broadcast %parallel_loop3A_764 : i32 to vector<16xi32>
        %parallel_loop3A_766 = arith.addi %and3A_162, %parallel_loop3A_765 : vector<16xi32>
        %parallel_loop3A_767 = tpu.vector_load_idx %arg5[%parallel_loop3A_399, %parallel_loop3A_766] : memref<128x64xf32, #tpu.memory_space<vmem>>[vector<16xi32>, vector<16xi32>], vector<16xf32>,
        %parallel_loop3A_768 = arith.constant 0 : i32
        %parallel_loop3A_769 = vector.broadcast %parallel_loop3A_768 : i32 to vector<16xi32>
        %parallel_loop3A_770 = arith.addi %shift_right_logical3A_165, %parallel_loop3A_769 : vector<16xi32>
        tpu.vector_store_idx %arg9[%parallel_loop3A_770, %and3A_168, %parallel_loop3A_399], %parallel_loop3A_767 : memref<8x8x128xf32, #tpu.memory_space<vmem>>[vector<16xi32>, vector<16xi32>, vector<16xi32>], vector<16xf32>,
        %parallel_loop3A_771 = arith.constant 16 : i32
        %parallel_loop3A_772 = vector.broadcast %parallel_loop3A_771 : i32 to vector<16xi32>
        %parallel_loop3A_773 = arith.addi %and3A_162, %parallel_loop3A_772 : vector<16xi32>
        %parallel_loop3A_774 = tpu.vector_load_idx %arg5[%parallel_loop3A_399, %parallel_loop3A_773] : memref<128x64xf32, #tpu.memory_space<vmem>>[vector<16xi32>, vector<16xi32>], vector<16xf32>,
        %parallel_loop3A_775 = arith.constant 2 : i32
        %parallel_loop3A_776 = vector.broadcast %parallel_loop3A_775 : i32 to vector<16xi32>
        %parallel_loop3A_777 = arith.addi %shift_right_logical3A_165, %parallel_loop3A_776 : vector<16xi32>
        tpu.vector_store_idx %arg9[%parallel_loop3A_777, %and3A_168, %parallel_loop3A_399], %parallel_loop3A_774 : memref<8x8x128xf32, #tpu.memory_space<vmem>>[vector<16xi32>, vector<16xi32>, vector<16xi32>], vector<16xf32>,
        %parallel_loop3A_778 = arith.constant 32 : i32
        %parallel_loop3A_779 = vector.broadcast %parallel_loop3A_778 : i32 to vector<16xi32>
        %parallel_loop3A_780 = arith.addi %and3A_162, %parallel_loop3A_779 : vector<16xi32>
        %parallel_loop3A_781 = tpu.vector_load_idx %arg5[%parallel_loop3A_399, %parallel_loop3A_780] : memref<128x64xf32, #tpu.memory_space<vmem>>[vector<16xi32>, vector<16xi32>], vector<16xf32>,
        %parallel_loop3A_782 = arith.constant 4 : i32
        %parallel_loop3A_783 = vector.broadcast %parallel_loop3A_782 : i32 to vector<16xi32>
        %parallel_loop3A_784 = arith.addi %shift_right_logical3A_165, %parallel_loop3A_783 : vector<16xi32>
        tpu.vector_store_idx %arg9[%parallel_loop3A_784, %and3A_168, %parallel_loop3A_399], %parallel_loop3A_781 : memref<8x8x128xf32, #tpu.memory_space<vmem>>[vector<16xi32>, vector<16xi32>, vector<16xi32>], vector<16xf32>,
        %parallel_loop3A_785 = arith.constant 48 : i32
        %parallel_loop3A_786 = vector.broadcast %parallel_loop3A_785 : i32 to vector<16xi32>
        %parallel_loop3A_787 = arith.addi %and3A_162, %parallel_loop3A_786 : vector<16xi32>
        %parallel_loop3A_788 = tpu.vector_load_idx %arg5[%parallel_loop3A_399, %parallel_loop3A_787] : memref<128x64xf32, #tpu.memory_space<vmem>>[vector<16xi32>, vector<16xi32>], vector<16xf32>,
        %parallel_loop3A_789 = arith.constant 6 : i32
        %parallel_loop3A_790 = vector.broadcast %parallel_loop3A_789 : i32 to vector<16xi32>
        %parallel_loop3A_791 = arith.addi %shift_right_logical3A_165, %parallel_loop3A_790 : vector<16xi32>
        tpu.vector_store_idx %arg9[%parallel_loop3A_791, %and3A_168, %parallel_loop3A_399], %parallel_loop3A_788 : memref<8x8x128xf32, #tpu.memory_space<vmem>>[vector<16xi32>, vector<16xi32>, vector<16xi32>], vector<16xf32>,
        %parallel_loop3A_792 = arith.constant 0 : i32
        %parallel_loop3A_793 = vector.broadcast %parallel_loop3A_792 : i32 to vector<16xi32>
        %parallel_loop3A_794 = arith.addi %and3A_174, %parallel_loop3A_793 : vector<16xi32>
        %parallel_loop3A_795 = tpu.vector_load_idx %arg5[%parallel_loop3A_399, %parallel_loop3A_794] : memref<128x64xf32, #tpu.memory_space<vmem>>[vector<16xi32>, vector<16xi32>], vector<16xf32>,
        %parallel_loop3A_796 = arith.constant 0 : i32
        %parallel_loop3A_797 = vector.broadcast %parallel_loop3A_796 : i32 to vector<16xi32>
        %parallel_loop3A_798 = arith.addi %shift_right_logical3A_177, %parallel_loop3A_797 : vector<16xi32>
        tpu.vector_store_idx %arg9[%parallel_loop3A_798, %and3A_180, %parallel_loop3A_399], %parallel_loop3A_795 : memref<8x8x128xf32, #tpu.memory_space<vmem>>[vector<16xi32>, vector<16xi32>, vector<16xi32>], vector<16xf32>,
        %parallel_loop3A_799 = arith.constant 16 : i32
        %parallel_loop3A_800 = vector.broadcast %parallel_loop3A_799 : i32 to vector<16xi32>
        %parallel_loop3A_801 = arith.addi %and3A_174, %parallel_loop3A_800 : vector<16xi32>
        %parallel_loop3A_802 = tpu.vector_load_idx %arg5[%parallel_loop3A_399, %parallel_loop3A_801] : memref<128x64xf32, #tpu.memory_space<vmem>>[vector<16xi32>, vector<16xi32>], vector<16xf32>,
        %parallel_loop3A_803 = arith.constant 2 : i32
        %parallel_loop3A_804 = vector.broadcast %parallel_loop3A_803 : i32 to vector<16xi32>
        %parallel_loop3A_805 = arith.addi %shift_right_logical3A_177, %parallel_loop3A_804 : vector<16xi32>
        tpu.vector_store_idx %arg9[%parallel_loop3A_805, %and3A_180, %parallel_loop3A_399], %parallel_loop3A_802 : memref<8x8x128xf32, #tpu.memory_space<vmem>>[vector<16xi32>, vector<16xi32>, vector<16xi32>], vector<16xf32>,
        %parallel_loop3A_806 = arith.constant 32 : i32
        %parallel_loop3A_807 = vector.broadcast %parallel_loop3A_806 : i32 to vector<16xi32>
        %parallel_loop3A_808 = arith.addi %and3A_174, %parallel_loop3A_807 : vector<16xi32>
        %parallel_loop3A_809 = tpu.vector_load_idx %arg5[%parallel_loop3A_399, %parallel_loop3A_808] : memref<128x64xf32, #tpu.memory_space<vmem>>[vector<16xi32>, vector<16xi32>], vector<16xf32>,
        %parallel_loop3A_810 = arith.constant 4 : i32
        %parallel_loop3A_811 = vector.broadcast %parallel_loop3A_810 : i32 to vector<16xi32>
        %parallel_loop3A_812 = arith.addi %shift_right_logical3A_177, %parallel_loop3A_811 : vector<16xi32>
        tpu.vector_store_idx %arg9[%parallel_loop3A_812, %and3A_180, %parallel_loop3A_399], %parallel_loop3A_809 : memref<8x8x128xf32, #tpu.memory_space<vmem>>[vector<16xi32>, vector<16xi32>, vector<16xi32>], vector<16xf32>,
        %parallel_loop3A_813 = arith.constant 48 : i32
        %parallel_loop3A_814 = vector.broadcast %parallel_loop3A_813 : i32 to vector<16xi32>
        %parallel_loop3A_815 = arith.addi %and3A_174, %parallel_loop3A_814 : vector<16xi32>
        %parallel_loop3A_816 = tpu.vector_load_idx %arg5[%parallel_loop3A_399, %parallel_loop3A_815] : memref<128x64xf32, #tpu.memory_space<vmem>>[vector<16xi32>, vector<16xi32>], vector<16xf32>,
        %parallel_loop3A_817 = arith.constant 6 : i32
        %parallel_loop3A_818 = vector.broadcast %parallel_loop3A_817 : i32 to vector<16xi32>
        %parallel_loop3A_819 = arith.addi %shift_right_logical3A_177, %parallel_loop3A_818 : vector<16xi32>
        tpu.vector_store_idx %arg9[%parallel_loop3A_819, %and3A_180, %parallel_loop3A_399], %parallel_loop3A_816 : memref<8x8x128xf32, #tpu.memory_space<vmem>>[vector<16xi32>, vector<16xi32>, vector<16xi32>], vector<16xf32>,
        %parallel_loop3A_820 = arith.constant 0 : i32
        %parallel_loop3A_821 = vector.broadcast %parallel_loop3A_820 : i32 to vector<16xi32>
        %parallel_loop3A_822 = arith.addi %and3A_186, %parallel_loop3A_821 : vector<16xi32>
        %parallel_loop3A_823 = tpu.vector_load_idx %arg5[%parallel_loop3A_399, %parallel_loop3A_822] : memref<128x64xf32, #tpu.memory_space<vmem>>[vector<16xi32>, vector<16xi32>], vector<16xf32>,
        %parallel_loop3A_824 = arith.constant 0 : i32
        %parallel_loop3A_825 = vector.broadcast %parallel_loop3A_824 : i32 to vector<16xi32>
        %parallel_loop3A_826 = arith.addi %shift_right_logical3A_189, %parallel_loop3A_825 : vector<16xi32>
        tpu.vector_store_idx %arg9[%parallel_loop3A_826, %and3A_192, %parallel_loop3A_399], %parallel_loop3A_823 : memref<8x8x128xf32, #tpu.memory_space<vmem>>[vector<16xi32>, vector<16xi32>, vector<16xi32>], vector<16xf32>,
        %parallel_loop3A_827 = arith.constant 16 : i32
        %parallel_loop3A_828 = vector.broadcast %parallel_loop3A_827 : i32 to vector<16xi32>
        %parallel_loop3A_829 = arith.addi %and3A_186, %parallel_loop3A_828 : vector<16xi32>
        %parallel_loop3A_830 = tpu.vector_load_idx %arg5[%parallel_loop3A_399, %parallel_loop3A_829] : memref<128x64xf32, #tpu.memory_space<vmem>>[vector<16xi32>, vector<16xi32>], vector<16xf32>,
        %parallel_loop3A_831 = arith.constant 2 : i32
        %parallel_loop3A_832 = vector.broadcast %parallel_loop3A_831 : i32 to vector<16xi32>
        %parallel_loop3A_833 = arith.addi %shift_right_logical3A_189, %parallel_loop3A_832 : vector<16xi32>
        tpu.vector_store_idx %arg9[%parallel_loop3A_833, %and3A_192, %parallel_loop3A_399], %parallel_loop3A_830 : memref<8x8x128xf32, #tpu.memory_space<vmem>>[vector<16xi32>, vector<16xi32>, vector<16xi32>], vector<16xf32>,
        %parallel_loop3A_834 = arith.constant 32 : i32
        %parallel_loop3A_835 = vector.broadcast %parallel_loop3A_834 : i32 to vector<16xi32>
        %parallel_loop3A_836 = arith.addi %and3A_186, %parallel_loop3A_835 : vector<16xi32>
        %parallel_loop3A_837 = tpu.vector_load_idx %arg5[%parallel_loop3A_399, %parallel_loop3A_836] : memref<128x64xf32, #tpu.memory_space<vmem>>[vector<16xi32>, vector<16xi32>], vector<16xf32>,
        %parallel_loop3A_838 = arith.constant 4 : i32
        %parallel_loop3A_839 = vector.broadcast %parallel_loop3A_838 : i32 to vector<16xi32>
        %parallel_loop3A_840 = arith.addi %shift_right_logical3A_189, %parallel_loop3A_839 : vector<16xi32>
        tpu.vector_store_idx %arg9[%parallel_loop3A_840, %and3A_192, %parallel_loop3A_399], %parallel_loop3A_837 : memref<8x8x128xf32, #tpu.memory_space<vmem>>[vector<16xi32>, vector<16xi32>, vector<16xi32>], vector<16xf32>,
        %parallel_loop3A_841 = arith.constant 48 : i32
        %parallel_loop3A_842 = vector.broadcast %parallel_loop3A_841 : i32 to vector<16xi32>
        %parallel_loop3A_843 = arith.addi %and3A_186, %parallel_loop3A_842 : vector<16xi32>
        %parallel_loop3A_844 = tpu.vector_load_idx %arg5[%parallel_loop3A_399, %parallel_loop3A_843] : memref<128x64xf32, #tpu.memory_space<vmem>>[vector<16xi32>, vector<16xi32>], vector<16xf32>,
        %parallel_loop3A_845 = arith.constant 6 : i32
        %parallel_loop3A_846 = vector.broadcast %parallel_loop3A_845 : i32 to vector<16xi32>
        %parallel_loop3A_847 = arith.addi %shift_right_logical3A_189, %parallel_loop3A_846 : vector<16xi32>
        tpu.vector_store_idx %arg9[%parallel_loop3A_847, %and3A_192, %parallel_loop3A_399], %parallel_loop3A_844 : memref<8x8x128xf32, #tpu.memory_space<vmem>>[vector<16xi32>, vector<16xi32>, vector<16xi32>], vector<16xf32>,
      } {sc.loop_unroll_factor = 1 : i64, sc.parallel_access}
      %mul3A_295 = arith.constant 4 : i32
      %mul3A_296 = arith.muli %add3A, %mul3A_295 : i32
      %add3A_297 = arith.addi %mul3A_296, %sub3A_255 : i32
      %dma_start3A_298 = arith.constant 0 : i32
      %dma_start3A_299 = arith.constant 0 : i32
      %dma_start3A_300 = arith.constant 0 : i32
      %dma_start3A_301 = tpu.memref_slice %arg4[%select_n3A, %dma_start3A_298, %add3A_297, %dma_start3A_299, %dma_start3A_300] : memref<20x8x128x8x128xf32, #tpu.memory_space<hbm>> -> memref<1x8x1x8x128xf32, #tpu.memory_space<hbm>>
      %dma_start3A_302 = tpu.memref_squeeze %dma_start3A_301 : memref<1x8x1x8x128xf32, #tpu.memory_space<hbm>> -> memref<8x8x128xf32, #tpu.memory_space<hbm>>
      %dma_start3A_303 = arith.constant 0 : i32
      %dma_start3A_304 = arith.constant 0 : i32
      %dma_start3A_305 = arith.constant 0 : i32
      %dma_start3A_306 = tpu.memref_slice %arg4[%select_n3A, %dma_start3A_303, %add3A_297, %dma_start3A_304, %dma_start3A_305] : memref<20x8x128x8x128xf32, #tpu.memory_space<hbm>> -> memref<1x8x1x8x128xf32, #tpu.memory_space<hbm>>
      %dma_start3A_307 = tpu.memref_squeeze %dma_start3A_306 : memref<1x8x1x8x128xf32, #tpu.memory_space<hbm>> -> memref<8x8x128xf32, #tpu.memory_space<hbm>>
      tpu.enqueue_dma source(%arg9 : memref<8x8x128xf32, #tpu.memory_space<vmem>>) target(%dma_start3A_307 : memref<8x8x128xf32, #tpu.memory_space<hbm>>) target_semaphore(%arg11 : memref<!tpu.dma_semaphore, #tpu.memory_space<semaphore_mem>>)
      %mul3A_308 = arith.constant 2 : i32
      %mul3A_309 = arith.muli %mul3A_308, %scan3A_231 : i32
      %add3A_310 = arith.constant 1 : i32
      %add3A_311 = arith.addi %mul3A_309, %add3A_310 : i32
      %jit3A_312 = arith.constant 4 : i32
      %div3A_313 = arith.divsi %add3A_311, %jit3A_312 : i32
      %sign3A_314 = arith.constant 0 : i32
      %sign3A_315 = arith.cmpi sgt, %add3A_311, %sign3A_314 : i32
      %sign3A_316 = arith.extui %sign3A_315 : i1 to i32
      %sign3A_317 = arith.constant 0 : i32
      %sign3A_318 = arith.cmpi slt, %add3A_311, %sign3A_317 : i32
      %sign3A_319 = arith.extui %sign3A_318 : i1 to i32
      %sign3A_320 = arith.subi %sign3A_316, %sign3A_319 : i32
      %sign3A_321 = arith.constant 0 : i32
      %sign3A_322 = arith.cmpi sgt, %jit3A_312, %sign3A_321 : i32
      %sign3A_323 = arith.extui %sign3A_322 : i1 to i32
      %sign3A_324 = arith.constant 0 : i32
      %sign3A_325 = arith.cmpi slt, %jit3A_312, %sign3A_324 : i32
      %sign3A_326 = arith.extui %sign3A_325 : i1 to i32
      %sign3A_327 = arith.subi %sign3A_323, %sign3A_326 : i32
      %ne3A_328 = arith.cmpi ne, %sign3A_320, %sign3A_327 : i32
      %rem3A_329 = arith.remsi %add3A_311, %jit3A_312 : i32
      %ne3A_330 = arith.constant 0 : i32
      %ne3A_331 = arith.cmpi ne, %rem3A_329, %ne3A_330 : i32
      %and3A_332 = arith.andi %ne3A_328, %ne3A_331 : i1
      %sub3A_333 = arith.constant 1 : i32
      %sub3A_334 = arith.subi %div3A_313, %sub3A_333 : i32
      %select_n3A_335 = arith.select %and3A_332, %sub3A_334, %div3A_313 : i32
      %mul3A_336 = arith.constant 4 : i32
      %mul3A_337 = arith.muli %select_n3A_335, %mul3A_336 : i32
      %sub3A_338 = arith.subi %add3A_311, %mul3A_337 : i32
      %add3A_339 = arith.constant 1 : i32
      %add3A_340 = arith.addi %add3A_311, %add3A_339 : i32
      %jit3A_341 = arith.constant 4 : i32
      %div3A_342 = arith.divsi %add3A_340, %jit3A_341 : i32
      %sign3A_343 = arith.constant 0 : i32
      %sign3A_344 = arith.cmpi sgt, %add3A_340, %sign3A_343 : i32
      %sign3A_345 = arith.extui %sign3A_344 : i1 to i32
      %sign3A_346 = arith.constant 0 : i32
      %sign3A_347 = arith.cmpi slt, %add3A_340, %sign3A_346 : i32
      %sign3A_348 = arith.extui %sign3A_347 : i1 to i32
      %sign3A_349 = arith.subi %sign3A_345, %sign3A_348 : i32
      %sign3A_350 = arith.constant 0 : i32
      %sign3A_351 = arith.cmpi sgt, %jit3A_341, %sign3A_350 : i32
      %sign3A_352 = arith.extui %sign3A_351 : i1 to i32
      %sign3A_353 = arith.constant 0 : i32
      %sign3A_354 = arith.cmpi slt, %jit3A_341, %sign3A_353 : i32
      %sign3A_355 = arith.extui %sign3A_354 : i1 to i32
      %sign3A_356 = arith.subi %sign3A_352, %sign3A_355 : i32
      %ne3A_357 = arith.cmpi ne, %sign3A_349, %sign3A_356 : i32
      %rem3A_358 = arith.remsi %add3A_340, %jit3A_341 : i32
      %ne3A_359 = arith.constant 0 : i32
      %ne3A_360 = arith.cmpi ne, %rem3A_358, %ne3A_359 : i32
      %and3A_361 = arith.andi %ne3A_357, %ne3A_360 : i1
      %sub3A_362 = arith.constant 1 : i32
      %sub3A_363 = arith.subi %div3A_342, %sub3A_362 : i32
      %select_n3A_364 = arith.select %and3A_361, %sub3A_363, %div3A_342 : i32
      %mul3A_365 = arith.constant 4 : i32
      %mul3A_366 = arith.muli %select_n3A_364, %mul3A_365 : i32
      %sub3A_367 = arith.subi %add3A_340, %mul3A_366 : i32
      %mul3A_368 = arith.constant 128 : i32
      %mul3A_369 = arith.muli %sub3A_338, %mul3A_368 : i32
      %dma_wait3A_370 = tpu.memref_slice %arg13[%mul3A_369] : memref<512xi32, #tpu.memory_space<vmem>> -> memref<128xi32, #tpu.memory_space<vmem>>
      %dma_wait3A_371 = arith.constant 0 : i32
      %dma_wait3A_372 = arith.constant 0 : i32
      %dma_wait3A_373 = tpu.memref_slice %arg3[%dma_wait3A_371, %dma_wait3A_372] : memref<2000000x64xf32, #tpu.memory_space<hbm>> -> memref<2000000x64xf32, #tpu.memory_space<hbm>>
      tpu.wait_indirect_dma semaphore(%arg8 : memref<!tpu.dma_semaphore, #tpu.memory_space<semaphore_mem>>) src(%dma_wait3A_373 : memref<2000000x64xf32, #tpu.memory_space<hbm>>) dst(%arg6 : memref<128x64xf32, #tpu.memory_space<vmem>>)
      %lt3A_374 = arith.constant 80 : i32
      %lt3A_375 = arith.cmpi slt, %add3A_340, %lt3A_374 : i32
      %convert_element_type3A_376 = arith.extui %lt3A_375 : i1 to i32
      %cond3A_377 = arith.constant 0 : i32
      %cond3A_378 = arith.cmpi ne, %convert_element_type3A_376, %cond3A_377 : i32
      scf.if %cond3A_378 {
        %eq3A = arith.constant 0 : i32
        %eq3A_395 = arith.cmpi eq, %sub3A_367, %eq3A : i32
        %convert_element_type3A_396 = arith.extui %eq3A_395 : i1 to i32
        %cond3A_397 = arith.constant 0 : i32
        %cond3A_398 = arith.cmpi ne, %convert_element_type3A_396, %cond3A_397 : i32
        scf.if %cond3A_398 {
          "tpu.region"() ({
            %run_scoped3A_409 = tpu.sem_alloc : memref<!tpu.dma_semaphore, #tpu.memory_space<semaphore_mem>>
            %dma_start3A_410 = tpu.memref_slice %arg2[%select_n3A_364, %mul3A_2] : memref<20x16384xi32, #tpu.memory_space<hbm>> -> memref<1x512xi32, #tpu.memory_space<hbm>>
            %dma_start3A_411 = tpu.memref_squeeze %dma_start3A_410 : memref<1x512xi32, #tpu.memory_space<hbm>> -> memref<512xi32, #tpu.memory_space<hbm>>
            %dma_start3A_412 = tpu.memref_slice %arg2[%select_n3A_364, %mul3A_2] : memref<20x16384xi32, #tpu.memory_space<hbm>> -> memref<1x512xi32, #tpu.memory_space<hbm>>
            %dma_start3A_413 = tpu.memref_squeeze %dma_start3A_412 : memref<1x512xi32, #tpu.memory_space<hbm>> -> memref<512xi32, #tpu.memory_space<hbm>>
            tpu.enqueue_dma source(%dma_start3A_413 : memref<512xi32, #tpu.memory_space<hbm>>) target(%arg13 : memref<512xi32, #tpu.memory_space<vmem>>) target_semaphore(%run_scoped3A_409 : memref<!tpu.dma_semaphore, #tpu.memory_space<semaphore_mem>>)
            %dma_wait3A_414 = tpu.memref_slice %arg2[%select_n3A_364, %mul3A_2] : memref<20x16384xi32, #tpu.memory_space<hbm>> -> memref<1x512xi32, #tpu.memory_space<hbm>>
            %dma_wait3A_415 = tpu.memref_squeeze %dma_wait3A_414 : memref<1x512xi32, #tpu.memory_space<hbm>> -> memref<512xi32, #tpu.memory_space<hbm>>
            %dma_wait3A_416 = tpu.memref_slice %arg2[%select_n3A_364, %mul3A_2] : memref<20x16384xi32, #tpu.memory_space<hbm>> -> memref<1x512xi32, #tpu.memory_space<hbm>>
            %dma_wait3A_417 = tpu.memref_squeeze %dma_wait3A_416 : memref<1x512xi32, #tpu.memory_space<hbm>> -> memref<512xi32, #tpu.memory_space<hbm>>
            tpu.wait_dma2 semaphore(%run_scoped3A_409 : memref<!tpu.dma_semaphore, #tpu.memory_space<semaphore_mem>>) src(%dma_wait3A_417 : memref<512xi32, #tpu.memory_space<hbm>>) dst(%arg13 : memref<512xi32, #tpu.memory_space<vmem>>)
            tpu.yield
          }) : () -> ()
        } else {
        }
        %ge3A = arith.constant 2 : i32
        %ge3A_399 = arith.cmpi sge, %add3A_340, %ge3A : i32
        %convert_element_type3A_400 = arith.extui %ge3A_399 : i1 to i32
        %cond3A_401 = arith.constant 0 : i32
        %cond3A_402 = arith.cmpi ne, %convert_element_type3A_400, %cond3A_401 : i32
        scf.if %cond3A_402 {
          %sub3A_409 = arith.constant 2 : i32
          %sub3A_410 = arith.subi %add3A_340, %sub3A_409 : i32
          %jit3A_411 = arith.constant 4 : i32
          %div3A_412 = arith.divsi %sub3A_410, %jit3A_411 : i32
          %sign3A_413 = arith.constant 0 : i32
          %sign3A_414 = arith.cmpi sgt, %sub3A_410, %sign3A_413 : i32
          %sign3A_415 = arith.extui %sign3A_414 : i1 to i32
          %sign3A_416 = arith.constant 0 : i32
          %sign3A_417 = arith.cmpi slt, %sub3A_410, %sign3A_416 : i32
          %sign3A_418 = arith.extui %sign3A_417 : i1 to i32
          %sign3A_419 = arith.subi %sign3A_415, %sign3A_418 : i32
          %sign3A_420 = arith.constant 0 : i32
          %sign3A_421 = arith.cmpi sgt, %jit3A_411, %sign3A_420 : i32
          %sign3A_422 = arith.extui %sign3A_421 : i1 to i32
          %sign3A_423 = arith.constant 0 : i32
          %sign3A_424 = arith.cmpi slt, %jit3A_411, %sign3A_423 : i32
          %sign3A_425 = arith.extui %sign3A_424 : i1 to i32
          %sign3A_426 = arith.subi %sign3A_422, %sign3A_425 : i32
          %ne3A_427 = arith.cmpi ne, %sign3A_419, %sign3A_426 : i32
          %rem3A_428 = arith.remsi %sub3A_410, %jit3A_411 : i32
          %ne3A_429 = arith.constant 0 : i32
          %ne3A_430 = arith.cmpi ne, %rem3A_428, %ne3A_429 : i32
          %and3A_431 = arith.andi %ne3A_427, %ne3A_430 : i1
          %sub3A_432 = arith.constant 1 : i32
          %sub3A_433 = arith.subi %div3A_412, %sub3A_432 : i32
          %select_n3A_434 = arith.select %and3A_431, %sub3A_433, %div3A_412 : i32
          %mul3A_435 = arith.constant 4 : i32
          %mul3A_436 = arith.muli %select_n3A_434, %mul3A_435 : i32
          %sub3A_437 = arith.subi %sub3A_410, %mul3A_436 : i32
          %mul3A_438 = arith.constant 4 : i32
          %mul3A_439 = arith.muli %add3A, %mul3A_438 : i32
          %add3A_440 = arith.addi %mul3A_439, %sub3A_437 : i32
          %dma_wait3A_441 = arith.constant 0 : i32
          %dma_wait3A_442 = arith.constant 0 : i32
          %dma_wait3A_443 = arith.constant 0 : i32
          %dma_wait3A_444 = tpu.memref_slice %arg4[%select_n3A_434, %dma_wait3A_441, %add3A_440, %dma_wait3A_442, %dma_wait3A_443] : memref<20x8x128x8x128xf32, #tpu.memory_space<hbm>> -> memref<1x8x1x8x128xf32, #tpu.memory_space<hbm>>
          %dma_wait3A_445 = tpu.memref_squeeze %dma_wait3A_444 : memref<1x8x1x8x128xf32, #tpu.memory_space<hbm>> -> memref<8x8x128xf32, #tpu.memory_space<hbm>>
          %dma_wait3A_446 = arith.constant 0 : i32
          %dma_wait3A_447 = arith.constant 0 : i32
          %dma_wait3A_448 = arith.constant 0 : i32
          %dma_wait3A_449 = tpu.memref_slice %arg4[%select_n3A_434, %dma_wait3A_446, %add3A_440, %dma_wait3A_447, %dma_wait3A_448] : memref<20x8x128x8x128xf32, #tpu.memory_space<hbm>> -> memref<1x8x1x8x128xf32, #tpu.memory_space<hbm>>
          %dma_wait3A_450 = tpu.memref_squeeze %dma_wait3A_449 : memref<1x8x1x8x128xf32, #tpu.memory_space<hbm>> -> memref<8x8x128xf32, #tpu.memory_space<hbm>>
          tpu.wait_dma2 semaphore(%arg11 : memref<!tpu.dma_semaphore, #tpu.memory_space<semaphore_mem>>) src(%arg9 : memref<8x8x128xf32, #tpu.memory_space<vmem>>) dst(%dma_wait3A_450 : memref<8x8x128xf32, #tpu.memory_space<hbm>>)
        } else {
        }
        %mul3A_403 = arith.constant 128 : i32
        %mul3A_404 = arith.muli %sub3A_367, %mul3A_403 : i32
        %dma_start3A_405 = tpu.memref_slice %arg13[%mul3A_404] : memref<512xi32, #tpu.memory_space<vmem>> -> memref<128xi32, #tpu.memory_space<vmem>>
        %dma_start3A_406 = arith.constant 0 : i32
        %dma_start3A_407 = arith.constant 0 : i32
        %dma_start3A_408 = tpu.memref_slice %arg3[%dma_start3A_406, %dma_start3A_407] : memref<2000000x64xf32, #tpu.memory_space<hbm>> -> memref<2000000x64xf32, #tpu.memory_space<hbm>>
        tpu.enqueue_indirect_dma source(%dma_start3A_408 : memref<2000000x64xf32, #tpu.memory_space<hbm>>) target(%arg5 : memref<128x64xf32, #tpu.memory_space<vmem>>) offsets(%dma_start3A_405 : memref<128xi32, #tpu.memory_space<vmem>>) semaphore(%arg7 : memref<!tpu.dma_semaphore, #tpu.memory_space<semaphore_mem>>)
      } else {
      }
      %parallel_loop3A_379 = arith.constant 0 : i32
      %parallel_loop3A_380 = arith.constant 8 : i32
      %parallel_loop3A_381 = arith.constant 1 : i32
      scf.for %parallel_loop3A_395 = %parallel_loop3A_379 to %parallel_loop3A_380 step %parallel_loop3A_381  : i32 {
        %parallel_loop3A_396 = arith.constant 16 : i32
        %parallel_loop3A_397 = arith.muli %parallel_loop3A_395, %parallel_loop3A_396 : i32
        %parallel_loop3A_398 = vector.broadcast %parallel_loop3A_397 : i32 to vector<16xi32>
        %parallel_loop3A_399 = arith.addi %parallel_loop3A_398, %iota3A : vector<16xi32>
        %parallel_loop3A_400 = arith.constant 0 : i32
        %parallel_loop3A_401 = vector.broadcast %parallel_loop3A_400 : i32 to vector<16xi32>
        %parallel_loop3A_402 = arith.addi %and3A_7, %parallel_loop3A_401 : vector<16xi32>
        %parallel_loop3A_403 = tpu.vector_load_idx %arg6[%parallel_loop3A_399, %parallel_loop3A_402] : memref<128x64xf32, #tpu.memory_space<vmem>>[vector<16xi32>, vector<16xi32>], vector<16xf32>,
        %parallel_loop3A_404 = arith.constant 0 : i32
        %parallel_loop3A_405 = vector.broadcast %parallel_loop3A_404 : i32 to vector<16xi32>
        %parallel_loop3A_406 = arith.addi %shift_right_logical3A_9, %parallel_loop3A_405 : vector<16xi32>
        tpu.vector_store_idx %arg10[%parallel_loop3A_406, %and3A_12, %parallel_loop3A_399], %parallel_loop3A_403 : memref<8x8x128xf32, #tpu.memory_space<vmem>>[vector<16xi32>, vector<16xi32>, vector<16xi32>], vector<16xf32>,
        %parallel_loop3A_407 = arith.constant 16 : i32
        %parallel_loop3A_408 = vector.broadcast %parallel_loop3A_407 : i32 to vector<16xi32>
        %parallel_loop3A_409 = arith.addi %and3A_7, %parallel_loop3A_408 : vector<16xi32>
        %parallel_loop3A_410 = tpu.vector_load_idx %arg6[%parallel_loop3A_399, %parallel_loop3A_409] : memref<128x64xf32, #tpu.memory_space<vmem>>[vector<16xi32>, vector<16xi32>], vector<16xf32>,
        %parallel_loop3A_411 = arith.constant 2 : i32
        %parallel_loop3A_412 = vector.broadcast %parallel_loop3A_411 : i32 to vector<16xi32>
        %parallel_loop3A_413 = arith.addi %shift_right_logical3A_9, %parallel_loop3A_412 : vector<16xi32>
        tpu.vector_store_idx %arg10[%parallel_loop3A_413, %and3A_12, %parallel_loop3A_399], %parallel_loop3A_410 : memref<8x8x128xf32, #tpu.memory_space<vmem>>[vector<16xi32>, vector<16xi32>, vector<16xi32>], vector<16xf32>,
        %parallel_loop3A_414 = arith.constant 32 : i32
        %parallel_loop3A_415 = vector.broadcast %parallel_loop3A_414 : i32 to vector<16xi32>
        %parallel_loop3A_416 = arith.addi %and3A_7, %parallel_loop3A_415 : vector<16xi32>
        %parallel_loop3A_417 = tpu.vector_load_idx %arg6[%parallel_loop3A_399, %parallel_loop3A_416] : memref<128x64xf32, #tpu.memory_space<vmem>>[vector<16xi32>, vector<16xi32>], vector<16xf32>,
        %parallel_loop3A_418 = arith.constant 4 : i32
        %parallel_loop3A_419 = vector.broadcast %parallel_loop3A_418 : i32 to vector<16xi32>
        %parallel_loop3A_420 = arith.addi %shift_right_logical3A_9, %parallel_loop3A_419 : vector<16xi32>
        tpu.vector_store_idx %arg10[%parallel_loop3A_420, %and3A_12, %parallel_loop3A_399], %parallel_loop3A_417 : memref<8x8x128xf32, #tpu.memory_space<vmem>>[vector<16xi32>, vector<16xi32>, vector<16xi32>], vector<16xf32>,
        %parallel_loop3A_421 = arith.constant 48 : i32
        %parallel_loop3A_422 = vector.broadcast %parallel_loop3A_421 : i32 to vector<16xi32>
        %parallel_loop3A_423 = arith.addi %and3A_7, %parallel_loop3A_422 : vector<16xi32>
        %parallel_loop3A_424 = tpu.vector_load_idx %arg6[%parallel_loop3A_399, %parallel_loop3A_423] : memref<128x64xf32, #tpu.memory_space<vmem>>[vector<16xi32>, vector<16xi32>], vector<16xf32>,
        %parallel_loop3A_425 = arith.constant 6 : i32
        %parallel_loop3A_426 = vector.broadcast %parallel_loop3A_425 : i32 to vector<16xi32>
        %parallel_loop3A_427 = arith.addi %shift_right_logical3A_9, %parallel_loop3A_426 : vector<16xi32>
        tpu.vector_store_idx %arg10[%parallel_loop3A_427, %and3A_12, %parallel_loop3A_399], %parallel_loop3A_424 : memref<8x8x128xf32, #tpu.memory_space<vmem>>[vector<16xi32>, vector<16xi32>, vector<16xi32>], vector<16xf32>,
        %parallel_loop3A_428 = arith.constant 0 : i32
        %parallel_loop3A_429 = vector.broadcast %parallel_loop3A_428 : i32 to vector<16xi32>
        %parallel_loop3A_430 = arith.addi %and3A_18, %parallel_loop3A_429 : vector<16xi32>
        %parallel_loop3A_431 = tpu.vector_load_idx %arg6[%parallel_loop3A_399, %parallel_loop3A_430] : memref<128x64xf32, #tpu.memory_space<vmem>>[vector<16xi32>, vector<16xi32>], vector<16xf32>,
        %parallel_loop3A_432 = arith.constant 0 : i32
        %parallel_loop3A_433 = vector.broadcast %parallel_loop3A_432 : i32 to vector<16xi32>
        %parallel_loop3A_434 = arith.addi %shift_right_logical3A_21, %parallel_loop3A_433 : vector<16xi32>
        tpu.vector_store_idx %arg10[%parallel_loop3A_434, %and3A_24, %parallel_loop3A_399], %parallel_loop3A_431 : memref<8x8x128xf32, #tpu.memory_space<vmem>>[vector<16xi32>, vector<16xi32>, vector<16xi32>], vector<16xf32>,
        %parallel_loop3A_435 = arith.constant 16 : i32
        %parallel_loop3A_436 = vector.broadcast %parallel_loop3A_435 : i32 to vector<16xi32>
        %parallel_loop3A_437 = arith.addi %and3A_18, %parallel_loop3A_436 : vector<16xi32>
        %parallel_loop3A_438 = tpu.vector_load_idx %arg6[%parallel_loop3A_399, %parallel_loop3A_437] : memref<128x64xf32, #tpu.memory_space<vmem>>[vector<16xi32>, vector<16xi32>], vector<16xf32>,
        %parallel_loop3A_439 = arith.constant 2 : i32
        %parallel_loop3A_440 = vector.broadcast %parallel_loop3A_439 : i32 to vector<16xi32>
        %parallel_loop3A_441 = arith.addi %shift_right_logical3A_21, %parallel_loop3A_440 : vector<16xi32>
        tpu.vector_store_idx %arg10[%parallel_loop3A_441, %and3A_24, %parallel_loop3A_399], %parallel_loop3A_438 : memref<8x8x128xf32, #tpu.memory_space<vmem>>[vector<16xi32>, vector<16xi32>, vector<16xi32>], vector<16xf32>,
        %parallel_loop3A_442 = arith.constant 32 : i32
        %parallel_loop3A_443 = vector.broadcast %parallel_loop3A_442 : i32 to vector<16xi32>
        %parallel_loop3A_444 = arith.addi %and3A_18, %parallel_loop3A_443 : vector<16xi32>
        %parallel_loop3A_445 = tpu.vector_load_idx %arg6[%parallel_loop3A_399, %parallel_loop3A_444] : memref<128x64xf32, #tpu.memory_space<vmem>>[vector<16xi32>, vector<16xi32>], vector<16xf32>,
        %parallel_loop3A_446 = arith.constant 4 : i32
        %parallel_loop3A_447 = vector.broadcast %parallel_loop3A_446 : i32 to vector<16xi32>
        %parallel_loop3A_448 = arith.addi %shift_right_logical3A_21, %parallel_loop3A_447 : vector<16xi32>
        tpu.vector_store_idx %arg10[%parallel_loop3A_448, %and3A_24, %parallel_loop3A_399], %parallel_loop3A_445 : memref<8x8x128xf32, #tpu.memory_space<vmem>>[vector<16xi32>, vector<16xi32>, vector<16xi32>], vector<16xf32>,
        %parallel_loop3A_449 = arith.constant 48 : i32
        %parallel_loop3A_450 = vector.broadcast %parallel_loop3A_449 : i32 to vector<16xi32>
        %parallel_loop3A_451 = arith.addi %and3A_18, %parallel_loop3A_450 : vector<16xi32>
        %parallel_loop3A_452 = tpu.vector_load_idx %arg6[%parallel_loop3A_399, %parallel_loop3A_451] : memref<128x64xf32, #tpu.memory_space<vmem>>[vector<16xi32>, vector<16xi32>], vector<16xf32>,
        %parallel_loop3A_453 = arith.constant 6 : i32
        %parallel_loop3A_454 = vector.broadcast %parallel_loop3A_453 : i32 to vector<16xi32>
        %parallel_loop3A_455 = arith.addi %shift_right_logical3A_21, %parallel_loop3A_454 : vector<16xi32>
        tpu.vector_store_idx %arg10[%parallel_loop3A_455, %and3A_24, %parallel_loop3A_399], %parallel_loop3A_452 : memref<8x8x128xf32, #tpu.memory_space<vmem>>[vector<16xi32>, vector<16xi32>, vector<16xi32>], vector<16xf32>,
        %parallel_loop3A_456 = arith.constant 0 : i32
        %parallel_loop3A_457 = vector.broadcast %parallel_loop3A_456 : i32 to vector<16xi32>
        %parallel_loop3A_458 = arith.addi %and3A_30, %parallel_loop3A_457 : vector<16xi32>
        %parallel_loop3A_459 = tpu.vector_load_idx %arg6[%parallel_loop3A_399, %parallel_loop3A_458] : memref<128x64xf32, #tpu.memory_space<vmem>>[vector<16xi32>, vector<16xi32>], vector<16xf32>,
        %parallel_loop3A_460 = arith.constant 0 : i32
        %parallel_loop3A_461 = vector.broadcast %parallel_loop3A_460 : i32 to vector<16xi32>
        %parallel_loop3A_462 = arith.addi %shift_right_logical3A_33, %parallel_loop3A_461 : vector<16xi32>
        tpu.vector_store_idx %arg10[%parallel_loop3A_462, %and3A_36, %parallel_loop3A_399], %parallel_loop3A_459 : memref<8x8x128xf32, #tpu.memory_space<vmem>>[vector<16xi32>, vector<16xi32>, vector<16xi32>], vector<16xf32>,
        %parallel_loop3A_463 = arith.constant 16 : i32
        %parallel_loop3A_464 = vector.broadcast %parallel_loop3A_463 : i32 to vector<16xi32>
        %parallel_loop3A_465 = arith.addi %and3A_30, %parallel_loop3A_464 : vector<16xi32>
        %parallel_loop3A_466 = tpu.vector_load_idx %arg6[%parallel_loop3A_399, %parallel_loop3A_465] : memref<128x64xf32, #tpu.memory_space<vmem>>[vector<16xi32>, vector<16xi32>], vector<16xf32>,
        %parallel_loop3A_467 = arith.constant 2 : i32
        %parallel_loop3A_468 = vector.broadcast %parallel_loop3A_467 : i32 to vector<16xi32>
        %parallel_loop3A_469 = arith.addi %shift_right_logical3A_33, %parallel_loop3A_468 : vector<16xi32>
        tpu.vector_store_idx %arg10[%parallel_loop3A_469, %and3A_36, %parallel_loop3A_399], %parallel_loop3A_466 : memref<8x8x128xf32, #tpu.memory_space<vmem>>[vector<16xi32>, vector<16xi32>, vector<16xi32>], vector<16xf32>,
        %parallel_loop3A_470 = arith.constant 32 : i32
        %parallel_loop3A_471 = vector.broadcast %parallel_loop3A_470 : i32 to vector<16xi32>
        %parallel_loop3A_472 = arith.addi %and3A_30, %parallel_loop3A_471 : vector<16xi32>
        %parallel_loop3A_473 = tpu.vector_load_idx %arg6[%parallel_loop3A_399, %parallel_loop3A_472] : memref<128x64xf32, #tpu.memory_space<vmem>>[vector<16xi32>, vector<16xi32>], vector<16xf32>,
        %parallel_loop3A_474 = arith.constant 4 : i32
        %parallel_loop3A_475 = vector.broadcast %parallel_loop3A_474 : i32 to vector<16xi32>
        %parallel_loop3A_476 = arith.addi %shift_right_logical3A_33, %parallel_loop3A_475 : vector<16xi32>
        tpu.vector_store_idx %arg10[%parallel_loop3A_476, %and3A_36, %parallel_loop3A_399], %parallel_loop3A_473 : memref<8x8x128xf32, #tpu.memory_space<vmem>>[vector<16xi32>, vector<16xi32>, vector<16xi32>], vector<16xf32>,
        %parallel_loop3A_477 = arith.constant 48 : i32
        %parallel_loop3A_478 = vector.broadcast %parallel_loop3A_477 : i32 to vector<16xi32>
        %parallel_loop3A_479 = arith.addi %and3A_30, %parallel_loop3A_478 : vector<16xi32>
        %parallel_loop3A_480 = tpu.vector_load_idx %arg6[%parallel_loop3A_399, %parallel_loop3A_479] : memref<128x64xf32, #tpu.memory_space<vmem>>[vector<16xi32>, vector<16xi32>], vector<16xf32>,
        %parallel_loop3A_481 = arith.constant 6 : i32
        %parallel_loop3A_482 = vector.broadcast %parallel_loop3A_481 : i32 to vector<16xi32>
        %parallel_loop3A_483 = arith.addi %shift_right_logical3A_33, %parallel_loop3A_482 : vector<16xi32>
        tpu.vector_store_idx %arg10[%parallel_loop3A_483, %and3A_36, %parallel_loop3A_399], %parallel_loop3A_480 : memref<8x8x128xf32, #tpu.memory_space<vmem>>[vector<16xi32>, vector<16xi32>, vector<16xi32>], vector<16xf32>,
        %parallel_loop3A_484 = arith.constant 0 : i32
        %parallel_loop3A_485 = vector.broadcast %parallel_loop3A_484 : i32 to vector<16xi32>
        %parallel_loop3A_486 = arith.addi %and3A_42, %parallel_loop3A_485 : vector<16xi32>
        %parallel_loop3A_487 = tpu.vector_load_idx %arg6[%parallel_loop3A_399, %parallel_loop3A_486] : memref<128x64xf32, #tpu.memory_space<vmem>>[vector<16xi32>, vector<16xi32>], vector<16xf32>,
        %parallel_loop3A_488 = arith.constant 0 : i32
        %parallel_loop3A_489 = vector.broadcast %parallel_loop3A_488 : i32 to vector<16xi32>
        %parallel_loop3A_490 = arith.addi %shift_right_logical3A_45, %parallel_loop3A_489 : vector<16xi32>
        tpu.vector_store_idx %arg10[%parallel_loop3A_490, %and3A_48, %parallel_loop3A_399], %parallel_loop3A_487 : memref<8x8x128xf32, #tpu.memory_space<vmem>>[vector<16xi32>, vector<16xi32>, vector<16xi32>], vector<16xf32>,
        %parallel_loop3A_491 = arith.constant 16 : i32
        %parallel_loop3A_492 = vector.broadcast %parallel_loop3A_491 : i32 to vector<16xi32>
        %parallel_loop3A_493 = arith.addi %and3A_42, %parallel_loop3A_492 : vector<16xi32>
        %parallel_loop3A_494 = tpu.vector_load_idx %arg6[%parallel_loop3A_399, %parallel_loop3A_493] : memref<128x64xf32, #tpu.memory_space<vmem>>[vector<16xi32>, vector<16xi32>], vector<16xf32>,
        %parallel_loop3A_495 = arith.constant 2 : i32
        %parallel_loop3A_496 = vector.broadcast %parallel_loop3A_495 : i32 to vector<16xi32>
        %parallel_loop3A_497 = arith.addi %shift_right_logical3A_45, %parallel_loop3A_496 : vector<16xi32>
        tpu.vector_store_idx %arg10[%parallel_loop3A_497, %and3A_48, %parallel_loop3A_399], %parallel_loop3A_494 : memref<8x8x128xf32, #tpu.memory_space<vmem>>[vector<16xi32>, vector<16xi32>, vector<16xi32>], vector<16xf32>,
        %parallel_loop3A_498 = arith.constant 32 : i32
        %parallel_loop3A_499 = vector.broadcast %parallel_loop3A_498 : i32 to vector<16xi32>
        %parallel_loop3A_500 = arith.addi %and3A_42, %parallel_loop3A_499 : vector<16xi32>
        %parallel_loop3A_501 = tpu.vector_load_idx %arg6[%parallel_loop3A_399, %parallel_loop3A_500] : memref<128x64xf32, #tpu.memory_space<vmem>>[vector<16xi32>, vector<16xi32>], vector<16xf32>,
        %parallel_loop3A_502 = arith.constant 4 : i32
        %parallel_loop3A_503 = vector.broadcast %parallel_loop3A_502 : i32 to vector<16xi32>
        %parallel_loop3A_504 = arith.addi %shift_right_logical3A_45, %parallel_loop3A_503 : vector<16xi32>
        tpu.vector_store_idx %arg10[%parallel_loop3A_504, %and3A_48, %parallel_loop3A_399], %parallel_loop3A_501 : memref<8x8x128xf32, #tpu.memory_space<vmem>>[vector<16xi32>, vector<16xi32>, vector<16xi32>], vector<16xf32>,
        %parallel_loop3A_505 = arith.constant 48 : i32
        %parallel_loop3A_506 = vector.broadcast %parallel_loop3A_505 : i32 to vector<16xi32>
        %parallel_loop3A_507 = arith.addi %and3A_42, %parallel_loop3A_506 : vector<16xi32>
        %parallel_loop3A_508 = tpu.vector_load_idx %arg6[%parallel_loop3A_399, %parallel_loop3A_507] : memref<128x64xf32, #tpu.memory_space<vmem>>[vector<16xi32>, vector<16xi32>], vector<16xf32>,
        %parallel_loop3A_509 = arith.constant 6 : i32
        %parallel_loop3A_510 = vector.broadcast %parallel_loop3A_509 : i32 to vector<16xi32>
        %parallel_loop3A_511 = arith.addi %shift_right_logical3A_45, %parallel_loop3A_510 : vector<16xi32>
        tpu.vector_store_idx %arg10[%parallel_loop3A_511, %and3A_48, %parallel_loop3A_399], %parallel_loop3A_508 : memref<8x8x128xf32, #tpu.memory_space<vmem>>[vector<16xi32>, vector<16xi32>, vector<16xi32>], vector<16xf32>,
        %parallel_loop3A_512 = arith.constant 0 : i32
        %parallel_loop3A_513 = vector.broadcast %parallel_loop3A_512 : i32 to vector<16xi32>
        %parallel_loop3A_514 = arith.addi %and3A_54, %parallel_loop3A_513 : vector<16xi32>
        %parallel_loop3A_515 = tpu.vector_load_idx %arg6[%parallel_loop3A_399, %parallel_loop3A_514] : memref<128x64xf32, #tpu.memory_space<vmem>>[vector<16xi32>, vector<16xi32>], vector<16xf32>,
        %parallel_loop3A_516 = arith.constant 0 : i32
        %parallel_loop3A_517 = vector.broadcast %parallel_loop3A_516 : i32 to vector<16xi32>
        %parallel_loop3A_518 = arith.addi %shift_right_logical3A_57, %parallel_loop3A_517 : vector<16xi32>
        tpu.vector_store_idx %arg10[%parallel_loop3A_518, %and3A_60, %parallel_loop3A_399], %parallel_loop3A_515 : memref<8x8x128xf32, #tpu.memory_space<vmem>>[vector<16xi32>, vector<16xi32>, vector<16xi32>], vector<16xf32>,
        %parallel_loop3A_519 = arith.constant 16 : i32
        %parallel_loop3A_520 = vector.broadcast %parallel_loop3A_519 : i32 to vector<16xi32>
        %parallel_loop3A_521 = arith.addi %and3A_54, %parallel_loop3A_520 : vector<16xi32>
        %parallel_loop3A_522 = tpu.vector_load_idx %arg6[%parallel_loop3A_399, %parallel_loop3A_521] : memref<128x64xf32, #tpu.memory_space<vmem>>[vector<16xi32>, vector<16xi32>], vector<16xf32>,
        %parallel_loop3A_523 = arith.constant 2 : i32
        %parallel_loop3A_524 = vector.broadcast %parallel_loop3A_523 : i32 to vector<16xi32>
        %parallel_loop3A_525 = arith.addi %shift_right_logical3A_57, %parallel_loop3A_524 : vector<16xi32>
        tpu.vector_store_idx %arg10[%parallel_loop3A_525, %and3A_60, %parallel_loop3A_399], %parallel_loop3A_522 : memref<8x8x128xf32, #tpu.memory_space<vmem>>[vector<16xi32>, vector<16xi32>, vector<16xi32>], vector<16xf32>,
        %parallel_loop3A_526 = arith.constant 32 : i32
        %parallel_loop3A_527 = vector.broadcast %parallel_loop3A_526 : i32 to vector<16xi32>
        %parallel_loop3A_528 = arith.addi %and3A_54, %parallel_loop3A_527 : vector<16xi32>
        %parallel_loop3A_529 = tpu.vector_load_idx %arg6[%parallel_loop3A_399, %parallel_loop3A_528] : memref<128x64xf32, #tpu.memory_space<vmem>>[vector<16xi32>, vector<16xi32>], vector<16xf32>,
        %parallel_loop3A_530 = arith.constant 4 : i32
        %parallel_loop3A_531 = vector.broadcast %parallel_loop3A_530 : i32 to vector<16xi32>
        %parallel_loop3A_532 = arith.addi %shift_right_logical3A_57, %parallel_loop3A_531 : vector<16xi32>
        tpu.vector_store_idx %arg10[%parallel_loop3A_532, %and3A_60, %parallel_loop3A_399], %parallel_loop3A_529 : memref<8x8x128xf32, #tpu.memory_space<vmem>>[vector<16xi32>, vector<16xi32>, vector<16xi32>], vector<16xf32>,
        %parallel_loop3A_533 = arith.constant 48 : i32
        %parallel_loop3A_534 = vector.broadcast %parallel_loop3A_533 : i32 to vector<16xi32>
        %parallel_loop3A_535 = arith.addi %and3A_54, %parallel_loop3A_534 : vector<16xi32>
        %parallel_loop3A_536 = tpu.vector_load_idx %arg6[%parallel_loop3A_399, %parallel_loop3A_535] : memref<128x64xf32, #tpu.memory_space<vmem>>[vector<16xi32>, vector<16xi32>], vector<16xf32>,
        %parallel_loop3A_537 = arith.constant 6 : i32
        %parallel_loop3A_538 = vector.broadcast %parallel_loop3A_537 : i32 to vector<16xi32>
        %parallel_loop3A_539 = arith.addi %shift_right_logical3A_57, %parallel_loop3A_538 : vector<16xi32>
        tpu.vector_store_idx %arg10[%parallel_loop3A_539, %and3A_60, %parallel_loop3A_399], %parallel_loop3A_536 : memref<8x8x128xf32, #tpu.memory_space<vmem>>[vector<16xi32>, vector<16xi32>, vector<16xi32>], vector<16xf32>,
        %parallel_loop3A_540 = arith.constant 0 : i32
        %parallel_loop3A_541 = vector.broadcast %parallel_loop3A_540 : i32 to vector<16xi32>
        %parallel_loop3A_542 = arith.addi %and3A_66, %parallel_loop3A_541 : vector<16xi32>
        %parallel_loop3A_543 = tpu.vector_load_idx %arg6[%parallel_loop3A_399, %parallel_loop3A_542] : memref<128x64xf32, #tpu.memory_space<vmem>>[vector<16xi32>, vector<16xi32>], vector<16xf32>,
        %parallel_loop3A_544 = arith.constant 0 : i32
        %parallel_loop3A_545 = vector.broadcast %parallel_loop3A_544 : i32 to vector<16xi32>
        %parallel_loop3A_546 = arith.addi %shift_right_logical3A_69, %parallel_loop3A_545 : vector<16xi32>
        tpu.vector_store_idx %arg10[%parallel_loop3A_546, %and3A_72, %parallel_loop3A_399], %parallel_loop3A_543 : memref<8x8x128xf32, #tpu.memory_space<vmem>>[vector<16xi32>, vector<16xi32>, vector<16xi32>], vector<16xf32>,
        %parallel_loop3A_547 = arith.constant 16 : i32
        %parallel_loop3A_548 = vector.broadcast %parallel_loop3A_547 : i32 to vector<16xi32>
        %parallel_loop3A_549 = arith.addi %and3A_66, %parallel_loop3A_548 : vector<16xi32>
        %parallel_loop3A_550 = tpu.vector_load_idx %arg6[%parallel_loop3A_399, %parallel_loop3A_549] : memref<128x64xf32, #tpu.memory_space<vmem>>[vector<16xi32>, vector<16xi32>], vector<16xf32>,
        %parallel_loop3A_551 = arith.constant 2 : i32
        %parallel_loop3A_552 = vector.broadcast %parallel_loop3A_551 : i32 to vector<16xi32>
        %parallel_loop3A_553 = arith.addi %shift_right_logical3A_69, %parallel_loop3A_552 : vector<16xi32>
        tpu.vector_store_idx %arg10[%parallel_loop3A_553, %and3A_72, %parallel_loop3A_399], %parallel_loop3A_550 : memref<8x8x128xf32, #tpu.memory_space<vmem>>[vector<16xi32>, vector<16xi32>, vector<16xi32>], vector<16xf32>,
        %parallel_loop3A_554 = arith.constant 32 : i32
        %parallel_loop3A_555 = vector.broadcast %parallel_loop3A_554 : i32 to vector<16xi32>
        %parallel_loop3A_556 = arith.addi %and3A_66, %parallel_loop3A_555 : vector<16xi32>
        %parallel_loop3A_557 = tpu.vector_load_idx %arg6[%parallel_loop3A_399, %parallel_loop3A_556] : memref<128x64xf32, #tpu.memory_space<vmem>>[vector<16xi32>, vector<16xi32>], vector<16xf32>,
        %parallel_loop3A_558 = arith.constant 4 : i32
        %parallel_loop3A_559 = vector.broadcast %parallel_loop3A_558 : i32 to vector<16xi32>
        %parallel_loop3A_560 = arith.addi %shift_right_logical3A_69, %parallel_loop3A_559 : vector<16xi32>
        tpu.vector_store_idx %arg10[%parallel_loop3A_560, %and3A_72, %parallel_loop3A_399], %parallel_loop3A_557 : memref<8x8x128xf32, #tpu.memory_space<vmem>>[vector<16xi32>, vector<16xi32>, vector<16xi32>], vector<16xf32>,
        %parallel_loop3A_561 = arith.constant 48 : i32
        %parallel_loop3A_562 = vector.broadcast %parallel_loop3A_561 : i32 to vector<16xi32>
        %parallel_loop3A_563 = arith.addi %and3A_66, %parallel_loop3A_562 : vector<16xi32>
        %parallel_loop3A_564 = tpu.vector_load_idx %arg6[%parallel_loop3A_399, %parallel_loop3A_563] : memref<128x64xf32, #tpu.memory_space<vmem>>[vector<16xi32>, vector<16xi32>], vector<16xf32>,
        %parallel_loop3A_565 = arith.constant 6 : i32
        %parallel_loop3A_566 = vector.broadcast %parallel_loop3A_565 : i32 to vector<16xi32>
        %parallel_loop3A_567 = arith.addi %shift_right_logical3A_69, %parallel_loop3A_566 : vector<16xi32>
        tpu.vector_store_idx %arg10[%parallel_loop3A_567, %and3A_72, %parallel_loop3A_399], %parallel_loop3A_564 : memref<8x8x128xf32, #tpu.memory_space<vmem>>[vector<16xi32>, vector<16xi32>, vector<16xi32>], vector<16xf32>,
        %parallel_loop3A_568 = arith.constant 0 : i32
        %parallel_loop3A_569 = vector.broadcast %parallel_loop3A_568 : i32 to vector<16xi32>
        %parallel_loop3A_570 = arith.addi %and3A_78, %parallel_loop3A_569 : vector<16xi32>
        %parallel_loop3A_571 = tpu.vector_load_idx %arg6[%parallel_loop3A_399, %parallel_loop3A_570] : memref<128x64xf32, #tpu.memory_space<vmem>>[vector<16xi32>, vector<16xi32>], vector<16xf32>,
        %parallel_loop3A_572 = arith.constant 0 : i32
        %parallel_loop3A_573 = vector.broadcast %parallel_loop3A_572 : i32 to vector<16xi32>
        %parallel_loop3A_574 = arith.addi %shift_right_logical3A_81, %parallel_loop3A_573 : vector<16xi32>
        tpu.vector_store_idx %arg10[%parallel_loop3A_574, %and3A_84, %parallel_loop3A_399], %parallel_loop3A_571 : memref<8x8x128xf32, #tpu.memory_space<vmem>>[vector<16xi32>, vector<16xi32>, vector<16xi32>], vector<16xf32>,
        %parallel_loop3A_575 = arith.constant 16 : i32
        %parallel_loop3A_576 = vector.broadcast %parallel_loop3A_575 : i32 to vector<16xi32>
        %parallel_loop3A_577 = arith.addi %and3A_78, %parallel_loop3A_576 : vector<16xi32>
        %parallel_loop3A_578 = tpu.vector_load_idx %arg6[%parallel_loop3A_399, %parallel_loop3A_577] : memref<128x64xf32, #tpu.memory_space<vmem>>[vector<16xi32>, vector<16xi32>], vector<16xf32>,
        %parallel_loop3A_579 = arith.constant 2 : i32
        %parallel_loop3A_580 = vector.broadcast %parallel_loop3A_579 : i32 to vector<16xi32>
        %parallel_loop3A_581 = arith.addi %shift_right_logical3A_81, %parallel_loop3A_580 : vector<16xi32>
        tpu.vector_store_idx %arg10[%parallel_loop3A_581, %and3A_84, %parallel_loop3A_399], %parallel_loop3A_578 : memref<8x8x128xf32, #tpu.memory_space<vmem>>[vector<16xi32>, vector<16xi32>, vector<16xi32>], vector<16xf32>,
        %parallel_loop3A_582 = arith.constant 32 : i32
        %parallel_loop3A_583 = vector.broadcast %parallel_loop3A_582 : i32 to vector<16xi32>
        %parallel_loop3A_584 = arith.addi %and3A_78, %parallel_loop3A_583 : vector<16xi32>
        %parallel_loop3A_585 = tpu.vector_load_idx %arg6[%parallel_loop3A_399, %parallel_loop3A_584] : memref<128x64xf32, #tpu.memory_space<vmem>>[vector<16xi32>, vector<16xi32>], vector<16xf32>,
        %parallel_loop3A_586 = arith.constant 4 : i32
        %parallel_loop3A_587 = vector.broadcast %parallel_loop3A_586 : i32 to vector<16xi32>
        %parallel_loop3A_588 = arith.addi %shift_right_logical3A_81, %parallel_loop3A_587 : vector<16xi32>
        tpu.vector_store_idx %arg10[%parallel_loop3A_588, %and3A_84, %parallel_loop3A_399], %parallel_loop3A_585 : memref<8x8x128xf32, #tpu.memory_space<vmem>>[vector<16xi32>, vector<16xi32>, vector<16xi32>], vector<16xf32>,
        %parallel_loop3A_589 = arith.constant 48 : i32
        %parallel_loop3A_590 = vector.broadcast %parallel_loop3A_589 : i32 to vector<16xi32>
        %parallel_loop3A_591 = arith.addi %and3A_78, %parallel_loop3A_590 : vector<16xi32>
        %parallel_loop3A_592 = tpu.vector_load_idx %arg6[%parallel_loop3A_399, %parallel_loop3A_591] : memref<128x64xf32, #tpu.memory_space<vmem>>[vector<16xi32>, vector<16xi32>], vector<16xf32>,
        %parallel_loop3A_593 = arith.constant 6 : i32
        %parallel_loop3A_594 = vector.broadcast %parallel_loop3A_593 : i32 to vector<16xi32>
        %parallel_loop3A_595 = arith.addi %shift_right_logical3A_81, %parallel_loop3A_594 : vector<16xi32>
        tpu.vector_store_idx %arg10[%parallel_loop3A_595, %and3A_84, %parallel_loop3A_399], %parallel_loop3A_592 : memref<8x8x128xf32, #tpu.memory_space<vmem>>[vector<16xi32>, vector<16xi32>, vector<16xi32>], vector<16xf32>,
        %parallel_loop3A_596 = arith.constant 0 : i32
        %parallel_loop3A_597 = vector.broadcast %parallel_loop3A_596 : i32 to vector<16xi32>
        %parallel_loop3A_598 = arith.addi %and3A_90, %parallel_loop3A_597 : vector<16xi32>
        %parallel_loop3A_599 = tpu.vector_load_idx %arg6[%parallel_loop3A_399, %parallel_loop3A_598] : memref<128x64xf32, #tpu.memory_space<vmem>>[vector<16xi32>, vector<16xi32>], vector<16xf32>,
        %parallel_loop3A_600 = arith.constant 0 : i32
        %parallel_loop3A_601 = vector.broadcast %parallel_loop3A_600 : i32 to vector<16xi32>
        %parallel_loop3A_602 = arith.addi %shift_right_logical3A_93, %parallel_loop3A_601 : vector<16xi32>
        tpu.vector_store_idx %arg10[%parallel_loop3A_602, %and3A_96, %parallel_loop3A_399], %parallel_loop3A_599 : memref<8x8x128xf32, #tpu.memory_space<vmem>>[vector<16xi32>, vector<16xi32>, vector<16xi32>], vector<16xf32>,
        %parallel_loop3A_603 = arith.constant 16 : i32
        %parallel_loop3A_604 = vector.broadcast %parallel_loop3A_603 : i32 to vector<16xi32>
        %parallel_loop3A_605 = arith.addi %and3A_90, %parallel_loop3A_604 : vector<16xi32>
        %parallel_loop3A_606 = tpu.vector_load_idx %arg6[%parallel_loop3A_399, %parallel_loop3A_605] : memref<128x64xf32, #tpu.memory_space<vmem>>[vector<16xi32>, vector<16xi32>], vector<16xf32>,
        %parallel_loop3A_607 = arith.constant 2 : i32
        %parallel_loop3A_608 = vector.broadcast %parallel_loop3A_607 : i32 to vector<16xi32>
        %parallel_loop3A_609 = arith.addi %shift_right_logical3A_93, %parallel_loop3A_608 : vector<16xi32>
        tpu.vector_store_idx %arg10[%parallel_loop3A_609, %and3A_96, %parallel_loop3A_399], %parallel_loop3A_606 : memref<8x8x128xf32, #tpu.memory_space<vmem>>[vector<16xi32>, vector<16xi32>, vector<16xi32>], vector<16xf32>,
        %parallel_loop3A_610 = arith.constant 32 : i32
        %parallel_loop3A_611 = vector.broadcast %parallel_loop3A_610 : i32 to vector<16xi32>
        %parallel_loop3A_612 = arith.addi %and3A_90, %parallel_loop3A_611 : vector<16xi32>
        %parallel_loop3A_613 = tpu.vector_load_idx %arg6[%parallel_loop3A_399, %parallel_loop3A_612] : memref<128x64xf32, #tpu.memory_space<vmem>>[vector<16xi32>, vector<16xi32>], vector<16xf32>,
        %parallel_loop3A_614 = arith.constant 4 : i32
        %parallel_loop3A_615 = vector.broadcast %parallel_loop3A_614 : i32 to vector<16xi32>
        %parallel_loop3A_616 = arith.addi %shift_right_logical3A_93, %parallel_loop3A_615 : vector<16xi32>
        tpu.vector_store_idx %arg10[%parallel_loop3A_616, %and3A_96, %parallel_loop3A_399], %parallel_loop3A_613 : memref<8x8x128xf32, #tpu.memory_space<vmem>>[vector<16xi32>, vector<16xi32>, vector<16xi32>], vector<16xf32>,
        %parallel_loop3A_617 = arith.constant 48 : i32
        %parallel_loop3A_618 = vector.broadcast %parallel_loop3A_617 : i32 to vector<16xi32>
        %parallel_loop3A_619 = arith.addi %and3A_90, %parallel_loop3A_618 : vector<16xi32>
        %parallel_loop3A_620 = tpu.vector_load_idx %arg6[%parallel_loop3A_399, %parallel_loop3A_619] : memref<128x64xf32, #tpu.memory_space<vmem>>[vector<16xi32>, vector<16xi32>], vector<16xf32>,
        %parallel_loop3A_621 = arith.constant 6 : i32
        %parallel_loop3A_622 = vector.broadcast %parallel_loop3A_621 : i32 to vector<16xi32>
        %parallel_loop3A_623 = arith.addi %shift_right_logical3A_93, %parallel_loop3A_622 : vector<16xi32>
        tpu.vector_store_idx %arg10[%parallel_loop3A_623, %and3A_96, %parallel_loop3A_399], %parallel_loop3A_620 : memref<8x8x128xf32, #tpu.memory_space<vmem>>[vector<16xi32>, vector<16xi32>, vector<16xi32>], vector<16xf32>,
        %parallel_loop3A_624 = arith.constant 0 : i32
        %parallel_loop3A_625 = vector.broadcast %parallel_loop3A_624 : i32 to vector<16xi32>
        %parallel_loop3A_626 = arith.addi %and3A_102, %parallel_loop3A_625 : vector<16xi32>
        %parallel_loop3A_627 = tpu.vector_load_idx %arg6[%parallel_loop3A_399, %parallel_loop3A_626] : memref<128x64xf32, #tpu.memory_space<vmem>>[vector<16xi32>, vector<16xi32>], vector<16xf32>,
        %parallel_loop3A_628 = arith.constant 0 : i32
        %parallel_loop3A_629 = vector.broadcast %parallel_loop3A_628 : i32 to vector<16xi32>
        %parallel_loop3A_630 = arith.addi %shift_right_logical3A_105, %parallel_loop3A_629 : vector<16xi32>
        tpu.vector_store_idx %arg10[%parallel_loop3A_630, %and3A_108, %parallel_loop3A_399], %parallel_loop3A_627 : memref<8x8x128xf32, #tpu.memory_space<vmem>>[vector<16xi32>, vector<16xi32>, vector<16xi32>], vector<16xf32>,
        %parallel_loop3A_631 = arith.constant 16 : i32
        %parallel_loop3A_632 = vector.broadcast %parallel_loop3A_631 : i32 to vector<16xi32>
        %parallel_loop3A_633 = arith.addi %and3A_102, %parallel_loop3A_632 : vector<16xi32>
        %parallel_loop3A_634 = tpu.vector_load_idx %arg6[%parallel_loop3A_399, %parallel_loop3A_633] : memref<128x64xf32, #tpu.memory_space<vmem>>[vector<16xi32>, vector<16xi32>], vector<16xf32>,
        %parallel_loop3A_635 = arith.constant 2 : i32
        %parallel_loop3A_636 = vector.broadcast %parallel_loop3A_635 : i32 to vector<16xi32>
        %parallel_loop3A_637 = arith.addi %shift_right_logical3A_105, %parallel_loop3A_636 : vector<16xi32>
        tpu.vector_store_idx %arg10[%parallel_loop3A_637, %and3A_108, %parallel_loop3A_399], %parallel_loop3A_634 : memref<8x8x128xf32, #tpu.memory_space<vmem>>[vector<16xi32>, vector<16xi32>, vector<16xi32>], vector<16xf32>,
        %parallel_loop3A_638 = arith.constant 32 : i32
        %parallel_loop3A_639 = vector.broadcast %parallel_loop3A_638 : i32 to vector<16xi32>
        %parallel_loop3A_640 = arith.addi %and3A_102, %parallel_loop3A_639 : vector<16xi32>
        %parallel_loop3A_641 = tpu.vector_load_idx %arg6[%parallel_loop3A_399, %parallel_loop3A_640] : memref<128x64xf32, #tpu.memory_space<vmem>>[vector<16xi32>, vector<16xi32>], vector<16xf32>,
        %parallel_loop3A_642 = arith.constant 4 : i32
        %parallel_loop3A_643 = vector.broadcast %parallel_loop3A_642 : i32 to vector<16xi32>
        %parallel_loop3A_644 = arith.addi %shift_right_logical3A_105, %parallel_loop3A_643 : vector<16xi32>
        tpu.vector_store_idx %arg10[%parallel_loop3A_644, %and3A_108, %parallel_loop3A_399], %parallel_loop3A_641 : memref<8x8x128xf32, #tpu.memory_space<vmem>>[vector<16xi32>, vector<16xi32>, vector<16xi32>], vector<16xf32>,
        %parallel_loop3A_645 = arith.constant 48 : i32
        %parallel_loop3A_646 = vector.broadcast %parallel_loop3A_645 : i32 to vector<16xi32>
        %parallel_loop3A_647 = arith.addi %and3A_102, %parallel_loop3A_646 : vector<16xi32>
        %parallel_loop3A_648 = tpu.vector_load_idx %arg6[%parallel_loop3A_399, %parallel_loop3A_647] : memref<128x64xf32, #tpu.memory_space<vmem>>[vector<16xi32>, vector<16xi32>], vector<16xf32>,
        %parallel_loop3A_649 = arith.constant 6 : i32
        %parallel_loop3A_650 = vector.broadcast %parallel_loop3A_649 : i32 to vector<16xi32>
        %parallel_loop3A_651 = arith.addi %shift_right_logical3A_105, %parallel_loop3A_650 : vector<16xi32>
        tpu.vector_store_idx %arg10[%parallel_loop3A_651, %and3A_108, %parallel_loop3A_399], %parallel_loop3A_648 : memref<8x8x128xf32, #tpu.memory_space<vmem>>[vector<16xi32>, vector<16xi32>, vector<16xi32>], vector<16xf32>,
        %parallel_loop3A_652 = arith.constant 0 : i32
        %parallel_loop3A_653 = vector.broadcast %parallel_loop3A_652 : i32 to vector<16xi32>
        %parallel_loop3A_654 = arith.addi %and3A_114, %parallel_loop3A_653 : vector<16xi32>
        %parallel_loop3A_655 = tpu.vector_load_idx %arg6[%parallel_loop3A_399, %parallel_loop3A_654] : memref<128x64xf32, #tpu.memory_space<vmem>>[vector<16xi32>, vector<16xi32>], vector<16xf32>,
        %parallel_loop3A_656 = arith.constant 0 : i32
        %parallel_loop3A_657 = vector.broadcast %parallel_loop3A_656 : i32 to vector<16xi32>
        %parallel_loop3A_658 = arith.addi %shift_right_logical3A_117, %parallel_loop3A_657 : vector<16xi32>
        tpu.vector_store_idx %arg10[%parallel_loop3A_658, %and3A_120, %parallel_loop3A_399], %parallel_loop3A_655 : memref<8x8x128xf32, #tpu.memory_space<vmem>>[vector<16xi32>, vector<16xi32>, vector<16xi32>], vector<16xf32>,
        %parallel_loop3A_659 = arith.constant 16 : i32
        %parallel_loop3A_660 = vector.broadcast %parallel_loop3A_659 : i32 to vector<16xi32>
        %parallel_loop3A_661 = arith.addi %and3A_114, %parallel_loop3A_660 : vector<16xi32>
        %parallel_loop3A_662 = tpu.vector_load_idx %arg6[%parallel_loop3A_399, %parallel_loop3A_661] : memref<128x64xf32, #tpu.memory_space<vmem>>[vector<16xi32>, vector<16xi32>], vector<16xf32>,
        %parallel_loop3A_663 = arith.constant 2 : i32
        %parallel_loop3A_664 = vector.broadcast %parallel_loop3A_663 : i32 to vector<16xi32>
        %parallel_loop3A_665 = arith.addi %shift_right_logical3A_117, %parallel_loop3A_664 : vector<16xi32>
        tpu.vector_store_idx %arg10[%parallel_loop3A_665, %and3A_120, %parallel_loop3A_399], %parallel_loop3A_662 : memref<8x8x128xf32, #tpu.memory_space<vmem>>[vector<16xi32>, vector<16xi32>, vector<16xi32>], vector<16xf32>,
        %parallel_loop3A_666 = arith.constant 32 : i32
        %parallel_loop3A_667 = vector.broadcast %parallel_loop3A_666 : i32 to vector<16xi32>
        %parallel_loop3A_668 = arith.addi %and3A_114, %parallel_loop3A_667 : vector<16xi32>
        %parallel_loop3A_669 = tpu.vector_load_idx %arg6[%parallel_loop3A_399, %parallel_loop3A_668] : memref<128x64xf32, #tpu.memory_space<vmem>>[vector<16xi32>, vector<16xi32>], vector<16xf32>,
        %parallel_loop3A_670 = arith.constant 4 : i32
        %parallel_loop3A_671 = vector.broadcast %parallel_loop3A_670 : i32 to vector<16xi32>
        %parallel_loop3A_672 = arith.addi %shift_right_logical3A_117, %parallel_loop3A_671 : vector<16xi32>
        tpu.vector_store_idx %arg10[%parallel_loop3A_672, %and3A_120, %parallel_loop3A_399], %parallel_loop3A_669 : memref<8x8x128xf32, #tpu.memory_space<vmem>>[vector<16xi32>, vector<16xi32>, vector<16xi32>], vector<16xf32>,
        %parallel_loop3A_673 = arith.constant 48 : i32
        %parallel_loop3A_674 = vector.broadcast %parallel_loop3A_673 : i32 to vector<16xi32>
        %parallel_loop3A_675 = arith.addi %and3A_114, %parallel_loop3A_674 : vector<16xi32>
        %parallel_loop3A_676 = tpu.vector_load_idx %arg6[%parallel_loop3A_399, %parallel_loop3A_675] : memref<128x64xf32, #tpu.memory_space<vmem>>[vector<16xi32>, vector<16xi32>], vector<16xf32>,
        %parallel_loop3A_677 = arith.constant 6 : i32
        %parallel_loop3A_678 = vector.broadcast %parallel_loop3A_677 : i32 to vector<16xi32>
        %parallel_loop3A_679 = arith.addi %shift_right_logical3A_117, %parallel_loop3A_678 : vector<16xi32>
        tpu.vector_store_idx %arg10[%parallel_loop3A_679, %and3A_120, %parallel_loop3A_399], %parallel_loop3A_676 : memref<8x8x128xf32, #tpu.memory_space<vmem>>[vector<16xi32>, vector<16xi32>, vector<16xi32>], vector<16xf32>,
        %parallel_loop3A_680 = arith.constant 0 : i32
        %parallel_loop3A_681 = vector.broadcast %parallel_loop3A_680 : i32 to vector<16xi32>
        %parallel_loop3A_682 = arith.addi %and3A_126, %parallel_loop3A_681 : vector<16xi32>
        %parallel_loop3A_683 = tpu.vector_load_idx %arg6[%parallel_loop3A_399, %parallel_loop3A_682] : memref<128x64xf32, #tpu.memory_space<vmem>>[vector<16xi32>, vector<16xi32>], vector<16xf32>,
        %parallel_loop3A_684 = arith.constant 0 : i32
        %parallel_loop3A_685 = vector.broadcast %parallel_loop3A_684 : i32 to vector<16xi32>
        %parallel_loop3A_686 = arith.addi %shift_right_logical3A_129, %parallel_loop3A_685 : vector<16xi32>
        tpu.vector_store_idx %arg10[%parallel_loop3A_686, %and3A_132, %parallel_loop3A_399], %parallel_loop3A_683 : memref<8x8x128xf32, #tpu.memory_space<vmem>>[vector<16xi32>, vector<16xi32>, vector<16xi32>], vector<16xf32>,
        %parallel_loop3A_687 = arith.constant 16 : i32
        %parallel_loop3A_688 = vector.broadcast %parallel_loop3A_687 : i32 to vector<16xi32>
        %parallel_loop3A_689 = arith.addi %and3A_126, %parallel_loop3A_688 : vector<16xi32>
        %parallel_loop3A_690 = tpu.vector_load_idx %arg6[%parallel_loop3A_399, %parallel_loop3A_689] : memref<128x64xf32, #tpu.memory_space<vmem>>[vector<16xi32>, vector<16xi32>], vector<16xf32>,
        %parallel_loop3A_691 = arith.constant 2 : i32
        %parallel_loop3A_692 = vector.broadcast %parallel_loop3A_691 : i32 to vector<16xi32>
        %parallel_loop3A_693 = arith.addi %shift_right_logical3A_129, %parallel_loop3A_692 : vector<16xi32>
        tpu.vector_store_idx %arg10[%parallel_loop3A_693, %and3A_132, %parallel_loop3A_399], %parallel_loop3A_690 : memref<8x8x128xf32, #tpu.memory_space<vmem>>[vector<16xi32>, vector<16xi32>, vector<16xi32>], vector<16xf32>,
        %parallel_loop3A_694 = arith.constant 32 : i32
        %parallel_loop3A_695 = vector.broadcast %parallel_loop3A_694 : i32 to vector<16xi32>
        %parallel_loop3A_696 = arith.addi %and3A_126, %parallel_loop3A_695 : vector<16xi32>
        %parallel_loop3A_697 = tpu.vector_load_idx %arg6[%parallel_loop3A_399, %parallel_loop3A_696] : memref<128x64xf32, #tpu.memory_space<vmem>>[vector<16xi32>, vector<16xi32>], vector<16xf32>,
        %parallel_loop3A_698 = arith.constant 4 : i32
        %parallel_loop3A_699 = vector.broadcast %parallel_loop3A_698 : i32 to vector<16xi32>
        %parallel_loop3A_700 = arith.addi %shift_right_logical3A_129, %parallel_loop3A_699 : vector<16xi32>
        tpu.vector_store_idx %arg10[%parallel_loop3A_700, %and3A_132, %parallel_loop3A_399], %parallel_loop3A_697 : memref<8x8x128xf32, #tpu.memory_space<vmem>>[vector<16xi32>, vector<16xi32>, vector<16xi32>], vector<16xf32>,
        %parallel_loop3A_701 = arith.constant 48 : i32
        %parallel_loop3A_702 = vector.broadcast %parallel_loop3A_701 : i32 to vector<16xi32>
        %parallel_loop3A_703 = arith.addi %and3A_126, %parallel_loop3A_702 : vector<16xi32>
        %parallel_loop3A_704 = tpu.vector_load_idx %arg6[%parallel_loop3A_399, %parallel_loop3A_703] : memref<128x64xf32, #tpu.memory_space<vmem>>[vector<16xi32>, vector<16xi32>], vector<16xf32>,
        %parallel_loop3A_705 = arith.constant 6 : i32
        %parallel_loop3A_706 = vector.broadcast %parallel_loop3A_705 : i32 to vector<16xi32>
        %parallel_loop3A_707 = arith.addi %shift_right_logical3A_129, %parallel_loop3A_706 : vector<16xi32>
        tpu.vector_store_idx %arg10[%parallel_loop3A_707, %and3A_132, %parallel_loop3A_399], %parallel_loop3A_704 : memref<8x8x128xf32, #tpu.memory_space<vmem>>[vector<16xi32>, vector<16xi32>, vector<16xi32>], vector<16xf32>,
        %parallel_loop3A_708 = arith.constant 0 : i32
        %parallel_loop3A_709 = vector.broadcast %parallel_loop3A_708 : i32 to vector<16xi32>
        %parallel_loop3A_710 = arith.addi %and3A_138, %parallel_loop3A_709 : vector<16xi32>
        %parallel_loop3A_711 = tpu.vector_load_idx %arg6[%parallel_loop3A_399, %parallel_loop3A_710] : memref<128x64xf32, #tpu.memory_space<vmem>>[vector<16xi32>, vector<16xi32>], vector<16xf32>,
        %parallel_loop3A_712 = arith.constant 0 : i32
        %parallel_loop3A_713 = vector.broadcast %parallel_loop3A_712 : i32 to vector<16xi32>
        %parallel_loop3A_714 = arith.addi %shift_right_logical3A_141, %parallel_loop3A_713 : vector<16xi32>
        tpu.vector_store_idx %arg10[%parallel_loop3A_714, %and3A_144, %parallel_loop3A_399], %parallel_loop3A_711 : memref<8x8x128xf32, #tpu.memory_space<vmem>>[vector<16xi32>, vector<16xi32>, vector<16xi32>], vector<16xf32>,
        %parallel_loop3A_715 = arith.constant 16 : i32
        %parallel_loop3A_716 = vector.broadcast %parallel_loop3A_715 : i32 to vector<16xi32>
        %parallel_loop3A_717 = arith.addi %and3A_138, %parallel_loop3A_716 : vector<16xi32>
        %parallel_loop3A_718 = tpu.vector_load_idx %arg6[%parallel_loop3A_399, %parallel_loop3A_717] : memref<128x64xf32, #tpu.memory_space<vmem>>[vector<16xi32>, vector<16xi32>], vector<16xf32>,
        %parallel_loop3A_719 = arith.constant 2 : i32
        %parallel_loop3A_720 = vector.broadcast %parallel_loop3A_719 : i32 to vector<16xi32>
        %parallel_loop3A_721 = arith.addi %shift_right_logical3A_141, %parallel_loop3A_720 : vector<16xi32>
        tpu.vector_store_idx %arg10[%parallel_loop3A_721, %and3A_144, %parallel_loop3A_399], %parallel_loop3A_718 : memref<8x8x128xf32, #tpu.memory_space<vmem>>[vector<16xi32>, vector<16xi32>, vector<16xi32>], vector<16xf32>,
        %parallel_loop3A_722 = arith.constant 32 : i32
        %parallel_loop3A_723 = vector.broadcast %parallel_loop3A_722 : i32 to vector<16xi32>
        %parallel_loop3A_724 = arith.addi %and3A_138, %parallel_loop3A_723 : vector<16xi32>
        %parallel_loop3A_725 = tpu.vector_load_idx %arg6[%parallel_loop3A_399, %parallel_loop3A_724] : memref<128x64xf32, #tpu.memory_space<vmem>>[vector<16xi32>, vector<16xi32>], vector<16xf32>,
        %parallel_loop3A_726 = arith.constant 4 : i32
        %parallel_loop3A_727 = vector.broadcast %parallel_loop3A_726 : i32 to vector<16xi32>
        %parallel_loop3A_728 = arith.addi %shift_right_logical3A_141, %parallel_loop3A_727 : vector<16xi32>
        tpu.vector_store_idx %arg10[%parallel_loop3A_728, %and3A_144, %parallel_loop3A_399], %parallel_loop3A_725 : memref<8x8x128xf32, #tpu.memory_space<vmem>>[vector<16xi32>, vector<16xi32>, vector<16xi32>], vector<16xf32>,
        %parallel_loop3A_729 = arith.constant 48 : i32
        %parallel_loop3A_730 = vector.broadcast %parallel_loop3A_729 : i32 to vector<16xi32>
        %parallel_loop3A_731 = arith.addi %and3A_138, %parallel_loop3A_730 : vector<16xi32>
        %parallel_loop3A_732 = tpu.vector_load_idx %arg6[%parallel_loop3A_399, %parallel_loop3A_731] : memref<128x64xf32, #tpu.memory_space<vmem>>[vector<16xi32>, vector<16xi32>], vector<16xf32>,
        %parallel_loop3A_733 = arith.constant 6 : i32
        %parallel_loop3A_734 = vector.broadcast %parallel_loop3A_733 : i32 to vector<16xi32>
        %parallel_loop3A_735 = arith.addi %shift_right_logical3A_141, %parallel_loop3A_734 : vector<16xi32>
        tpu.vector_store_idx %arg10[%parallel_loop3A_735, %and3A_144, %parallel_loop3A_399], %parallel_loop3A_732 : memref<8x8x128xf32, #tpu.memory_space<vmem>>[vector<16xi32>, vector<16xi32>, vector<16xi32>], vector<16xf32>,
        %parallel_loop3A_736 = arith.constant 0 : i32
        %parallel_loop3A_737 = vector.broadcast %parallel_loop3A_736 : i32 to vector<16xi32>
        %parallel_loop3A_738 = arith.addi %and3A_150, %parallel_loop3A_737 : vector<16xi32>
        %parallel_loop3A_739 = tpu.vector_load_idx %arg6[%parallel_loop3A_399, %parallel_loop3A_738] : memref<128x64xf32, #tpu.memory_space<vmem>>[vector<16xi32>, vector<16xi32>], vector<16xf32>,
        %parallel_loop3A_740 = arith.constant 0 : i32
        %parallel_loop3A_741 = vector.broadcast %parallel_loop3A_740 : i32 to vector<16xi32>
        %parallel_loop3A_742 = arith.addi %shift_right_logical3A_153, %parallel_loop3A_741 : vector<16xi32>
        tpu.vector_store_idx %arg10[%parallel_loop3A_742, %and3A_156, %parallel_loop3A_399], %parallel_loop3A_739 : memref<8x8x128xf32, #tpu.memory_space<vmem>>[vector<16xi32>, vector<16xi32>, vector<16xi32>], vector<16xf32>,
        %parallel_loop3A_743 = arith.constant 16 : i32
        %parallel_loop3A_744 = vector.broadcast %parallel_loop3A_743 : i32 to vector<16xi32>
        %parallel_loop3A_745 = arith.addi %and3A_150, %parallel_loop3A_744 : vector<16xi32>
        %parallel_loop3A_746 = tpu.vector_load_idx %arg6[%parallel_loop3A_399, %parallel_loop3A_745] : memref<128x64xf32, #tpu.memory_space<vmem>>[vector<16xi32>, vector<16xi32>], vector<16xf32>,
        %parallel_loop3A_747 = arith.constant 2 : i32
        %parallel_loop3A_748 = vector.broadcast %parallel_loop3A_747 : i32 to vector<16xi32>
        %parallel_loop3A_749 = arith.addi %shift_right_logical3A_153, %parallel_loop3A_748 : vector<16xi32>
        tpu.vector_store_idx %arg10[%parallel_loop3A_749, %and3A_156, %parallel_loop3A_399], %parallel_loop3A_746 : memref<8x8x128xf32, #tpu.memory_space<vmem>>[vector<16xi32>, vector<16xi32>, vector<16xi32>], vector<16xf32>,
        %parallel_loop3A_750 = arith.constant 32 : i32
        %parallel_loop3A_751 = vector.broadcast %parallel_loop3A_750 : i32 to vector<16xi32>
        %parallel_loop3A_752 = arith.addi %and3A_150, %parallel_loop3A_751 : vector<16xi32>
        %parallel_loop3A_753 = tpu.vector_load_idx %arg6[%parallel_loop3A_399, %parallel_loop3A_752] : memref<128x64xf32, #tpu.memory_space<vmem>>[vector<16xi32>, vector<16xi32>], vector<16xf32>,
        %parallel_loop3A_754 = arith.constant 4 : i32
        %parallel_loop3A_755 = vector.broadcast %parallel_loop3A_754 : i32 to vector<16xi32>
        %parallel_loop3A_756 = arith.addi %shift_right_logical3A_153, %parallel_loop3A_755 : vector<16xi32>
        tpu.vector_store_idx %arg10[%parallel_loop3A_756, %and3A_156, %parallel_loop3A_399], %parallel_loop3A_753 : memref<8x8x128xf32, #tpu.memory_space<vmem>>[vector<16xi32>, vector<16xi32>, vector<16xi32>], vector<16xf32>,
        %parallel_loop3A_757 = arith.constant 48 : i32
        %parallel_loop3A_758 = vector.broadcast %parallel_loop3A_757 : i32 to vector<16xi32>
        %parallel_loop3A_759 = arith.addi %and3A_150, %parallel_loop3A_758 : vector<16xi32>
        %parallel_loop3A_760 = tpu.vector_load_idx %arg6[%parallel_loop3A_399, %parallel_loop3A_759] : memref<128x64xf32, #tpu.memory_space<vmem>>[vector<16xi32>, vector<16xi32>], vector<16xf32>,
        %parallel_loop3A_761 = arith.constant 6 : i32
        %parallel_loop3A_762 = vector.broadcast %parallel_loop3A_761 : i32 to vector<16xi32>
        %parallel_loop3A_763 = arith.addi %shift_right_logical3A_153, %parallel_loop3A_762 : vector<16xi32>
        tpu.vector_store_idx %arg10[%parallel_loop3A_763, %and3A_156, %parallel_loop3A_399], %parallel_loop3A_760 : memref<8x8x128xf32, #tpu.memory_space<vmem>>[vector<16xi32>, vector<16xi32>, vector<16xi32>], vector<16xf32>,
        %parallel_loop3A_764 = arith.constant 0 : i32
        %parallel_loop3A_765 = vector.broadcast %parallel_loop3A_764 : i32 to vector<16xi32>
        %parallel_loop3A_766 = arith.addi %and3A_162, %parallel_loop3A_765 : vector<16xi32>
        %parallel_loop3A_767 = tpu.vector_load_idx %arg6[%parallel_loop3A_399, %parallel_loop3A_766] : memref<128x64xf32, #tpu.memory_space<vmem>>[vector<16xi32>, vector<16xi32>], vector<16xf32>,
        %parallel_loop3A_768 = arith.constant 0 : i32
        %parallel_loop3A_769 = vector.broadcast %parallel_loop3A_768 : i32 to vector<16xi32>
        %parallel_loop3A_770 = arith.addi %shift_right_logical3A_165, %parallel_loop3A_769 : vector<16xi32>
        tpu.vector_store_idx %arg10[%parallel_loop3A_770, %and3A_168, %parallel_loop3A_399], %parallel_loop3A_767 : memref<8x8x128xf32, #tpu.memory_space<vmem>>[vector<16xi32>, vector<16xi32>, vector<16xi32>], vector<16xf32>,
        %parallel_loop3A_771 = arith.constant 16 : i32
        %parallel_loop3A_772 = vector.broadcast %parallel_loop3A_771 : i32 to vector<16xi32>
        %parallel_loop3A_773 = arith.addi %and3A_162, %parallel_loop3A_772 : vector<16xi32>
        %parallel_loop3A_774 = tpu.vector_load_idx %arg6[%parallel_loop3A_399, %parallel_loop3A_773] : memref<128x64xf32, #tpu.memory_space<vmem>>[vector<16xi32>, vector<16xi32>], vector<16xf32>,
        %parallel_loop3A_775 = arith.constant 2 : i32
        %parallel_loop3A_776 = vector.broadcast %parallel_loop3A_775 : i32 to vector<16xi32>
        %parallel_loop3A_777 = arith.addi %shift_right_logical3A_165, %parallel_loop3A_776 : vector<16xi32>
        tpu.vector_store_idx %arg10[%parallel_loop3A_777, %and3A_168, %parallel_loop3A_399], %parallel_loop3A_774 : memref<8x8x128xf32, #tpu.memory_space<vmem>>[vector<16xi32>, vector<16xi32>, vector<16xi32>], vector<16xf32>,
        %parallel_loop3A_778 = arith.constant 32 : i32
        %parallel_loop3A_779 = vector.broadcast %parallel_loop3A_778 : i32 to vector<16xi32>
        %parallel_loop3A_780 = arith.addi %and3A_162, %parallel_loop3A_779 : vector<16xi32>
        %parallel_loop3A_781 = tpu.vector_load_idx %arg6[%parallel_loop3A_399, %parallel_loop3A_780] : memref<128x64xf32, #tpu.memory_space<vmem>>[vector<16xi32>, vector<16xi32>], vector<16xf32>,
        %parallel_loop3A_782 = arith.constant 4 : i32
        %parallel_loop3A_783 = vector.broadcast %parallel_loop3A_782 : i32 to vector<16xi32>
        %parallel_loop3A_784 = arith.addi %shift_right_logical3A_165, %parallel_loop3A_783 : vector<16xi32>
        tpu.vector_store_idx %arg10[%parallel_loop3A_784, %and3A_168, %parallel_loop3A_399], %parallel_loop3A_781 : memref<8x8x128xf32, #tpu.memory_space<vmem>>[vector<16xi32>, vector<16xi32>, vector<16xi32>], vector<16xf32>,
        %parallel_loop3A_785 = arith.constant 48 : i32
        %parallel_loop3A_786 = vector.broadcast %parallel_loop3A_785 : i32 to vector<16xi32>
        %parallel_loop3A_787 = arith.addi %and3A_162, %parallel_loop3A_786 : vector<16xi32>
        %parallel_loop3A_788 = tpu.vector_load_idx %arg6[%parallel_loop3A_399, %parallel_loop3A_787] : memref<128x64xf32, #tpu.memory_space<vmem>>[vector<16xi32>, vector<16xi32>], vector<16xf32>,
        %parallel_loop3A_789 = arith.constant 6 : i32
        %parallel_loop3A_790 = vector.broadcast %parallel_loop3A_789 : i32 to vector<16xi32>
        %parallel_loop3A_791 = arith.addi %shift_right_logical3A_165, %parallel_loop3A_790 : vector<16xi32>
        tpu.vector_store_idx %arg10[%parallel_loop3A_791, %and3A_168, %parallel_loop3A_399], %parallel_loop3A_788 : memref<8x8x128xf32, #tpu.memory_space<vmem>>[vector<16xi32>, vector<16xi32>, vector<16xi32>], vector<16xf32>,
        %parallel_loop3A_792 = arith.constant 0 : i32
        %parallel_loop3A_793 = vector.broadcast %parallel_loop3A_792 : i32 to vector<16xi32>
        %parallel_loop3A_794 = arith.addi %and3A_174, %parallel_loop3A_793 : vector<16xi32>
        %parallel_loop3A_795 = tpu.vector_load_idx %arg6[%parallel_loop3A_399, %parallel_loop3A_794] : memref<128x64xf32, #tpu.memory_space<vmem>>[vector<16xi32>, vector<16xi32>], vector<16xf32>,
        %parallel_loop3A_796 = arith.constant 0 : i32
        %parallel_loop3A_797 = vector.broadcast %parallel_loop3A_796 : i32 to vector<16xi32>
        %parallel_loop3A_798 = arith.addi %shift_right_logical3A_177, %parallel_loop3A_797 : vector<16xi32>
        tpu.vector_store_idx %arg10[%parallel_loop3A_798, %and3A_180, %parallel_loop3A_399], %parallel_loop3A_795 : memref<8x8x128xf32, #tpu.memory_space<vmem>>[vector<16xi32>, vector<16xi32>, vector<16xi32>], vector<16xf32>,
        %parallel_loop3A_799 = arith.constant 16 : i32
        %parallel_loop3A_800 = vector.broadcast %parallel_loop3A_799 : i32 to vector<16xi32>
        %parallel_loop3A_801 = arith.addi %and3A_174, %parallel_loop3A_800 : vector<16xi32>
        %parallel_loop3A_802 = tpu.vector_load_idx %arg6[%parallel_loop3A_399, %parallel_loop3A_801] : memref<128x64xf32, #tpu.memory_space<vmem>>[vector<16xi32>, vector<16xi32>], vector<16xf32>,
        %parallel_loop3A_803 = arith.constant 2 : i32
        %parallel_loop3A_804 = vector.broadcast %parallel_loop3A_803 : i32 to vector<16xi32>
        %parallel_loop3A_805 = arith.addi %shift_right_logical3A_177, %parallel_loop3A_804 : vector<16xi32>
        tpu.vector_store_idx %arg10[%parallel_loop3A_805, %and3A_180, %parallel_loop3A_399], %parallel_loop3A_802 : memref<8x8x128xf32, #tpu.memory_space<vmem>>[vector<16xi32>, vector<16xi32>, vector<16xi32>], vector<16xf32>,
        %parallel_loop3A_806 = arith.constant 32 : i32
        %parallel_loop3A_807 = vector.broadcast %parallel_loop3A_806 : i32 to vector<16xi32>
        %parallel_loop3A_808 = arith.addi %and3A_174, %parallel_loop3A_807 : vector<16xi32>
        %parallel_loop3A_809 = tpu.vector_load_idx %arg6[%parallel_loop3A_399, %parallel_loop3A_808] : memref<128x64xf32, #tpu.memory_space<vmem>>[vector<16xi32>, vector<16xi32>], vector<16xf32>,
        %parallel_loop3A_810 = arith.constant 4 : i32
        %parallel_loop3A_811 = vector.broadcast %parallel_loop3A_810 : i32 to vector<16xi32>
        %parallel_loop3A_812 = arith.addi %shift_right_logical3A_177, %parallel_loop3A_811 : vector<16xi32>
        tpu.vector_store_idx %arg10[%parallel_loop3A_812, %and3A_180, %parallel_loop3A_399], %parallel_loop3A_809 : memref<8x8x128xf32, #tpu.memory_space<vmem>>[vector<16xi32>, vector<16xi32>, vector<16xi32>], vector<16xf32>,
        %parallel_loop3A_813 = arith.constant 48 : i32
        %parallel_loop3A_814 = vector.broadcast %parallel_loop3A_813 : i32 to vector<16xi32>
        %parallel_loop3A_815 = arith.addi %and3A_174, %parallel_loop3A_814 : vector<16xi32>
        %parallel_loop3A_816 = tpu.vector_load_idx %arg6[%parallel_loop3A_399, %parallel_loop3A_815] : memref<128x64xf32, #tpu.memory_space<vmem>>[vector<16xi32>, vector<16xi32>], vector<16xf32>,
        %parallel_loop3A_817 = arith.constant 6 : i32
        %parallel_loop3A_818 = vector.broadcast %parallel_loop3A_817 : i32 to vector<16xi32>
        %parallel_loop3A_819 = arith.addi %shift_right_logical3A_177, %parallel_loop3A_818 : vector<16xi32>
        tpu.vector_store_idx %arg10[%parallel_loop3A_819, %and3A_180, %parallel_loop3A_399], %parallel_loop3A_816 : memref<8x8x128xf32, #tpu.memory_space<vmem>>[vector<16xi32>, vector<16xi32>, vector<16xi32>], vector<16xf32>,
        %parallel_loop3A_820 = arith.constant 0 : i32
        %parallel_loop3A_821 = vector.broadcast %parallel_loop3A_820 : i32 to vector<16xi32>
        %parallel_loop3A_822 = arith.addi %and3A_186, %parallel_loop3A_821 : vector<16xi32>
        %parallel_loop3A_823 = tpu.vector_load_idx %arg6[%parallel_loop3A_399, %parallel_loop3A_822] : memref<128x64xf32, #tpu.memory_space<vmem>>[vector<16xi32>, vector<16xi32>], vector<16xf32>,
        %parallel_loop3A_824 = arith.constant 0 : i32
        %parallel_loop3A_825 = vector.broadcast %parallel_loop3A_824 : i32 to vector<16xi32>
        %parallel_loop3A_826 = arith.addi %shift_right_logical3A_189, %parallel_loop3A_825 : vector<16xi32>
        tpu.vector_store_idx %arg10[%parallel_loop3A_826, %and3A_192, %parallel_loop3A_399], %parallel_loop3A_823 : memref<8x8x128xf32, #tpu.memory_space<vmem>>[vector<16xi32>, vector<16xi32>, vector<16xi32>], vector<16xf32>,
        %parallel_loop3A_827 = arith.constant 16 : i32
        %parallel_loop3A_828 = vector.broadcast %parallel_loop3A_827 : i32 to vector<16xi32>
        %parallel_loop3A_829 = arith.addi %and3A_186, %parallel_loop3A_828 : vector<16xi32>
        %parallel_loop3A_830 = tpu.vector_load_idx %arg6[%parallel_loop3A_399, %parallel_loop3A_829] : memref<128x64xf32, #tpu.memory_space<vmem>>[vector<16xi32>, vector<16xi32>], vector<16xf32>,
        %parallel_loop3A_831 = arith.constant 2 : i32
        %parallel_loop3A_832 = vector.broadcast %parallel_loop3A_831 : i32 to vector<16xi32>
        %parallel_loop3A_833 = arith.addi %shift_right_logical3A_189, %parallel_loop3A_832 : vector<16xi32>
        tpu.vector_store_idx %arg10[%parallel_loop3A_833, %and3A_192, %parallel_loop3A_399], %parallel_loop3A_830 : memref<8x8x128xf32, #tpu.memory_space<vmem>>[vector<16xi32>, vector<16xi32>, vector<16xi32>], vector<16xf32>,
        %parallel_loop3A_834 = arith.constant 32 : i32
        %parallel_loop3A_835 = vector.broadcast %parallel_loop3A_834 : i32 to vector<16xi32>
        %parallel_loop3A_836 = arith.addi %and3A_186, %parallel_loop3A_835 : vector<16xi32>
        %parallel_loop3A_837 = tpu.vector_load_idx %arg6[%parallel_loop3A_399, %parallel_loop3A_836] : memref<128x64xf32, #tpu.memory_space<vmem>>[vector<16xi32>, vector<16xi32>], vector<16xf32>,
        %parallel_loop3A_838 = arith.constant 4 : i32
        %parallel_loop3A_839 = vector.broadcast %parallel_loop3A_838 : i32 to vector<16xi32>
        %parallel_loop3A_840 = arith.addi %shift_right_logical3A_189, %parallel_loop3A_839 : vector<16xi32>
        tpu.vector_store_idx %arg10[%parallel_loop3A_840, %and3A_192, %parallel_loop3A_399], %parallel_loop3A_837 : memref<8x8x128xf32, #tpu.memory_space<vmem>>[vector<16xi32>, vector<16xi32>, vector<16xi32>], vector<16xf32>,
        %parallel_loop3A_841 = arith.constant 48 : i32
        %parallel_loop3A_842 = vector.broadcast %parallel_loop3A_841 : i32 to vector<16xi32>
        %parallel_loop3A_843 = arith.addi %and3A_186, %parallel_loop3A_842 : vector<16xi32>
        %parallel_loop3A_844 = tpu.vector_load_idx %arg6[%parallel_loop3A_399, %parallel_loop3A_843] : memref<128x64xf32, #tpu.memory_space<vmem>>[vector<16xi32>, vector<16xi32>], vector<16xf32>,
        %parallel_loop3A_845 = arith.constant 6 : i32
        %parallel_loop3A_846 = vector.broadcast %parallel_loop3A_845 : i32 to vector<16xi32>
        %parallel_loop3A_847 = arith.addi %shift_right_logical3A_189, %parallel_loop3A_846 : vector<16xi32>
        tpu.vector_store_idx %arg10[%parallel_loop3A_847, %and3A_192, %parallel_loop3A_399], %parallel_loop3A_844 : memref<8x8x128xf32, #tpu.memory_space<vmem>>[vector<16xi32>, vector<16xi32>, vector<16xi32>], vector<16xf32>,
      } {sc.loop_unroll_factor = 1 : i64, sc.parallel_access}
      %mul3A_382 = arith.constant 4 : i32
      %mul3A_383 = arith.muli %add3A, %mul3A_382 : i32
      %add3A_384 = arith.addi %mul3A_383, %sub3A_338 : i32
      %dma_start3A_385 = arith.constant 0 : i32
      %dma_start3A_386 = arith.constant 0 : i32
      %dma_start3A_387 = arith.constant 0 : i32
      %dma_start3A_388 = tpu.memref_slice %arg4[%select_n3A_335, %dma_start3A_385, %add3A_384, %dma_start3A_386, %dma_start3A_387] : memref<20x8x128x8x128xf32, #tpu.memory_space<hbm>> -> memref<1x8x1x8x128xf32, #tpu.memory_space<hbm>>
      %dma_start3A_389 = tpu.memref_squeeze %dma_start3A_388 : memref<1x8x1x8x128xf32, #tpu.memory_space<hbm>> -> memref<8x8x128xf32, #tpu.memory_space<hbm>>
      %dma_start3A_390 = arith.constant 0 : i32
      %dma_start3A_391 = arith.constant 0 : i32
      %dma_start3A_392 = arith.constant 0 : i32
      %dma_start3A_393 = tpu.memref_slice %arg4[%select_n3A_335, %dma_start3A_390, %add3A_384, %dma_start3A_391, %dma_start3A_392] : memref<20x8x128x8x128xf32, #tpu.memory_space<hbm>> -> memref<1x8x1x8x128xf32, #tpu.memory_space<hbm>>
      %dma_start3A_394 = tpu.memref_squeeze %dma_start3A_393 : memref<1x8x1x8x128xf32, #tpu.memory_space<hbm>> -> memref<8x8x128xf32, #tpu.memory_space<hbm>>
      tpu.enqueue_dma source(%arg10 : memref<8x8x128xf32, #tpu.memory_space<vmem>>) target(%dma_start3A_394 : memref<8x8x128xf32, #tpu.memory_space<hbm>>) target_semaphore(%arg12 : memref<!tpu.dma_semaphore, #tpu.memory_space<semaphore_mem>>)
    }
    %scan3A_201 = arith.constant 40 : i32
    %mul3A_202 = arith.constant 4 : i32
    %mul3A_203 = arith.muli %add3A, %mul3A_202 : i32
    %add3A_204 = arith.constant 2 : i32
    %add3A_205 = arith.addi %mul3A_203, %add3A_204 : i32
    %dma_wait3A = arith.constant 19 : i32
    %dma_wait3A_206 = arith.constant 0 : i32
    %dma_wait3A_207 = arith.constant 0 : i32
    %dma_wait3A_208 = arith.constant 0 : i32
    %dma_wait3A_209 = tpu.memref_slice %arg4[%dma_wait3A, %dma_wait3A_206, %add3A_205, %dma_wait3A_207, %dma_wait3A_208] : memref<20x8x128x8x128xf32, #tpu.memory_space<hbm>> -> memref<1x8x1x8x128xf32, #tpu.memory_space<hbm>>
    %dma_wait3A_210 = tpu.memref_squeeze %dma_wait3A_209 : memref<1x8x1x8x128xf32, #tpu.memory_space<hbm>> -> memref<8x8x128xf32, #tpu.memory_space<hbm>>
    %dma_wait3A_211 = arith.constant 0 : i32
    %dma_wait3A_212 = arith.constant 0 : i32
    %dma_wait3A_213 = arith.constant 0 : i32
    %dma_wait3A_214 = tpu.memref_slice %arg4[%dma_wait3A, %dma_wait3A_211, %add3A_205, %dma_wait3A_212, %dma_wait3A_213] : memref<20x8x128x8x128xf32, #tpu.memory_space<hbm>> -> memref<1x8x1x8x128xf32, #tpu.memory_space<hbm>>
    %dma_wait3A_215 = tpu.memref_squeeze %dma_wait3A_214 : memref<1x8x1x8x128xf32, #tpu.memory_space<hbm>> -> memref<8x8x128xf32, #tpu.memory_space<hbm>>
    tpu.wait_dma2 semaphore(%arg11 : memref<!tpu.dma_semaphore, #tpu.memory_space<semaphore_mem>>) src(%arg9 : memref<8x8x128xf32, #tpu.memory_space<vmem>>) dst(%dma_wait3A_215 : memref<8x8x128xf32, #tpu.memory_space<hbm>>)
    %mul3A_216 = arith.constant 4 : i32
    %mul3A_217 = arith.muli %add3A, %mul3A_216 : i32
    %add3A_218 = arith.constant 3 : i32
    %add3A_219 = arith.addi %mul3A_217, %add3A_218 : i32
    %dma_wait3A_220 = arith.constant 19 : i32
    %dma_wait3A_221 = arith.constant 0 : i32
    %dma_wait3A_222 = arith.constant 0 : i32
    %dma_wait3A_223 = arith.constant 0 : i32
    %dma_wait3A_224 = tpu.memref_slice %arg4[%dma_wait3A_220, %dma_wait3A_221, %add3A_219, %dma_wait3A_222, %dma_wait3A_223] : memref<20x8x128x8x128xf32, #tpu.memory_space<hbm>> -> memref<1x8x1x8x128xf32, #tpu.memory_space<hbm>>
    %dma_wait3A_225 = tpu.memref_squeeze %dma_wait3A_224 : memref<1x8x1x8x128xf32, #tpu.memory_space<hbm>> -> memref<8x8x128xf32, #tpu.memory_space<hbm>>
    %dma_wait3A_226 = arith.constant 0 : i32
    %dma_wait3A_227 = arith.constant 0 : i32
    %dma_wait3A_228 = arith.constant 0 : i32
    %dma_wait3A_229 = tpu.memref_slice %arg4[%dma_wait3A_220, %dma_wait3A_226, %add3A_219, %dma_wait3A_227, %dma_wait3A_228] : memref<20x8x128x8x128xf32, #tpu.memory_space<hbm>> -> memref<1x8x1x8x128xf32, #tpu.memory_space<hbm>>
    %dma_wait3A_230 = tpu.memref_squeeze %dma_wait3A_229 : memref<1x8x1x8x128xf32, #tpu.memory_space<hbm>> -> memref<8x8x128xf32, #tpu.memory_space<hbm>>
    tpu.wait_dma2 semaphore(%arg12 : memref<!tpu.dma_semaphore, #tpu.memory_space<semaphore_mem>>) src(%arg10 : memref<8x8x128xf32, #tpu.memory_space<vmem>>) dst(%dma_wait3A_230 : memref<8x8x128xf32, #tpu.memory_space<hbm>>)
    return
  }
}

</mosaic_0001>

<sc_bundles>
// kernel: kernel.3.cloned.1.call-start
scs
__scs_entry_jumppad:
0x0: {  	(pc) =	sbr.rel $0x88, $3  }
0x1: {  	(tag) =	ssettag $0x0;
	lr =	simm.s32 $0x1  }
0x2: {  	[smem:$0x3F9F] =	sst lr;
	_ =	strace $0xD0000000  }
0x3: {  	_ = 	snop  }
0x4: {  	_ = 	snop  }
0x5: {  	_ = 	snop  }
0x6: {  	_ = 	snop  }
0x7: {  	_ = 	snop  }
__scs_overlays_trampoline_lowered:
0x8: {  	[smem:$0x3FAE] =	sst s0  }
0x9: {  	[smem:$0x3FAF] =	sst s1  }
0xa: {  	[smem:$0x3FB0] =	sst s2  }
0xb: {  	[smem:$0x3FB1] =	sst s3  }
0xc: {  	[smem:$0x3FB2] =	sst s4  }
0xd: {  	[smem:$0x3FB3] =	sst s5  }
0xe: {  	[smem:$0x3FB4] =	sst s6  }
0xf: {  	[smem:$0x3FB5] =	sst s7  }
0x10: {  	[smem:$0x3FB6] =	sst s8  }
0x11: {  	[smem:$0x3FB7] =	sst s9;
	s0 =	simm.s32 @!p0 $0x0  }
0x12: {  	s1 =	sld [smem:$0x3F9D];
	s0 =	simm.s32 @p0 $0x1  }
0x13: {  	[smem:$0x3FB8] =	sst s0;
	s0 =	simm.s32 @!p1 $0x0  }
0x14: {  	s2 =	sld [smem:$0x3F9C];
	s0 =	simm.s32 @p1 $0x1  }
0x15: {  	[smem:$0x3FB9] =	sst s0;
	s0 =	simm.s32 @!p2 $0x0  }
0x16: {  	s3 =	sld [smem:$0x3FDB];
	s0 =	simm.s32 @p2 $0x1  }
0x17: {  	s4 =	simm.s32 $0x1BF5;
	[smem:$0x3FBB] =	sst s0  }
0x18: {  	s0 =	sld [smem:$0x3F9E];
	_ =	swait.ge [sflag:s4], $0x0  }
0x19: {  	s7 =	sld [smem:$0x3F9F]  }
0x1a: {  	s8 =	sadd.s32 $0xFFFFE003, lr  }
0x1b: {  	s9 =	sadd.s32 $0xFFFFFEF7, lr;
	s5 =	simm.s32 $0xFFFFFFFF;
	p2 =	slt.u32 s8, $0xFFFFF086  }
0x1c: {  	p1 =	slt.u32 s9, $0xF7A;
	s5 =	simm.s32 @!p2 $0x0  }
0x1d: {  	s5 =	simm.s32 @p1 $0x1;
	p0 =	seq.s32 s7, s2  }
0x1e: {  	s7 =	smul.u32 @!p0 $0xF7A, s2;
	p2 =	seq.s32 @!p0 s5, $0x0  }
0x1f: {  	s9 =	smul.u32 $0xF7A, s1;
	s8 =	simm.s32 @!p0 $0x1BF5;
	p2 =	por !p2, p0  }
0x20: {  	[sflag:s8] =	ssyncset.s32 @!p0 $0xFFFFF086;
	s6 =	sadd.s32 @!p0 s3, s7;
	s7 =	simm.s32 @!p0 $0x108  }
0x21: {  	s3 =	sadd.s32 s3, s9;
	s6 =	sadd.s32 @!p0 $0x88, s6;
	s7 =	simm.s32 @p2 $0x1082  }
0x22: {  	[simem:s7], [sflag:s8] =	dma.local @!p0 [hbm:s6], $0xF7A  }
0x23: {  	s9 =	sor.u32 $0xD0000000, s2;
	s6 =	simm.s32 $0x108;
	_ =	swait.ge @!p0 [sflag:s8], $0x0  }
0x24: {  	s3 =	sadd.s32 $0x88, s3;
	s6 =	simm.s32 @!p1 $0x1082;
	[sflag:s4] =	ssyncset.s32 $0xFFFFF086  }
0x25: {  	[simem:s6], [sflag:s4] =	dma.local [hbm:s3], $0xF7A  }
0x26: {  	[smem:$0x3F9F] =	sst s1;
	(tag) =	ssettag s2;
	_ =	strace s9  }
0x27: {  	s1 =	sld [smem:$0x3FAF]  }
0x28: {  	s2 =	sld [smem:$0x3FB0]  }
0x29: {  	s4 =	sld [smem:$0x3FB2]  }
0x2a: {  	p0 =	seq.s32 s5, $0x0;
	s5 =	sld [smem:$0x3FB3]  }
0x2b: {  	s6 =	sld [smem:$0x3FB4]  }
0x2c: {  	s7 =	sld [smem:$0x3FB5]  }
0x2d: {  	s3 =	simm.s32 $0x108;
	s8 =	sld [smem:$0x3FB6]  }
0x2e: {  	s3 =	simm.s32 @!p0 $0x1082;
	s9 =	sld [smem:$0x3FB7]  }
0x2f: {  	lr =	sadd.s32 s0, s3;
	s0 =	sld [smem:$0x3FAE]  }
0x30: {  	s3 =	sld [smem:$0x3FB1]  }
0x31: {  	[smem:$0x3FBA] =	sst s10  }
0x32: {  	s10 =	sld [smem:$0x3FB8];
	_ =	sdelay $0x3  }
0x33: {  	p0 =	seq.s32 s10, $0x1;
	s10 =	sld [smem:$0x3FBA];
	_ =	sdelay $0x3  }
0x34: {  	[smem:$0x3FBA] =	sst s10  }
0x35: {  	s10 =	sld [smem:$0x3FB9];
	_ =	sdelay $0x3  }
0x36: {  	p1 =	seq.s32 s10, $0x1;
	s10 =	sld [smem:$0x3FBA];
	_ =	sdelay $0x3  }
0x37: {  	[smem:$0x3FBA] =	sst s10  }
0x38: {  	s10 =	sld [smem:$0x3FBB]  }
0x39: {  	_ = 	snop;
	(pc) =	sbr.ind lr, $3  }
0x3a: {  	_ = 	snop  }
0x3b: {  	_ = 	snop  }
0x3c: {  	p2 =	seq.s32 s10, $0x1;
	s10 =	sld [smem:$0x3FBA]  }
0x3d: {  	_ =	shalt  }
0x3e: {  	_ =	shalt  }
0x3f: {  	_ =	shalt  }
0x40: {  	_ =	shalt  }
0x41: {  	_ =	shalt  }
0x42: {  	_ =	shalt  }
0x43: {  	_ =	shalt  }
0x44: {  	_ =	shalt  }
0x45: {  	_ =	shalt  }
0x46: {  	_ =	shalt  }
0x47: {  	_ =	shalt  }
0x48: {  	_ =	shalt  }
0x49: {  	_ =	shalt  }
0x4a: {  	_ =	shalt  }
0x4b: {  	_ =	shalt  }
0x4c: {  	_ =	shalt  }
0x4d: {  	_ =	shalt  }
0x4e: {  	_ =	shalt  }
0x4f: {  	_ =	shalt  }
0x50: {  	_ =	shalt  }
0x51: {  	_ =	shalt  }
0x52: {  	_ =	shalt  }
0x53: {  	_ =	shalt  }
0x54: {  	_ =	shalt  }
0x55: {  	_ =	shalt  }
0x56: {  	_ =	shalt  }
0x57: {  	_ =	shalt  }
0x58: {  	_ =	shalt  }
0x59: {  	_ =	shalt  }
0x5a: {  	_ =	shalt  }
0x5b: {  	_ =	shalt  }
0x5c: {  	_ =	shalt  }
0x5d: {  	_ =	shalt  }
0x5e: {  	_ =	shalt  }
0x5f: {  	_ =	shalt  }
0x60: {  	_ =	shalt  }
0x61: {  	_ =	shalt  }
0x62: {  	_ =	shalt  }
0x63: {  	_ =	shalt  }
0x64: {  	_ =	shalt  }
0x65: {  	_ =	shalt  }
0x66: {  	_ =	shalt  }
0x67: {  	_ =	shalt  }
0x68: {  	_ =	shalt  }
0x69: {  	_ =	shalt  }
0x6a: {  	_ =	shalt  }
0x6b: {  	_ =	shalt  }
0x6c: {  	_ =	shalt  }
0x6d: {  	_ =	shalt  }
0x6e: {  	_ =	shalt  }
0x6f: {  	_ =	shalt  }
0x70: {  	_ =	shalt  }
0x71: {  	_ =	shalt  }
0x72: {  	_ =	shalt  }
0x73: {  	_ =	shalt  }
0x74: {  	_ =	shalt  }
0x75: {  	_ =	shalt  }
0x76: {  	_ =	shalt  }
0x77: {  	_ =	shalt  }
0x78: {  	_ =	shalt  }
0x79: {  	_ =	shalt  }
0x7a: {  	_ =	shalt  }
0x7b: {  	_ =	shalt  }
0x7c: {  	_ =	shalt  }
0x7d: {  	_ =	shalt  }
0x7e: {  	_ =	shalt  }
0x7f: {  	_ =	shalt  }
0x80: {  	_ =	shalt  }
0x81: {  	_ =	shalt  }
0x82: {  	_ =	shalt  }
0x83: {  	_ =	shalt  }
0x84: {  	_ =	shalt  }
0x85: {  	_ =	shalt  }
0x86: {  	_ =	shalt  }
0x87: {  	_ =	shalt  }
.Lfunc_end0:
.L_simem_size_0:
called_computation.1_lowered:
.L_overlay_start_0:
0x88: {  	s2 =	sld [smem:$0x3FD9]  }
0x89: {  	s3 =	sld [smem:$0x3FFE];
	_ =	sdelay $0x1  }
0x8a: {  	s1 =	srdreg.scid  }
0x8b: {  	s0 =	sand.u32 $0x1, s1  }
0x8c: {  	s17 =	sshll.u32 s0, $0xA;
	s2 =	sadd.s32 s3, s2  }
0x8d: {  	s2 =	sadd.s32 s2, s17  }
0x8e: {  	[smem:$0x3FC6] =	sst s2  }
0x8f: {  	_ = 	snop  }
0x90: {  	s2 =	sld [smem:$0x3FD0];
	(tm) =	ssettm $0x1  }
0x91: {  	s18 =	sld [smem:$0x3FFB];
	_ =	sdelay $0x3  }
0x92: {  	_ =	strace s18  }
0x93: {  	s3 =	sld [smem:$0x3FFC];
	_ =	sdelay $0x3  }
0x94: {  	_ =	strace s3  }
0x95: {  	s3 =	sld [smem:$0x3FFD];
	_ =	sdelay $0x3  }
0x96: {  	_ =	strace s3  }
0x97: {  	_ =	strace $0x8FFFFFFF  }
0x98: {  	s19 =	sld [smem:$0x3FDB];
	_ =	sdelay $0x1  }
0x99: {  	s4 =	simm.s32 $_scs_section_size  }
0x9a: {  	s5 =	simm.s32 $_size__tile_overlayer_lowered;
	s6 =	simm.s32 $_tile_overlayer_lowered  }
0x9b: {  	s22 =	simm.s32 $0x1BFF;
	s21 =	sshll.u32 s6, $0x1;
	s3 =	sadd.s32 s4, s19  }
0x9c: {  	s7 =	simm.s32 $0x0;
	s20 =	sshll.u32 s5, $0x1;
	s5 =	sadd.s32 s21, s3  }
0x9d: {  	[timem:s7], [sflag:s22] =	dma.local [hbm:s5], s20  }
0x9e: {  	_ =	swait.ge [sflag:s22], s20  }
0x9f: {  	s4 =	ssub.s32 $0x0, s20;
	[sflag:s22] =	ssyncset.done $0x0  }
0xa0: {  	[sflag:s22] =	ssyncadd.s32 s4;
	_ =	sdelay $0x1  }
0xa1: {  	s23 =	simm.s32 $0x1B8B  }
0xa2: {  	_ =	swait.ge [sflag:s23], $0x1  }
0xa3: {  	[sflag:s23] =	ssyncset.done $0x0  }
0xa4: {  	s25 =	simm.s32 $0x1B8E;
	s24 =	sld [smem:$0x3FFE];
	[sflag:s23] =	ssyncadd.s32 $0xFFFFFFFF  }
0xa5: {  	s26 =	simm.s32 $execute0_lowered;
	[smem:$0x3FD2] =	sst s25  }
0xa6: {  	s5 =	sshll.u32 s26, $0x1;
	_ =	strace $0x80000049;
	[dreg:$0x1] =	wrdreg $0xFFFFFFFF  }
0xa7: {  	s28 =	simm.s32 $_size_execute0_lowered;
	s3 =	sadd.s32 s3, s5;
	[dreg:$0x0] =	wrdreg $0x0  }
0xa8: {  	s5 =	sshll.u32 s28, $0x1;
	[dreg:$0x2] =	wrdreg s3  }
0xa9: {  	[dreg:$0x3] =	wrdreg s5  }
0xaa: {  	[dreg:$0x4] =	wrdreg $0xC0  }
0xab: {  	_ =	task [dreg:s7], $0x5FFFF  }
0xac: {  	[dreg:$0x1] =	wrdreg $0xFFFFFFFF  }
0xad: {  	[dreg:$0x0] =	wrdreg $0x60  }
0xae: {  	[dreg:$0x2] =	wrdreg s24  }
0xaf: {  	[dreg:$0x3] =	wrdreg s2  }
0xb0: {  	[dreg:$0x4] =	wrdreg $0x9  }
0xb1: {  	_ =	task.clear_ibuf [dreg:s7], $0x5FFFF;
	_ =	strace $0x90000049  }
0xb2: {  	s29 =	simm.s32 $0x9;
	_ =	strace $0x8000004B  }
0xb3: {  	_ =	swait.ge [sflag:s29], $0x1  }
0xb4: {  	[sflag:s29] =	ssyncadd.s32 $0xFFFFFFFF  }
0xb5: {  	_ =	strace $0x9000004B  }
0xb6: {  	_ =	sfence  }
0xb7: {  	s30 =	sld [smem:$0x0];
	_ =	sdelay $0x2  }
0xb8: {  	s31 =	sshll.u32 s1, $0xD;
	s1 =	sshrl.u32 s1, $0x2  }
0xb9: {  	s3 =	sand.u32 $0x4000, s31;
	s1 =	sadd.s32 s1, s30  }
0xba: {  	s0 =	sor.u32 s3, s0;
	s1 =	sshll.u32 s1, $0x11  }
0xbb: {  	s0 =	sor.u32 s1, s0  }
0xbc: {  	s0 =	sadd.s32 $0x8F2B, s0  }
0xbd: {  	[sflag:s0] =	ssyncadd.remote.s32 $0x1  }
0xbe: {  	_ =	sfence.sel $0xFFFF  }
0xbf: {  	[dreg:$0x0] =	wrdreg $0xFFFFFFFF;
	(pc) =	sbr.abs _section_cstart, $3  }
0xc0: {  	[dreg:$0x1] =	wrdreg $0xFFFFFFFF  }
0xc1: {  	_ =	task.clear_ibuf [dreg:s7], $0x2FFFF;
	_ =	strace $0x9FFFFFFF  }
0xc2: {  	(tm) =	ssettm $0x7FFFFFFF  }
0xc3: {  	_ =	shalt  }
tec
execute0_lowered:
.L_overlay_start_1:
0x0: {  	(tag) =	ssettag $0x1  }
0x1: {  	vm14 =	vcmask $0x300  }
0x2: {  	v0 =	vimm.s32 $0x787;
	vm13 =	vcmask $0x704;
	vm12 =	vcmask $0xB08  }
0x3: {  	vm11 =	vcmask $0xF0C;
	vm10 =	vcmask $0x1310;
	vm9 =	vcmask $0x1714  }
0x4: {  	vm8 =	vcmask $0x1B18;
	vm7 =	vcmask $0x1F1C;
	vm5 =	vcmask $0x2320  }
0x5: {  	v1 =	vimm.s32 $0xF87;
	vm6 =	vcmask $0x2724;
	vm4 =	vcmask $0x2B28  }
0x6: {  	vm3 =	vcmask $0x2F2C;
	vm1 =	vcmask $0x3330;
	vm2 =	vcmask $0x3734  }
0x7: {  	v2 =	vimm.s32 $0x1787;
	vm0 =	vcmask $0x3B38;
	v3 =	vimm.s32 $0x87654321  }
0x8: {  	v5 =	vimm.s32 $0x1887;
	v6 =	vimm.s32 $0x107;
	v7 =	vimm.s32 $0x907  }
0x9: {  	v8 =	vimm.s32 $0x1107;
	v9 =	vimm.s32 $0x1907;
	v10 =	vimm.s32 $0x187  }
0xa: {  	v11 =	vimm.s32 $0x987;
	v12 =	vimm.s32 $0x1187;
	v13 =	vimm.s32 $0x1987  }
0xb: {  	v14 =	vimm.s32 $0x207;
	v15 =	vimm.s32 $0xA07;
	v16 =	vimm.s32 $0x1207  }
0xc: {  	v17 =	vimm.s32 $0x1A07;
	v18 =	vimm.s32 $0x287;
	v19 =	vimm.s32 $0xA87  }
0xd: {  	v20 =	vimm.s32 $0x1287;
	v21 =	vimm.s32 $0x1A87;
	v22 =	vimm.s32 $0xFEDCBA98  }
0xe: {  	v23 =	vimm.s32 $0x76543210;
	v24 =	vimm.s32 $0x307;
	v25 =	vimm.s32 $0xB07  }
0xf: {  	v26 =	vimm.s32 $0x1307;
	v27 =	vimm.s32 $0x1B07;
	v59 =	vimm.s32 $0x387  }
0x10: {  	v60 =	vimm.s32 $0xB87;
	v28 =	vimm.s32 $0x1387;
	v29 =	vimm.s32 $0x1B87  }
0x11: {  	v30 =	vimm.s32 $0x407;
	v31 =	vimm.s32 $0xC07;
	v32 =	vimm.s32 $0x1407  }
0x12: {  	v33 =	vimm.s32 $0x1C07;
	v34 =	vimm.s32 $0x487;
	v35 =	vimm.s32 $0xC87  }
0x13: {  	v36 =	vimm.s32 $0x1487;
	v37 =	vimm.s32 $0x1C87;
	v38 =	vimm.s32 $0x507  }
0x14: {  	v39 =	vimm.s32 $0xD07;
	v40 =	vimm.s32 $0x1507;
	v41 =	vimm.s32 $0x1D07  }
0x15: {  	v42 =	vimm.s32 $0x587;
	v43 =	vimm.s32 $0xD87;
	v44 =	vimm.s32 $0x1587  }
0x16: {  	v45 =	vimm.s32 $0x1D87;
	v46 =	vimm.s32 $0x607;
	v47 =	vimm.s32 $0xE07  }
0x17: {  	v48 =	vimm.s32 $0x1607;
	v49 =	vimm.s32 $0x1E07;
	v50 =	vimm.s32 $0x687  }
0x18: {  	v51 =	vimm.s32 $0xE87;
	v52 =	vimm.s32 $0x1687;
	v53 =	vimm.s32 $0x1E87  }
0x19: {  	v54 =	vimm.s32 $0x707;
	v55 =	vimm.s32 $0xF07;
	v56 =	vimm.s32 $0x1707  }
0x1a: {  	v57 =	vimm.s32 $0x1F07;
	v58 =	vimm.s32 $0x98765432;
	v0 =	vsel vm14, $0x0, v0  }
0x1b: {  	v1 =	vsel vm14, $0x800, v1;
	v2 =	vsel vm14, $0x1000, v2;
	v3 =	vunpack.c.l.s4.s8 v3  }
0x1c: {  	v5 =	vsel vm14, $0x1900, v5;
	v6 =	vsel vm14, $0x180, v6;
	v7 =	vsel vm14, $0x980, v7  }
0x1d: {  	v8 =	vsel vm14, $0x1180, v8;
	v9 =	vsel vm14, $0x1980, v9;
	v10 =	vsel vm14, $0x200, v10  }
0x1e: {  	v11 =	vsel vm14, $0xA00, v11;
	v12 =	vsel vm14, $0x1200, v12;
	v13 =	vsel vm14, $0x1A00, v13  }
0x1f: {  	v14 =	vsel vm14, $0x280, v14;
	v15 =	vsel vm14, $0xA80, v15;
	v16 =	vsel vm14, $0x1280, v16  }
0x20: {  	v17 =	vsel vm14, $0x1A80, v17;
	v18 =	vsel vm14, $0x300, v18;
	v19 =	vsel vm14, $0xB00, v19  }
0x21: {  	v20 =	vsel vm14, $0x1300, v20;
	v21 =	vsel vm14, $0x1B00, v21;
	v22 =	vunpack.c.l.s4.s8 v22  }
0x22: {  	v23 =	vunpack.c.l.s4.s8 v23;
	v24 =	vsel vm14, $0x380, v24;
	v25 =	vsel vm14, $0xB80, v25  }
0x23: {  	v26 =	vsel vm14, $0x1380, v26;
	v27 =	vsel vm14, $0x1B80, v27;
	v28 =	vsel vm14, $0x1400, v28  }
0x24: {  	v29 =	vsel vm14, $0x1C00, v29;
	v30 =	vsel vm14, $0x480, v30;
	v0 =	vsel vm13, $0x81, v0  }
0x25: {  	v31 =	vsel vm14, $0xC80, v31;
	v32 =	vsel vm14, $0x1480, v32;
	v0 =	vsel vm12, $0x102, v0  }
0x26: {  	v33 =	vsel vm14, $0x1C80, v33;
	v34 =	vsel vm14, $0x500, v34;
	v0 =	vsel vm11, $0x183, v0  }
0x27: {  	v35 =	vsel vm14, $0xD00, v35;
	v36 =	vsel vm14, $0x1500, v36;
	v0 =	vsel vm10, $0x204, v0  }
0x28: {  	v37 =	vsel vm14, $0x1D00, v37;
	v38 =	vsel vm14, $0x580, v38;
	v0 =	vsel vm9, $0x285, v0  }
0x29: {  	v39 =	vsel vm14, $0xD80, v39;
	v40 =	vsel vm14, $0x1580, v40;
	v0 =	vsel vm8, $0x306, v0  }
0x2a: {  	v41 =	vsel vm14, $0x1D80, v41;
	v1 =	vsel vm13, $0x881, v1;
	v0 =	vsel vm7, $0x387, v0  }
0x2b: {  	v42 =	vsel vm14, $0x600, v42;
	v1 =	vsel vm12, $0x902, v1;
	v0 =	vsel vm5, $0x400, v0  }
0x2c: {  	v43 =	vsel vm14, $0xE00, v43;
	v1 =	vsel vm11, $0x983, v1;
	v0 =	vsel vm6, $0x481, v0  }
0x2d: {  	v44 =	vsel vm14, $0x1600, v44;
	v1 =	vsel vm10, $0xA04, v1;
	v0 =	vsel vm4, $0x502, v0  }
0x2e: {  	v45 =	vsel vm14, $0x1E00, v45;
	v1 =	vsel vm9, $0xA85, v1;
	v0 =	vsel vm3, $0x583, v0  }
0x2f: {  	v46 =	vsel vm14, $0x680, v46;
	v1 =	vsel vm8, $0xB06, v1;
	v0 =	vsel vm1, $0x604, v0  }
0x30: {  	v47 =	vsel vm14, $0xE80, v47;
	v1 =	vsel vm7, $0xB87, v1;
	v0 =	vsel vm2, $0x685, v0  }
0x31: {  	v2 =	vsel vm13, $0x1081, v2;
	v63 =	vsel vm0, $0x706, v0;
	v0 =	vsel vm5, $0xC00, v1  }
0x32: {  	v48 =	vsel vm14, $0x1680, v48;
	v1 =	vsel vm12, $0x1102, v2;
	v0 =	vsel vm6, $0xC81, v0  }
0x33: {  	v49 =	vsel vm14, $0x1E80, v49;
	v1 =	vsel vm11, $0x1183, v1;
	v0 =	vsel vm4, $0xD02, v0  }
0x34: {  	v2 =	vimm.s32 $0x1F87;
	v1 =	vsel vm10, $0x1204, v1;
	v0 =	vsel vm3, $0xD83, v0  }
0x35: {  	v2 =	vsel vm14, $0x1800, v2;
	v1 =	vsel vm9, $0x1285, v1;
	v0 =	vsel vm1, $0xE04, v0  }
0x36: {  	v2 =	vsel vm13, $0x1881, v2;
	v1 =	vsel vm8, $0x1306, v1;
	v0 =	vsel vm2, $0xE85, v0  }
0x37: {  	v2 =	vsel vm12, $0x1902, v2;
	v1 =	vsel vm7, $0x1387, v1;
	v0 =	vsel vm0, $0xF06, v0  }
0x38: {  	v50 =	vsel vm14, $0x700, v50;
	v2 =	vsel vm11, $0x1983, v2;
	[tilespmem:$0x1F6A0] =	vst v0;
	v0 =	vsel vm5, $0x1400, v1  }
0x39: {  	v51 =	vsel vm14, $0xF00, v51;
	v1 =	vsel vm10, $0x1A04, v2;
	v0 =	vsel vm6, $0x1481, v0  }
0x3a: {  	v2 =	vimm.s32 $0x7;
	v1 =	vsel vm9, $0x1A85, v1;
	v0 =	vsel vm4, $0x1502, v0  }
0x3b: {  	v2 =	vsel vm14, $0x80, v2;
	v1 =	vsel vm8, $0x1B06, v1;
	v0 =	vsel vm3, $0x1583, v0  }
0x3c: {  	v2 =	vsel vm13, $0x101, v2;
	v1 =	vsel vm7, $0x1B87, v1;
	v0 =	vsel vm1, $0x1604, v0  }
0x3d: {  	v2 =	vsel vm12, $0x182, v2;
	v1 =	vsel vm5, $0x1C00, v1;
	v0 =	vsel vm2, $0x1685, v0  }
0x3e: {  	v2 =	vsel vm11, $0x203, v2;
	v1 =	vsel vm6, $0x1C81, v1;
	v0 =	vsel vm0, $0x1706, v0  }
0x3f: {  	v52 =	vsel vm14, $0x1700, v52;
	[tilespmem:$0x1F6B0] =	vst v0;
	v0 =	vsel vm4, $0x1D02, v1;
	v1 =	vsel vm10, $0x284, v2  }
0x40: {  	v53 =	vsel vm14, $0x1F00, v53;
	v54 =	vsel vm14, $0x780, v54;
	v1 =	vsel vm9, $0x305, v1  }
0x41: {  	v55 =	vsel vm14, $0xF80, v55;
	v56 =	vsel vm14, $0x1780, v56;
	v1 =	vsel vm8, $0x386, v1  }
0x42: {  	v57 =	vsel vm14, $0x1F80, v57;
	v2 =	vimm.s32 $0xFEDCBA9;
	v1 =	vsel vm7, $0x407, v1  }
0x43: {  	v0 =	vsel vm3, $0x1D83, v0;
	v2 =	vunpack.c.l.s4.s8 v2;
	v1 =	vsel vm5, $0x480, v1  }
0x44: {  	v58 =	vunpack.c.l.s4.s8 v58;
	v0 =	vsel vm1, $0x1E04, v0;
	v1 =	vsel vm6, $0x501, v1  }
0x45: {  	v4 =	vunpack.c.0.s8.s32 v2;
	v0 =	vsel vm2, $0x1E85, v0;
	v1 =	vsel vm4, $0x582, v1  }
0x46: {  	v2 =	vimm.s32 $0x807;
	v0 =	vsel vm0, $0x1F06, v0;
	v1 =	vsel vm3, $0x603, v1  }
0x47: {  	v3 =	vunpack.c.0.s8.s32 v3;
	v2 =	vsel vm14, $0x880, v2;
	[tilespmem:$0x1F850] =	vst v0;
	v0 =	vsel vm1, $0x684, v1  }
0x48: {  	v61 =	vsel vm13, $0x801, v55;
	v2 =	vsel vm13, $0x901, v2;
	v0 =	vsel vm2, $0x705, v0  }
0x49: {  	[tilespmem:$0x1F6D0] =	vst v3;
	v3 =	vcombine.low v3, v4;
	v2 =	vsel vm12, $0x982, v2;
	v0 =	vsel vm0, $0x786, v0  }
0x4a: {  	v55 =	vsel vm13, $0x1001, v56;
	v1 =	vsel vm11, $0xA03, v2;
	[tilespmem:$0x1F860] =	vst v0;
	v0 =	vimm.s32 $0x1C1B1A19  }
0x4b: {  	v2 =	vand.u32 $0xF, v3;
	v1 =	vsel vm10, $0xA84, v1;
	v0 =	vunpack.c.0.s8.s32 v0  }
0x4c: {  	v56 =	vsel vm13, $0x1801, v57;
	[tilespmem:$0x1F6E0] =	vst v2;
	v2 =	vimm.s32 $0x101F1E1D;
	v1 =	vsel vm9, $0xB05, v1  }
0x4d: {  	v22 =	vunpack.c.0.s8.s32 v22;
	v2 =	vunpack.c.0.s8.s32 v2;
	[tilespmem:$0x1FAA0] =	vst v0;
	v0 =	vsel vm8, $0xB86, v1  }
0x4e: {  	v23 =	vunpack.c.0.s8.s32 v23;
	v58 =	vunpack.c.0.s8.s32 v58;
	v0 =	vsel vm7, $0xC07, v0  }
0x4f: {  	v61 =	vsel vm12, $0x882, v61;
	[tilespmem:$0x1FAB0] =	vst v2;
	v2 =	vimm.s32 $0x14131211;
	v0 =	vsel vm5, $0xC80, v0  }
0x50: {  	v2 =	vunpack.c.0.s8.s32 v2;
	v1 =	vimm.s32 $0x1007;
	v0 =	vsel vm6, $0xD01, v0  }
0x51: {  	v22 =	vand.u32 $0xF, v22;
	v1 =	vsel vm14, $0x1080, v1;
	v0 =	vsel vm4, $0xD82, v0  }
0x52: {  	[tilespmem:$0x1FAC0] =	vst v2;
	v2 =	vimm.s32 $0x18171615;
	v1 =	vsel vm13, $0x1101, v1;
	v0 =	vsel vm3, $0xE03, v0  }
0x53: {  	v2 =	vunpack.c.0.s8.s32 v2;
	v1 =	vsel vm12, $0x1182, v1;
	v0 =	vsel vm1, $0xE84, v0  }
0x54: {  	[tilespmem:$0x1F6C0] =	vst v4;
	v4 =	vimm.s32 $0x1087;
	v1 =	vsel vm11, $0x1203, v1;
	v0 =	vsel vm2, $0xF05, v0  }
0x55: {  	[tilespmem:$0x1FAD0] =	vst v2;
	v2 =	vimm.s32 $0x2C2B2A29;
	v1 =	vsel vm10, $0x1284, v1;
	v0 =	vsel vm0, $0xF86, v0  }
0x56: {  	v62 =	vsel vm14, $0x1100, v4;
	v1 =	vsel vm9, $0x1305, v1;
	[tilespmem:$0x1F890] =	vst v0;
	v0 =	vunpack.c.0.s8.s32 v2  }
0x57: {  	v4 =	vcombine.low v22, v23;
	v22 =	vsel vm14, $0x400, v59;
	v1 =	vsel vm8, $0x1386, v1  }
0x58: {  	v23 =	vsel vm14, $0xC00, v60;
	v59 =	vsel vm12, $0x1882, v56;
	[tilespmem:$0x1FAE0] =	vst v0;
	v0 =	vsel vm7, $0x1407, v1  }
0x59: {  	v22 =	vsel vm13, $0x481, v22;
	v23 =	vsel vm13, $0xC81, v23;
	v0 =	vsel vm5, $0x1480, v0  }
0x5a: {  	v3 =	vimm.s32 $0x887;
	v22 =	vsel vm12, $0x502, v22;
	v0 =	vsel vm6, $0x1501, v0  }
0x5b: {  	v23 =	vsel vm12, $0xD02, v23;
	v3 =	vsel vm14, $0x900, v3;
	v0 =	vsel vm4, $0x1582, v0  }
0x5c: {  	v22 =	vsel vm11, $0x583, v22;
	v23 =	vsel vm11, $0xD83, v23;
	v0 =	vsel vm3, $0x1603, v0  }
0x5d: {  	v22 =	vsel vm10, $0x604, v22;
	v23 =	vsel vm10, $0xE04, v23;
	v0 =	vsel vm1, $0x1684, v0  }
0x5e: {  	v22 =	vsel vm9, $0x685, v22;
	v1 =	vimm.s32 $0x202F2E2D;
	v0 =	vsel vm2, $0x1705, v0  }
0x5f: {  	v23 =	vsel vm9, $0xE85, v23;
	v1 =	vunpack.c.0.s8.s32 v1;
	v0 =	vsel vm0, $0x1786, v0  }
0x60: {  	v22 =	vsel vm8, $0x706, v22;
	v2 =	vimm.s32 $0x1807;
	[tilespmem:$0x1F720] =	vst v0;
	v0 =	vimm.s32 $0x3C3B3A39  }
0x61: {  	v23 =	vsel vm8, $0xF06, v23;
	[tilespmem:$0x1FAF0] =	vst v1;
	v1 =	vsel vm14, $0x1880, v2;
	v0 =	vunpack.c.0.s8.s32 v0  }
0x62: {  	v22 =	vsel vm7, $0x787, v22;
	v2 =	vimm.s32 $0x24232221;
	v1 =	vsel vm13, $0x1901, v1  }
0x63: {  	v2 =	vunpack.c.0.s8.s32 v2;
	v1 =	vsel vm12, $0x1982, v1;
	[tilespmem:$0x1FB60] =	vst v0;
	v0 =	vimm.s32 $0x303F3E3D  }
0x64: {  	v23 =	vsel vm7, $0xF87, v23;
	v1 =	vsel vm11, $0x1A03, v1;
	v0 =	vunpack.c.0.s8.s32 v0  }
0x65: {  	v22 =	vsel vm5, $0x0, v22;
	[tilespmem:$0x1FB00] =	vst v2;
	v2 =	vimm.s32 $0x28272625;
	v1 =	vsel vm10, $0x1A84, v1  }
0x66: {  	v2 =	vunpack.c.0.s8.s32 v2;
	v1 =	vsel vm9, $0x1B05, v1;
	[tilespmem:$0x1FB70] =	vst v0;
	v0 =	vimm.s32 $0x34333231  }
0x67: {  	v23 =	vsel vm5, $0x800, v23;
	v1 =	vsel vm8, $0x1B86, v1;
	v0 =	vunpack.c.0.s8.s32 v0  }
0x68: {  	v22 =	vsel vm6, $0x81, v22;
	v23 =	vsel vm6, $0x881, v23;
	[tilespmem:$0x1FB10] =	vst v2;
	v1 =	vsel vm7, $0x1C07, v1  }
0x69: {  	v2 =	vimm.s32 $0x38373635;
	[tilespmem:$0x1FB80] =	vst v0;
	v0 =	vsel vm5, $0x1C80, v1;
	v1 =	vimm.s32 $0x87  }
0x6a: {  	v2 =	vunpack.c.0.s8.s32 v2;
	v0 =	vsel vm6, $0x1D01, v0;
	v1 =	vsel vm14, $0x100, v1  }
0x6b: {  	v22 =	vsel vm4, $0x102, v22;
	v0 =	vsel vm4, $0x1D82, v0;
	v1 =	vsel vm13, $0x181, v1  }
0x6c: {  	[tilespmem:$0x1FB90] =	vst v2;
	v2 =	vimm.s32 $0x10FEDCBA;
	v0 =	vsel vm3, $0x1E03, v0;
	v1 =	vsel vm12, $0x202, v1  }
0x6d: {  	v2 =	vunpack.c.l.s4.s8 v2;
	v0 =	vsel vm1, $0x1E84, v0;
	v1 =	vsel vm11, $0x283, v1  }
0x6e: {  	[tilespmem:$0x1F6F0] =	vst v4;
	v23 =	vsel vm4, $0x902, v23;
	v1 =	vsel vm10, $0x304, v1;
	v4 =	vsel vm2, $0x1F05, v0  }
0x6f: {  	v0 =	vunpack.c.0.s8.s32 v2;
	v2 =	vsel vm13, $0x981, v3;
	v3 =	vsel vm13, $0x1181, v62  }
0x70: {  	v62 =	vsel vm13, $0x1981, v5;
	v5 =	vsel vm13, $0x201, v6;
	v6 =	vsel vm13, $0xA01, v7  }
0x71: {  	v7 =	vsel vm13, $0x1201, v8;
	v8 =	vsel vm13, $0x1A01, v9;
	v9 =	vsel vm13, $0x281, v10  }
0x72: {  	v10 =	vsel vm13, $0xA81, v11;
	v11 =	vsel vm13, $0x1281, v12;
	v12 =	vsel vm13, $0x1A81, v13  }
0x73: {  	v13 =	vsel vm13, $0x301, v14;
	v14 =	vsel vm13, $0xB01, v15;
	v15 =	vsel vm13, $0x1301, v16  }
0x74: {  	v16 =	vsel vm13, $0x1B01, v17;
	v17 =	vsel vm13, $0x381, v18;
	v18 =	vsel vm13, $0xB81, v19  }
0x75: {  	v19 =	vsel vm13, $0x1381, v20;
	v20 =	vsel vm13, $0x1B81, v21;
	v21 =	vsel vm13, $0x401, v24  }
0x76: {  	v24 =	vsel vm13, $0xC01, v25;
	v25 =	vsel vm13, $0x1401, v26;
	v26 =	vsel vm13, $0x1C01, v27  }
0x77: {  	v27 =	vsel vm13, $0x1481, v28;
	v28 =	vsel vm13, $0x1C81, v29;
	v29 =	vsel vm13, $0x501, v30  }
0x78: {  	v30 =	vsel vm13, $0xD01, v31;
	v31 =	vsel vm13, $0x1501, v32;
	v32 =	vsel vm13, $0x1D01, v33  }
0x79: {  	v33 =	vsel vm13, $0x581, v34;
	v34 =	vsel vm13, $0xD81, v35;
	v35 =	vsel vm13, $0x1581, v36  }
0x7a: {  	v36 =	vsel vm13, $0x1D81, v37;
	v37 =	vsel vm13, $0x601, v38;
	v38 =	vsel vm13, $0xE01, v39  }
0x7b: {  	v39 =	vsel vm13, $0x1601, v40;
	v40 =	vsel vm13, $0x1E01, v41;
	v41 =	vsel vm13, $0x681, v42  }
0x7c: {  	v42 =	vsel vm13, $0xE81, v43;
	v43 =	vsel vm13, $0x1681, v44;
	v44 =	vsel vm13, $0x1E81, v45  }
0x7d: {  	v45 =	vsel vm13, $0x701, v46;
	v46 =	vsel vm13, $0xF01, v47;
	v47 =	vsel vm13, $0x1701, v48  }
0x7e: {  	v48 =	vsel vm13, $0x1F01, v49;
	v49 =	vsel vm13, $0x781, v50;
	v50 =	vsel vm13, $0xF81, v51  }
0x7f: {  	v51 =	vsel vm13, $0x1781, v52;
	v52 =	vsel vm13, $0x1F81, v53;
	v53 =	vsel vm13, $0x1, v54  }
0x80: {  	v54 =	vsel vm11, $0x1903, v59;
	v59 =	vimm.s32 $0x19181716;
	v1 =	vsel vm9, $0x385, v1  }
0x81: {  	v2 =	vsel vm12, $0xA02, v2;
	v54 =	vsel vm10, $0x1984, v54;
	v1 =	vsel vm8, $0x406, v1  }
0x82: {  	[tilespmem:$0x1F710] =	vst v58;
	v2 =	vsel vm11, $0xA83, v2;
	v60 =	vcombine.low v58, v0;
	v58 =	vsel vm0, $0x1F86, v4  }
0x83: {  	v4 =	vsel vm12, $0xA82, v6;
	v6 =	vsel vm12, $0x1A82, v8;
	v8 =	vsel vm12, $0xB02, v10  }
0x84: {  	v10 =	vsel vm12, $0x1B02, v12;
	v12 =	vsel vm12, $0xB82, v14;
	v14 =	vsel vm12, $0x1B82, v16  }
0x85: {  	v16 =	vsel vm12, $0xC02, v18;
	v18 =	vsel vm12, $0x1C02, v20;
	v20 =	vsel vm12, $0xC82, v24  }
0x86: {  	v24 =	vsel vm12, $0x1C82, v26;
	v26 =	vsel vm12, $0x1D02, v28;
	v28 =	vsel vm12, $0xD82, v30  }
0x87: {  	v30 =	vsel vm12, $0x1D82, v32;
	v32 =	vsel vm12, $0xE02, v34;
	v34 =	vsel vm12, $0x1E02, v36  }
0x88: {  	v36 =	vsel vm12, $0xE82, v38;
	v38 =	vsel vm12, $0x1E82, v40;
	v40 =	vsel vm12, $0xF02, v42  }
0x89: {  	v42 =	vsel vm12, $0x1F02, v44;
	v44 =	vsel vm12, $0xF82, v46;
	v46 =	vsel vm12, $0x1F82, v48  }
0x8a: {  	v48 =	vsel vm12, $0x802, v50;
	v50 =	vsel vm12, $0x1802, v52;
	v52 =	vsel vm11, $0x903, v61  }
0x8b: {  	v61 =	vimm.s32 $0x11101F1E;
	v54 =	vsel vm9, $0x1A05, v54;
	v1 =	vsel vm7, $0x487, v1  }
0x8c: {  	v4 =	vsel vm11, $0xB03, v4;
	v6 =	vsel vm11, $0x1B03, v6;
	v8 =	vsel vm11, $0xB83, v8  }
0x8d: {  	v10 =	vsel vm11, $0x1B83, v10;
	v12 =	vsel vm11, $0xC03, v12;
	v14 =	vsel vm11, $0x1C03, v14  }
0x8e: {  	v16 =	vsel vm11, $0xC83, v16;
	v18 =	vsel vm11, $0x1C83, v18;
	v20 =	vsel vm11, $0xD03, v20  }
0x8f: {  	v24 =	vsel vm11, $0x1D03, v24;
	v26 =	vsel vm11, $0x1D83, v26;
	v28 =	vsel vm11, $0xE03, v28  }
0x90: {  	v30 =	vsel vm11, $0x1E03, v30;
	v32 =	vsel vm11, $0xE83, v32;
	v34 =	vsel vm11, $0x1E83, v34  }
0x91: {  	v36 =	vsel vm11, $0xF03, v36;
	v38 =	vsel vm11, $0x1F03, v38;
	v40 =	vsel vm11, $0xF83, v40  }
0x92: {  	v42 =	vsel vm11, $0x1F83, v42;
	v44 =	vsel vm11, $0x803, v44;
	v46 =	vsel vm11, $0x1803, v46  }
0x93: {  	v48 =	vsel vm11, $0x883, v48;
	v50 =	vsel vm11, $0x1883, v50;
	v52 =	vsel vm10, $0x984, v52  }
0x94: {  	v54 =	vsel vm8, $0x1A86, v54;
	v1 =	vsel vm5, $0x500, v1;
	v4 =	vsel vm10, $0xB84, v4  }
0x95: {  	v6 =	vsel vm10, $0x1B84, v6;
	v8 =	vsel vm10, $0xC04, v8;
	v10 =	vsel vm10, $0x1C04, v10  }
0x96: {  	v12 =	vsel vm10, $0xC84, v12;
	v14 =	vsel vm10, $0x1C84, v14;
	v16 =	vsel vm10, $0xD04, v16  }
0x97: {  	v18 =	vsel vm10, $0x1D04, v18;
	v20 =	vsel vm10, $0xD84, v20;
	v24 =	vsel vm10, $0x1D84, v24  }
0x98: {  	v26 =	vsel vm10, $0x1E04, v26;
	v28 =	vsel vm10, $0xE84, v28;
	v30 =	vsel vm10, $0x1E84, v30  }
0x99: {  	v32 =	vsel vm10, $0xF04, v32;
	v34 =	vsel vm10, $0x1F04, v34;
	v36 =	vsel vm10, $0xF84, v36  }
0x9a: {  	v38 =	vsel vm10, $0x1F84, v38;
	v40 =	vsel vm10, $0x804, v40;
	v42 =	vsel vm10, $0x1804, v42  }
0x9b: {  	v44 =	vsel vm10, $0x884, v44;
	v46 =	vsel vm10, $0x1884, v46;
	v48 =	vsel vm10, $0x904, v48  }
0x9c: {  	[tilespmem:$0x1F700] =	vst v0;
	v50 =	vsel vm10, $0x1904, v50;
	v52 =	vsel vm9, $0xA05, v52;
	v0 =	vsel vm6, $0x581, v1  }
0x9d: {  	v1 =	vsel vm10, $0xB04, v2;
	v2 =	vand.u32 $0xF, v60;
	v60 =	vimm.s32 $0x1D1C1B1A  }
0x9e: {  	v4 =	vsel vm9, $0xC05, v4;
	v6 =	vsel vm9, $0x1C05, v6;
	v8 =	vsel vm9, $0xC85, v8  }
0x9f: {  	v10 =	vsel vm9, $0x1C85, v10;
	v12 =	vsel vm9, $0xD05, v12;
	v14 =	vsel vm9, $0x1D05, v14  }
0xa0: {  	v16 =	vsel vm9, $0xD85, v16;
	v18 =	vsel vm9, $0x1D85, v18;
	v20 =	vsel vm9, $0xE05, v20  }
0xa1: {  	v24 =	vsel vm9, $0x1E05, v24;
	v26 =	vsel vm9, $0x1E85, v26;
	v28 =	vsel vm9, $0xF05, v28  }
0xa2: {  	v30 =	vsel vm9, $0x1F05, v30;
	v32 =	vsel vm9, $0xF85, v32;
	v34 =	vsel vm9, $0x1F85, v34  }
0xa3: {  	v36 =	vsel vm9, $0x805, v36;
	v38 =	vsel vm9, $0x1805, v38;
	v40 =	vsel vm9, $0x885, v40  }
0xa4: {  	v42 =	vsel vm9, $0x1885, v42;
	v44 =	vsel vm9, $0x905, v44;
	v46 =	vsel vm9, $0x1905, v46  }
0xa5: {  	v48 =	vsel vm9, $0x985, v48;
	v50 =	vsel vm9, $0x1985, v50;
	v52 =	vsel vm8, $0xA86, v52  }
0xa6: {  	[tilespmem:$0x1FCF0] =	vst v2;
	v0 =	vsel vm4, $0x602, v0;
	v1 =	vsel vm9, $0xB85, v1;
	v2 =	vsel vm12, $0x1202, v3  }
0xa7: {  	v3 =	vsel vm12, $0x282, v5;
	v5 =	vsel vm12, $0x1282, v7;
	v7 =	vsel vm12, $0x302, v9  }
0xa8: {  	v9 =	vsel vm12, $0x1302, v11;
	v11 =	vsel vm12, $0x382, v13;
	v13 =	vsel vm12, $0x1382, v15  }
0xa9: {  	v15 =	vsel vm12, $0x402, v17;
	v17 =	vsel vm12, $0x1402, v19;
	v19 =	vsel vm12, $0x482, v21  }
0xaa: {  	v21 =	vsel vm12, $0x1482, v25;
	v25 =	vsel vm12, $0x1502, v27;
	v27 =	vsel vm12, $0x582, v29  }
0xab: {  	v29 =	vsel vm12, $0x1582, v31;
	v31 =	vsel vm12, $0x602, v33;
	v33 =	vsel vm12, $0x1602, v35  }
0xac: {  	v35 =	vsel vm12, $0x682, v37;
	v37 =	vsel vm12, $0x1682, v39;
	v39 =	vsel vm12, $0x702, v41  }
0xad: {  	v41 =	vsel vm12, $0x1702, v43;
	v43 =	vsel vm12, $0x782, v45;
	v45 =	vsel vm12, $0x1782, v47  }
0xae: {  	v47 =	vsel vm12, $0x2, v49;
	v49 =	vsel vm12, $0x1002, v51;
	v51 =	vsel vm12, $0x82, v53  }
0xaf: {  	v4 =	vsel vm8, $0xC86, v4;
	v6 =	vsel vm8, $0x1C86, v6;
	v8 =	vsel vm8, $0xD06, v8  }
0xb0: {  	v10 =	vsel vm8, $0x1D06, v10;
	v12 =	vsel vm8, $0xD86, v12;
	v14 =	vsel vm8, $0x1D86, v14  }
0xb1: {  	v16 =	vsel vm8, $0xE06, v16;
	v18 =	vsel vm8, $0x1E06, v18;
	v20 =	vsel vm8, $0xE86, v20  }
0xb2: {  	v24 =	vsel vm8, $0x1E86, v24;
	v26 =	vsel vm8, $0x1F06, v26;
	v28 =	vsel vm8, $0xF86, v28  }
0xb3: {  	v30 =	vsel vm8, $0x1F86, v30;
	v32 =	vsel vm8, $0x806, v32;
	v34 =	vsel vm8, $0x1806, v34  }
0xb4: {  	v36 =	vsel vm8, $0x886, v36;
	v38 =	vsel vm8, $0x1886, v38;
	v40 =	vsel vm8, $0x906, v40  }
0xb5: {  	v42 =	vsel vm8, $0x1906, v42;
	v44 =	vsel vm8, $0x986, v44;
	v46 =	vsel vm8, $0x1986, v46  }
0xb6: {  	v48 =	vsel vm8, $0xA06, v48;
	v50 =	vsel vm8, $0x1A06, v50;
	v0 =	vsel vm3, $0x683, v0  }
0xb7: {  	v1 =	vsel vm8, $0xC06, v1;
	v2 =	vsel vm11, $0x1283, v2;
	v3 =	vsel vm11, $0x303, v3  }
0xb8: {  	v5 =	vsel vm11, $0x1303, v5;
	v7 =	vsel vm11, $0x383, v7;
	v9 =	vsel vm11, $0x1383, v9  }
0xb9: {  	v11 =	vsel vm11, $0x403, v11;
	v13 =	vsel vm11, $0x1403, v13;
	v15 =	vsel vm11, $0x483, v15  }
0xba: {  	v17 =	vsel vm11, $0x1483, v17;
	v19 =	vsel vm11, $0x503, v19;
	v21 =	vsel vm11, $0x1503, v21  }
0xbb: {  	v25 =	vsel vm11, $0x1583, v25;
	v27 =	vsel vm11, $0x603, v27;
	v29 =	vsel vm11, $0x1603, v29  }
0xbc: {  	v31 =	vsel vm11, $0x683, v31;
	v33 =	vsel vm11, $0x1683, v33;
	v35 =	vsel vm11, $0x703, v35  }
0xbd: {  	v37 =	vsel vm11, $0x1703, v37;
	v39 =	vsel vm11, $0x783, v39;
	v41 =	vsel vm11, $0x1783, v41  }
0xbe: {  	v43 =	vsel vm11, $0x3, v43;
	v45 =	vsel vm11, $0x1003, v45;
	v47 =	vsel vm11, $0x83, v47  }
0xbf: {  	v49 =	vsel vm11, $0x1083, v49;
	v51 =	vsel vm11, $0x103, v51;
	v0 =	vsel vm1, $0x704, v0  }
0xc0: {  	v1 =	vsel vm7, $0xC87, v1;
	v2 =	vsel vm10, $0x1304, v2;
	v3 =	vsel vm10, $0x384, v3  }
0xc1: {  	v5 =	vsel vm10, $0x1384, v5;
	v7 =	vsel vm10, $0x404, v7;
	v9 =	vsel vm10, $0x1404, v9  }
0xc2: {  	v11 =	vsel vm10, $0x484, v11;
	v13 =	vsel vm10, $0x1484, v13;
	v15 =	vsel vm10, $0x504, v15  }
0xc3: {  	v17 =	vsel vm10, $0x1504, v17;
	v19 =	vsel vm10, $0x584, v19;
	v21 =	vsel vm10, $0x1584, v21  }
0xc4: {  	v25 =	vsel vm10, $0x1604, v25;
	v27 =	vsel vm10, $0x684, v27;
	v29 =	vsel vm10, $0x1684, v29  }
0xc5: {  	v31 =	vsel vm10, $0x704, v31;
	v33 =	vsel vm10, $0x1704, v33;
	v35 =	vsel vm10, $0x784, v35  }
0xc6: {  	v37 =	vsel vm10, $0x1784, v37;
	v39 =	vsel vm10, $0x4, v39;
	v41 =	vsel vm10, $0x1004, v41  }
0xc7: {  	v43 =	vsel vm10, $0x84, v43;
	v45 =	vsel vm10, $0x1084, v45;
	v47 =	vsel vm10, $0x104, v47  }
0xc8: {  	v49 =	vsel vm10, $0x1104, v49;
	v51 =	vsel vm10, $0x184, v51;
	v0 =	vsel vm2, $0x785, v0  }
0xc9: {  	v1 =	vsel vm5, $0xD00, v1;
	v3 =	vsel vm9, $0x405, v3;
	v5 =	vsel vm9, $0x1405, v5  }
0xca: {  	v7 =	vsel vm9, $0x485, v7;
	v9 =	vsel vm9, $0x1485, v9;
	v11 =	vsel vm9, $0x505, v11  }
0xcb: {  	v13 =	vsel vm9, $0x1505, v13;
	v15 =	vsel vm9, $0x585, v15;
	v17 =	vsel vm9, $0x1585, v17  }
0xcc: {  	v19 =	vsel vm9, $0x605, v19;
	v21 =	vsel vm9, $0x1605, v21;
	v25 =	vsel vm9, $0x1685, v25  }
0xcd: {  	v27 =	vsel vm9, $0x705, v27;
	v29 =	vsel vm9, $0x1705, v29;
	v31 =	vsel vm9, $0x785, v31  }
0xce: {  	v33 =	vsel vm9, $0x1785, v33;
	v35 =	vsel vm9, $0x5, v35;
	v37 =	vsel vm9, $0x1005, v37  }
0xcf: {  	v39 =	vsel vm9, $0x85, v39;
	v41 =	vsel vm9, $0x1085, v41;
	v43 =	vsel vm9, $0x105, v43  }
0xd0: {  	v45 =	vsel vm9, $0x1105, v45;
	v47 =	vsel vm9, $0x185, v47;
	v49 =	vsel vm9, $0x1185, v49  }
0xd1: {  	v51 =	vsel vm9, $0x205, v51;
	v57 =	vsel vm0, $0x6, v0;
	v0 =	vsel vm6, $0xD81, v1  }
0xd2: {  	v1 =	vsel vm9, $0x1385, v2;
	v2 =	vsel vm12, $0x1A02, v62;
	v62 =	vsel vm12, $0x1082, v55  }
0xd3: {  	v55 =	vunpack.c.0.s8.s32 v60;
	v3 =	vsel vm8, $0x486, v3;
	v5 =	vsel vm8, $0x1486, v5  }
0xd4: {  	v7 =	vsel vm8, $0x506, v7;
	v9 =	vsel vm8, $0x1506, v9;
	v11 =	vsel vm8, $0x586, v11  }
0xd5: {  	v13 =	vsel vm8, $0x1586, v13;
	v15 =	vsel vm8, $0x606, v15;
	v17 =	vsel vm8, $0x1606, v17  }
0xd6: {  	v19 =	vsel vm8, $0x686, v19;
	v21 =	vsel vm8, $0x1686, v21;
	v25 =	vsel vm8, $0x1706, v25  }
0xd7: {  	v27 =	vsel vm8, $0x786, v27;
	v29 =	vsel vm8, $0x1786, v29;
	v31 =	vsel vm8, $0x6, v31  }
0xd8: {  	v33 =	vsel vm8, $0x1006, v33;
	v35 =	vsel vm8, $0x86, v35;
	v37 =	vsel vm8, $0x1086, v37  }
0xd9: {  	v39 =	vsel vm8, $0x106, v39;
	v41 =	vsel vm8, $0x1106, v41;
	v43 =	vsel vm8, $0x186, v43  }
0xda: {  	v45 =	vsel vm8, $0x1186, v45;
	v47 =	vsel vm8, $0x206, v47;
	v49 =	vsel vm8, $0x1206, v49  }
0xdb: {  	v51 =	vsel vm8, $0x286, v51;
	v60 =	vimm.s32 $0x2D2C2B2A;
	v0 =	vsel vm4, $0xE02, v0  }
0xdc: {  	v1 =	vsel vm8, $0x1406, v1;
	v2 =	vsel vm11, $0x1A83, v2;
	v53 =	vsel vm11, $0x1103, v62  }
0xdd: {  	v62 =	vimm.s32 $0x15141312;
	[tilespmem:$0x1FBA0] =	vst v55;
	v55 =	vunpack.c.0.s8.s32 v61;
	v0 =	vsel vm3, $0xE83, v0  }
0xde: {  	v1 =	vsel vm7, $0x1487, v1;
	v2 =	vsel vm10, $0x1B04, v2;
	v53 =	vsel vm10, $0x1184, v53  }
0xdf: {  	v61 =	vsel vm7, $0xB07, v52;
	v0 =	vsel vm1, $0xF04, v0;
	v1 =	vsel vm5, $0x1500, v1  }
0xe0: {  	v2 =	vsel vm9, $0x1B85, v2;
	v53 =	vsel vm9, $0x1205, v53;
	[tilespmem:$0x1FBB0] =	vst v55;
	v55 =	vunpack.c.0.s8.s32 v62  }
0xe1: {  	v0 =	vsel vm2, $0xF85, v0;
	v1 =	vsel vm6, $0x1581, v1;
	v53 =	vsel vm8, $0x1286, v53  }
0xe2: {  	v2 =	vsel vm8, $0x1C06, v2;
	v0 =	vsel vm0, $0x806, v0;
	v62 =	vsel vm7, $0x1307, v53;
	[tilespmem:$0x1FBC0] =	vst v55  }
0xe3: {  	v55 =	vunpack.c.0.s8.s32 v59;
	[tilespmem:$0x1FBE0] =	vst v0;
	v0 =	vunpack.c.0.s8.s32 v60;
	v59 =	vsel vm7, $0x1B07, v54  }
0xe4: {  	v60 =	vimm.s32 $0x21202F2E;
	v52 =	vsel vm5, $0x1380, v62;
	v62 =	vimm.s32 $0x29282726  }
0xe5: {  	v54 =	vunpack.c.0.s8.s32 v60;
	v52 =	vsel vm6, $0x1401, v52;
	v53 =	vsel vm5, $0x1B80, v59  }
0xe6: {  	v59 =	vunpack.c.0.s8.s32 v62;
	v60 =	vimm.s32 $0x3D3C3B3A;
	[tilespmem:$0x1FC30] =	vst v0;
	v0 =	vsel vm4, $0x1602, v1  }
0xe7: {  	v1 =	vsel vm7, $0x1C87, v2;
	v2 =	vsel vm7, $0x507, v3;
	v3 =	vsel vm7, $0xD07, v4  }
0xe8: {  	v4 =	vsel vm7, $0x1507, v5;
	v5 =	vsel vm7, $0x1D07, v6;
	v6 =	vsel vm7, $0x587, v7  }
0xe9: {  	v7 =	vsel vm7, $0xD87, v8;
	v8 =	vsel vm7, $0x1587, v9;
	v9 =	vsel vm7, $0x1D87, v10  }
0xea: {  	v10 =	vsel vm7, $0x607, v11;
	v11 =	vsel vm7, $0xE07, v12;
	v12 =	vsel vm7, $0x1607, v13  }
0xeb: {  	v13 =	vsel vm7, $0x1E07, v14;
	v14 =	vsel vm7, $0x687, v15;
	v15 =	vsel vm7, $0xE87, v16  }
0xec: {  	v16 =	vsel vm7, $0x1687, v17;
	v17 =	vsel vm7, $0x1E87, v18;
	v18 =	vsel vm7, $0x707, v19  }
0xed: {  	v19 =	vsel vm7, $0xF07, v20;
	v20 =	vsel vm7, $0x1707, v21;
	v21 =	vsel vm7, $0x1F07, v24  }
0xee: {  	v24 =	vsel vm7, $0x1787, v25;
	v25 =	vsel vm7, $0x1F87, v26;
	v26 =	vsel vm7, $0x7, v27  }
0xef: {  	v27 =	vsel vm7, $0x807, v28;
	v28 =	vsel vm7, $0x1007, v29;
	v29 =	vsel vm7, $0x1807, v30  }
0xf0: {  	v30 =	vsel vm7, $0x87, v31;
	v31 =	vsel vm7, $0x887, v32;
	v32 =	vsel vm7, $0x1087, v33  }
0xf1: {  	v33 =	vsel vm7, $0x1887, v34;
	v34 =	vsel vm7, $0x107, v35;
	v35 =	vsel vm7, $0x907, v36  }
0xf2: {  	v36 =	vsel vm7, $0x1107, v37;
	v37 =	vsel vm7, $0x1907, v38;
	v38 =	vsel vm7, $0x187, v39  }
0xf3: {  	v39 =	vsel vm7, $0x987, v40;
	v40 =	vsel vm7, $0x1187, v41;
	v41 =	vsel vm7, $0x1987, v42  }
0xf4: {  	v42 =	vsel vm7, $0x207, v43;
	v43 =	vsel vm7, $0xA07, v44;
	v44 =	vsel vm7, $0x1207, v45  }
0xf5: {  	v45 =	vsel vm7, $0x1A07, v46;
	v46 =	vsel vm7, $0x287, v47;
	v47 =	vsel vm7, $0xA87, v48  }
0xf6: {  	v48 =	vsel vm7, $0x1287, v49;
	v49 =	vsel vm7, $0x1A87, v50;
	v50 =	vsel vm7, $0x307, v51  }
0xf7: {  	v51 =	vsel vm5, $0xB80, v61;
	v53 =	vsel vm6, $0x1C01, v53;
	v61 =	vimm.s32 $0x25242322  }
0xf8: {  	v52 =	vsel vm4, $0x1482, v52;
	v0 =	vsel vm3, $0x1683, v0;
	v1 =	vsel vm5, $0x1D00, v1  }
0xf9: {  	v2 =	vsel vm5, $0x580, v2;
	v3 =	vsel vm5, $0xD80, v3;
	v4 =	vsel vm5, $0x1580, v4  }
0xfa: {  	v5 =	vsel vm5, $0x1D80, v5;
	v6 =	vsel vm5, $0x600, v6;
	v7 =	vsel vm5, $0xE00, v7  }
0xfb: {  	v8 =	vsel vm5, $0x1600, v8;
	v9 =	vsel vm5, $0x1E00, v9;
	v10 =	vsel vm5, $0x680, v10  }
0xfc: {  	v11 =	vsel vm5, $0xE80, v11;
	v12 =	vsel vm5, $0x1680, v12;
	v13 =	vsel vm5, $0x1E80, v13  }
0xfd: {  	v14 =	vsel vm5, $0x700, v14;
	v15 =	vsel vm5, $0xF00, v15;
	v16 =	vsel vm5, $0x1700, v16  }
0xfe: {  	v17 =	vsel vm5, $0x1F00, v17;
	v18 =	vsel vm5, $0x780, v18;
	v19 =	vsel vm5, $0xF80, v19  }
0xff: {  	v20 =	vsel vm5, $0x1780, v20;
	v21 =	vsel vm5, $0x1F80, v21;
	v24 =	vsel vm5, $0x1000, v24  }
0x100: {  	v25 =	vsel vm5, $0x1800, v25;
	v26 =	vsel vm5, $0x80, v26;
	v27 =	vsel vm5, $0x880, v27  }
0x101: {  	v28 =	vsel vm5, $0x1080, v28;
	v29 =	vsel vm5, $0x1880, v29;
	v30 =	vsel vm5, $0x100, v30  }
0x102: {  	v31 =	vsel vm5, $0x900, v31;
	v32 =	vsel vm5, $0x1100, v32;
	v33 =	vsel vm5, $0x1900, v33  }
0x103: {  	v34 =	vsel vm5, $0x180, v34;
	v35 =	vsel vm5, $0x980, v35;
	v36 =	vsel vm5, $0x1180, v36  }
0x104: {  	v37 =	vsel vm5, $0x1980, v37;
	v38 =	vsel vm5, $0x200, v38;
	v39 =	vsel vm5, $0xA00, v39  }
0x105: {  	v40 =	vsel vm5, $0x1200, v40;
	v41 =	vsel vm5, $0x1A00, v41;
	v42 =	vsel vm5, $0x280, v42  }
0x106: {  	v43 =	vsel vm5, $0xA80, v43;
	v44 =	vsel vm5, $0x1280, v44;
	v45 =	vsel vm5, $0x1A80, v45  }
0x107: {  	v46 =	vsel vm5, $0x300, v46;
	v47 =	vsel vm5, $0xB00, v47;
	v48 =	vsel vm5, $0x1300, v48  }
0x108: {  	v49 =	vsel vm5, $0x1B00, v49;
	v50 =	vsel vm5, $0x380, v50;
	v51 =	vsel vm6, $0xC01, v51  }
0x109: {  	[tilespmem:$0x1FC40] =	vst v54;
	v54 =	vunpack.c.0.s8.s32 v61;
	v53 =	vsel vm4, $0x1C82, v53;
	v0 =	vsel vm1, $0x1704, v0  }
0x10a: {  	v1 =	vsel vm6, $0x1D81, v1;
	v2 =	vsel vm6, $0x601, v2;
	v3 =	vsel vm6, $0xE01, v3  }
0x10b: {  	v4 =	vsel vm6, $0x1601, v4;
	v5 =	vsel vm6, $0x1E01, v5;
	v6 =	vsel vm6, $0x681, v6  }
0x10c: {  	v7 =	vsel vm6, $0xE81, v7;
	v8 =	vsel vm6, $0x1681, v8;
	v9 =	vsel vm6, $0x1E81, v9  }
0x10d: {  	v10 =	vsel vm6, $0x701, v10;
	v11 =	vsel vm6, $0xF01, v11;
	v12 =	vsel vm6, $0x1701, v12  }
0x10e: {  	v13 =	vsel vm6, $0x1F01, v13;
	v14 =	vsel vm6, $0x781, v14;
	v15 =	vsel vm6, $0xF81, v15  }
0x10f: {  	v16 =	vsel vm6, $0x1781, v16;
	v17 =	vsel vm6, $0x1F81, v17;
	v18 =	vsel vm6, $0x1, v18  }
0x110: {  	v19 =	vsel vm6, $0x801, v19;
	v20 =	vsel vm6, $0x1001, v20;
	v21 =	vsel vm6, $0x1801, v21  }
0x111: {  	v24 =	vsel vm6, $0x1081, v24;
	v25 =	vsel vm6, $0x1881, v25;
	v26 =	vsel vm6, $0x101, v26  }
0x112: {  	v27 =	vsel vm6, $0x901, v27;
	v28 =	vsel vm6, $0x1101, v28;
	v29 =	vsel vm6, $0x1901, v29  }
0x113: {  	v30 =	vsel vm6, $0x181, v30;
	v31 =	vsel vm6, $0x981, v31;
	v32 =	vsel vm6, $0x1181, v32  }
0x114: {  	v33 =	vsel vm6, $0x1981, v33;
	v34 =	vsel vm6, $0x201, v34;
	v35 =	vsel vm6, $0xA01, v35  }
0x115: {  	v36 =	vsel vm6, $0x1201, v36;
	v37 =	vsel vm6, $0x1A01, v37;
	v38 =	vsel vm6, $0x281, v38  }
0x116: {  	v39 =	vsel vm6, $0xA81, v39;
	v40 =	vsel vm6, $0x1281, v40;
	v41 =	vsel vm6, $0x1A81, v41  }
0x117: {  	v42 =	vsel vm6, $0x301, v42;
	v43 =	vsel vm6, $0xB01, v43;
	v44 =	vsel vm6, $0x1301, v44  }
0x118: {  	v45 =	vsel vm6, $0x1B01, v45;
	v46 =	vsel vm6, $0x381, v46;
	v47 =	vsel vm6, $0xB81, v47  }
0x119: {  	v48 =	vsel vm6, $0x1381, v48;
	v49 =	vsel vm6, $0x1B81, v49;
	v50 =	vsel vm6, $0x401, v50  }
0x11a: {  	v51 =	vsel vm4, $0xC82, v51;
	v0 =	vsel vm2, $0x1785, v0;
	v1 =	vsel vm4, $0x1E02, v1  }
0x11b: {  	v2 =	vsel vm4, $0x682, v2;
	v3 =	vsel vm4, $0xE82, v3;
	v4 =	vsel vm4, $0x1682, v4  }
0x11c: {  	v5 =	vsel vm4, $0x1E82, v5;
	v6 =	vsel vm4, $0x702, v6;
	v7 =	vsel vm4, $0xF02, v7  }
0x11d: {  	v8 =	vsel vm4, $0x1702, v8;
	v9 =	vsel vm4, $0x1F02, v9;
	v10 =	vsel vm4, $0x782, v10  }
0x11e: {  	v11 =	vsel vm4, $0xF82, v11;
	v12 =	vsel vm4, $0x1782, v12;
	v13 =	vsel vm4, $0x1F82, v13  }
0x11f: {  	v14 =	vsel vm4, $0x2, v14;
	v15 =	vsel vm4, $0x802, v15;
	v16 =	vsel vm4, $0x1002, v16  }
0x120: {  	v17 =	vsel vm4, $0x1802, v17;
	v18 =	vsel vm4, $0x82, v18;
	v19 =	vsel vm4, $0x882, v19  }
0x121: {  	v20 =	vsel vm4, $0x1082, v20;
	v21 =	vsel vm4, $0x1882, v21;
	v24 =	vsel vm4, $0x1102, v24  }
0x122: {  	v25 =	vsel vm4, $0x1902, v25;
	v26 =	vsel vm4, $0x182, v26;
	v27 =	vsel vm4, $0x982, v27  }
0x123: {  	v28 =	vsel vm4, $0x1182, v28;
	v29 =	vsel vm4, $0x1982, v29;
	v30 =	vsel vm4, $0x202, v30  }
0x124: {  	v31 =	vsel vm4, $0xA02, v31;
	v32 =	vsel vm4, $0x1202, v32;
	v33 =	vsel vm4, $0x1A02, v33  }
0x125: {  	v34 =	vsel vm4, $0x282, v34;
	v35 =	vsel vm4, $0xA82, v35;
	v36 =	vsel vm4, $0x1282, v36  }
0x126: {  	v37 =	vsel vm4, $0x1A82, v37;
	v38 =	vsel vm4, $0x302, v38;
	v39 =	vsel vm4, $0xB02, v39  }
0x127: {  	v40 =	vsel vm4, $0x1302, v40;
	v41 =	vsel vm4, $0x1B02, v41;
	v42 =	vsel vm4, $0x382, v42  }
0x128: {  	v43 =	vsel vm4, $0xB82, v43;
	v44 =	vsel vm4, $0x1382, v44;
	v45 =	vsel vm4, $0x1B82, v45  }
0x129: {  	v46 =	vsel vm4, $0x402, v46;
	v47 =	vsel vm4, $0xC02, v47;
	v48 =	vsel vm4, $0x1402, v48  }
0x12a: {  	[tilespmem:$0x1FBD0] =	vst v55;
	v49 =	vsel vm4, $0x1C02, v49;
	v50 =	vsel vm4, $0x482, v50;
	v55 =	vsel vm0, $0x1006, v0  }
0x12b: {  	v0 =	vunpack.c.0.s8.s32 v60;
	v61 =	vsel vm3, $0x1303, v36;
	v62 =	vsel vm3, $0x1B03, v37  }
0x12c: {  	v37 =	vsel vm3, $0x383, v38;
	v38 =	vsel vm3, $0xB83, v39;
	v39 =	vsel vm3, $0x1383, v40  }
0x12d: {  	v40 =	vsel vm3, $0x1B83, v41;
	v41 =	vsel vm3, $0x403, v42;
	v42 =	vsel vm3, $0xC03, v43  }
0x12e: {  	v43 =	vsel vm3, $0x1403, v44;
	v44 =	vsel vm3, $0x1C03, v45;
	v45 =	vsel vm3, $0x483, v46  }
0x12f: {  	v46 =	vsel vm3, $0xC83, v47;
	v47 =	vsel vm3, $0x1483, v48;
	v48 =	vsel vm3, $0x1C83, v49  }
0x130: {  	v49 =	vsel vm3, $0x503, v50;
	v50 =	vsel vm3, $0xD03, v51;
	v60 =	vimm.s32 $0x31303F3E  }
0x131: {  	v51 =	vsel vm3, $0x1503, v52;
	v52 =	vsel vm3, $0x1D03, v53;
	v53 =	vunpack.c.0.s8.s32 v60  }
0x132: {  	v36 =	vsel vm1, $0x1B84, v62;
	v37 =	vsel vm1, $0x404, v37;
	v40 =	vsel vm1, $0x1C04, v40  }
0x133: {  	v41 =	vsel vm1, $0x484, v41;
	v42 =	vsel vm1, $0xC84, v42;
	v44 =	vsel vm1, $0x1C84, v44  }
0x134: {  	v62 =	vimm.s32 $0xA9876543;
	[tilespmem:$0x1FC70] =	vst v0;
	v0 =	vsel vm3, $0x1E83, v1;
	v1 =	vsel vm3, $0x703, v2  }
0x135: {  	v2 =	vsel vm3, $0xF03, v3;
	v3 =	vsel vm3, $0x1703, v4;
	v4 =	vsel vm3, $0x1F03, v5  }
0x136: {  	v5 =	vsel vm3, $0x783, v6;
	v6 =	vsel vm3, $0xF83, v7;
	v7 =	vsel vm3, $0x1783, v8  }
0x137: {  	v8 =	vsel vm3, $0x1F83, v9;
	v9 =	vsel vm3, $0x3, v10;
	v10 =	vsel vm3, $0x803, v11  }
0x138: {  	v11 =	vsel vm3, $0x1003, v12;
	v12 =	vsel vm3, $0x1803, v13;
	v13 =	vsel vm3, $0x83, v14  }
0x139: {  	v14 =	vsel vm3, $0x883, v15;
	v15 =	vsel vm3, $0x1083, v16;
	v16 =	vsel vm3, $0x1883, v17  }
0x13a: {  	v17 =	vsel vm3, $0x103, v18;
	v18 =	vsel vm3, $0x903, v19;
	v19 =	vsel vm3, $0x1103, v20  }
0x13b: {  	v20 =	vsel vm3, $0x1903, v21;
	v21 =	vsel vm3, $0x183, v22;
	v22 =	vsel vm3, $0x983, v23  }
0x13c: {  	v23 =	vsel vm3, $0x1183, v24;
	v24 =	vsel vm3, $0x1983, v25;
	v25 =	vsel vm3, $0x203, v26  }
0x13d: {  	v26 =	vsel vm3, $0xA03, v27;
	v27 =	vsel vm3, $0x1203, v28;
	v28 =	vsel vm3, $0x1A03, v29  }
0x13e: {  	v29 =	vsel vm3, $0x283, v30;
	v30 =	vsel vm3, $0xA83, v31;
	v31 =	vsel vm3, $0x1283, v32  }
0x13f: {  	v32 =	vsel vm3, $0x1A83, v33;
	v33 =	vsel vm3, $0x303, v34;
	v34 =	vsel vm3, $0xB03, v35  }
0x140: {  	[tilespmem:$0x1FC60] =	vst v59;
	v35 =	vsel vm1, $0x1384, v61;
	v59 =	vsel vm2, $0x485, v37;
	v37 =	vsel vm2, $0x1C85, v40  }
0x141: {  	v61 =	vimm.s32 $0x210FEDCB;
	v0 =	vsel vm1, $0x1F04, v0;
	v1 =	vsel vm1, $0x784, v1  }
0x142: {  	v6 =	vsel vm1, $0x804, v6;
	v7 =	vsel vm1, $0x1004, v7;
	v9 =	vsel vm1, $0x84, v9  }
0x143: {  	v10 =	vsel vm1, $0x884, v10;
	v11 =	vsel vm1, $0x1084, v11;
	v12 =	vsel vm1, $0x1884, v12  }
0x144: {  	v0 =	vsel vm2, $0x1F85, v0;
	v56 =	vsel vm2, $0x5, v1;
	v6 =	vsel vm2, $0x885, v6  }
0x145: {  	v7 =	vsel vm2, $0x1085, v7;
	v9 =	vsel vm2, $0x105, v9;
	v10 =	vsel vm2, $0x905, v10  }
0x146: {  	[tilespmem:$0x1FC80] =	vst v53;
	v1 =	vsel vm2, $0x1D05, v44;
	v44 =	vsel vm0, $0x1806, v0;
	v6 =	vsel vm0, $0x906, v6  }
0x147: {  	v0 =	vunpack.c.l.s4.s8 v61;
	[tilespmem:$0x1F730] =	vst v6;
	v6 =	vsel vm0, $0x1106, v7;
	v7 =	vsel vm0, $0x186, v9  }
0x148: {  	v17 =	vsel vm1, $0x184, v17;
	v11 =	vsel vm2, $0x1105, v11;
	[tilespmem:$0x1F750] =	vst v7;
	v7 =	vsel vm0, $0x986, v10  }
0x149: {  	v18 =	vsel vm1, $0x984, v18;
	v0 =	vunpack.c.0.s8.s32 v0;
	[tilespmem:$0x1F760] =	vst v7;
	v7 =	vsel vm0, $0x1186, v11  }
0x14a: {  	v53 =	vunpack.c.l.s4.s8 v62;
	v12 =	vsel vm2, $0x1905, v12;
	v17 =	vsel vm2, $0x205, v17;
	[tilespmem:$0x1F770] =	vst v7  }
0x14b: {  	v18 =	vsel vm2, $0xA05, v18;
	v7 =	vsel vm0, $0x1986, v12;
	v12 =	vsel vm0, $0x286, v17;
	[tilespmem:$0x1F870] =	vst v0  }
0x14c: {  	v19 =	vsel vm1, $0x1184, v19;
	v0 =	vunpack.c.0.s8.s32 v53;
	[tilespmem:$0x1F780] =	vst v12;
	v12 =	vsel vm0, $0xA86, v18  }
0x14d: {  	v40 =	vsel vm2, $0x505, v41;
	v20 =	vsel vm1, $0x1984, v20;
	v19 =	vsel vm2, $0x1205, v19;
	[tilespmem:$0x1F790] =	vst v12  }
0x14e: {  	v21 =	vsel vm1, $0x204, v21;
	v20 =	vsel vm2, $0x1A05, v20;
	v12 =	vsel vm0, $0x1286, v19;
	[tilespmem:$0x1F880] =	vst v0  }
0x14f: {  	v22 =	vsel vm1, $0xA04, v22;
	v21 =	vsel vm2, $0x285, v21;
	[tilespmem:$0x1F7A0] =	vst v12;
	v12 =	vsel vm0, $0x1A86, v20  }
0x150: {  	v22 =	vsel vm2, $0xA85, v22;
	v0 =	vimm.s32 $0x1E1D1C1B;
	[tilespmem:$0x1F7B0] =	vst v12;
	v12 =	vsel vm0, $0x306, v21  }
0x151: {  	v41 =	vsel vm2, $0xD05, v42;
	v0 =	vunpack.c.0.s8.s32 v0;
	[tilespmem:$0x1F7C0] =	vst v12;
	v12 =	vsel vm0, $0xB06, v22  }
0x152: {  	v22 =	vsel vm0, $0x586, v40;
	v40 =	vsel vm0, $0x1D86, v1;
	v1 =	vimm.s32 $0x35343332  }
0x153: {  	v20 =	vsel vm0, $0xD86, v41;
	v41 =	vunpack.c.0.s8.s32 v1;
	v1 =	vimm.s32 $0x1211101F  }
0x154: {  	[tilespmem:$0x1F8A0] =	vst v0;
	v0 =	vunpack.c.0.s8.s32 v1;
	_ =	sdelay $0x1  }
0x155: {  	[tilespmem:$0x1F8B0] =	vst v0;
	v0 =	vimm.s32 $0x16151413  }
0x156: {  	v0 =	vunpack.c.0.s8.s32 v0;
	_ =	sdelay $0x1  }
0x157: {  	[tilespmem:$0x1F8C0] =	vst v0;
	v0 =	vimm.s32 $0x1A191817  }
0x158: {  	v0 =	vunpack.c.0.s8.s32 v0  }
0x159: {  	v1 =	vimm.s32 $0x2E2D2C2B  }
0x15a: {  	[tilespmem:$0x1F8D0] =	vst v0;
	v0 =	vunpack.c.0.s8.s32 v1;
	_ =	sdelay $0x1  }
0x15b: {  	[tilespmem:$0x1F8E0] =	vst v0;
	v0 =	vimm.s32 $0x2221202F  }
0x15c: {  	v0 =	vunpack.c.0.s8.s32 v0;
	_ =	sdelay $0x1  }
0x15d: {  	[tilespmem:$0x1F8F0] =	vst v0;
	v0 =	vimm.s32 $0x26252423  }
0x15e: {  	v0 =	vunpack.c.0.s8.s32 v0  }
0x15f: {  	v1 =	vimm.s32 $0x2A292827  }
0x160: {  	[tilespmem:$0x1F900] =	vst v0;
	v0 =	vunpack.c.0.s8.s32 v1;
	_ =	sdelay $0x1  }
0x161: {  	[tilespmem:$0x1F910] =	vst v0;
	v0 =	vimm.s32 $0x3E3D3C3B  }
0x162: {  	v0 =	vunpack.c.0.s8.s32 v0;
	_ =	sdelay $0x1  }
0x163: {  	[tilespmem:$0x1F920] =	vst v0;
	v0 =	vimm.s32 $0x3231303F  }
0x164: {  	v0 =	vunpack.c.0.s8.s32 v0  }
0x165: {  	v1 =	vimm.s32 $0x3210FEDC  }
0x166: {  	[tilespmem:$0x1F930] =	vst v0;
	v0 =	vunpack.c.l.s4.s8 v1  }
0x167: {  	v1 =	vimm.s32 $0xBA987654  }
0x168: {  	v1 =	vunpack.c.l.s4.s8 v1;
	v0 =	vunpack.c.0.s8.s32 v0;
	_ =	sdelay $0x1  }
0x169: {  	[tilespmem:$0x1F960] =	vst v0;
	v0 =	vunpack.c.0.s8.s32 v1;
	_ =	sdelay $0x1  }
0x16a: {  	[tilespmem:$0x1F970] =	vst v0;
	v0 =	vimm.s32 $0x1F1E1D1C  }
0x16b: {  	v0 =	vunpack.c.0.s8.s32 v0  }
0x16c: {  	v1 =	vimm.s32 $0x13121110  }
0x16d: {  	[tilespmem:$0x1F980] =	vst v0;
	v0 =	vunpack.c.0.s8.s32 v1;
	_ =	sdelay $0x1  }
0x16e: {  	[tilespmem:$0x1F990] =	vst v0;
	v0 =	vimm.s32 $0x17161514  }
0x16f: {  	v0 =	vunpack.c.0.s8.s32 v0;
	_ =	sdelay $0x1  }
0x170: {  	v38 =	vsel vm1, $0xC04, v38;
	v39 =	vsel vm1, $0x1404, v39;
	[tilespmem:$0x1F9A0] =	vst v0;
	v0 =	vimm.s32 $0x1B1A1918  }
0x171: {  	v43 =	vsel vm1, $0x1484, v43;
	v46 =	vsel vm1, $0xD04, v46;
	v0 =	vunpack.c.0.s8.s32 v0  }
0x172: {  	v47 =	vsel vm1, $0x1504, v47;
	v48 =	vsel vm1, $0x1D04, v48;
	v1 =	vimm.s32 $0x2F2E2D2C  }
0x173: {  	v51 =	vsel vm1, $0x1584, v51;
	v52 =	vsel vm1, $0x1D84, v52;
	[tilespmem:$0x1F9B0] =	vst v0;
	v0 =	vunpack.c.0.s8.s32 v1  }
0x174: {  	v60 =	vsel vm2, $0x1C05, v36;
	v38 =	vsel vm2, $0xC85, v38;
	v39 =	vsel vm2, $0x1485, v39  }
0x175: {  	v43 =	vsel vm2, $0x1505, v43;
	v2 =	vsel vm1, $0xF84, v2;
	[tilespmem:$0x1F9C0] =	vst v0;
	v0 =	vimm.s32 $0x23222120  }
0x176: {  	v3 =	vsel vm1, $0x1784, v3;
	v4 =	vsel vm1, $0x1F84, v4;
	v0 =	vunpack.c.0.s8.s32 v0  }
0x177: {  	v5 =	vsel vm1, $0x4, v5;
	v15 =	vsel vm1, $0x1104, v15;
	v23 =	vsel vm1, $0x1204, v23  }
0x178: {  	v24 =	vsel vm1, $0x1A04, v24;
	v25 =	vsel vm1, $0x284, v25;
	[tilespmem:$0x1F9D0] =	vst v0;
	v0 =	vimm.s32 $0x27262524  }
0x179: {  	v26 =	vsel vm1, $0xA84, v26;
	v27 =	vsel vm1, $0x1284, v27;
	v0 =	vunpack.c.0.s8.s32 v0  }
0x17a: {  	v28 =	vsel vm1, $0x1A84, v28;
	v15 =	vsel vm2, $0x1185, v15;
	v1 =	vimm.s32 $0x2B2A2928  }
0x17b: {  	v29 =	vsel vm1, $0x304, v29;
	v30 =	vsel vm1, $0xB04, v30;
	[tilespmem:$0x1F9E0] =	vst v0;
	v0 =	vunpack.c.0.s8.s32 v1  }
0x17c: {  	[tilespmem:$0x1FC50] =	vst v54;
	v32 =	vsel vm1, $0x1B04, v32;
	v25 =	vsel vm2, $0x305, v25;
	v26 =	vsel vm2, $0xB05, v26  }
0x17d: {  	v10 =	vsel vm0, $0x1206, v15;
	v15 =	vmovc v7;
	v7 =	vsel vm0, $0x386, v25;
	[tilespmem:$0x1F9F0] =	vst v0;
	v0 =	vimm.s32 $0x3F3E3D3C  }
0x17e: {  	v2 =	vsel vm2, $0x805, v2;
	[tilespmem:$0x1F800] =	vst v7;
	v7 =	vsel vm0, $0xB86, v26;
	v0 =	vunpack.c.0.s8.s32 v0  }
0x17f: {  	v3 =	vsel vm2, $0x1005, v3;
	v4 =	vsel vm2, $0x1805, v4;
	v27 =	vsel vm2, $0x1305, v27;
	[tilespmem:$0x1F810] =	vst v7  }
0x180: {  	v28 =	vsel vm2, $0x1B05, v28;
	v7 =	vsel vm0, $0x1386, v27;
	[tilespmem:$0x1FA00] =	vst v0;
	v0 =	vimm.s32 $0x33323130  }
0x181: {  	v29 =	vsel vm2, $0x385, v29;
	[tilespmem:$0x1F820] =	vst v7;
	v7 =	vsel vm0, $0x1B86, v28;
	v0 =	vunpack.c.0.s8.s32 v0  }
0x182: {  	v54 =	vmovc v58;
	v32 =	vsel vm2, $0x1B85, v32;
	v58 =	vsel vm0, $0x886, v2;
	[tilespmem:$0x1F830] =	vst v7;
	v1 =	vimm.s32 $0x37363534  }
0x183: {  	v2 =	vimm.s32 $0x39383736;
	v7 =	vsel vm0, $0x406, v29;
	[tilespmem:$0x1FA10] =	vst v0;
	v0 =	vunpack.c.0.s8.s32 v1  }
0x184: {  	[tilespmem:$0x1F840] =	vst v7;
	v7 =	vsel vm0, $0x1C06, v32;
	v32 =	vunpack.c.0.s8.s32 v2;
	v2 =	vimm.s32 $0x36353433  }
0x185: {  	v5 =	vsel vm2, $0x85, v5;
	v2 =	vunpack.c.0.s8.s32 v2;
	[tilespmem:$0x1FA20] =	vst v0;
	v0 =	vimm.s32 $0x3B3A3938  }
0x186: {  	v23 =	vsel vm2, $0x1285, v23;
	v3 =	vsel vm0, $0x1086, v3;
	v0 =	vunpack.c.0.s8.s32 v0  }
0x187: {  	v24 =	vsel vm2, $0x1A85, v24;
	v29 =	vsel vm0, $0x1586, v43;
	v43 =	vmovc v3;
	v3 =	vimm.s32 $0x3A393837;
	[tilespmem:$0x1F940] =	vst v2  }
0x188: {  	v30 =	vsel vm2, $0xB85, v30;
	v2 =	vunpack.c.0.s8.s32 v3;
	[tilespmem:$0x1FA30] =	vst v0;
	v0 =	vimm.s32 $0x43210FED  }
0x189: {  	v4 =	vsel vm0, $0x1886, v4;
	v11 =	vsel vm0, $0x1C86, v60;
	[tilespmem:$0x1F7D0] =	vst v12;
	v0 =	vunpack.c.l.s4.s8 v0  }
0x18a: {  	v12 =	vsel vm0, $0x1306, v23;
	[tilespmem:$0x1F950] =	vst v2;
	v2 =	vimm.s32 $0x543210FE;
	v1 =	vimm.s32 $0xCBA98765  }
0x18b: {  	v2 =	vunpack.c.l.s4.s8 v2;
	v1 =	vunpack.c.l.s4.s8 v1;
	v0 =	vunpack.c.0.s8.s32 v0  }
0x18c: {  	v60 =	vmovc v4;
	v4 =	vimm.s32 $0x6543210F;
	[tilespmem:$0x1F7E0] =	vst v12;
	v12 =	vsel vm0, $0x1B06, v24;
	v3 =	vimm.s32 $0xDCBA9876  }
0x18d: {  	v3 =	vunpack.c.l.s4.s8 v3;
	[tilespmem:$0x1FA40] =	vst v0;
	v0 =	vunpack.c.0.s8.s32 v1;
	v1 =	vunpack.c.0.s8.s32 v2  }
0x18e: {  	v5 =	vsel vm0, $0x106, v5;
	v4 =	vunpack.c.l.s4.s8 v4;
	[tilespmem:$0x1F7F0] =	vst v12;
	v12 =	vsel vm0, $0xC06, v30  }
0x18f: {  	v30 =	vmovc v63;
	v63 =	vmovc v55;
	v55 =	vmov v5;
	v5 =	vimm.s32 $0xEDCBA987;
	[tilespmem:$0x1FA60] =	vst v1;
	v1 =	vunpack.c.0.s8.s32 v3  }
0x190: {  	v46 =	vsel vm2, $0xD85, v46;
	v36 =	vsel vm2, $0x1585, v47;
	[tilespmem:$0x1FA50] =	vst v0;
	v0 =	vunpack.c.l.s4.s8 v5  }
0x191: {  	v51 =	vsel vm2, $0x1605, v51;
	v8 =	vsel vm1, $0x1804, v8;
	[tilespmem:$0x1FA70] =	vst v1;
	v1 =	vunpack.c.0.s8.s32 v4  }
0x192: {  	s4 =	rddreg [dreg:$0x0];
	v47 =	vld [tilespmem:$0x1F720];
	v14 =	vsel vm1, $0x904, v14;
	v16 =	vsel vm1, $0x1904, v16;
	[tilespmem:$0x1F740] =	vst v6;
	v0 =	vunpack.c.0.s8.s32 v0  }
0x193: {  	s2 =	rddreg [dreg:$0x1];
	s3 =	simm.s32 $0x0;
	v8 =	vsel vm2, $0x1885, v8;
	v14 =	vsel vm2, $0x985, v14;
	v61 =	vsel vm0, $0x1506, v39;
	v39 =	vld [tilespmem:$0x1F850];
	[tilespmem:$0x1FA80] =	vst v1  }
0x194: {  	s1 =	srdreg.scid;
	[smem:$0x7FF] =	sst s3;
	v16 =	vsel vm2, $0x1985, v16;
	v9 =	vsel vm0, $0xA06, v14;
	v14 =	vsel vm0, $0x506, v59;
	v59 =	vld [tilespmem:$0x1F890];
	[tilespmem:$0x1FA90] =	vst v0  }
0x195: {  	s5 =	sand.u32 $0x1, s1;
	s1 =	rddreg [dreg:$0x2];
	v6 =	vsel vm0, $0x1906, v8;
	v28 =	vsel vm0, $0x1686, v51;
	v51 =	vld [tilespmem:$0x1F860];
	_ =	strace $0x8000004A;
	[tilespmem:$0x1FC90] =	vst v41  }
0x196: {  	v42 =	vsel vm2, $0x1D85, v48;
	v48 =	vsel vm0, $0x1A06, v16;
	v16 =	vsel vm0, $0xD06, v38;
	v38 =	vmovc v6;
	[tilespmem:$0x1FCA0] =	vst v32  }
0x197: {  	v52 =	vsel vm2, $0x1E05, v52;
	v24 =	vsel vm0, $0xE06, v46;
	[tilespmem:$0x1FD00] =	vst v38  }
0x198: {  	v25 =	vsel vm0, $0x1E86, v52;
	[tilespmem:$0x1FD10] =	vst v24  }
0x199: {  	v49 =	vsel vm1, $0x584, v49;
	v21 =	vsel vm0, $0x1606, v36;
	[tilespmem:$0x1FD20] =	vst v25  }
0x19a: {  	v50 =	vsel vm1, $0xD84, v50;
	v49 =	vsel vm2, $0x605, v49;
	v23 =	vsel vm0, $0x1E06, v42;
	[tilespmem:$0x1FD60] =	vst v21  }
0x19b: {  	v50 =	vsel vm2, $0xE05, v50;
	v26 =	vsel vm0, $0x686, v49;
	[tilespmem:$0x1FD70] =	vst v23  }
0x19c: {  	v45 =	vsel vm1, $0x504, v45;
	v27 =	vsel vm0, $0xE86, v50;
	[tilespmem:$0x1FD80] =	vst v26  }
0x19d: {  	v45 =	vsel vm2, $0x585, v45;
	[tilespmem:$0x1FD90] =	vst v27  }
0x19e: {  	v31 =	vsel vm1, $0x1304, v31;
	v6 =	vsel vm0, $0x606, v45;
	[tilespmem:$0x1FDA0] =	vst v28  }
0x19f: {  	v31 =	vsel vm2, $0x1385, v31;
	[tilespmem:$0x1FDB0] =	vst v6  }
0x1a0: {  	v33 =	vsel vm1, $0x384, v33;
	v8 =	vsel vm0, $0x1406, v31;
	[tilespmem:$0x1FE00] =	vst v12  }
0x1a1: {  	v34 =	vsel vm1, $0xB84, v34;
	v33 =	vsel vm2, $0x405, v33;
	[tilespmem:$0x1FE10] =	vst v8  }
0x1a2: {  	v34 =	vsel vm2, $0xC05, v34;
	v62 =	vsel vm0, $0x486, v33;
	[tilespmem:$0x1FE20] =	vst v7  }
0x1a3: {  	v35 =	vsel vm2, $0x1405, v35;
	v17 =	vmov v9;
	v9 =	vsel vm0, $0xC86, v34;
	[tilespmem:$0x1FE30] =	vst v62  }
0x1a4: {  	v19 =	vmov v10;
	v10 =	vsel vm0, $0x1486, v35;
	[tilespmem:$0x1FE40] =	vst v9  }
0x1a5: {  	[tilespmem:$0x1FE50] =	vst v10  }
0x1a6: {  	[tilespmem:$0x1FE60] =	vst v11  }
0x1a7: {  	[tilespmem:$0x1FE70] =	vst v14  }
0x1a8: {  	[tilespmem:$0x1FE80] =	vst v16;
	v1 =	vld [tilespmem:$0x1FAA0]  }
0x1a9: {  	v18 =	vsel vm0, $0x1D06, v37;
	[tilespmem:$0x1FE90] =	vst v61;
	v4 =	vld [tilespmem:$0x1FAB0]  }
0x1aa: {  	[tilespmem:$0x1FEA0] =	vst v18  }
0x1ab: {  	v13 =	vsel vm1, $0x104, v13;
	[tilespmem:$0x1FEB0] =	vst v22  }
0x1ac: {  	v13 =	vsel vm2, $0x185, v13;
	[tilespmem:$0x1FEC0] =	vst v20  }
0x1ad: {  	v56 =	vsel vm0, $0x86, v56;
	v13 =	vsel vm0, $0x206, v13;
	vm0 =	vcmask $0x1F10;
	[tilespmem:$0x1FEF0] =	vst v15;
	v5 =	vld [tilespmem:$0x1FAD0]  }
0x1ae: {  	[tilespmem:$0x1FF00] =	vst v13;
	v1 =	vsel vm0, v4, v1;
	v4 =	vld [tilespmem:$0x1FAC0]  }
0x1af: {  	[tilespmem:$0x1FF10] =	vst v17  }
0x1b0: {  	[tilespmem:$0x1FF20] =	vst v19  }
0x1b1: {  	[tilespmem:$0x1FF30] =	vst v40  }
0x1b2: {  	[tilespmem:$0x1FF40] =	vst v29;
	v31 =	vld [tilespmem:$0x1FAF0]  }
0x1b3: {  	[tilespmem:$0x1FF50] =	vst v58;
	v4 =	vsel vm0, v5, v4;
	v5 =	vld [tilespmem:$0x1FAE0]  }
0x1b4: {  	[tilespmem:$0x1FF60] =	vst v44  }
0x1b5: {  	[tilespmem:$0x1FF70] =	vst v56  }
0x1b6: {  	v35 =	vmov v48;
	[tilespmem:$0x1FF80] =	vst v63  }
0x1b7: {  	[tilespmem:$0x1FF90] =	vst v35;
	v48 =	vld [tilespmem:$0x1FB10]  }
0x1b8: {  	[tilespmem:$0x1FFA0] =	vst v43;
	v5 =	vsel vm0, v31, v5;
	v31 =	vld [tilespmem:$0x1FB00]  }
0x1b9: {  	[tilespmem:$0x1FFB0] =	vst v60  }
0x1ba: {  	[tilespmem:$0x1FFC0] =	vst v55;
	v50 =	vld [tilespmem:$0x1FBA0]  }
0x1bb: {  	v52 =	vld [tilespmem:$0x1FBB0];
	[tilespmem:$0x1FB20] =	vst v1  }
0x1bc: {  	v53 =	vld [tilespmem:$0x1FBC0];
	[tilespmem:$0x1FB30] =	vst v4  }
0x1bd: {  	v4 =	vcombine.low v4, v1;
	v1 =	vld [tilespmem:$0x1FB60];
	[tilespmem:$0x1FB40] =	vst v5;
	v31 =	vsel vm0, v48, v31  }
0x1be: {  	[tilespmem:$0x1FB50] =	vst v31;
	v5 =	vcombine.low v31, v5;
	v31 =	vld [tilespmem:$0x1FB70]  }
0x1bf: {  	[tilespmem:$0x1FFD0] =	vst v30;
	v42 =	vld [tilespmem:$0x1FBD0]  }
0x1c0: {  	v0 =	vlaneseq.u32;
	[tilespmem:$0x1FFE0] =	vst v57  }
0x1c1: {  	v2 =	vor.u32 $0x10, v0;
	[tilespmem:$0x1FFF0] =	vst v54  }
0x1c2: {  	v3 =	vor.u32 $0x20, v0;
	v49 =	vld [tilespmem:$0x1FB90];
	[tilespmem:$0x1FD30] =	vst v2  }
0x1c3: {  	[tilespmem:$0x1FD40] =	vst v3;
	v34 =	vsel vm0, v52, v50;
	v1 =	vsel vm0, v31, v1;
	v31 =	vld [tilespmem:$0x1FB80]  }
0x1c4: {  	v36 =	vsel vm0, v42, v53;
	v50 =	vld [tilespmem:$0x1FC70];
	[tilespmem:$0x1FC10] =	vst v34  }
0x1c5: {  	v52 =	vld [tilespmem:$0x1FC80];
	v53 =	vsel vm0, v32, v41;
	[tilespmem:$0x1FC20] =	vst v36  }
0x1c6: {  	v45 =	vld [tilespmem:$0x1FC40];
	v32 =	vor.u32 $0x30, v0;
	[tilespmem:$0x1FCE0] =	vst v53  }
0x1c7: {  	v46 =	vld [tilespmem:$0x1FC50];
	[tilespmem:$0x1FDD0] =	vst v32  }
0x1c8: {  	v34 =	vcombine.low v36, v34;
	v48 =	vld [tilespmem:$0x1FC60];
	[tilespmem:$0x1FBF0] =	vst v1;
	v31 =	vsel vm0, v49, v31  }
0x1c9: {  	[tilespmem:$0x1FC00] =	vst v31;
	v31 =	vcombine.low v31, v1;
	v1 =	vld [tilespmem:$0x1FC30]  }
0x1ca: {  	s0 =	stileid.u32;
	[tilespmem:$0x1FD50] =	vst v34;
	v37 =	vsel vm0, v52, v50  }
0x1cb: {  	s9 =	simm.s32 $0x5;
	s10 =	simm.s32 $0x80;
	s11 =	simm.s32 $0x1;
	[tilespmem:$0x1FCD0] =	vst v37  }
0x1cc: {  	s12 =	simm.s32 $0x2000;
	s13 =	simm.s32 $0x4000;
	s14 =	simm.s32 $0x400;
	[tilespmem:$0x1FDC0] =	vst v4  }
0x1cd: {  	s15 =	simm.s32 $0x20000;
	s16 =	simm.s32 $0x2;
	s17 =	simm.s32 $0x6000;
	[tilespmem:$0x1FDE0] =	vst v5;
	v36 =	vsel vm0, v48, v46  }
0x1ce: {  	s18 =	simm.s32 $0x3;
	s19 =	simm.s32 $0x4;
	s6 =	sshll.u32 s0, $0x1;
	[tilespmem:$0x1FCC0] =	vst v36;
	v1 =	vsel vm0, v45, v1  }
0x1cf: {  	s20 =	simm.s32 $0x0;
	s6 =	sor.u32 s5, s6;
	s5 =	ssub.s32 $0x2, s5;
	[tilespmem:$0x1FED0] =	vst v31;
	v48 =	vcombine.low v36, v1;
	v36 =	vcombine.low v53, v37  }
0x1d0: {  	s7 =	sshll.u32 s6, $0x6;
	s8 =	sshrl.u32 s5, $0x1;
	s6 =	sshll.u32 s6, $0x2;
	[tilespmem:$0x1FCB0] =	vst v1  }
0x1d1: {  	s7 =	sadd.s32 s7, s4;
	s4 =	sadd.s32 $0xF4CE00, s4;
	s8 =	ssub.s32 s5, s8;
	v49 =	vld [tilespmem:$0x1FBE0];
	[tilespmem:$0x1FDF0] =	vst v36  }
0x1d2: {  	s5 =	sadd.s32 $0xF42E00, s7;
	s7 =	smax.u32 s8, $0x1;
	s8 =	simm.s32 $0x8000;
	v53 =	vld [tilespmem:$0x1FCF0];
	[tilespmem:$0x1FEE0] =	vst v48  }
.LBB2_1:
0x1d3: {  	[tilespmem:s8], [sflag:$0x5] =	stream.linear.gather [hbm4b:s5+s3], $0x200, $0x38;
	[tilespmem:$0x8200] =	vst v63  }
0x1d4: {  	_ =	swait.ge [sflag:s9], $0x200  }
0x1d5: {  	[sflag:s9] =	ssyncset.done $0x0  }
0x1d6: {  	s21 =	simm.s32 $0x0;
	[sflag:s9] =	ssyncadd.s32 $0xFFFFFE00  }
0x1d7: {  	[tilespmem:s3], [sflag:$0x1] =	stream.indirect.gather [hbm4b:s4+s10], $0x40, s8, s10, $0xb8;
	[tilespmem:$0x8200] =	vst v63  }
.LBB2_2:
0x1d8: {  	s22 =	simm.s32 $0x0;
	v1 =	vlaneseq.u32  }
0x1d9: {  	s23 =	sshrl.u32 s21, $0x1;
	_ =	swait.ge [sflag:s11], $0x2000;
	s25 =	sshllo.u32 s21, $0x1;
	v0 =	vor.u32 s22, v1  }
0x1da: {  	p0 =	seq.s32 s21, $0x0;
	s24 =	sshll.u32 s23, $0x2;
	[sflag:s11] =	ssyncset.done $0x0;
	v22 =	vshll.u32 v0, $0x6  }
0x1db: {  	s22 =	ssub.s32 s25, s24;
	[sflag:s11] =	ssyncadd.s32 $0xFFFFE000;
	s25 =	simm.s32 @!p0 $0x4;
	v1 =	vor.u32 v1, v22  }
0x1dc: {  	_ =	swait.ge @!p0 [sflag:s25], $0x2000;
	s26 =	sshll.u32 s22, $0x9  }
0x1dd: {  	[sflag:s25] =	ssyncset.done @!p0 $0x0;
	s26 =	sshra.s32 s26, $0x2  }
0x1de: {  	[sflag:s25] =	ssyncadd.s32 @!p0 $0xFFFFE000;
	s26 =	sadd.s32 $0x8000, s26  }
0x1df: {  	v25 =	vand.u32 $0x78, v0;
	[tilespmem:s12], [sflag:$0x2] =	stream.indirect.gather [hbm4b:s4+s10], $0x40, s26, s10, $0xb8;
	[tilespmem:$0x8200] =	vst v63  }
0x1e0: {  	v0 =	vld.idx.msk [tilespmem:v1+s3+$0x0], $0xffff;
	v1 =	vor.u32 v30, v25;
	_ =	sdelay $0x4  }
0x1e1: {  	[tilespmem:v1+s13+$0x0] =	vst.idx.msk $0xffff, v0  }
0x1e2: {  	v16 =	vmov v2;
	v2 =	vor.u32 v2, v22;
	v28 =	vld [tilespmem:$0x1F6A0];
	_ =	sdelay $0x4  }
0x1e3: {  	v0 =	vld.idx.msk [tilespmem:v2+s3+$0x0], $0xffff;
	v1 =	vor.u32 v28, v25;
	_ =	sdelay $0x4  }
0x1e4: {  	[tilespmem:v1+s13+$0x0] =	vst.idx.msk $0xffff, v0  }
0x1e5: {  	v2 =	vor.u32 v3, v22;
	v27 =	vld [tilespmem:$0x1F6B0];
	_ =	sdelay $0x4  }
0x1e6: {  	v0 =	vld.idx.msk [tilespmem:v2+s3+$0x0], $0xffff;
	v1 =	vor.u32 v27, v25;
	_ =	sdelay $0x4  }
0x1e7: {  	v2 =	vor.u32 v32, v22;
	[tilespmem:v1+s13+$0x0] =	vst.idx.msk $0xffff, v0  }
0x1e8: {  	v50 =	vmov v16;
	v16 =	vld [tilespmem:$0x1F6E0];
	_ =	sdelay $0x3  }
0x1e9: {  	v1 =	vor.u32 v39, v25;
	v0 =	vld.idx.msk [tilespmem:v2+s3+$0x0], $0xffff  }
0x1ea: {  	v2 =	vor.u32 v16, v22;
	_ =	sdelay $0x3  }
0x1eb: {  	[tilespmem:v1+s13+$0x0] =	vst.idx.msk $0xffff, v0  }
0x1ec: {  	v1 =	vor.u32 v51, v25;
	v0 =	vld.idx.msk [tilespmem:v2+s3+$0x0], $0xffff  }
0x1ed: {  	v2 =	vor.u32 v4, v22;
	_ =	sdelay $0x3  }
0x1ee: {  	[tilespmem:v1+s13+$0x0] =	vst.idx.msk $0xffff, v0  }
0x1ef: {  	v1 =	vor.u32 v59, v25;
	v0 =	vld.idx.msk [tilespmem:v2+s3+$0x0], $0xffff  }
0x1f0: {  	v2 =	vor.u32 v5, v22;
	_ =	sdelay $0x3  }
0x1f1: {  	[tilespmem:v1+s13+$0x0] =	vst.idx.msk $0xffff, v0  }
0x1f2: {  	v1 =	vor.u32 v47, v25;
	v0 =	vld.idx.msk [tilespmem:v2+s3+$0x0], $0xffff  }
0x1f3: {  	v2 =	vor.u32 v31, v22;
	_ =	sdelay $0x3  }
0x1f4: {  	[tilespmem:v1+s13+$0x0] =	vst.idx.msk $0xffff, v0  }
0x1f5: {  	v1 =	vor.u32 v54, v25;
	v0 =	vld.idx.msk [tilespmem:v2+s3+$0x0], $0xffff  }
0x1f6: {  	v2 =	vor.u32 v53, v22;
	_ =	sdelay $0x3  }
0x1f7: {  	[tilespmem:v1+s13+$0x0] =	vst.idx.msk $0xffff, v0  }
0x1f8: {  	v1 =	vor.u32 v57, v25;
	v0 =	vld.idx.msk [tilespmem:v2+s3+$0x0], $0xffff  }
0x1f9: {  	v2 =	vor.u32 v34, v22;
	_ =	sdelay $0x3  }
0x1fa: {  	[tilespmem:v1+s13+$0x0] =	vst.idx.msk $0xffff, v0  }
0x1fb: {  	v1 =	vor.u32 v49, v25;
	v0 =	vld.idx.msk [tilespmem:v2+s3+$0x0], $0xffff  }
0x1fc: {  	v2 =	vor.u32 v48, v22;
	_ =	sdelay $0x3  }
0x1fd: {  	[tilespmem:v1+s13+$0x0] =	vst.idx.msk $0xffff, v0  }
0x1fe: {  	v1 =	vor.u32 v63, v25;
	v0 =	vld.idx.msk [tilespmem:v2+s3+$0x0], $0xffff;
	_ =	sdelay $0x3  }
0x1ff: {  	v6 =	vld [tilespmem:$0x1F870]  }
0x200: {  	v7 =	vld [tilespmem:$0x1F880];
	[tilespmem:v1+s13+$0x0] =	vst.idx.msk $0xffff, v0  }
0x201: {  	v2 =	vor.u32 v36, v22;
	v21 =	vld [tilespmem:$0x1F8A0]  }
0x202: {  	v23 =	vld [tilespmem:$0x1F8B0]  }
0x203: {  	v26 =	vld [tilespmem:$0x1F8C0]  }
0x204: {  	v24 =	vmov v34;
	v34 =	vld [tilespmem:$0x1F8D0]  }
0x205: {  	v9 =	vmov v3;
	v3 =	vcombine.low v7, v6  }
0x206: {  	v1 =	vor.u32 v44, v25;
	v0 =	vld.idx.msk [tilespmem:v2+s3+$0x0], $0xffff  }
0x207: {  	v2 =	vand.u32 $0xF, v3  }
0x208: {  	[tilespmem:$0x1F280] =	vst v2;
	v3 =	vsel vm0, v23, v21  }
0x209: {  	v6 =	vsel vm0, v34, v26;
	[tilespmem:$0x1F150] =	vst v3  }
0x20a: {  	[tilespmem:$0x1F160] =	vst v6  }
0x20b: {  	[tilespmem:v1+s13+$0x0] =	vst.idx.msk $0xffff, v0  }
0x20c: {  	v2 =	vor.u32 v2, v22;
	v29 =	vld [tilespmem:$0x1F900]  }
0x20d: {  	v61 =	vld [tilespmem:$0x1F910]  }
0x20e: {  	v46 =	vmov v59;
	v3 =	vcombine.low v6, v3;
	v59 =	vld [tilespmem:$0x1F8E0]  }
0x20f: {  	v37 =	vld [tilespmem:$0x1F8F0]  }
0x210: {  	[tilespmem:$0x1F2C0] =	vst v3  }
0x211: {  	v1 =	vor.u32 v56, v25;
	v0 =	vld.idx.msk [tilespmem:v2+s3+$0x0], $0xffff;
	_ =	sdelay $0x1  }
0x212: {  	v6 =	vsel vm0, v61, v29  }
0x213: {  	v7 =	vsel vm0, v37, v59;
	[tilespmem:$0x1F170] =	vst v6  }
0x214: {  	[tilespmem:$0x1F180] =	vst v7  }
0x215: {  	[tilespmem:v1+s13+$0x0] =	vst.idx.msk $0xffff, v0  }
0x216: {  	v42 =	vlaneseq.u32;
	s28 =	simm.s32 $0x10;
	v3 =	vor.u32 v3, v22;
	v1 =	vcombine.low v6, v7;
	v7 =	vld [tilespmem:$0x1F950]  }
0x217: {  	v18 =	vmov v4;
	v4 =	vor.u32 s28, v42;
	v14 =	vld [tilespmem:$0x1F920]  }
0x218: {  	v2 =	vshll.u32 v4, $0x6;
	[tilespmem:$0x1F300] =	vst v1;
	v6 =	vor.u32 v1, v22;
	v1 =	vand.u32 $0x78, v4;
	v4 =	vld [tilespmem:$0x1F940]  }
0x219: {  	v0 =	vor.u32 v42, v2;
	v42 =	vld [tilespmem:$0x1F930];
	_ =	sdelay $0x1  }
0x21a: {  	v10 =	vmov v5;
	v5 =	vor.u32 v58, v25;
	v3 =	vld.idx.msk [tilespmem:v3+s3+$0x0], $0xffff;
	_ =	sdelay $0x1  }
0x21b: {  	v7 =	vsel vm0, v7, v4  }
0x21c: {  	v8 =	vsel vm0, v42, v14;
	[tilespmem:$0x1F190] =	vst v7  }
0x21d: {  	v4 =	vor.u32 v30, v1;
	v0 =	vld.idx.msk [tilespmem:v0+s3+$0x0], $0xffff;
	[tilespmem:$0x1F1A0] =	vst v8  }
0x21e: {  	[tilespmem:v5+s13+$0x0] =	vst.idx.msk $0xffff, v3;
	v3 =	vor.u32 v50, v2  }
0x21f: {  	v8 =	vcombine.low v7, v8;
	_ =	sdelay $0x1  }
0x220: {  	v5 =	vld.idx.msk [tilespmem:v6+s3+$0x0], $0xffff;
	[tilespmem:$0x1F340] =	vst v8  }
0x221: {  	[tilespmem:v4+s13+$0x0] =	vst.idx.msk $0xffff, v0  }
0x222: {  	v0 =	vld.idx.msk [tilespmem:v3+s3+$0x0], $0xffff  }
0x223: {  	v3 =	vld [tilespmem:$0x1F960]  }
0x224: {  	v4 =	vld [tilespmem:$0x1F970]  }
0x225: {  	v6 =	vor.u32 v43, v25;
	_ =	sdelay $0x3  }
0x226: {  	v3 =	vcombine.low v4, v3;
	v4 =	vor.u32 v28, v1  }
0x227: {  	[tilespmem:v6+s13+$0x0] =	vst.idx.msk $0xffff, v5;
	v5 =	vor.u32 v9, v2;
	_ =	sdelay $0x3  }
0x228: {  	[tilespmem:v4+s13+$0x0] =	vst.idx.msk $0xffff, v0  }
0x229: {  	v0 =	vld.idx.msk [tilespmem:v5+s3+$0x0], $0xffff  }
0x22a: {  	v4 =	vld [tilespmem:$0x1F980]  }
0x22b: {  	v5 =	vld [tilespmem:$0x1F990];
	_ =	sdelay $0x2  }
0x22c: {  	v7 =	vor.u32 v8, v22  }
0x22d: {  	v9 =	vmov v47;
	v47 =	vld [tilespmem:$0x1F9B0]  }
0x22e: {  	v5 =	vsel vm0, v5, v4;
	v4 =	vld [tilespmem:$0x1F9A0];
	_ =	sdelay $0x2  }
0x22f: {  	v6 =	vld.idx.msk [tilespmem:v7+s3+$0x0], $0xffff;
	v7 =	vor.u32 v60, v25;
	v40 =	vand.u32 $0xF, v3  }
0x230: {  	v3 =	vor.u32 v40, v22  }
0x231: {  	v33 =	vmovc v32;
	v32 =	vmovc v51;
	v51 =	vmov v8;
	v8 =	vsel vm0, v47, v4;
	v4 =	vor.u32 v27, v1  }
0x232: {  	[tilespmem:$0x1F1B0] =	vst v5;
	v52 =	vcombine.low v8, v5;
	v5 =	vor.u32 v33, v2  }
0x233: {  	[tilespmem:$0x1F1C0] =	vst v8  }
0x234: {  	[tilespmem:v7+s13+$0x0] =	vst.idx.msk $0xffff, v6  }
0x235: {  	v3 =	vld.idx.msk [tilespmem:v3+s3+$0x0], $0xffff;
	[tilespmem:$0x1F3E0] =	vst v52  }
0x236: {  	[tilespmem:v4+s13+$0x0] =	vst.idx.msk $0xffff, v0  }
0x237: {  	v0 =	vld.idx.msk [tilespmem:v5+s3+$0x0], $0xffff  }
0x238: {  	v4 =	vld [tilespmem:$0x1F9C0]  }
0x239: {  	v5 =	vld [tilespmem:$0x1F9D0];
	_ =	sdelay $0x3  }
0x23a: {  	v8 =	vld [tilespmem:$0x1F9F0]  }
0x23b: {  	v5 =	vsel vm0, v5, v4;
	v4 =	vld [tilespmem:$0x1F9E0];
	_ =	sdelay $0x3  }
0x23c: {  	v6 =	vor.u32 v55, v25  }
0x23d: {  	[tilespmem:$0x1F1D0] =	vst v5;
	v8 =	vsel vm0, v8, v4;
	v4 =	vor.u32 v39, v1  }
0x23e: {  	[tilespmem:$0x1F1E0] =	vst v8;
	v8 =	vcombine.low v8, v5;
	v5 =	vor.u32 v16, v2;
	_ =	sdelay $0x1  }
0x23f: {  	[tilespmem:$0x1F420] =	vst v8  }
0x240: {  	[tilespmem:v6+s13+$0x0] =	vst.idx.msk $0xffff, v3  }
0x241: {  	v3 =	vld [tilespmem:$0x1F730];
	[tilespmem:v4+s13+$0x0] =	vst.idx.msk $0xffff, v0  }
0x242: {  	v7 =	vor.u32 v52, v22;
	v0 =	vld.idx.msk [tilespmem:v5+s3+$0x0], $0xffff  }
0x243: {  	v5 =	vld [tilespmem:$0x1FA00]  }
0x244: {  	v4 =	vld [tilespmem:$0x1FA10];
	_ =	sdelay $0x2  }
0x245: {  	v6 =	vld.idx.msk [tilespmem:v7+s3+$0x0], $0xffff  }
0x246: {  	v7 =	vor.u32 v8, v22;
	v8 =	vld [tilespmem:$0x1FA20]  }
0x247: {  	v5 =	vsel vm0, v4, v5;
	v4 =	vld [tilespmem:$0x1FA30];
	_ =	sdelay $0x3  }
0x248: {  	v3 =	vor.u32 v3, v25  }
0x249: {  	[tilespmem:$0x1F1F0] =	vst v5;
	v8 =	vsel vm0, v4, v8;
	v4 =	vor.u32 v32, v1  }
0x24a: {  	[tilespmem:$0x1F200] =	vst v8;
	v8 =	vcombine.low v8, v5;
	v5 =	vor.u32 v18, v2;
	_ =	sdelay $0x1  }
0x24b: {  	[tilespmem:$0x1F430] =	vst v8  }
0x24c: {  	[tilespmem:v3+s13+$0x0] =	vst.idx.msk $0xffff, v6  }
0x24d: {  	v3 =	vld [tilespmem:$0x1F740];
	[tilespmem:v4+s13+$0x0] =	vst.idx.msk $0xffff, v0  }
0x24e: {  	v0 =	vld.idx.msk [tilespmem:v5+s3+$0x0], $0xffff  }
0x24f: {  	v4 =	vld [tilespmem:$0x1FA40]  }
0x250: {  	v5 =	vld [tilespmem:$0x1FA50];
	_ =	sdelay $0x3  }
0x251: {  	v6 =	vld.idx.msk [tilespmem:v7+s3+$0x0], $0xffff;
	v3 =	vor.u32 v3, v25  }
0x252: {  	v7 =	vor.u32 v8, v22;
	v4 =	vcombine.low v5, v4;
	v5 =	vor.u32 v46, v1;
	_ =	sdelay $0x3  }
0x253: {  	[tilespmem:v3+s13+$0x0] =	vst.idx.msk $0xffff, v6  }
0x254: {  	v45 =	vand.u32 $0xF, v4;
	v4 =	vld.idx.msk [tilespmem:v7+s3+$0x0], $0xffff;
	[tilespmem:v5+s13+$0x0] =	vst.idx.msk $0xffff, v0  }
0x255: {  	v8 =	vor.u32 v10, v2;
	v5 =	vld [tilespmem:$0x1FAB0]  }
0x256: {  	v7 =	vld [tilespmem:$0x1FAC0];
	_ =	sdelay $0x3  }
0x257: {  	v0 =	vld.idx.msk [tilespmem:v8+s3+$0x0], $0xffff  }
0x258: {  	v8 =	vsel vm0, v7, v5;
	v5 =	vld [tilespmem:$0x1FAA0]  }
0x259: {  	v7 =	vld [tilespmem:$0x1FAD0];
	_ =	sdelay $0x3  }
0x25a: {  	v3 =	vor.u32 v38, v25  }
0x25b: {  	[tilespmem:$0x1F260] =	vst v8;
	v7 =	vsel vm0, v5, v7;
	v5 =	vor.u32 v9, v1  }
0x25c: {  	[tilespmem:$0x1F250] =	vst v7;
	v8 =	vcombine.low v7, v8;
	v7 =	vor.u32 v31, v2;
	_ =	sdelay $0x1  }
0x25d: {  	[tilespmem:$0x1F4C0] =	vst v8  }
0x25e: {  	[tilespmem:v3+s13+$0x0] =	vst.idx.msk $0xffff, v4  }
0x25f: {  	v3 =	vld [tilespmem:$0x1F750];
	[tilespmem:v5+s13+$0x0] =	vst.idx.msk $0xffff, v0  }
0x260: {  	v0 =	vld.idx.msk [tilespmem:v7+s3+$0x0], $0xffff  }
0x261: {  	v6 =	vor.u32 v45, v22;
	v5 =	vld [tilespmem:$0x1FAF0]  }
0x262: {  	v7 =	vld [tilespmem:$0x1FB00];
	_ =	sdelay $0x3  }
0x263: {  	v4 =	vld.idx.msk [tilespmem:v6+s3+$0x0], $0xffff  }
0x264: {  	v6 =	vor.u32 v8, v22;
	v8 =	vsel vm0, v7, v5;
	v5 =	vld [tilespmem:$0x1FAE0]  }
0x265: {  	v7 =	vld [tilespmem:$0x1FB10];
	_ =	sdelay $0x2  }
0x266: {  	v3 =	vor.u32 v3, v25;
	_ =	sdelay $0x1  }
0x267: {  	v7 =	vsel vm0, v5, v7;
	v5 =	vor.u32 v54, v1  }
0x268: {  	[tilespmem:$0x1F2A0] =	vst v8  }
0x269: {  	[tilespmem:$0x1F290] =	vst v7;
	v16 =	vcombine.low v7, v8  }
0x26a: {  	v11 =	vld [tilespmem:$0x1F6F0];
	[tilespmem:v3+s13+$0x0] =	vst.idx.msk $0xffff, v4  }
0x26b: {  	v4 =	vld.idx.msk [tilespmem:v6+s3+$0x0], $0xffff;
	[tilespmem:$0x1F660] =	vst v16  }
0x26c: {  	v41 =	vld [tilespmem:$0x1F760];
	[tilespmem:v5+s13+$0x0] =	vst.idx.msk $0xffff, v0  }
0x26d: {  	v0 =	vld [tilespmem:$0x1FB70]  }
0x26e: {  	v5 =	vld [tilespmem:$0x1FB80];
	_ =	sdelay $0x4  }
0x26f: {  	v9 =	vsel vm0, v5, v0;
	v0 =	vld [tilespmem:$0x1FB60]  }
0x270: {  	v5 =	vld [tilespmem:$0x1FB90]  }
0x271: {  	v12 =	vmov v53  }
0x272: {  	v7 =	vor.u32 v12, v2;
	_ =	sdelay $0x2  }
0x273: {  	[tilespmem:$0x1F2E0] =	vst v9;
	v8 =	vsel vm0, v0, v5  }
0x274: {  	v3 =	vor.u32 v41, v25;
	[tilespmem:$0x1F2D0] =	vst v8  }
0x275: {  	v5 =	vor.u32 v57, v1;
	v0 =	vld.idx.msk [tilespmem:v7+s3+$0x0], $0xffff  }
0x276: {  	v8 =	vcombine.low v8, v9;
	v7 =	vor.u32 v24, v2;
	_ =	sdelay $0x1  }
0x277: {  	[tilespmem:$0x1F4F0] =	vst v8  }
0x278: {  	[tilespmem:v3+s13+$0x0] =	vst.idx.msk $0xffff, v4  }
0x279: {  	v53 =	vmov v27;
	v27 =	vmov v56;
	v56 =	vld [tilespmem:$0x1F770];
	[tilespmem:v5+s13+$0x0] =	vst.idx.msk $0xffff, v0  }
0x27a: {  	v6 =	vor.u32 v16, v22;
	v0 =	vld.idx.msk [tilespmem:v7+s3+$0x0], $0xffff  }
0x27b: {  	v7 =	vld [tilespmem:$0x1FA60]  }
0x27c: {  	v5 =	vld [tilespmem:$0x1FA70];
	_ =	sdelay $0x2  }
0x27d: {  	v4 =	vld.idx.msk [tilespmem:v6+s3+$0x0], $0xffff;
	v3 =	vor.u32 v56, v25  }
0x27e: {  	v6 =	vor.u32 v8, v22  }
0x27f: {  	v5 =	vcombine.low v5, v7;
	v7 =	vor.u32 v49, v1;
	_ =	sdelay $0x2  }
0x280: {  	[tilespmem:v3+s13+$0x0] =	vst.idx.msk $0xffff, v4;
	v28 =	vand.u32 $0xF, v5  }
0x281: {  	v4 =	vld.idx.msk [tilespmem:v6+s3+$0x0], $0xffff;
	[tilespmem:$0x1F220] =	vst v28  }
0x282: {  	[tilespmem:v7+s13+$0x0] =	vst.idx.msk $0xffff, v0  }
0x283: {  	v8 =	vor.u32 v48, v2;
	v6 =	vld [tilespmem:$0x1FBB0]  }
0x284: {  	v7 =	vld [tilespmem:$0x1FBC0];
	_ =	sdelay $0x3  }
0x285: {  	v0 =	vld.idx.msk [tilespmem:v8+s3+$0x0], $0xffff  }
0x286: {  	v8 =	vsel vm0, v7, v6;
	v6 =	vld [tilespmem:$0x1FBA0]  }
0x287: {  	v7 =	vld [tilespmem:$0x1FBD0];
	_ =	sdelay $0x4  }
0x288: {  	[tilespmem:$0x1F370] =	vst v8;
	v7 =	vsel vm0, v6, v7;
	v6 =	vor.u32 v63, v1  }
0x289: {  	v3 =	vor.u32 v15, v25;
	[tilespmem:$0x1F360] =	vst v7;
	v8 =	vcombine.low v7, v8;
	v7 =	vor.u32 v36, v2;
	_ =	sdelay $0x2  }
0x28a: {  	[tilespmem:$0x1F120] =	vst v8  }
0x28b: {  	[tilespmem:v6+s13+$0x0] =	vst.idx.msk $0xffff, v0  }
0x28c: {  	[tilespmem:v3+s13+$0x0] =	vst.idx.msk $0xffff, v4;
	v0 =	vld.idx.msk [tilespmem:v7+s3+$0x0], $0xffff  }
0x28d: {  	v5 =	vor.u32 v28, v22;
	v6 =	vld [tilespmem:$0x1FC40]  }
0x28e: {  	v7 =	vld [tilespmem:$0x1FC50];
	_ =	sdelay $0x3  }
0x28f: {  	v4 =	vld.idx.msk [tilespmem:v5+s3+$0x0], $0xffff  }
0x290: {  	v5 =	vor.u32 v8, v22;
	v8 =	vsel vm0, v7, v6;
	v6 =	vld [tilespmem:$0x1FC30]  }
0x291: {  	v7 =	vld [tilespmem:$0x1FC60];
	_ =	sdelay $0x3  }
0x292: {  	v3 =	vor.u32 v13, v25  }
0x293: {  	v7 =	vsel vm0, v6, v7;
	v6 =	vor.u32 v44, v1  }
0x294: {  	[tilespmem:$0x1F3B0] =	vst v8;
	v8 =	vcombine.low v7, v8  }
0x295: {  	[tilespmem:$0x1F3C0] =	vst v7  }
0x296: {  	[tilespmem:$0x1F130] =	vst v8  }
0x297: {  	v12 =	vmov v54;
	v54 =	vld [tilespmem:$0x1F280];
	[tilespmem:v3+s13+$0x0] =	vst.idx.msk $0xffff, v4  }
0x298: {  	[tilespmem:v6+s13+$0x0] =	vst.idx.msk $0xffff, v0  }
0x299: {  	v0 =	vld [tilespmem:$0x1FC70]  }
0x29a: {  	v6 =	vld [tilespmem:$0x1FCA0];
	_ =	sdelay $0x1  }
0x29b: {  	v7 =	vor.u32 v54, v2;
	_ =	sdelay $0x2  }
0x29c: {  	v4 =	vld.idx.msk [tilespmem:v5+s3+$0x0], $0xffff;
	v5 =	vor.u32 v8, v22;
	v8 =	vsel vm0, v0, v6  }
0x29d: {  	v6 =	vld [tilespmem:$0x1FC80];
	[tilespmem:$0x1F3F0] =	vst v8  }
0x29e: {  	v0 =	vld.idx.msk [tilespmem:v7+s3+$0x0], $0xffff  }
0x29f: {  	v7 =	vld [tilespmem:$0x1FC90];
	_ =	sdelay $0x3  }
0x2a0: {  	v3 =	vor.u32 v17, v25  }
0x2a1: {  	v7 =	vsel vm0, v7, v6;
	v6 =	vor.u32 v27, v1  }
0x2a2: {  	v8 =	vcombine.low v8, v7  }
0x2a3: {  	v57 =	vld [tilespmem:$0x1F2C0];
	[tilespmem:$0x1F400] =	vst v7  }
0x2a4: {  	[tilespmem:$0x1F140] =	vst v8  }
0x2a5: {  	[tilespmem:v3+s13+$0x0] =	vst.idx.msk $0xffff, v4  }
0x2a6: {  	[tilespmem:v6+s13+$0x0] =	vst.idx.msk $0xffff, v0  }
0x2a7: {  	v6 =	vld [tilespmem:$0x1FA80]  }
0x2a8: {  	v7 =	vor.u32 v57, v2;
	v0 =	vld [tilespmem:$0x1FA90]  }
0x2a9: {  	v4 =	vld.idx.msk [tilespmem:v5+s3+$0x0], $0xffff  }
0x2aa: {  	s29 =	simm.s32 $0x20;
	v10 =	vlaneseq.u32;
	v3 =	vor.u32 v19, v25;
	v62 =	vld [tilespmem:$0x1F300]  }
0x2ab: {  	v9 =	vor.u32 s29, v10;
	v8 =	vor.u32 v8, v22  }
0x2ac: {  	v5 =	vshll.u32 v9, $0x6  }
0x2ad: {  	v0 =	vcombine.low v0, v6;
	v6 =	vld.idx.msk [tilespmem:v7+s3+$0x0], $0xffff;
	v7 =	vor.u32 v10, v5;
	v10 =	vor.u32 v58, v1;
	_ =	sdelay $0x1  }
0x2ae: {  	[tilespmem:v3+s13+$0x0] =	vst.idx.msk $0xffff, v4;
	v18 =	vor.u32 v62, v2;
	v31 =	vand.u32 $0xF, v0  }
0x2af: {  	v3 =	vld.idx.msk [tilespmem:v8+s3+$0x0], $0xffff;
	v0 =	vand.u32 $0x78, v9;
	v9 =	vsel vm0, v26, v23;
	[tilespmem:$0x1F310] =	vst v31  }
0x2b0: {  	[tilespmem:$0x1F450] =	vst v9  }
0x2b1: {  	v21 =	vsel vm0, v21, v34;
	v4 =	vor.u32 v35, v25;
	[tilespmem:v10+s13+$0x0] =	vst.idx.msk $0xffff, v6  }
0x2b2: {  	v20 =	vmov v50;
	v7 =	vld.idx.msk [tilespmem:v7+s3+$0x0], $0xffff;
	v6 =	vor.u32 v30, v0;
	[tilespmem:$0x1F440] =	vst v21  }
0x2b3: {  	v9 =	vcombine.low v21, v9;
	v10 =	vld.idx.msk [tilespmem:v18+s3+$0x0], $0xffff;
	v18 =	vor.u32 v20, v5;
	v20 =	vor.u32 v43, v1;
	_ =	sdelay $0x1  }
0x2b4: {  	[tilespmem:$0x1F350] =	vst v9  }
0x2b5: {  	[tilespmem:v4+s13+$0x0] =	vst.idx.msk $0xffff, v3  }
0x2b6: {  	v8 =	vor.u32 v31, v22;
	v3 =	vld [tilespmem:$0x1F780];
	[tilespmem:v6+s13+$0x0] =	vst.idx.msk $0xffff, v7  }
0x2b7: {  	[tilespmem:v20+s13+$0x0] =	vst.idx.msk $0xffff, v10  }
0x2b8: {  	v21 =	vor.u32 v51, v2;
	v51 =	vld [tilespmem:$0x1F6A0];
	_ =	sdelay $0x2  }
0x2b9: {  	v4 =	vld.idx.msk [tilespmem:v8+s3+$0x0], $0xffff;
	v3 =	vor.u32 v3, v25  }
0x2ba: {  	v23 =	vor.u32 v9, v22;
	v9 =	vsel vm0, v59, v61;
	v8 =	vsel vm0, v29, v37  }
0x2bb: {  	v6 =	vld.idx.msk [tilespmem:v18+s3+$0x0], $0xffff;
	v10 =	vcombine.low v9, v8;
	[tilespmem:$0x1F490] =	vst v8;
	v7 =	vor.u32 v51, v0  }
0x2bc: {  	v18 =	vld.idx.msk [tilespmem:v21+s3+$0x0], $0xffff;
	[tilespmem:$0x1F480] =	vst v9  }
0x2bd: {  	[tilespmem:$0x1F3A0] =	vst v10  }
0x2be: {  	v29 =	vld [tilespmem:$0x1FD40];
	[tilespmem:v3+s13+$0x0] =	vst.idx.msk $0xffff, v4  }
0x2bf: {  	[tilespmem:$0x1F390] =	vst v40  }
0x2c0: {  	v3 =	vmov v40;
	v4 =	vor.u32 v40, v2;
	v40 =	vmov v15;
	v15 =	vld [tilespmem:$0x1F790];
	[tilespmem:v7+s13+$0x0] =	vst.idx.msk $0xffff, v6  }
0x2c1: {  	v6 =	vld [tilespmem:$0x1F950];
	_ =	sdelay $0x1  }
0x2c2: {  	v21 =	vor.u32 v60, v1;
	v20 =	vor.u32 v29, v5;
	_ =	sdelay $0x2  }
0x2c3: {  	v8 =	vsel vm0, v14, v6  }
0x2c4: {  	v23 =	vld.idx.msk [tilespmem:v23+s3+$0x0], $0xffff;
	[tilespmem:$0x1F4D0] =	vst v8  }
0x2c5: {  	v6 =	vld.idx.msk [tilespmem:v20+s3+$0x0], $0xffff;
	[tilespmem:v21+s13+$0x0] =	vst.idx.msk $0xffff, v18  }
0x2c6: {  	v20 =	vld.idx.msk [tilespmem:v4+s3+$0x0], $0xffff  }
0x2c7: {  	v4 =	vld [tilespmem:$0x1F940];
	_ =	sdelay $0x1  }
0x2c8: {  	v50 =	vmov v24;
	v24 =	vor.u32 v15, v25;
	_ =	sdelay $0x2  }
0x2c9: {  	v7 =	vor.u32 v53, v0;
	v4 =	vsel vm0, v4, v42  }
0x2ca: {  	v30 =	vor.u32 v10, v22;
	v21 =	vor.u32 v55, v1;
	[tilespmem:$0x1F4E0] =	vst v4  }
0x2cb: {  	v4 =	vcombine.low v8, v4;
	[tilespmem:v24+s13+$0x0] =	vst.idx.msk $0xffff, v23  }
0x2cc: {  	v8 =	vld [tilespmem:$0x1F7A0]  }
0x2cd: {  	[tilespmem:$0x1F410] =	vst v4  }
0x2ce: {  	[tilespmem:v7+s13+$0x0] =	vst.idx.msk $0xffff, v6  }
0x2cf: {  	v18 =	vor.u32 v33, v5;
	v23 =	vld.idx.msk [tilespmem:v30+s3+$0x0], $0xffff;
	[tilespmem:v21+s13+$0x0] =	vst.idx.msk $0xffff, v20  }
0x2d0: {  	v30 =	vor.u32 v4, v22;
	v4 =	vld [tilespmem:$0x1F6E0]  }
0x2d1: {  	v59 =	vmov v46;
	v46 =	vor.u32 v52, v2;
	v60 =	vld [tilespmem:$0x1F730];
	v24 =	vor.u32 v8, v25;
	_ =	sdelay $0x2  }
0x2d2: {  	v7 =	vor.u32 v39, v0;
	v6 =	vld.idx.msk [tilespmem:v18+s3+$0x0], $0xffff;
	_ =	sdelay $0x1  }
0x2d3: {  	v21 =	vld.idx.msk [tilespmem:v46+s3+$0x0], $0xffff;
	v18 =	vor.u32 v4, v5;
	v20 =	vor.u32 v60, v1;
	[tilespmem:v24+s13+$0x0] =	vst.idx.msk $0xffff, v23  }
0x2d4: {  	v55 =	vld [tilespmem:$0x1F420]  }
0x2d5: {  	v24 =	vld.idx.msk [tilespmem:v30+s3+$0x0], $0xffff  }
0x2d6: {  	v8 =	vld [tilespmem:$0x1F7B0];
	[tilespmem:v7+s13+$0x0] =	vst.idx.msk $0xffff, v6  }
0x2d7: {  	v6 =	vld [tilespmem:$0x1F980]  }
0x2d8: {  	v9 =	vmov v32;
	v7 =	vld.idx.msk [tilespmem:v18+s3+$0x0], $0xffff;
	[tilespmem:v20+s13+$0x0] =	vst.idx.msk $0xffff, v21  }
0x2d9: {  	v18 =	vor.u32 v9, v0;
	v9 =	vld [tilespmem:$0x1F990]  }
0x2da: {  	v37 =	vld [tilespmem:$0x1F740]  }
0x2db: {  	v23 =	vor.u32 v55, v2;
	v30 =	vor.u32 v8, v25;
	v8 =	vld [tilespmem:$0x1F9A0];
	_ =	sdelay $0x4  }
0x2dc: {  	v6 =	vsel vm0, v6, v47;
	v53 =	vor.u32 v37, v1;
	v20 =	vsel vm0, v8, v9;
	v21 =	vld.idx.msk [tilespmem:v23+s3+$0x0], $0xffff  }
0x2dd: {  	v47 =	vld [tilespmem:$0x1FDC0];
	[tilespmem:v30+s13+$0x0] =	vst.idx.msk $0xffff, v24;
	v8 =	vcombine.low v6, v20  }
0x2de: {  	v9 =	vld [tilespmem:$0x1F7C0]  }
0x2df: {  	[tilespmem:$0x1F460] =	vst v8  }
0x2e0: {  	v46 =	vld [tilespmem:$0x1F430];
	[tilespmem:v18+s13+$0x0] =	vst.idx.msk $0xffff, v7  }
0x2e1: {  	[tilespmem:v53+s13+$0x0] =	vst.idx.msk $0xffff, v21  }
0x2e2: {  	v30 =	vor.u32 v8, v22;
	v8 =	vld [tilespmem:$0x1F9E0]  }
0x2e3: {  	v24 =	vor.u32 v9, v25;
	v9 =	vld [tilespmem:$0x1F9D0];
	_ =	sdelay $0x1  }
0x2e4: {  	v52 =	vor.u32 v11, v22;
	_ =	sdelay $0x2  }
0x2e5: {  	v23 =	vor.u32 v47, v5;
	v21 =	vsel vm0, v8, v9;
	v8 =	vld [tilespmem:$0x1F9C0]  }
0x2e6: {  	v6 =	vor.u32 v46, v2;
	v9 =	vld [tilespmem:$0x1F9F0]  }
0x2e7: {  	v20 =	vld.idx.msk [tilespmem:v52+s3+$0x0], $0xffff;
	_ =	sdelay $0x2  }
0x2e8: {  	v18 =	vor.u32 v59, v0;
	v7 =	vld.idx.msk [tilespmem:v23+s3+$0x0], $0xffff  }
0x2e9: {  	v52 =	vor.u32 v38, v1;
	v6 =	vld.idx.msk [tilespmem:v6+s3+$0x0], $0xffff;
	v23 =	vsel vm0, v8, v9  }
0x2ea: {  	v8 =	vld [tilespmem:$0x1FDE0];
	[tilespmem:v24+s13+$0x0] =	vst.idx.msk $0xffff, v20;
	v59 =	vcombine.low v23, v21  }
0x2eb: {  	[tilespmem:$0x1F470] =	vst v45;
	v10 =	vld [tilespmem:$0x1F7D0]  }
0x2ec: {  	v21 =	vld.idx.msk [tilespmem:v30+s3+$0x0], $0xffff;
	[tilespmem:$0x1F4A0] =	vst v59  }
0x2ed: {  	[tilespmem:v18+s13+$0x0] =	vst.idx.msk $0xffff, v7  }
0x2ee: {  	[tilespmem:v52+s13+$0x0] =	vst.idx.msk $0xffff, v6  }
0x2ef: {  	v6 =	vld [tilespmem:$0x1FA30]  }
0x2f0: {  	v9 =	vld [tilespmem:$0x1FA10]  }
0x2f1: {  	v23 =	vor.u32 v10, v25;
	v10 =	vld [tilespmem:$0x1FA20]  }
0x2f2: {  	v61 =	vor.u32 v8, v5;
	v7 =	vld [tilespmem:$0x1FA00];
	_ =	sdelay $0x2  }
0x2f3: {  	v42 =	vmov v19;
	v19 =	vld [tilespmem:$0x1F720]  }
0x2f4: {  	v20 =	vor.u32 v45, v2;
	v30 =	vsel vm0, v10, v9;
	v10 =	vld [tilespmem:$0x1F750]  }
0x2f5: {  	v6 =	vsel vm0, v7, v6;
	v7 =	vld.idx.msk [tilespmem:v61+s3+$0x0], $0xffff  }
0x2f6: {  	v61 =	vld [tilespmem:$0x1FED0];
	[tilespmem:v23+s13+$0x0] =	vst.idx.msk $0xffff, v21  }
0x2f7: {  	v26 =	vmov v13;
	v24 =	vor.u32 v59, v22;
	v13 =	vld [tilespmem:$0x1F7E0]  }
0x2f8: {  	v18 =	vor.u32 v19, v0  }
0x2f9: {  	v20 =	vld.idx.msk [tilespmem:v20+s3+$0x0], $0xffff;
	v11 =	vcombine.low v6, v30;
	v52 =	vor.u32 v10, v1;
	_ =	sdelay $0x1  }
0x2fa: {  	v9 =	vld [tilespmem:$0x1F4C0];
	[tilespmem:$0x1F530] =	vst v11  }
0x2fb: {  	v21 =	vld.idx.msk [tilespmem:v24+s3+$0x0], $0xffff;
	v23 =	vor.u32 v13, v25  }
0x2fc: {  	[tilespmem:v18+s13+$0x0] =	vst.idx.msk $0xffff, v7  }
0x2fd: {  	[tilespmem:v52+s13+$0x0] =	vst.idx.msk $0xffff, v20  }
0x2fe: {  	v20 =	vld [tilespmem:$0x1F6C0]  }
0x2ff: {  	v53 =	vor.u32 v61, v5;
	v30 =	vld [tilespmem:$0x1F6D0]  }
0x300: {  	v6 =	vor.u32 v9, v2;
	v13 =	vld [tilespmem:$0x1FCF0];
	[tilespmem:v23+s13+$0x0] =	vst.idx.msk $0xffff, v21  }
0x301: {  	v24 =	vor.u32 v11, v22;
	v18 =	vor.u32 v12, v0;
	v12 =	vld [tilespmem:$0x1F7F0];
	_ =	sdelay $0x2  }
0x302: {  	v7 =	vld.idx.msk [tilespmem:v53+s3+$0x0], $0xffff;
	v20 =	vcombine.low v20, v30  }
0x303: {  	v53 =	vor.u32 v41, v1;
	v6 =	vld.idx.msk [tilespmem:v6+s3+$0x0], $0xffff  }
0x304: {  	v23 =	vld.idx.msk [tilespmem:v24+s3+$0x0], $0xffff;
	v11 =	vand.u32 $0xF, v20;
	v20 =	vor.u32 v12, v25;
	_ =	sdelay $0x1  }
0x305: {  	[tilespmem:$0x1F680] =	vst v11  }
0x306: {  	v30 =	vor.u32 v13, v5;
	[tilespmem:v18+s13+$0x0] =	vst.idx.msk $0xffff, v7  }
0x307: {  	v21 =	vor.u32 v16, v2;
	[tilespmem:v53+s13+$0x0] =	vst.idx.msk $0xffff, v6  }
0x308: {  	v14 =	vld [tilespmem:$0x1FFE0];
	[tilespmem:v20+s13+$0x0] =	vst.idx.msk $0xffff, v23  }
0x309: {  	v24 =	vor.u32 v11, v22;
	v41 =	vld [tilespmem:$0x1F800];
	_ =	sdelay $0x1  }
0x30a: {  	v6 =	vld.idx.msk [tilespmem:v30+s3+$0x0], $0xffff  }
0x30b: {  	v18 =	vld.idx.msk [tilespmem:v21+s3+$0x0], $0xffff;
	v30 =	vor.u32 v56, v1  }
0x30c: {  	v11 =	vld [tilespmem:$0x1FB20];
	v7 =	vor.u32 v14, v0  }
0x30d: {  	v23 =	vld.idx.msk [tilespmem:v24+s3+$0x0], $0xffff;
	v24 =	vor.u32 v41, v25  }
0x30e: {  	v12 =	vld [tilespmem:$0x1FB30];
	_ =	sdelay $0x1  }
0x30f: {  	v15 =	vld [tilespmem:$0x1F4F0];
	[tilespmem:v30+s13+$0x0] =	vst.idx.msk $0xffff, v18  }
0x310: {  	[tilespmem:v7+s13+$0x0] =	vst.idx.msk $0xffff, v6  }
0x311: {  	[tilespmem:v24+s13+$0x0] =	vst.idx.msk $0xffff, v23  }
0x312: {  	v16 =	vcombine.low v11, v12;
	v11 =	vld [tilespmem:$0x1FB40]  }
0x313: {  	v12 =	vld [tilespmem:$0x1FB50];
	_ =	sdelay $0x2  }
0x314: {  	v21 =	vor.u32 v50, v5  }
0x315: {  	v20 =	vor.u32 v15, v2  }
0x316: {  	v32 =	vmov v17;
	v56 =	vor.u32 v16, v22;
	v17 =	vcombine.low v11, v12;
	v11 =	vld [tilespmem:$0x1F810];
	_ =	sdelay $0x2  }
0x317: {  	v7 =	vor.u32 v49, v0;
	v6 =	vld.idx.msk [tilespmem:v21+s3+$0x0], $0xffff  }
0x318: {  	v21 =	vor.u32 v40, v1;
	v18 =	vld.idx.msk [tilespmem:v20+s3+$0x0], $0xffff  }
0x319: {  	v24 =	vld.idx.msk [tilespmem:v56+s3+$0x0], $0xffff;
	v30 =	vor.u32 v11, v25;
	_ =	sdelay $0x2  }
0x31a: {  	[tilespmem:v7+s13+$0x0] =	vst.idx.msk $0xffff, v6  }
0x31b: {  	[tilespmem:v21+s13+$0x0] =	vst.idx.msk $0xffff, v18  }
0x31c: {  	[tilespmem:v30+s13+$0x0] =	vst.idx.msk $0xffff, v24  }
0x31d: {  	v11 =	vld [tilespmem:$0x1FBF0]  }
0x31e: {  	v12 =	vld [tilespmem:$0x1FC00]  }
0x31f: {  	v20 =	vor.u32 v48, v5  }
0x320: {  	v23 =	vor.u32 v28, v2;
	_ =	sdelay $0x2  }
0x321: {  	v21 =	vor.u32 v26, v1;
	v49 =	vor.u32 v17, v22;
	v26 =	vcombine.low v11, v12;
	v11 =	vld [tilespmem:$0x1F820]  }
0x322: {  	v7 =	vor.u32 v63, v0;
	v6 =	vld.idx.msk [tilespmem:v20+s3+$0x0], $0xffff  }
0x323: {  	v18 =	vld.idx.msk [tilespmem:v23+s3+$0x0], $0xffff;
	v20 =	vor.u32 v36, v5;
	_ =	sdelay $0x1  }
0x324: {  	v36 =	vld [tilespmem:$0x1F120]  }
0x325: {  	v24 =	vld.idx.msk [tilespmem:v49+s3+$0x0], $0xffff;
	v30 =	vor.u32 v11, v25  }
0x326: {  	[tilespmem:v7+s13+$0x0] =	vst.idx.msk $0xffff, v6  }
0x327: {  	[tilespmem:v21+s13+$0x0] =	vst.idx.msk $0xffff, v18;
	v6 =	vld.idx.msk [tilespmem:v20+s3+$0x0], $0xffff  }
0x328: {  	v20 =	vld [tilespmem:$0x1F700]  }
0x329: {  	v21 =	vld [tilespmem:$0x1F710]  }
0x32a: {  	v23 =	vor.u32 v36, v2;
	[tilespmem:v30+s13+$0x0] =	vst.idx.msk $0xffff, v24  }
0x32b: {  	v50 =	vor.u32 v26, v22;
	v11 =	vld [tilespmem:$0x1F830];
	_ =	sdelay $0x2  }
0x32c: {  	v7 =	vor.u32 v44, v0;
	v20 =	vcombine.low v20, v21  }
0x32d: {  	v18 =	vld.idx.msk [tilespmem:v23+s3+$0x0], $0xffff;
	v23 =	vor.u32 v32, v1  }
0x32e: {  	v53 =	vand.u32 $0xF, v20;
	v20 =	vld.idx.msk [tilespmem:v50+s3+$0x0], $0xffff;
	v30 =	vor.u32 v11, v25;
	_ =	sdelay $0x2  }
0x32f: {  	v21 =	vor.u32 v54, v5;
	v54 =	vld [tilespmem:$0x1F130];
	[tilespmem:v7+s13+$0x0] =	vst.idx.msk $0xffff, v6  }
0x330: {  	[tilespmem:v23+s13+$0x0] =	vst.idx.msk $0xffff, v18  }
0x331: {  	[tilespmem:v30+s13+$0x0] =	vst.idx.msk $0xffff, v20  }
0x332: {  	v11 =	vld [tilespmem:$0x1FC10]  }
0x333: {  	v12 =	vld [tilespmem:$0x1FC20];
	_ =	sdelay $0x3  }
0x334: {  	v24 =	vor.u32 v54, v2  }
0x335: {  	v56 =	vor.u32 v53, v22;
	v32 =	vcombine.low v11, v12;
	v11 =	vld [tilespmem:$0x1F840];
	_ =	sdelay $0x2  }
0x336: {  	v7 =	vor.u32 v27, v0;
	v6 =	vld.idx.msk [tilespmem:v21+s3+$0x0], $0xffff  }
0x337: {  	v23 =	vor.u32 v42, v1;
	v21 =	vor.u32 v57, v5;
	v18 =	vld.idx.msk [tilespmem:v24+s3+$0x0], $0xffff  }
0x338: {  	v24 =	vld.idx.msk [tilespmem:v56+s3+$0x0], $0xffff;
	v30 =	vor.u32 v11, v25  }
0x339: {  	v63 =	vld [tilespmem:$0x1F140];
	_ =	sdelay $0x1  }
0x33a: {  	[tilespmem:v7+s13+$0x0] =	vst.idx.msk $0xffff, v6  }
0x33b: {  	s30 =	simm.s32 $0x30;
	[tilespmem:v23+s13+$0x0] =	vst.idx.msk $0xffff, v18;
	v18 =	vld.idx.msk [tilespmem:v21+s3+$0x0], $0xffff;
	v11 =	vlaneseq.u32  }
0x33c: {  	v52 =	vld [tilespmem:$0x1FFA0];
	v34 =	vor.u32 s30, v11;
	[tilespmem:v30+s13+$0x0] =	vst.idx.msk $0xffff, v24  }
0x33d: {  	v20 =	vor.u32 v63, v2;
	v7 =	vshll.u32 v34, $0x6;
	v6 =	vld [tilespmem:$0x1FCB0]  }
0x33e: {  	v23 =	vor.u32 v58, v0;
	v21 =	vor.u32 v11, v7;
	v11 =	vld [tilespmem:$0x1FCC0];
	_ =	sdelay $0x3  }
0x33f: {  	v43 =	vmovc v33;
	v56 =	vmov v35;
	v58 =	vor.u32 v62, v5;
	v33 =	vor.u32 v32, v22;
	v20 =	vld.idx.msk [tilespmem:v20+s3+$0x0], $0xffff  }
0x340: {  	v62 =	vor.u32 v56, v1;
	v42 =	vcombine.low v6, v11;
	v6 =	vld [tilespmem:$0x1FE00];
	[tilespmem:v23+s13+$0x0] =	vst.idx.msk $0xffff, v18  }
0x341: {  	v11 =	vld [tilespmem:$0x1FFD0];
	_ =	sdelay $0x2  }
0x342: {  	v30 =	vld.idx.msk [tilespmem:v33+s3+$0x0], $0xffff  }
0x343: {  	v18 =	vld.idx.msk [tilespmem:v21+s3+$0x0], $0xffff;
	[tilespmem:v62+s13+$0x0] =	vst.idx.msk $0xffff, v20;
	v33 =	vor.u32 v6, v25;
	v6 =	vand.u32 $0x78, v34  }
0x344: {  	v21 =	vor.u32 v11, v6;
	v11 =	vld [tilespmem:$0x1FD30];
	_ =	sdelay $0x4  }
0x345: {  	v23 =	vor.u32 v11, v7;
	v11 =	vld [tilespmem:$0x1F340];
	_ =	sdelay $0x3  }
0x346: {  	v20 =	vld.idx.msk [tilespmem:v58+s3+$0x0], $0xffff  }
0x347: {  	v58 =	vor.u32 v11, v5;
	v11 =	vld [tilespmem:$0x1F780];
	_ =	sdelay $0x2  }
0x348: {  	v27 =	vld [tilespmem:$0x1FFB0];
	[tilespmem:v33+s13+$0x0] =	vst.idx.msk $0xffff, v30  }
0x349: {  	v12 =	vld [tilespmem:$0x1FCE0]  }
0x34a: {  	v62 =	vor.u32 v11, v1;
	v11 =	vld [tilespmem:$0x1FCD0];
	_ =	sdelay $0x2  }
0x34b: {  	v24 =	vor.u32 v31, v2;
	_ =	sdelay $0x1  }
0x34c: {  	v11 =	vcombine.low v11, v12;
	v12 =	vld [tilespmem:$0x1F350];
	_ =	sdelay $0x1  }
0x34d: {  	v57 =	vor.u32 v52, v0  }
0x34e: {  	v24 =	vld.idx.msk [tilespmem:v24+s3+$0x0], $0xffff;
	_ =	sdelay $0x1  }
0x34f: {  	v30 =	vor.u32 v12, v2;
	v12 =	vld [tilespmem:$0x1FE10]  }
0x350: {  	v44 =	vor.u32 v42, v22;
	[tilespmem:v21+s13+$0x0] =	vst.idx.msk $0xffff, v18  }
0x351: {  	[tilespmem:v57+s13+$0x0] =	vst.idx.msk $0xffff, v20  }
0x352: {  	[tilespmem:v62+s13+$0x0] =	vst.idx.msk $0xffff, v24  }
0x353: {  	v28 =	vld [tilespmem:$0x1F870]  }
0x354: {  	v34 =	vor.u32 v12, v25;
	v12 =	vld [tilespmem:$0x1F880]  }
0x355: {  	v33 =	vld.idx.msk [tilespmem:v44+s3+$0x0], $0xffff;
	_ =	sdelay $0x1  }
0x356: {  	v20 =	vld.idx.msk [tilespmem:v23+s3+$0x0], $0xffff  }
0x357: {  	v23 =	vld.idx.msk [tilespmem:v58+s3+$0x0], $0xffff  }
0x358: {  	v21 =	vor.u32 v51, v6;
	v44 =	vcombine.low v28, v12;
	v12 =	vld [tilespmem:$0x1F790]  }
0x359: {  	v35 =	vor.u32 v27, v0;
	v57 =	vld [tilespmem:$0x1FFC0];
	[tilespmem:v34+s13+$0x0] =	vst.idx.msk $0xffff, v33  }
0x35a: {  	v62 =	vor.u32 v3, v5;
	v3 =	vld [tilespmem:$0x1F3A0];
	_ =	sdelay $0x2  }
0x35b: {  	v50 =	vor.u32 v12, v1;
	v12 =	vld [tilespmem:$0x1FE20];
	[tilespmem:v21+s13+$0x0] =	vst.idx.msk $0xffff, v20  }
0x35c: {  	v30 =	vld.idx.msk [tilespmem:v30+s3+$0x0], $0xffff;
	[tilespmem:v35+s13+$0x0] =	vst.idx.msk $0xffff, v23  }
0x35d: {  	v58 =	vor.u32 v3, v2;
	v3 =	vld [tilespmem:$0x1F6B0];
	_ =	sdelay $0x1  }
0x35e: {  	v18 =	vor.u32 v11, v22  }
0x35f: {  	v24 =	vor.u32 v29, v7  }
0x360: {  	[tilespmem:v50+s13+$0x0] =	vst.idx.msk $0xffff, v30  }
0x361: {  	v23 =	vor.u32 v3, v6;
	v3 =	vld [tilespmem:$0x1F3E0];
	_ =	sdelay $0x1  }
0x362: {  	v18 =	vld.idx.msk [tilespmem:v18+s3+$0x0], $0xffff  }
0x363: {  	v21 =	vld.idx.msk [tilespmem:v24+s3+$0x0], $0xffff;
	v34 =	vor.u32 v12, v25  }
0x364: {  	v24 =	vld.idx.msk [tilespmem:v62+s3+$0x0], $0xffff  }
0x365: {  	v62 =	vor.u32 v3, v5;
	v3 =	vld [tilespmem:$0x1F7A0];
	_ =	sdelay $0x2  }
0x366: {  	v33 =	vld.idx.msk [tilespmem:v58+s3+$0x0], $0xffff;
	[tilespmem:v34+s13+$0x0] =	vst.idx.msk $0xffff, v18  }
0x367: {  	v12 =	vld [tilespmem:$0x1F160]  }
0x368: {  	v58 =	vor.u32 v3, v1;
	v3 =	vld [tilespmem:$0x1F150];
	_ =	sdelay $0x1  }
0x369: {  	v44 =	vand.u32 $0xF, v44  }
0x36a: {  	v20 =	vor.u32 v44, v22;
	v35 =	vor.u32 v57, v0;
	v51 =	vld [tilespmem:$0x1FE30];
	_ =	sdelay $0x1  }
0x36b: {  	v30 =	vor.u32 v43, v7;
	v43 =	vcombine.low v3, v12;
	v3 =	vld [tilespmem:$0x1F410];
	_ =	sdelay $0x1  }
0x36c: {  	[tilespmem:v23+s13+$0x0] =	vst.idx.msk $0xffff, v21  }
0x36d: {  	v20 =	vld.idx.msk [tilespmem:v20+s3+$0x0], $0xffff;
	v31 =	vor.u32 v51, v25;
	[tilespmem:v35+s13+$0x0] =	vst.idx.msk $0xffff, v24  }
0x36e: {  	[tilespmem:v58+s13+$0x0] =	vst.idx.msk $0xffff, v33  }
0x36f: {  	v18 =	vor.u32 v3, v2;
	v3 =	vld [tilespmem:$0x1F7B0];
	_ =	sdelay $0x1  }
0x370: {  	v23 =	vld.idx.msk [tilespmem:v30+s3+$0x0], $0xffff  }
0x371: {  	v24 =	vor.u32 v39, v6;
	v30 =	vld.idx.msk [tilespmem:v62+s3+$0x0], $0xffff;
	[tilespmem:v31+s13+$0x0] =	vst.idx.msk $0xffff, v20  }
0x372: {  	v34 =	vor.u32 v60, v0;
	v33 =	vor.u32 v4, v7;
	v4 =	vld [tilespmem:$0x1F180]  }
0x373: {  	v62 =	vor.u32 v3, v1;
	v3 =	vld [tilespmem:$0x1F170];
	_ =	sdelay $0x1  }
0x374: {  	v12 =	vld [tilespmem:$0x1F6F0]  }
0x375: {  	v21 =	vor.u32 v43, v22;
	v49 =	vld [tilespmem:$0x1FE40];
	[tilespmem:v24+s13+$0x0] =	vst.idx.msk $0xffff, v23  }
0x376: {  	v18 =	vld.idx.msk [tilespmem:v18+s3+$0x0], $0xffff;
	[tilespmem:v34+s13+$0x0] =	vst.idx.msk $0xffff, v30  }
0x377: {  	v58 =	vcombine.low v4, v3;
	v3 =	vld [tilespmem:$0x1F860];
	_ =	sdelay $0x2  }
0x378: {  	v21 =	vld.idx.msk [tilespmem:v21+s3+$0x0], $0xffff;
	v31 =	vor.u32 v49, v25  }
0x379: {  	[tilespmem:v62+s13+$0x0] =	vst.idx.msk $0xffff, v18  }
0x37a: {  	v30 =	vor.u32 v3, v6;
	v3 =	vld [tilespmem:$0x1F7C0];
	_ =	sdelay $0x2  }
0x37b: {  	v60 =	vor.u32 v55, v5;
	[tilespmem:v31+s13+$0x0] =	vst.idx.msk $0xffff, v21  }
0x37c: {  	v4 =	vld [tilespmem:$0x1F1A0]  }
0x37d: {  	v34 =	vor.u32 v37, v0;
	v37 =	vor.u32 v3, v1;
	v3 =	vld [tilespmem:$0x1F190];
	_ =	sdelay $0x1  }
0x37e: {  	v20 =	vor.u32 v12, v2;
	v24 =	vld.idx.msk [tilespmem:v33+s3+$0x0], $0xffff  }
0x37f: {  	v18 =	vld.idx.msk [tilespmem:v60+s3+$0x0], $0xffff  }
0x380: {  	v23 =	vor.u32 v58, v22;
	v50 =	vld [tilespmem:$0x1FE50]  }
0x381: {  	v62 =	vcombine.low v4, v3;
	v3 =	vld [tilespmem:$0x1F460];
	_ =	sdelay $0x1  }
0x382: {  	v20 =	vld.idx.msk [tilespmem:v20+s3+$0x0], $0xffff  }
0x383: {  	[tilespmem:v30+s13+$0x0] =	vst.idx.msk $0xffff, v24  }
0x384: {  	v23 =	vld.idx.msk [tilespmem:v23+s3+$0x0], $0xffff;
	[tilespmem:v34+s13+$0x0] =	vst.idx.msk $0xffff, v18  }
0x385: {  	v28 =	vor.u32 v50, v25;
	v21 =	vor.u32 v3, v2;
	v3 =	vld [tilespmem:$0x1F890];
	_ =	sdelay $0x1  }
0x386: {  	[tilespmem:v37+s13+$0x0] =	vst.idx.msk $0xffff, v20  }
0x387: {  	v55 =	vor.u32 v46, v5;
	v4 =	vld [tilespmem:$0x1F970]  }
0x388: {  	v33 =	vor.u32 v47, v7;
	v30 =	vor.u32 v8, v7;
	v8 =	vld [tilespmem:$0x1F7D0]  }
0x389: {  	v29 =	vor.u32 v3, v6;
	v3 =	vld [tilespmem:$0x1F960];
	[tilespmem:v28+s13+$0x0] =	vst.idx.msk $0xffff, v23  }
0x38a: {  	v24 =	vor.u32 v62, v22;
	v48 =	vld [tilespmem:$0x1FE60];
	_ =	sdelay $0x1  }
0x38b: {  	v31 =	vor.u32 v38, v0;
	v20 =	vld.idx.msk [tilespmem:v55+s3+$0x0], $0xffff  }
0x38c: {  	v18 =	vld.idx.msk [tilespmem:v33+s3+$0x0], $0xffff  }
0x38d: {  	v21 =	vld.idx.msk [tilespmem:v21+s3+$0x0], $0xffff;
	v37 =	vor.u32 v8, v1  }
0x38e: {  	v24 =	vld.idx.msk [tilespmem:v24+s3+$0x0], $0xffff;
	v28 =	vor.u32 v48, v25;
	_ =	sdelay $0x1  }
0x38f: {  	[tilespmem:v31+s13+$0x0] =	vst.idx.msk $0xffff, v20  }
0x390: {  	[tilespmem:v29+s13+$0x0] =	vst.idx.msk $0xffff, v18  }
0x391: {  	[tilespmem:v37+s13+$0x0] =	vst.idx.msk $0xffff, v21  }
0x392: {  	v60 =	vor.u32 v45, v5;
	v46 =	vld [tilespmem:$0x1F7E0];
	[tilespmem:v28+s13+$0x0] =	vst.idx.msk $0xffff, v24  }
0x393: {  	v23 =	vor.u32 v59, v2;
	v55 =	vcombine.low v3, v4;
	v3 =	vld [tilespmem:$0x1F1B0]  }
0x394: {  	v4 =	vld [tilespmem:$0x1F1C0];
	_ =	sdelay $0x1  }
0x395: {  	v29 =	vor.u32 v19, v6;
	v20 =	vld.idx.msk [tilespmem:v30+s3+$0x0], $0xffff  }
0x396: {  	v31 =	vor.u32 v10, v0;
	v21 =	vld.idx.msk [tilespmem:v60+s3+$0x0], $0xffff  }
0x397: {  	v47 =	vand.u32 $0xF, v55;
	v23 =	vld.idx.msk [tilespmem:v23+s3+$0x0], $0xffff;
	v55 =	vor.u32 v46, v1  }
0x398: {  	v37 =	vcombine.low v3, v4;
	v3 =	vld [tilespmem:$0x1F530];
	_ =	sdelay $0x1  }
0x399: {  	v60 =	vld [tilespmem:$0x1FE70];
	[tilespmem:v29+s13+$0x0] =	vst.idx.msk $0xffff, v20  }
0x39a: {  	v18 =	vor.u32 v47, v22;
	[tilespmem:v31+s13+$0x0] =	vst.idx.msk $0xffff, v21  }
0x39b: {  	v30 =	vor.u32 v61, v7;
	v61 =	vld [tilespmem:$0x1FFF0];
	[tilespmem:v55+s13+$0x0] =	vst.idx.msk $0xffff, v23  }
0x39c: {  	v59 =	vmov v19;
	v19 =	vor.u32 v3, v2;
	v3 =	vld [tilespmem:$0x1F660];
	_ =	sdelay $0x1  }
0x39d: {  	v33 =	vor.u32 v9, v5  }
0x39e: {  	v18 =	vld.idx.msk [tilespmem:v18+s3+$0x0], $0xffff;
	v24 =	vor.u32 v60, v25;
	_ =	sdelay $0x1  }
0x39f: {  	v31 =	vor.u32 v3, v5;
	v3 =	vld [tilespmem:$0x1F7F0];
	_ =	sdelay $0x1  }
0x3a0: {  	v23 =	vld.idx.msk [tilespmem:v33+s3+$0x0], $0xffff  }
0x3a1: {  	v45 =	vld [tilespmem:$0x1F760];
	[tilespmem:v24+s13+$0x0] =	vst.idx.msk $0xffff, v18  }
0x3a2: {  	v4 =	vld [tilespmem:$0x1F1E0]  }
0x3a3: {  	v33 =	vor.u32 v3, v1;
	v3 =	vld [tilespmem:$0x1F1D0];
	_ =	sdelay $0x1  }
0x3a4: {  	v21 =	vld.idx.msk [tilespmem:v30+s3+$0x0], $0xffff;
	v28 =	vor.u32 v61, v6  }
0x3a5: {  	v30 =	vor.u32 v45, v0  }
0x3a6: {  	v19 =	vld.idx.msk [tilespmem:v19+s3+$0x0], $0xffff  }
0x3a7: {  	v55 =	vcombine.low v3, v4;
	v3 =	vld [tilespmem:$0x1F680];
	_ =	sdelay $0x1  }
0x3a8: {  	v9 =	vmov v12;
	v12 =	vld [tilespmem:$0x1FE80];
	[tilespmem:v28+s13+$0x0] =	vst.idx.msk $0xffff, v21  }
0x3a9: {  	v20 =	vor.u32 v37, v22;
	[tilespmem:v30+s13+$0x0] =	vst.idx.msk $0xffff, v23  }
0x3aa: {  	v29 =	vor.u32 v13, v7;
	[tilespmem:v33+s13+$0x0] =	vst.idx.msk $0xffff, v19  }
0x3ab: {  	v18 =	vor.u32 v3, v2;
	v3 =	vld [tilespmem:$0x1FD50];
	_ =	sdelay $0x2  }
0x3ac: {  	v20 =	vld.idx.msk [tilespmem:v20+s3+$0x0], $0xffff;
	v24 =	vor.u32 v12, v25  }
0x3ad: {  	v23 =	vld.idx.msk [tilespmem:v29+s3+$0x0], $0xffff  }
0x3ae: {  	v29 =	vor.u32 v3, v7;
	v3 =	vld [tilespmem:$0x1F770];
	_ =	sdelay $0x2  }
0x3af: {  	[tilespmem:v24+s13+$0x0] =	vst.idx.msk $0xffff, v20  }
0x3b0: {  	v4 =	vld [tilespmem:$0x1F200]  }
0x3b1: {  	v30 =	vor.u32 v3, v0;
	v3 =	vld [tilespmem:$0x1F1F0];
	_ =	sdelay $0x2  }
0x3b2: {  	v28 =	vor.u32 v14, v6  }
0x3b3: {  	v19 =	vld.idx.msk [tilespmem:v31+s3+$0x0], $0xffff;
	v21 =	vor.u32 v55, v22  }
0x3b4: {  	v33 =	vor.u32 v41, v1;
	v41 =	vcombine.low v3, v4;
	v3 =	vld [tilespmem:$0x1FE90];
	_ =	sdelay $0x1  }
0x3b5: {  	v18 =	vld.idx.msk [tilespmem:v18+s3+$0x0], $0xffff;
	[tilespmem:$0x1F210] =	vst v16  }
0x3b6: {  	[tilespmem:v28+s13+$0x0] =	vst.idx.msk $0xffff, v23  }
0x3b7: {  	v20 =	vld.idx.msk [tilespmem:v21+s3+$0x0], $0xffff;
	[tilespmem:v30+s13+$0x0] =	vst.idx.msk $0xffff, v19  }
0x3b8: {  	v21 =	vor.u32 v3, v25;
	v3 =	vld [tilespmem:$0x1FBE0];
	_ =	sdelay $0x3  }
0x3b9: {  	[tilespmem:v33+s13+$0x0] =	vst.idx.msk $0xffff, v18  }
0x3ba: {  	v24 =	vor.u32 v3, v6;
	v3 =	vld [tilespmem:$0x1FEE0];
	_ =	sdelay $0x3  }
0x3bb: {  	v4 =	vld [tilespmem:$0x1FA50]  }
0x3bc: {  	v28 =	vor.u32 v3, v7;
	v3 =	vld [tilespmem:$0x1FA40];
	_ =	sdelay $0x3  }
0x3bd: {  	v31 =	vor.u32 v15, v5  }
0x3be: {  	v30 =	vcombine.low v3, v4;
	v3 =	vld [tilespmem:$0x1F220];
	_ =	sdelay $0x2  }
0x3bf: {  	v19 =	vld.idx.msk [tilespmem:v29+s3+$0x0], $0xffff  }
0x3c0: {  	v16 =	vor.u32 v16, v2;
	v18 =	vld.idx.msk [tilespmem:v31+s3+$0x0], $0xffff  }
0x3c1: {  	v31 =	vor.u32 v3, v5;
	v3 =	vld [tilespmem:$0x1F810]  }
0x3c2: {  	v23 =	vor.u32 v41, v22  }
0x3c3: {  	v29 =	vor.u32 v40, v0  }
0x3c4: {  	[tilespmem:v21+s13+$0x0] =	vst.idx.msk $0xffff, v20  }
0x3c5: {  	v16 =	vld.idx.msk [tilespmem:v16+s3+$0x0], $0xffff;
	[tilespmem:$0x1F230] =	vst v17  }
0x3c6: {  	v4 =	vld [tilespmem:$0x1FEA0];
	[tilespmem:v24+s13+$0x0] =	vst.idx.msk $0xffff, v19;
	v40 =	vor.u32 v3, v1;
	v3 =	vand.u32 $0xF, v30  }
0x3c7: {  	v21 =	vld.idx.msk [tilespmem:v23+s3+$0x0], $0xffff;
	[tilespmem:$0x1F240] =	vst v3  }
0x3c8: {  	[tilespmem:v29+s13+$0x0] =	vst.idx.msk $0xffff, v18  }
0x3c9: {  	v19 =	vor.u32 v3, v22;
	v3 =	vld [tilespmem:$0x1FF80];
	_ =	sdelay $0x3  }
0x3ca: {  	[tilespmem:v40+s13+$0x0] =	vst.idx.msk $0xffff, v16  }
0x3cb: {  	v24 =	vor.u32 v3, v6;
	v3 =	vld [tilespmem:$0x1FDF0];
	_ =	sdelay $0x3  }
0x3cc: {  	v18 =	vld.idx.msk [tilespmem:v28+s3+$0x0], $0xffff  }
0x3cd: {  	v28 =	vor.u32 v3, v7;
	v3 =	vld [tilespmem:$0x1FF00];
	_ =	sdelay $0x2  }
0x3ce: {  	v23 =	vor.u32 v4, v25;
	_ =	sdelay $0x1  }
0x3cf: {  	v29 =	vor.u32 v3, v0;
	v3 =	vld [tilespmem:$0x1F820];
	_ =	sdelay $0x2  }
0x3d0: {  	v16 =	vld.idx.msk [tilespmem:v31+s3+$0x0], $0xffff;
	[tilespmem:v23+s13+$0x0] =	vst.idx.msk $0xffff, v21  }
0x3d1: {  	v4 =	vld [tilespmem:$0x1F260]  }
0x3d2: {  	v31 =	vor.u32 v3, v1;
	v3 =	vld [tilespmem:$0x1F250];
	_ =	sdelay $0x1  }
0x3d3: {  	v20 =	vor.u32 v17, v2;
	_ =	sdelay $0x2  }
0x3d4: {  	v40 =	vcombine.low v4, v3;
	v3 =	vld [tilespmem:$0x1FEB0];
	_ =	sdelay $0x1  }
0x3d5: {  	v20 =	vld.idx.msk [tilespmem:v20+s3+$0x0], $0xffff;
	[tilespmem:$0x1F270] =	vst v26  }
0x3d6: {  	[tilespmem:v24+s13+$0x0] =	vst.idx.msk $0xffff, v18  }
0x3d7: {  	[tilespmem:v29+s13+$0x0] =	vst.idx.msk $0xffff, v16  }
0x3d8: {  	v23 =	vor.u32 v3, v25;
	v3 =	vld [tilespmem:$0x1FF60];
	_ =	sdelay $0x3  }
0x3d9: {  	[tilespmem:v31+s13+$0x0] =	vst.idx.msk $0xffff, v20  }
0x3da: {  	v24 =	vor.u32 v3, v6;
	v3 =	vld [tilespmem:$0x1F280];
	_ =	sdelay $0x3  }
0x3db: {  	v16 =	vld.idx.msk [tilespmem:v28+s3+$0x0], $0xffff  }
0x3dc: {  	v28 =	vor.u32 v3, v7;
	v3 =	vld [tilespmem:$0x1FF10];
	_ =	sdelay $0x2  }
0x3dd: {  	v19 =	vld.idx.msk [tilespmem:v19+s3+$0x0], $0xffff;
	_ =	sdelay $0x1  }
0x3de: {  	v29 =	vor.u32 v3, v0;
	v3 =	vld [tilespmem:$0x1F830];
	_ =	sdelay $0x2  }
0x3df: {  	[tilespmem:v23+s13+$0x0] =	vst.idx.msk $0xffff, v19  }
0x3e0: {  	v30 =	vor.u32 v36, v5;
	v4 =	vld [tilespmem:$0x1F2A0]  }
0x3e1: {  	v31 =	vor.u32 v3, v1;
	v3 =	vld [tilespmem:$0x1F290];
	_ =	sdelay $0x1  }
0x3e2: {  	v21 =	vor.u32 v26, v2;
	_ =	sdelay $0x1  }
0x3e3: {  	v20 =	vld.idx.msk [tilespmem:v30+s3+$0x0], $0xffff  }
0x3e4: {  	v36 =	vcombine.low v4, v3;
	v3 =	vld [tilespmem:$0x1FEC0];
	_ =	sdelay $0x1  }
0x3e5: {  	v21 =	vld.idx.msk [tilespmem:v21+s3+$0x0], $0xffff;
	[tilespmem:$0x1F2B0] =	vst v53  }
0x3e6: {  	[tilespmem:v24+s13+$0x0] =	vst.idx.msk $0xffff, v16  }
0x3e7: {  	[tilespmem:v29+s13+$0x0] =	vst.idx.msk $0xffff, v20  }
0x3e8: {  	v23 =	vor.u32 v3, v25;
	v3 =	vld [tilespmem:$0x1FF70];
	_ =	sdelay $0x3  }
0x3e9: {  	[tilespmem:v31+s13+$0x0] =	vst.idx.msk $0xffff, v21  }
0x3ea: {  	v24 =	vor.u32 v3, v6;
	v3 =	vld [tilespmem:$0x1F2C0];
	_ =	sdelay $0x2  }
0x3eb: {  	v18 =	vor.u32 v40, v22  }
0x3ec: {  	v20 =	vld.idx.msk [tilespmem:v28+s3+$0x0], $0xffff  }
0x3ed: {  	v28 =	vor.u32 v3, v7;
	v3 =	vld [tilespmem:$0x1FF20];
	_ =	sdelay $0x2  }
0x3ee: {  	v30 =	vor.u32 v54, v5;
	v18 =	vld.idx.msk [tilespmem:v18+s3+$0x0], $0xffff;
	_ =	sdelay $0x1  }
0x3ef: {  	v29 =	vor.u32 v3, v0;
	v3 =	vld [tilespmem:$0x1F840];
	_ =	sdelay $0x2  }
0x3f0: {  	v21 =	vld.idx.msk [tilespmem:v30+s3+$0x0], $0xffff;
	[tilespmem:v23+s13+$0x0] =	vst.idx.msk $0xffff, v18  }
0x3f1: {  	v4 =	vld [tilespmem:$0x1F2E0]  }
0x3f2: {  	v30 =	vor.u32 v3, v1;
	v3 =	vld [tilespmem:$0x1F2D0];
	_ =	sdelay $0x4  }
0x3f3: {  	v19 =	vor.u32 v53, v2;
	v54 =	vcombine.low v4, v3;
	v3 =	vld [tilespmem:$0x1FF40];
	_ =	sdelay $0x4  }
0x3f4: {  	s31 =	simm.s32 $0x40;
	v19 =	vld.idx.msk [tilespmem:v19+s3+$0x0], $0xffff;
	[tilespmem:$0x1F2F0] =	vst v32;
	v18 =	vor.u32 v3, v25;
	v3 =	vlaneseq.u32  }
0x3f5: {  	[tilespmem:v24+s13+$0x0] =	vst.idx.msk $0xffff, v20;
	v23 =	vor.u32 s31, v3  }
0x3f6: {  	[tilespmem:v29+s13+$0x0] =	vst.idx.msk $0xffff, v21;
	v17 =	vshll.u32 v23, $0x6  }
0x3f7: {  	v24 =	vor.u32 v3, v17;
	v3 =	vld [tilespmem:$0x1FF50];
	_ =	sdelay $0x3  }
0x3f8: {  	v21 =	vld.idx.msk [tilespmem:v28+s3+$0x0], $0xffff;
	[tilespmem:v30+s13+$0x0] =	vst.idx.msk $0xffff, v19  }
0x3f9: {  	v28 =	vor.u32 v3, v6;
	v3 =	vld [tilespmem:$0x1F300];
	_ =	sdelay $0x2  }
0x3fa: {  	v31 =	vor.u32 v63, v5  }
0x3fb: {  	v12 =	vor.u32 v32, v2;
	v4 =	vld [tilespmem:$0x1FA60]  }
0x3fc: {  	v29 =	vor.u32 v3, v7;
	v3 =	vld [tilespmem:$0x1FA70];
	_ =	sdelay $0x1  }
0x3fd: {  	v16 =	vor.u32 v36, v22  }
0x3fe: {  	v19 =	vld.idx.msk [tilespmem:v31+s3+$0x0], $0xffff  }
0x3ff: {  	v31 =	vld.idx.msk [tilespmem:v12+s3+$0x0], $0xffff  }
0x400: {  	v12 =	vcombine.low v4, v3;
	v3 =	vld [tilespmem:$0x1FE00];
	_ =	sdelay $0x1  }
0x401: {  	v16 =	vld.idx.msk [tilespmem:v16+s3+$0x0], $0xffff;
	_ =	sdelay $0x1  }
0x402: {  	v20 =	vor.u32 v54, v22  }
0x403: {  	v30 =	vor.u32 v56, v0;
	v56 =	vor.u32 v3, v1;
	v3 =	vld [tilespmem:$0x1F310];
	_ =	sdelay $0x1  }
0x404: {  	[tilespmem:v18+s13+$0x0] =	vst.idx.msk $0xffff, v16  }
0x405: {  	[tilespmem:$0x1F320] =	vst v42;
	v4 =	vld [tilespmem:$0x1FF30]  }
0x406: {  	v18 =	vld.idx.msk [tilespmem:v20+s3+$0x0], $0xffff  }
0x407: {  	[tilespmem:v28+s13+$0x0] =	vst.idx.msk $0xffff, v21;
	v21 =	vld.idx.msk [tilespmem:v24+s3+$0x0], $0xffff;
	v63 =	vor.u32 v3, v5;
	v3 =	vand.u32 $0xF, v12  }
0x408: {  	v12 =	vand.u32 $0x78, v23;
	[tilespmem:$0x1F330] =	vst v3;
	v23 =	vor.u32 v3, v22;
	v3 =	vld [tilespmem:$0x1FFD0];
	_ =	sdelay $0x3  }
0x409: {  	[tilespmem:v30+s13+$0x0] =	vst.idx.msk $0xffff, v19  }
0x40a: {  	v24 =	vor.u32 v3, v12;
	v3 =	vld [tilespmem:$0x1FD30];
	_ =	sdelay $0x3  }
0x40b: {  	[tilespmem:v56+s13+$0x0] =	vst.idx.msk $0xffff, v31  }
0x40c: {  	v28 =	vor.u32 v3, v17;
	v3 =	vld [tilespmem:$0x1F340];
	_ =	sdelay $0x4  }
0x40d: {  	v31 =	vor.u32 v3, v7;
	v3 =	vld [tilespmem:$0x1F780];
	_ =	sdelay $0x3  }
0x40e: {  	v19 =	vld.idx.msk [tilespmem:v29+s3+$0x0], $0xffff  }
0x40f: {  	v29 =	vor.u32 v52, v6;
	v52 =	vor.u32 v3, v0;
	v3 =	vld [tilespmem:$0x1F350];
	_ =	sdelay $0x2  }
0x410: {  	v20 =	vor.u32 v4, v25;
	_ =	sdelay $0x1  }
0x411: {  	v53 =	vor.u32 v3, v5;
	v3 =	vld [tilespmem:$0x1FE10];
	_ =	sdelay $0x2  }
0x412: {  	v16 =	vor.u32 v42, v2;
	[tilespmem:v20+s13+$0x0] =	vst.idx.msk $0xffff, v18  }
0x413: {  	v4 =	vld [tilespmem:$0x1F370]  }
0x414: {  	v56 =	vor.u32 v3, v1;
	v3 =	vld [tilespmem:$0x1F360];
	_ =	sdelay $0x1  }
0x415: {  	v30 =	vld.idx.msk [tilespmem:v63+s3+$0x0], $0xffff  }
0x416: {  	v16 =	vld.idx.msk [tilespmem:v16+s3+$0x0], $0xffff;
	[tilespmem:$0x1F380] =	vst v11  }
0x417: {  	[tilespmem:v24+s13+$0x0] =	vst.idx.msk $0xffff, v21  }
0x418: {  	v42 =	vcombine.low v4, v3;
	v3 =	vld [tilespmem:$0x1FDB0];
	_ =	sdelay $0x3  }
0x419: {  	[tilespmem:v29+s13+$0x0] =	vst.idx.msk $0xffff, v19  }
0x41a: {  	v18 =	vor.u32 v3, v25;
	v3 =	vld [tilespmem:$0x1F6A0];
	_ =	sdelay $0x3  }
0x41b: {  	[tilespmem:v52+s13+$0x0] =	vst.idx.msk $0xffff, v30  }
0x41c: {  	v21 =	vor.u32 v3, v12;
	v3 =	vld [tilespmem:$0x1FD40];
	_ =	sdelay $0x3  }
0x41d: {  	[tilespmem:v56+s13+$0x0] =	vst.idx.msk $0xffff, v16  }
0x41e: {  	v24 =	vor.u32 v3, v17;
	v3 =	vld [tilespmem:$0x1F790];
	_ =	sdelay $0x4  }
0x41f: {  	v29 =	vor.u32 v3, v0;
	v3 =	vld [tilespmem:$0x1F390];
	_ =	sdelay $0x4  }
0x420: {  	v30 =	vor.u32 v3, v7;
	v3 =	vld [tilespmem:$0x1F3A0];
	_ =	sdelay $0x2  }
0x421: {  	v15 =	vld.idx.msk [tilespmem:v23+s3+$0x0], $0xffff  }
0x422: {  	v23 =	vld.idx.msk [tilespmem:v31+s3+$0x0], $0xffff  }
0x423: {  	v31 =	vor.u32 v3, v5;
	v3 =	vld [tilespmem:$0x1FE20];
	_ =	sdelay $0x1  }
0x424: {  	v14 =	vor.u32 v11, v2  }
0x425: {  	v19 =	vld.idx.msk [tilespmem:v28+s3+$0x0], $0xffff;
	[tilespmem:v18+s13+$0x0] =	vst.idx.msk $0xffff, v15  }
0x426: {  	v28 =	vor.u32 v27, v6;
	v4 =	vld [tilespmem:$0x1F3C0]  }
0x427: {  	v63 =	vor.u32 v3, v1;
	v3 =	vld [tilespmem:$0x1F3B0]  }
0x428: {  	v16 =	vld.idx.msk [tilespmem:v53+s3+$0x0], $0xffff  }
0x429: {  	v14 =	vld.idx.msk [tilespmem:v14+s3+$0x0], $0xffff;
	[tilespmem:$0x1F3D0] =	vst v44  }
0x42a: {  	v32 =	vld [tilespmem:$0x1FD10];
	[tilespmem:v21+s13+$0x0] =	vst.idx.msk $0xffff, v19  }
0x42b: {  	[tilespmem:v28+s13+$0x0] =	vst.idx.msk $0xffff, v23  }
0x42c: {  	v34 =	vcombine.low v3, v4;
	v3 =	vld [tilespmem:$0x1F6B0];
	_ =	sdelay $0x2  }
0x42d: {  	[tilespmem:v29+s13+$0x0] =	vst.idx.msk $0xffff, v16  }
0x42e: {  	[tilespmem:v63+s13+$0x0] =	vst.idx.msk $0xffff, v14  }
0x42f: {  	v23 =	vor.u32 v3, v12;
	v3 =	vld [tilespmem:$0x1FDD0];
	_ =	sdelay $0x2  }
0x430: {  	v20 =	vor.u32 v42, v22;
	_ =	sdelay $0x1  }
0x431: {  	v27 =	vor.u32 v3, v17;
	v3 =	vld [tilespmem:$0x1F7A0];
	_ =	sdelay $0x2  }
0x432: {  	v18 =	vld.idx.msk [tilespmem:v20+s3+$0x0], $0xffff;
	v19 =	vor.u32 v32, v25;
	_ =	sdelay $0x1  }
0x433: {  	v28 =	vor.u32 v3, v0;
	v3 =	vld [tilespmem:$0x1F3E0];
	_ =	sdelay $0x2  }
0x434: {  	[tilespmem:v19+s13+$0x0] =	vst.idx.msk $0xffff, v18  }
0x435: {  	v15 =	vor.u32 v44, v2;
	v4 =	vld [tilespmem:$0x1F400]  }
0x436: {  	v29 =	vor.u32 v3, v7;
	v3 =	vld [tilespmem:$0x1F3F0]  }
0x437: {  	v20 =	vld.idx.msk [tilespmem:v24+s3+$0x0], $0xffff  }
0x438: {  	v24 =	vor.u32 v57, v6;
	v16 =	vld.idx.msk [tilespmem:v30+s3+$0x0], $0xffff  }
0x439: {  	v14 =	vld.idx.msk [tilespmem:v31+s3+$0x0], $0xffff  }
0x43a: {  	v30 =	vor.u32 v51, v1;
	v15 =	vld.idx.msk [tilespmem:v15+s3+$0x0], $0xffff  }
0x43b: {  	v31 =	vcombine.low v4, v3;
	v3 =	vld [tilespmem:$0x1F410]  }
0x43c: {  	[tilespmem:v23+s13+$0x0] =	vst.idx.msk $0xffff, v20  }
0x43d: {  	v33 =	vld [tilespmem:$0x1FD60];
	[tilespmem:v24+s13+$0x0] =	vst.idx.msk $0xffff, v16  }
0x43e: {  	[tilespmem:v28+s13+$0x0] =	vst.idx.msk $0xffff, v14  }
0x43f: {  	v21 =	vor.u32 v34, v22;
	[tilespmem:v30+s13+$0x0] =	vst.idx.msk $0xffff, v15  }
0x440: {  	v11 =	vor.u32 v3, v5;
	v3 =	vld [tilespmem:$0x1F6E0];
	_ =	sdelay $0x3  }
0x441: {  	v13 =	vld.idx.msk [tilespmem:v21+s3+$0x0], $0xffff  }
0x442: {  	v21 =	vor.u32 v3, v17;
	v3 =	vld [tilespmem:$0x1F730];
	_ =	sdelay $0x3  }
0x443: {  	v4 =	vld [tilespmem:$0x1FA80]  }
0x444: {  	v23 =	vor.u32 v3, v6;
	v3 =	vld [tilespmem:$0x1FA90];
	_ =	sdelay $0x4  }
0x445: {  	v24 =	vcombine.low v4, v3;
	v3 =	vld [tilespmem:$0x1F420];
	_ =	sdelay $0x3  }
0x446: {  	v14 =	vld.idx.msk [tilespmem:v27+s3+$0x0], $0xffff;
	v19 =	vor.u32 v33, v25  }
0x447: {  	v27 =	vor.u32 v3, v7;
	v3 =	vld [tilespmem:$0x1F7B0];
	_ =	sdelay $0x2  }
0x448: {  	v20 =	vor.u32 v39, v12  }
0x449: {  	v15 =	vld.idx.msk [tilespmem:v29+s3+$0x0], $0xffff;
	[tilespmem:v19+s13+$0x0] =	vst.idx.msk $0xffff, v13  }
0x44a: {  	v28 =	vor.u32 v3, v0;
	v3 =	vld [tilespmem:$0x1FD70];
	_ =	sdelay $0x2  }
0x44b: {  	[tilespmem:v20+s13+$0x0] =	vst.idx.msk $0xffff, v14  }
0x44c: {  	v11 =	vld.idx.msk [tilespmem:v11+s3+$0x0], $0xffff;
	[tilespmem:v23+s13+$0x0] =	vst.idx.msk $0xffff, v15  }
0x44d: {  	v29 =	vor.u32 v3, v25;
	v3 =	vld [tilespmem:$0x1F860];
	_ =	sdelay $0x2  }
0x44e: {  	v18 =	vor.u32 v43, v2  }
0x44f: {  	[tilespmem:v28+s13+$0x0] =	vst.idx.msk $0xffff, v11  }
0x450: {  	v20 =	vor.u32 v3, v12;
	v3 =	vld [tilespmem:$0x1FDC0];
	_ =	sdelay $0x2  }
0x451: {  	v13 =	vld.idx.msk [tilespmem:v18+s3+$0x0], $0xffff  }
0x452: {  	v19 =	vor.u32 v49, v1;
	v15 =	vld.idx.msk [tilespmem:v21+s3+$0x0], $0xffff  }
0x453: {  	v21 =	vor.u32 v3, v17;
	v3 =	vld [tilespmem:$0x1F740];
	_ =	sdelay $0x2  }
0x454: {  	v16 =	vor.u32 v31, v22  }
0x455: {  	v18 =	vor.u32 v9, v5;
	[tilespmem:v19+s13+$0x0] =	vst.idx.msk $0xffff, v13  }
0x456: {  	v23 =	vor.u32 v3, v6;
	v3 =	vld [tilespmem:$0x1F430];
	_ =	sdelay $0x2  }
0x457: {  	v16 =	vld.idx.msk [tilespmem:v16+s3+$0x0], $0xffff  }
0x458: {  	v13 =	vld.idx.msk [tilespmem:v18+s3+$0x0], $0xffff  }
0x459: {  	v18 =	vor.u32 v3, v7;
	v3 =	vld [tilespmem:$0x1F7C0];
	_ =	sdelay $0x2  }
0x45a: {  	[tilespmem:v29+s13+$0x0] =	vst.idx.msk $0xffff, v16  }
0x45b: {  	v4 =	vld [tilespmem:$0x1F450]  }
0x45c: {  	v19 =	vor.u32 v3, v0;
	v3 =	vld [tilespmem:$0x1F440];
	_ =	sdelay $0x2  }
0x45d: {  	v35 =	vand.u32 $0xF, v24  }
0x45e: {  	v14 =	vor.u32 v35, v22;
	v11 =	vld.idx.msk [tilespmem:v27+s3+$0x0], $0xffff  }
0x45f: {  	v27 =	vcombine.low v4, v3;
	v3 =	vld [tilespmem:$0x1F460];
	_ =	sdelay $0x3  }
0x460: {  	v9 =	vld.idx.msk [tilespmem:v14+s3+$0x0], $0xffff  }
0x461: {  	v14 =	vor.u32 v3, v5;
	v3 =	vld [tilespmem:$0x1FD80];
	_ =	sdelay $0x2  }
0x462: {  	v24 =	vor.u32 v58, v2;
	[tilespmem:v20+s13+$0x0] =	vst.idx.msk $0xffff, v15  }
0x463: {  	[tilespmem:v23+s13+$0x0] =	vst.idx.msk $0xffff, v11  }
0x464: {  	v26 =	vor.u32 v3, v25;
	v3 =	vld [tilespmem:$0x1F890];
	_ =	sdelay $0x2  }
0x465: {  	v16 =	vld.idx.msk [tilespmem:v24+s3+$0x0], $0xffff  }
0x466: {  	v24 =	vor.u32 v50, v1;
	v11 =	vld.idx.msk [tilespmem:v21+s3+$0x0], $0xffff;
	[tilespmem:v19+s13+$0x0] =	vst.idx.msk $0xffff, v13  }
0x467: {  	v21 =	vor.u32 v3, v12;
	v3 =	vld [tilespmem:$0x1FDE0];
	_ =	sdelay $0x3  }
0x468: {  	v13 =	vld.idx.msk [tilespmem:v18+s3+$0x0], $0xffff;
	[tilespmem:v24+s13+$0x0] =	vst.idx.msk $0xffff, v16  }
0x469: {  	v18 =	vor.u32 v3, v17;
	v3 =	vld [tilespmem:$0x1F470];
	_ =	sdelay $0x2  }
0x46a: {  	[tilespmem:v26+s13+$0x0] =	vst.idx.msk $0xffff, v9  }
0x46b: {  	v4 =	vld [tilespmem:$0x1F490]  }
0x46c: {  	v16 =	vor.u32 v3, v7;
	v3 =	vld [tilespmem:$0x1F480];
	_ =	sdelay $0x4  }
0x46d: {  	v26 =	vcombine.low v4, v3;
	v3 =	vld [tilespmem:$0x1F4A0];
	_ =	sdelay $0x1  }
0x46e: {  	v15 =	vor.u32 v62, v2  }
0x46f: {  	v20 =	vor.u32 v27, v22  }
0x470: {  	v19 =	vor.u32 v38, v6;
	[tilespmem:v21+s13+$0x0] =	vst.idx.msk $0xffff, v11  }
0x471: {  	v10 =	vor.u32 v3, v5;
	v3 =	vld [tilespmem:$0x1FD90]  }
0x472: {  	v9 =	vld.idx.msk [tilespmem:v14+s3+$0x0], $0xffff  }
0x473: {  	v14 =	vor.u32 v8, v0;
	v8 =	vld.idx.msk [tilespmem:v15+s3+$0x0], $0xffff  }
0x474: {  	v11 =	vld.idx.msk [tilespmem:v20+s3+$0x0], $0xffff;
	[tilespmem:$0x1F4B0] =	vst v47  }
0x475: {  	[tilespmem:v19+s13+$0x0] =	vst.idx.msk $0xffff, v13  }
0x476: {  	v20 =	vor.u32 v3, v25;
	v3 =	vld [tilespmem:$0x1FED0];
	_ =	sdelay $0x4  }
0x477: {  	v23 =	vor.u32 v3, v17;
	v3 =	vld [tilespmem:$0x1F750];
	_ =	sdelay $0x1  }
0x478: {  	v15 =	vor.u32 v48, v1;
	_ =	sdelay $0x1  }
0x479: {  	v13 =	vld.idx.msk [tilespmem:v18+s3+$0x0], $0xffff;
	v19 =	vor.u32 v59, v12;
	[tilespmem:v14+s13+$0x0] =	vst.idx.msk $0xffff, v9  }
0x47a: {  	v24 =	vor.u32 v3, v6;
	v3 =	vld [tilespmem:$0x1F4C0];
	_ =	sdelay $0x1  }
0x47b: {  	v21 =	vor.u32 v47, v2;
	[tilespmem:v15+s13+$0x0] =	vst.idx.msk $0xffff, v8  }
0x47c: {  	v18 =	vor.u32 v26, v22;
	[tilespmem:v20+s13+$0x0] =	vst.idx.msk $0xffff, v11  }
0x47d: {  	v16 =	vld.idx.msk [tilespmem:v16+s3+$0x0], $0xffff;
	[tilespmem:v19+s13+$0x0] =	vst.idx.msk $0xffff, v13  }
0x47e: {  	v9 =	vor.u32 v3, v7;
	v3 =	vld [tilespmem:$0x1FDA0]  }
0x47f: {  	v8 =	vld.idx.msk [tilespmem:v10+s3+$0x0], $0xffff  }
0x480: {  	v10 =	vor.u32 v46, v0;
	v11 =	vld.idx.msk [tilespmem:v21+s3+$0x0], $0xffff  }
0x481: {  	v14 =	vor.u32 v60, v1;
	v13 =	vld.idx.msk [tilespmem:v18+s3+$0x0], $0xffff  }
0x482: {  	v18 =	vor.u32 v61, v12;
	[tilespmem:v24+s13+$0x0] =	vst.idx.msk $0xffff, v16;
	v16 =	vld.idx.msk [tilespmem:v23+s3+$0x0], $0xffff  }
0x483: {  	v15 =	vor.u32 v3, v25;
	_ =	sdelay $0x1  }
0x484: {  	v19 =	vor.u32 v45, v6;
	[tilespmem:v10+s13+$0x0] =	vst.idx.msk $0xffff, v8;
	v9 =	vld.idx.msk [tilespmem:v9+s3+$0x0], $0xffff  }
0x485: {  	[tilespmem:v14+s13+$0x0] =	vst.idx.msk $0xffff, v11  }
0x486: {  	[tilespmem:v18+s13+$0x0] =	vst.idx.msk $0xffff, v16  }
0x487: {  	[tilespmem:v15+s13+$0x0] =	vst.idx.msk $0xffff, v13  }
0x488: {  	v3 =	vld [tilespmem:$0x1F4D0]  }
0x489: {  	v4 =	vld [tilespmem:$0x1F4E0];
	[tilespmem:v19+s13+$0x0] =	vst.idx.msk $0xffff, v9  }
0x48a: {  	[tilespmem:$0x1F510] =	vst v42  }
0x48b: {  	[tilespmem:$0x1F520] =	vst v34  }
0x48c: {  	[tilespmem:$0x1F540] =	vst v43  }
0x48d: {  	v20 =	vor.u32 v31, v5;
	[tilespmem:$0x1F550] =	vst v31  }
0x48e: {  	[tilespmem:$0x1F560] =	vst v20  }
0x48f: {  	[tilespmem:$0x1F570] =	vst v58  }
0x490: {  	[tilespmem:$0x1F580] =	vst v62  }
0x491: {  	[tilespmem:$0x1F5A0] =	vst v27  }
0x492: {  	[tilespmem:$0x1F5C0] =	vst v26  }
0x493: {  	v19 =	vld [tilespmem:$0x1F530];
	[tilespmem:$0x1F5E0] =	vst v37  }
0x494: {  	[tilespmem:$0x1F610] =	vst v55  }
0x495: {  	v20 =	vor.u32 v62, v7;
	[tilespmem:$0x1F620] =	vst v54;
	v21 =	vcombine.low v4, v3;
	v3 =	vld [tilespmem:$0x1FD20]  }
0x496: {  	[tilespmem:$0x1F590] =	vst v20;
	v20 =	vor.u32 v27, v5  }
0x497: {  	[tilespmem:$0x1F5B0] =	vst v20;
	v20 =	vor.u32 v26, v5  }
0x498: {  	[tilespmem:$0x1F5D0] =	vst v20;
	v20 =	vor.u32 v37, v7;
	v19 =	vor.u32 v19, v5  }
0x499: {  	v4 =	vor.u32 v37, v2;
	[tilespmem:$0x1F5F0] =	vst v20;
	v13 =	vor.u32 v21, v22  }
0x49a: {  	v47 =	vor.u32 v21, v2;
	[tilespmem:$0x1F600] =	vst v21;
	v18 =	vor.u32 v3, v25;
	v3 =	vor.u32 v26, v2  }
0x49b: {  	[tilespmem:$0x1F500] =	vst v3;
	v3 =	vor.u32 v37, v5;
	v37 =	vor.u32 v21, v5;
	v21 =	vor.u32 v54, v17  }
0x49c: {  	[tilespmem:$0x1F630] =	vst v21  }
0x49d: {  	v21 =	vld.idx.msk [tilespmem:v19+s3+$0x0], $0xffff;
	[tilespmem:$0x1F640] =	vst v41  }
0x49e: {  	v20 =	vld [tilespmem:$0x1FCF0];
	[tilespmem:$0x1F650] =	vst v40  }
0x49f: {  	v24 =	vld.idx.msk [tilespmem:v4+s3+$0x0], $0xffff  }
0x4a0: {  	v4 =	vld [tilespmem:$0x1F7F0];
	_ =	sdelay $0x1  }
0x4a1: {  	v19 =	vld [tilespmem:$0x1F660]  }
0x4a2: {  	v20 =	vor.u32 v20, v17;
	_ =	sdelay $0x1  }
0x4a3: {  	v30 =	vor.u32 v4, v0;
	v4 =	vld [tilespmem:$0x1F680]  }
0x4a4: {  	[tilespmem:$0x1F670] =	vst v36  }
0x4a5: {  	v29 =	vor.u32 v19, v7;
	v19 =	vld.idx.msk [tilespmem:v13+s3+$0x0], $0xffff  }
0x4a6: {  	v13 =	vor.u32 v33, v1;
	v33 =	vld.idx.msk [tilespmem:v20+s3+$0x0], $0xffff  }
0x4a7: {  	v52 =	vor.u32 v42, v2;
	v20 =	vld [tilespmem:$0x1FD50]  }
0x4a8: {  	v56 =	vor.u32 v54, v2;
	v51 =	vor.u32 v31, v2;
	v31 =	vor.u32 v4, v5;
	v4 =	vld [tilespmem:$0x1FE80]  }
0x4a9: {  	v53 =	vor.u32 v36, v5;
	v57 =	vor.u32 v40, v5;
	v63 =	vor.u32 v40, v2  }
0x4aa: {  	v44 =	vor.u32 v34, v5;
	v49 =	vor.u32 v34, v2;
	v50 =	vor.u32 v54, v5  }
0x4ab: {  	v48 =	vor.u32 v54, v7;
	v59 =	vor.u32 v36, v2;
	v60 =	vor.u32 v41, v5;
	v14 =	vld [tilespmem:$0x1F4F0]  }
0x4ac: {  	v46 =	vor.u32 v27, v2;
	v45 =	vor.u32 v42, v5;
	v61 =	vor.u32 v55, v5;
	v22 =	vld [tilespmem:$0x1FFE0]  }
0x4ad: {  	[tilespmem:$0x1F690] =	vst v35;
	v28 =	vor.u32 v4, v1;
	v4 =	vor.u32 v35, v2;
	v35 =	vor.u32 v20, v17;
	v20 =	vld [tilespmem:$0x1F770]  }
0x4ae: {  	v10 =	vor.u32 v43, v5;
	v8 =	vor.u32 v62, v5;
	v11 =	vor.u32 v41, v2  }
0x4af: {  	v15 =	vor.u32 v55, v2;
	v9 =	vor.u32 v58, v5;
	v43 =	vor.u32 v43, v7  }
0x4b0: {  	v42 =	vor.u32 v58, v7;
	v55 =	vor.u32 v55, v7;
	v58 =	vor.u32 v40, v7  }
0x4b1: {  	v62 =	vor.u32 v36, v7;
	v16 =	vor.u32 v14, v7;
	v14 =	vor.u32 v14, v17  }
0x4b2: {  	s25 =	sshll.u32 s21, $0x1;
	s26 =	simm.s32 $0x50;
	v54 =	vor.u32 v41, v7;
	v34 =	vor.u32 v22, v12;
	v20 =	vor.u32 v20, v6  }
.LBB2_3:
0x4b3: {  	v29 =	vld.idx.msk [tilespmem:v29+s3+$0x0], $0xffff;
	[tilespmem:v30+s13+$0x0] =	vst.idx.msk $0xffff, v21  }
0x4b4: {  	v30 =	vld.idx.msk [tilespmem:v31+s3+$0x0], $0xffff;
	[tilespmem:v28+s13+$0x0] =	vst.idx.msk $0xffff, v24  }
0x4b5: {  	v15 =	vld.idx.msk [tilespmem:v15+s3+$0x0], $0xffff  }
0x4b6: {  	[tilespmem:v18+s13+$0x0] =	vst.idx.msk $0xffff, v19;
	v18 =	vld [tilespmem:$0x1F210];
	_ =	sdelay $0x4  }
0x4b7: {  	[tilespmem:v34+s13+$0x0] =	vst.idx.msk $0xffff, v33;
	v33 =	vor.u32 v18, v5;
	v18 =	vld [tilespmem:$0x1FE90];
	_ =	sdelay $0x4  }
0x4b8: {  	v34 =	vor.u32 v18, v1;
	v18 =	vld [tilespmem:$0x1F330];
	_ =	sdelay $0x3  }
0x4b9: {  	v22 =	vld [tilespmem:$0x1F800]  }
0x4ba: {  	v19 =	vor.u32 v18, v2;
	v18 =	vld [tilespmem:$0x1FBE0];
	_ =	sdelay $0x3  }
0x4bb: {  	v28 =	vor.u32 v22, v0;
	v22 =	vld [tilespmem:$0x1FEC0]  }
0x4bc: {  	v36 =	vor.u32 v18, v12;
	v18 =	vld [tilespmem:$0x1FF40];
	_ =	sdelay $0x3  }
0x4bd: {  	v31 =	vor.u32 v22, v1;
	v22 =	vld [tilespmem:$0x1FEE0]  }
0x4be: {  	v38 =	vor.u32 v18, v1;
	v18 =	vld [tilespmem:$0x1FF30];
	_ =	sdelay $0x4  }
0x4bf: {  	v24 =	vor.u32 v18, v1;
	v18 =	vmov v47;
	v47 =	vor.u32 v22, v17;
	v22 =	vld [tilespmem:$0x1FEA0];
	_ =	sdelay $0x1  }
0x4c0: {  	v35 =	vld.idx.msk [tilespmem:v35+s3+$0x0], $0xffff;
	[tilespmem:v20+s13+$0x0] =	vst.idx.msk $0xffff, v29  }
0x4c1: {  	v29 =	vld.idx.msk [tilespmem:v16+s3+$0x0], $0xffff  }
0x4c2: {  	v16 =	vld [tilespmem:$0x1F220]  }
0x4c3: {  	[tilespmem:v28+s13+$0x0] =	vst.idx.msk $0xffff, v30;
	v30 =	vor.u32 v22, v1;
	v22 =	vld [tilespmem:$0x1F240];
	_ =	sdelay $0x3  }
0x4c4: {  	v41 =	vmov v39;
	v39 =	vor.u32 v16, v7;
	v16 =	vmov v14;
	v14 =	vld.idx.msk [tilespmem:v33+s3+$0x0], $0xffff  }
0x4c5: {  	v33 =	vor.u32 v22, v2;
	v2 =	vld [tilespmem:$0x1F230];
	_ =	sdelay $0x2  }
0x4c6: {  	[tilespmem:v34+s13+$0x0] =	vst.idx.msk $0xffff, v15;
	v15 =	vld [tilespmem:$0x1FEB0];
	_ =	sdelay $0x1  }
0x4c7: {  	v34 =	vor.u32 v2, v5;
	v2 =	vmov v5;
	v5 =	vld [tilespmem:$0x1FF80]  }
0x4c8: {  	v20 =	vld [tilespmem:$0x1FEF0]  }
0x4c9: {  	v11 =	vld.idx.msk [tilespmem:v11+s3+$0x0], $0xffff  }
0x4ca: {  	v28 =	vor.u32 v15, v1;
	v15 =	vld [tilespmem:$0x1F810];
	[tilespmem:v36+s13+$0x0] =	vst.idx.msk $0xffff, v35  }
0x4cb: {  	v35 =	vld.idx.msk [tilespmem:v47+s3+$0x0], $0xffff  }
0x4cc: {  	v47 =	vor.u32 v5, v12;
	v5 =	vmov v7;
	v7 =	vld [tilespmem:$0x1FDF0];
	_ =	sdelay $0x3  }
0x4cd: {  	v20 =	vor.u32 v20, v6  }
0x4ce: {  	v15 =	vor.u32 v15, v0;
	v22 =	vor.u32 v7, v17;
	v7 =	vld [tilespmem:$0x1FF00];
	_ =	sdelay $0x3  }
0x4cf: {  	v25 =	vld [tilespmem:$0x1F120];
	[tilespmem:v20+s13+$0x0] =	vst.idx.msk $0xffff, v29  }
0x4d0: {  	v20 =	vor.u32 v7, v6;
	v7 =	vmov v17;
	v17 =	vld.idx.msk [tilespmem:v39+s3+$0x0], $0xffff;
	[tilespmem:v15+s13+$0x0] =	vst.idx.msk $0xffff, v14  }
0x4d1: {  	v14 =	vld.idx.msk [tilespmem:v34+s3+$0x0], $0xffff  }
0x4d2: {  	[tilespmem:v30+s13+$0x0] =	vst.idx.msk $0xffff, v11;
	v11 =	vld [tilespmem:$0x1F820];
	_ =	sdelay $0x1  }
0x4d3: {  	v15 =	vld [tilespmem:$0x1F320];
	_ =	sdelay $0x1  }
0x4d4: {  	v39 =	vor.u32 v25, v5  }
0x4d5: {  	v11 =	vor.u32 v11, v0  }
0x4d6: {  	v30 =	vld.idx.msk [tilespmem:v33+s3+$0x0], $0xffff  }
0x4d7: {  	[tilespmem:v47+s13+$0x0] =	vst.idx.msk $0xffff, v35;
	v34 =	vor.u32 v15, v2;
	v15 =	vld [tilespmem:$0x1F270]  }
0x4d8: {  	v22 =	vld.idx.msk [tilespmem:v22+s3+$0x0], $0xffff;
	[tilespmem:v20+s13+$0x0] =	vst.idx.msk $0xffff, v17  }
0x4d9: {  	v20 =	vld.idx.msk [tilespmem:v39+s3+$0x0], $0xffff  }
0x4da: {  	[tilespmem:v11+s13+$0x0] =	vst.idx.msk $0xffff, v14;
	v11 =	vld [tilespmem:$0x1F2F0];
	_ =	sdelay $0x1  }
0x4db: {  	v33 =	vor.u32 v15, v2;
	v15 =	vld [tilespmem:$0x1FE00];
	_ =	sdelay $0x1  }
0x4dc: {  	v25 =	vld [tilespmem:$0x1F510]  }
0x4dd: {  	v39 =	vor.u32 v11, v2;
	v11 =	vld [tilespmem:$0x1F130];
	_ =	sdelay $0x1  }
0x4de: {  	v35 =	vor.u32 v15, v0;
	v15 =	vld [tilespmem:$0x1FF60];
	_ =	sdelay $0x1  }
0x4df: {  	v29 =	vor.u32 v25, v5;
	v25 =	vld [tilespmem:$0x1F280]  }
0x4e0: {  	v14 =	vor.u32 v11, v5;
	v11 =	vld [tilespmem:$0x1F2B0]  }
0x4e1: {  	v17 =	vld [tilespmem:$0x1FF10]  }
0x4e2: {  	v27 =	vld [tilespmem:$0x1F840];
	v36 =	vor.u32 v15, v12;
	_ =	sdelay $0x1  }
0x4e3: {  	v47 =	vmov v37;
	v37 =	vor.u32 v25, v7;
	v33 =	vld.idx.msk [tilespmem:v33+s3+$0x0], $0xffff  }
0x4e4: {  	[tilespmem:v28+s13+$0x0] =	vst.idx.msk $0xffff, v30;
	v25 =	vor.u32 v11, v2;
	v11 =	vld [tilespmem:$0x1F520]  }
0x4e5: {  	v17 =	vor.u32 v17, v6;
	v26 =	vld.idx.msk [tilespmem:v63+s3+$0x0], $0xffff  }
0x4e6: {  	[tilespmem:v36+s13+$0x0] =	vst.idx.msk $0xffff, v22;
	v36 =	vor.u32 v27, v0;
	v27 =	vld [tilespmem:$0x1FF70]  }
0x4e7: {  	v21 =	vld [tilespmem:$0x1FDB0]  }
0x4e8: {  	v22 =	vld.idx.msk [tilespmem:v37+s3+$0x0], $0xffff  }
0x4e9: {  	v15 =	vmov v61;
	v61 =	vmov v55;
	v55 =	vor.u32 v11, v5;
	v11 =	vld [tilespmem:$0x1F830]  }
0x4ea: {  	[tilespmem:v17+s13+$0x0] =	vst.idx.msk $0xffff, v20;
	v17 =	vld [tilespmem:$0x1FF20]  }
0x4eb: {  	v37 =	vor.u32 v27, v12;
	v27 =	vld [tilespmem:$0x1F2C0];
	_ =	sdelay $0x2  }
0x4ec: {  	v23 =	vor.u32 v21, v1;
	v21 =	vor.u32 v32, v1;
	v32 =	vld.idx.msk [tilespmem:v14+s3+$0x0], $0xffff;
	v30 =	vor.u32 v11, v0  }
0x4ed: {  	v14 =	vld [tilespmem:$0x1F140]  }
0x4ee: {  	v11 =	vmovc v60;
	v60 =	vmov v54;
	v54 =	vor.u32 v27, v7;
	v27 =	vor.u32 v17, v6;
	v17 =	vld [tilespmem:$0x1F540];
	_ =	sdelay $0x2  }
0x4ef: {  	s28 =	smov.u32 s26;
	[tilespmem:v30+s13+$0x0] =	vst.idx.msk $0xffff, v33;
	v30 =	vlaneseq.u32  }
0x4f0: {  	v40 =	vor.u32 v14, v5;
	v14 =	vor.u32 s28, v30  }
0x4f1: {  	v28 =	vor.u32 v17, v7;
	v25 =	vld.idx.msk [tilespmem:v25+s3+$0x0], $0xffff;
	v17 =	vshll.u32 v14, $0x6  }
0x4f2: {  	[tilespmem:v31+s13+$0x0] =	vst.idx.msk $0xffff, v26;
	v31 =	vor.u32 v30, v17;
	v30 =	vld [tilespmem:$0x1F300];
	_ =	sdelay $0x3  }
0x4f3: {  	v26 =	vld.idx.msk [tilespmem:v59+s3+$0x0], $0xffff  }
0x4f4: {  	v59 =	vmov v53;
	v53 =	vmov v62;
	v62 =	vor.u32 v30, v7;
	v30 =	vld [tilespmem:$0x1FF90]  }
0x4f5: {  	[tilespmem:v37+s13+$0x0] =	vst.idx.msk $0xffff, v22;
	v20 =	vand.u32 $0x78, v14;
	v14 =	vld [tilespmem:$0x1FF50]  }
0x4f6: {  	v22 =	vld.idx.msk [tilespmem:v54+s3+$0x0], $0xffff;
	[tilespmem:v27+s13+$0x0] =	vst.idx.msk $0xffff, v32  }
0x4f7: {  	v27 =	vld.idx.msk [tilespmem:v40+s3+$0x0], $0xffff  }
0x4f8: {  	[tilespmem:v36+s13+$0x0] =	vst.idx.msk $0xffff, v25;
	v25 =	vld [tilespmem:$0x1F550]  }
0x4f9: {  	v32 =	vor.u32 v30, v6;
	v30 =	vld [tilespmem:$0x1F310];
	_ =	sdelay $0x2  }
0x4fa: {  	v63 =	vmov v57;
	v57 =	vmov v58;
	v58 =	vor.u32 v14, v12;
	_ =	sdelay $0x1  }
0x4fb: {  	v40 =	vor.u32 v30, v5;
	v30 =	vor.u32 v25, v5;
	v25 =	vld.idx.msk [tilespmem:v39+s3+$0x0], $0xffff;
	[tilespmem:v38+s13+$0x0] =	vst.idx.msk $0xffff, v26  }
0x4fc: {  	v26 =	vld.idx.msk [tilespmem:v56+s3+$0x0], $0xffff  }
0x4fd: {  	v31 =	vld.idx.msk [tilespmem:v31+s3+$0x0], $0xffff  }
0x4fe: {  	[tilespmem:v58+s13+$0x0] =	vst.idx.msk $0xffff, v22;
	v22 =	vld [tilespmem:$0x1FFD0]  }
0x4ff: {  	v56 =	vld [tilespmem:$0x1FD30]  }
0x500: {  	v33 =	vld.idx.msk [tilespmem:v62+s3+$0x0], $0xffff  }
0x501: {  	v62 =	vld [tilespmem:$0x1FFA0];
	_ =	sdelay $0x1  }
0x502: {  	[tilespmem:v32+s13+$0x0] =	vst.idx.msk $0xffff, v27;
	v22 =	vor.u32 v22, v20  }
0x503: {  	v32 =	vld.idx.msk [tilespmem:v40+s3+$0x0], $0xffff;
	[tilespmem:v35+s13+$0x0] =	vst.idx.msk $0xffff, v25  }
0x504: {  	v36 =	vor.u32 v56, v17;
	v25 =	vld.idx.msk [tilespmem:v34+s3+$0x0], $0xffff  }
0x505: {  	[tilespmem:v24+s13+$0x0] =	vst.idx.msk $0xffff, v26;
	v24 =	vld [tilespmem:$0x1F6A0];
	v37 =	vor.u32 v62, v12  }
0x506: {  	v54 =	vld [tilespmem:$0x1F570]  }
0x507: {  	[tilespmem:v22+s13+$0x0] =	vst.idx.msk $0xffff, v31  }
0x508: {  	v26 =	vld.idx.msk [tilespmem:v19+s3+$0x0], $0xffff  }
0x509: {  	v31 =	vld.idx.msk [tilespmem:v36+s3+$0x0], $0xffff  }
0x50a: {  	[tilespmem:v37+s13+$0x0] =	vst.idx.msk $0xffff, v33;
	v33 =	vor.u32 v24, v20;
	v24 =	vld [tilespmem:$0x1FD40]  }
0x50b: {  	v58 =	vor.u32 v54, v7;
	v54 =	vld [tilespmem:$0x1F340]  }
0x50c: {  	v27 =	vld [tilespmem:$0x1F780]  }
0x50d: {  	v62 =	vld [tilespmem:$0x1F350]  }
0x50e: {  	v22 =	vld [tilespmem:$0x1F580]  }
0x50f: {  	v36 =	vor.u32 v24, v17;
	v24 =	vld [tilespmem:$0x1FFB0];
	_ =	sdelay $0x3  }
0x510: {  	v38 =	vor.u32 v54, v7;
	v39 =	vor.u32 v62, v5;
	v62 =	vor.u32 v22, v7;
	v22 =	vld [tilespmem:$0x1FE10]  }
0x511: {  	v27 =	vor.u32 v27, v6;
	v54 =	vor.u32 v24, v12;
	v24 =	vld [tilespmem:$0x1F790];
	_ =	sdelay $0x2  }
0x512: {  	v56 =	vmov v50;
	v50 =	vld [tilespmem:$0x1F380]  }
0x513: {  	v35 =	vld.idx.msk [tilespmem:v38+s3+$0x0], $0xffff;
	v22 =	vor.u32 v22, v0  }
0x514: {  	[tilespmem:v27+s13+$0x0] =	vst.idx.msk $0xffff, v32;
	v27 =	vor.u32 v24, v6;
	v24 =	vld [tilespmem:$0x1F390];
	_ =	sdelay $0x2  }
0x515: {  	v38 =	vld.idx.msk [tilespmem:v39+s3+$0x0], $0xffff  }
0x516: {  	[tilespmem:v22+s13+$0x0] =	vst.idx.msk $0xffff, v25;
	v22 =	vld [tilespmem:$0x1F5C0]  }
0x517: {  	v34 =	vor.u32 v50, v2;
	v32 =	vor.u32 v24, v7;
	v24 =	vld [tilespmem:$0x1F3A0];
	_ =	sdelay $0x4  }
0x518: {  	v39 =	vor.u32 v24, v5;
	v24 =	vor.u32 v22, v5;
	v22 =	vld.idx.msk [tilespmem:v34+s3+$0x0], $0xffff  }
0x519: {  	[tilespmem:v23+s13+$0x0] =	vst.idx.msk $0xffff, v26;
	v23 =	vld [tilespmem:$0x1FE20];
	_ =	sdelay $0x4  }
0x51a: {  	v26 =	vor.u32 v23, v0;
	v23 =	vld [tilespmem:$0x1F6B0];
	_ =	sdelay $0x2  }
0x51b: {  	v25 =	vld [tilespmem:$0x1F3D0];
	_ =	sdelay $0x1  }
0x51c: {  	v34 =	vor.u32 v23, v20;
	v23 =	vld [tilespmem:$0x1FDD0]  }
0x51d: {  	[tilespmem:v33+s13+$0x0] =	vst.idx.msk $0xffff, v31  }
0x51e: {  	v31 =	vld.idx.msk [tilespmem:v52+s3+$0x0], $0xffff  }
0x51f: {  	v25 =	vor.u32 v25, v2;
	v33 =	vld.idx.msk [tilespmem:v36+s3+$0x0], $0xffff  }
0x520: {  	v52 =	vmov v45;
	v45 =	vmov v29;
	v29 =	vld [tilespmem:$0x1F7A0]  }
0x521: {  	v50 =	vmov v48;
	[tilespmem:v54+s13+$0x0] =	vst.idx.msk $0xffff, v35;
	v48 =	vor.u32 v23, v17;
	v23 =	vld [tilespmem:$0x1FFC0]  }
0x522: {  	v32 =	vld.idx.msk [tilespmem:v32+s3+$0x0], $0xffff;
	[tilespmem:v27+s13+$0x0] =	vst.idx.msk $0xffff, v38  }
0x523: {  	v27 =	vld.idx.msk [tilespmem:v39+s3+$0x0], $0xffff;
	[tilespmem:v26+s13+$0x0] =	vst.idx.msk $0xffff, v22  }
0x524: {  	v22 =	vld.idx.msk [tilespmem:v25+s3+$0x0], $0xffff  }
0x525: {  	[tilespmem:v21+s13+$0x0] =	vst.idx.msk $0xffff, v31;
	v21 =	vld [tilespmem:$0x1F410]  }
0x526: {  	v36 =	vor.u32 v23, v12;
	v23 =	vld [tilespmem:$0x1F3E0]  }
0x527: {  	v25 =	vld [tilespmem:$0x1FE30];
	_ =	sdelay $0x3  }
0x528: {  	v29 =	vor.u32 v29, v6;
	v54 =	vor.u32 v23, v7  }
0x529: {  	v21 =	vor.u32 v21, v5;
	v25 =	vor.u32 v25, v0  }
0x52a: {  	[tilespmem:v34+s13+$0x0] =	vst.idx.msk $0xffff, v33  }
0x52b: {  	v26 =	vld.idx.msk [tilespmem:v49+s3+$0x0], $0xffff  }
0x52c: {  	v31 =	vld.idx.msk [tilespmem:v48+s3+$0x0], $0xffff;
	[tilespmem:v36+s13+$0x0] =	vst.idx.msk $0xffff, v32  }
0x52d: {  	v48 =	vld.idx.msk [tilespmem:v54+s3+$0x0], $0xffff;
	[tilespmem:v29+s13+$0x0] =	vst.idx.msk $0xffff, v27  }
0x52e: {  	v21 =	vld.idx.msk [tilespmem:v21+s3+$0x0], $0xffff;
	[tilespmem:v25+s13+$0x0] =	vst.idx.msk $0xffff, v22  }
0x52f: {  	v25 =	vld.idx.msk [tilespmem:v10+s3+$0x0], $0xffff  }
0x530: {  	v10 =	vld [tilespmem:$0x1FD70];
	_ =	sdelay $0x3  }
0x531: {  	v38 =	vld [tilespmem:$0x1F6E0]  }
0x532: {  	[tilespmem:v13+s13+$0x0] =	vst.idx.msk $0xffff, v26;
	v13 =	vor.u32 v10, v1;
	v10 =	vld [tilespmem:$0x1FE40];
	_ =	sdelay $0x1  }
0x533: {  	v39 =	vmov v41;
	v49 =	vmov v44;
	v44 =	vld [tilespmem:$0x1F730]  }
0x534: {  	v33 =	vor.u32 v39, v20;
	v54 =	vld [tilespmem:$0x1F420]  }
0x535: {  	v34 =	vor.u32 v38, v17;
	v29 =	vld [tilespmem:$0x1F7B0]  }
0x536: {  	v26 =	vor.u32 v10, v0;
	v10 =	vld [tilespmem:$0x1F860]  }
0x537: {  	v22 =	vld [tilespmem:$0x1F6F0];
	_ =	sdelay $0x1  }
0x538: {  	[tilespmem:v33+s13+$0x0] =	vst.idx.msk $0xffff, v31  }
0x539: {  	v32 =	vor.u32 v44, v12;
	v33 =	vld.idx.msk [tilespmem:v34+s3+$0x0], $0xffff  }
0x53a: {  	v36 =	vor.u32 v54, v7;
	v29 =	vor.u32 v29, v6;
	v34 =	vor.u32 v10, v20;
	v10 =	vmovc v43;
	v43 =	vld [tilespmem:$0x1FDC0]  }
0x53b: {  	v22 =	vor.u32 v22, v5;
	_ =	sdelay $0x2  }
0x53c: {  	v31 =	vld.idx.msk [tilespmem:v51+s3+$0x0], $0xffff;
	[tilespmem:v32+s13+$0x0] =	vst.idx.msk $0xffff, v48  }
0x53d: {  	v38 =	vor.u32 v43, v17;
	v43 =	vmov v28;
	v28 =	vld.idx.msk [tilespmem:v36+s3+$0x0], $0xffff;
	[tilespmem:v29+s13+$0x0] =	vst.idx.msk $0xffff, v21  }
0x53e: {  	v21 =	vld.idx.msk [tilespmem:v22+s3+$0x0], $0xffff;
	[tilespmem:v26+s13+$0x0] =	vst.idx.msk $0xffff, v25  }
0x53f: {  	v25 =	vld.idx.msk [tilespmem:v9+s3+$0x0], $0xffff  }
0x540: {  	v9 =	vld [tilespmem:$0x1FD90];
	_ =	sdelay $0x3  }
0x541: {  	v51 =	vld [tilespmem:$0x1F430]  }
0x542: {  	[tilespmem:v13+s13+$0x0] =	vst.idx.msk $0xffff, v31;
	v13 =	vor.u32 v9, v1;
	v9 =	vld [tilespmem:$0x1F560];
	_ =	sdelay $0x4  }
0x543: {  	v35 =	vor.u32 v51, v7;
	v51 =	vmov v9;
	v9 =	vmov v30  }
0x544: {  	[tilespmem:$0x1F560] =	vst v9;
	v9 =	vld [tilespmem:$0x1F460];
	_ =	sdelay $0x3  }
0x545: {  	v48 =	vld [tilespmem:$0x1F740]  }
0x546: {  	v26 =	vor.u32 v9, v5;
	v9 =	vld [tilespmem:$0x1FE50];
	_ =	sdelay $0x1  }
0x547: {  	v22 =	vld [tilespmem:$0x1F7C0];
	_ =	sdelay $0x2  }
0x548: {  	v32 =	vor.u32 v48, v12;
	v29 =	vor.u32 v9, v0;
	v9 =	vld [tilespmem:$0x1FD80]  }
0x549: {  	v48 =	vld [tilespmem:$0x1F470];
	[tilespmem:v34+s13+$0x0] =	vst.idx.msk $0xffff, v33  }
0x54a: {  	v4 =	vld.idx.msk [tilespmem:v4+s3+$0x0], $0xffff;
	v22 =	vor.u32 v22, v6  }
0x54b: {  	v30 =	vld.idx.msk [tilespmem:v38+s3+$0x0], $0xffff  }
0x54c: {  	v38 =	vld [tilespmem:$0x1FD00]  }
0x54d: {  	[tilespmem:v32+s13+$0x0] =	vst.idx.msk $0xffff, v28;
	v31 =	vor.u32 v9, v1;
	v9 =	vld [tilespmem:$0x1F890]  }
0x54e: {  	v32 =	vld.idx.msk [tilespmem:v35+s3+$0x0], $0xffff  }
0x54f: {  	[tilespmem:v22+s13+$0x0] =	vst.idx.msk $0xffff, v21;
	v22 =	vld [tilespmem:$0x1F7D0]  }
0x550: {  	v21 =	vld.idx.msk [tilespmem:v26+s3+$0x0], $0xffff;
	[tilespmem:v29+s13+$0x0] =	vst.idx.msk $0xffff, v25  }
0x551: {  	v26 =	vld.idx.msk [tilespmem:v8+s3+$0x0], $0xffff  }
0x552: {  	v36 =	vor.u32 v9, v20;
	v9 =	vmov v42;
	v42 =	vld [tilespmem:$0x1FDE0]  }
0x553: {  	v8 =	vld [tilespmem:$0x1F4B0]  }
0x554: {  	v25 =	vld [tilespmem:$0x1F4A0]  }
0x555: {  	v19 =	vld [tilespmem:$0x1F5A0]  }
0x556: {  	v41 =	vld [tilespmem:$0x1F750]  }
0x557: {  	v28 =	vor.u32 v38, v12;
	[tilespmem:v31+s13+$0x0] =	vst.idx.msk $0xffff, v4;
	v4 =	vld [tilespmem:$0x1FE60];
	v34 =	vor.u32 v42, v17  }
0x558: {  	v35 =	vor.u32 v48, v7;
	v22 =	vor.u32 v22, v6;
	v29 =	vor.u32 v8, v2;
	v8 =	vld [tilespmem:$0x1F720]  }
0x559: {  	v25 =	vor.u32 v25, v5;
	v42 =	vmov v58;
	v58 =	vld [tilespmem:$0x1F590]  }
0x55a: {  	[tilespmem:v36+s13+$0x0] =	vst.idx.msk $0xffff, v30;
	v36 =	vld [tilespmem:$0x1FED0]  }
0x55b: {  	v30 =	vld.idx.msk [tilespmem:v46+s3+$0x0], $0xffff  }
0x55c: {  	v31 =	vld.idx.msk [tilespmem:v34+s3+$0x0], $0xffff;
	[tilespmem:v28+s13+$0x0] =	vst.idx.msk $0xffff, v32  }
0x55d: {  	v4 =	vor.u32 v4, v0;
	v48 =	vld.idx.msk [tilespmem:v35+s3+$0x0], $0xffff;
	[tilespmem:v22+s13+$0x0] =	vst.idx.msk $0xffff, v21  }
0x55e: {  	v21 =	vld.idx.msk [tilespmem:v25+s3+$0x0], $0xffff  }
0x55f: {  	v25 =	vld [tilespmem:$0x1F5B0]  }
0x560: {  	v33 =	vor.u32 v8, v20;
	v8 =	vmov v58;
	v58 =	vld [tilespmem:$0x1F4C0]  }
0x561: {  	v46 =	vmov v62;
	v22 =	vld [tilespmem:$0x1F7E0]  }
0x562: {  	[tilespmem:v4+s13+$0x0] =	vst.idx.msk $0xffff, v26;
	v26 =	vld [tilespmem:$0x1F500]  }
0x563: {  	v19 =	vor.u32 v19, v5;
	v4 =	vld.idx.msk [tilespmem:v29+s3+$0x0], $0xffff  }
0x564: {  	[tilespmem:$0x1F590] =	vst v46;
	v46 =	vmov v25;
	v25 =	vmov v19;
	v19 =	vld [tilespmem:$0x1F530]  }
0x565: {  	v34 =	vor.u32 v36, v17;
	[tilespmem:$0x1F5B0] =	vst v25;
	v25 =	vld [tilespmem:$0x1FE70]  }
0x566: {  	v29 =	vld [tilespmem:$0x1FFF0]  }
0x567: {  	v28 =	vor.u32 v41, v12  }
0x568: {  	[tilespmem:v13+s13+$0x0] =	vst.idx.msk $0xffff, v30;
	v35 =	vor.u32 v58, v7;
	v22 =	vor.u32 v22, v6  }
0x569: {  	v27 =	vld [tilespmem:$0x1F620];
	[tilespmem:v33+s13+$0x0] =	vst.idx.msk $0xffff, v31;
	v19 =	vor.u32 v19, v5  }
0x56a: {  	v31 =	vld.idx.msk [tilespmem:v34+s3+$0x0], $0xffff;
	v25 =	vor.u32 v25, v0  }
0x56b: {  	v33 =	vor.u32 v29, v20;
	v29 =	vld [tilespmem:$0x1F5D0]  }
0x56c: {  	v26 =	vld.idx.msk [tilespmem:v26+s3+$0x0], $0xffff;
	[tilespmem:v28+s13+$0x0] =	vst.idx.msk $0xffff, v48  }
0x56d: {  	v36 =	vld.idx.msk [tilespmem:v35+s3+$0x0], $0xffff;
	[tilespmem:v22+s13+$0x0] =	vst.idx.msk $0xffff, v21  }
0x56e: {  	v21 =	vld.idx.msk [tilespmem:v19+s3+$0x0], $0xffff  }
0x56f: {  	[tilespmem:v25+s13+$0x0] =	vst.idx.msk $0xffff, v4;
	v4 =	vld [tilespmem:$0x1F630];
	_ =	sdelay $0x3  }
0x570: {  	v27 =	vor.u32 v27, v17;
	v28 =	vmov v24;
	v24 =	vld [tilespmem:$0x1F660]  }
0x571: {  	v30 =	vmov v29;
	v29 =	vld [tilespmem:$0x1FCF0];
	v48 =	vmov v4;
	v4 =	vmov v27  }
0x572: {  	[tilespmem:$0x1F630] =	vst v4;
	v4 =	vld [tilespmem:$0x1F7F0];
	_ =	sdelay $0x1  }
0x573: {  	v62 =	vld [tilespmem:$0x1F650]  }
0x574: {  	v13 =	vld [tilespmem:$0x1FDA0]  }
0x575: {  	v34 =	vor.u32 v29, v17;
	v29 =	vor.u32 v24, v7;
	v24 =	vld [tilespmem:$0x1F670]  }
0x576: {  	[tilespmem:$0x1F500] =	vst v30;
	v30 =	vor.u32 v4, v6;
	v4 =	vld [tilespmem:$0x1F5F0];
	_ =	sdelay $0x3  }
0x577: {  	v58 =	vor.u32 v62, v7;
	v13 =	vor.u32 v13, v1;
	v62 =	vor.u32 v24, v7;
	v24 =	vld.idx.msk [tilespmem:v3+s3+$0x0], $0xffff  }
0x578: {  	v3 =	vmov v4;
	v4 =	vld [tilespmem:$0x1F680];
	_ =	sdelay $0x3  }
0x579: {  	[tilespmem:v13+s13+$0x0] =	vst.idx.msk $0xffff, v26  }
0x57a: {  	[tilespmem:v33+s13+$0x0] =	vst.idx.msk $0xffff, v31;
	v31 =	vor.u32 v4, v5;
	v4 =	vld [tilespmem:$0x1FE80];
	_ =	sdelay $0x4  }
0x57b: {  	[tilespmem:$0x1F5D0] =	vst v28;
	v28 =	vor.u32 v4, v0;
	v4 =	vld [tilespmem:$0x1FD20];
	_ =	sdelay $0x2  }
0x57c: {  	v40 =	vld [tilespmem:$0x1F760]  }
0x57d: {  	v19 =	vld.idx.msk [tilespmem:v18+s3+$0x0], $0xffff  }
0x57e: {  	v18 =	vor.u32 v4, v1;
	v4 =	vld [tilespmem:$0x1FFE0]  }
0x57f: {  	v14 =	vld [tilespmem:$0x1F4F0]  }
0x580: {  	v37 =	vld [tilespmem:$0x1F600]  }
0x581: {  	v23 =	vld [tilespmem:$0x1F5E0];
	v32 =	vor.u32 v40, v12  }
0x582: {  	v33 =	vld.idx.msk [tilespmem:v34+s3+$0x0], $0xffff  }
0x583: {  	v34 =	vor.u32 v4, v20;
	v4 =	vld [tilespmem:$0x1FD60]  }
0x584: {  	v44 =	vmov v55;
	v55 =	vld [tilespmem:$0x1F610]  }
0x585: {  	v54 =	vld [tilespmem:$0x1F640]  }
0x586: {  	[tilespmem:v32+s13+$0x0] =	vst.idx.msk $0xffff, v36;
	v36 =	vld [tilespmem:$0x1F770]  }
0x587: {  	v1 =	vmovc v0;
	v0 =	vmov v6;
	v6 =	vmov v12;
	v12 =	vmov v20;
	v20 =	vld [tilespmem:$0x1FD50]  }
0x588: {  	p0 =	sne.s32 s26, $0x70;
	v13 =	vor.u32 v4, v1;
	v4 =	vld [tilespmem:$0x1F690]  }
.Ltmp0:
0x589: {  	_ = 	snop;
	(pc) =	sbr.rel @p0 .LBB2_3-.Ltmp0, $4  }
0x58a: {  	_ = 	snop  }
0x58b: {  	v14 =	vor.u32 v14, v17;
	v23 =	vor.u32 v23, v7  }
0x58c: {  	v37 =	vor.u32 v37, v5;
	v55 =	vor.u32 v55, v7;
	v54 =	vor.u32 v54, v7;
	v22 =	vmovc v23  }
0x58d: {  	s26 =	sadd.s32 $0x10, s26;
	v32 =	vld [tilespmem:$0x1FD10];
	[tilespmem:$0x1F5F0] =	vst v22;
	v35 =	vor.u32 v20, v17;
	v20 =	vor.u32 v36, v6;
	v4 =	vor.u32 v4, v2  }
0x58e: {  	_ =	sdelay $0x3  }
0x58f: {  	[tilespmem:v30+s13+$0x0] =	vst.idx.msk $0xffff, v21  }
0x590: {  	v21 =	vld.idx.msk [tilespmem:v31+s3+$0x0], $0xffff  }
0x591: {  	v31 =	vld [tilespmem:$0x1F800]  }
0x592: {  	v22 =	vld.idx.msk [tilespmem:v29+s3+$0x0], $0xffff;
	[tilespmem:v34+s13+$0x0] =	vst.idx.msk $0xffff, v33  }
0x593: {  	v25 =	vld [tilespmem:$0x1F210]  }
0x594: {  	v27 =	vld [tilespmem:$0x1FBE0];
	_ =	sdelay $0x1  }
0x595: {  	v23 =	vor.u32 v31, v0  }
0x596: {  	v29 =	vld [tilespmem:$0x1FEE0];
	_ =	sdelay $0x1  }
0x597: {  	v26 =	vld.idx.msk [tilespmem:v35+s3+$0x0], $0xffff;
	[tilespmem:v20+s13+$0x0] =	vst.idx.msk $0xffff, v22;
	v25 =	vor.u32 v25, v5;
	v27 =	vor.u32 v27, v12  }
0x598: {  	v34 =	vld [tilespmem:$0x1FEF0]  }
0x599: {  	v16 =	vld.idx.msk [tilespmem:v16+s3+$0x0], $0xffff;
	[tilespmem:v23+s13+$0x0] =	vst.idx.msk $0xffff, v21  }
0x59a: {  	v29 =	vor.u32 v29, v17;
	v33 =	vld [tilespmem:$0x1F220]  }
0x59b: {  	v23 =	vld [tilespmem:$0x1F810]  }
0x59c: {  	v22 =	vld.idx.msk [tilespmem:v25+s3+$0x0], $0xffff;
	[tilespmem:v27+s13+$0x0] =	vst.idx.msk $0xffff, v26  }
0x59d: {  	v25 =	vld [tilespmem:$0x1F230]  }
0x59e: {  	v20 =	vor.u32 v34, v6;
	v27 =	vld [tilespmem:$0x1FF80]  }
0x59f: {  	v26 =	vld.idx.msk [tilespmem:v29+s3+$0x0], $0xffff  }
0x5a0: {  	v29 =	vld [tilespmem:$0x1FDF0];
	v21 =	vor.u32 v33, v7;
	v23 =	vor.u32 v23, v0;
	_ =	sdelay $0x2  }
0x5a1: {  	[tilespmem:v20+s13+$0x0] =	vst.idx.msk $0xffff, v16;
	v25 =	vor.u32 v25, v5;
	v27 =	vor.u32 v27, v12  }
0x5a2: {  	v35 =	vld [tilespmem:$0x1FF00]  }
0x5a3: {  	v29 =	vor.u32 v29, v17;
	v20 =	vld.idx.msk [tilespmem:v21+s3+$0x0], $0xffff;
	[tilespmem:v23+s13+$0x0] =	vst.idx.msk $0xffff, v22  }
0x5a4: {  	v21 =	vld [tilespmem:$0x1F120]  }
0x5a5: {  	v23 =	vld [tilespmem:$0x1F820]  }
0x5a6: {  	v22 =	vld.idx.msk [tilespmem:v25+s3+$0x0], $0xffff;
	[tilespmem:v27+s13+$0x0] =	vst.idx.msk $0xffff, v26  }
0x5a7: {  	v25 =	vld [tilespmem:$0x1F270]  }
0x5a8: {  	v16 =	vor.u32 v35, v6;
	v26 =	vld.idx.msk [tilespmem:v29+s3+$0x0], $0xffff  }
0x5a9: {  	v27 =	vld [tilespmem:$0x1FF60]  }
0x5aa: {  	v29 =	vld [tilespmem:$0x1F280];
	v21 =	vor.u32 v21, v7;
	v23 =	vor.u32 v23, v0;
	_ =	sdelay $0x2  }
0x5ab: {  	[tilespmem:v16+s13+$0x0] =	vst.idx.msk $0xffff, v20;
	v25 =	vor.u32 v25, v5  }
0x5ac: {  	v16 =	vld [tilespmem:$0x1FF10];
	v27 =	vor.u32 v27, v12  }
0x5ad: {  	v29 =	vor.u32 v29, v17;
	v20 =	vld.idx.msk [tilespmem:v21+s3+$0x0], $0xffff;
	[tilespmem:v23+s13+$0x0] =	vst.idx.msk $0xffff, v22  }
0x5ae: {  	v21 =	vld [tilespmem:$0x1F130]  }
0x5af: {  	v23 =	vld [tilespmem:$0x1F830]  }
0x5b0: {  	v22 =	vld.idx.msk [tilespmem:v25+s3+$0x0], $0xffff  }
0x5b1: {  	v25 =	vld [tilespmem:$0x1F2B0];
	[tilespmem:v27+s13+$0x0] =	vst.idx.msk $0xffff, v26  }
0x5b2: {  	v16 =	vor.u32 v16, v6;
	v26 =	vld.idx.msk [tilespmem:v29+s3+$0x0], $0xffff  }
0x5b3: {  	v27 =	vld [tilespmem:$0x1FF70]  }
0x5b4: {  	v29 =	vld [tilespmem:$0x1F2C0];
	v21 =	vor.u32 v21, v7;
	v23 =	vor.u32 v23, v0;
	_ =	sdelay $0x2  }
0x5b5: {  	[tilespmem:v16+s13+$0x0] =	vst.idx.msk $0xffff, v20;
	v25 =	vor.u32 v25, v5  }
0x5b6: {  	v16 =	vld [tilespmem:$0x1FF20];
	v27 =	vor.u32 v27, v12  }
0x5b7: {  	v29 =	vor.u32 v29, v17;
	v20 =	vld.idx.msk [tilespmem:v21+s3+$0x0], $0xffff;
	[tilespmem:v23+s13+$0x0] =	vst.idx.msk $0xffff, v22  }
0x5b8: {  	v21 =	vld [tilespmem:$0x1F840]  }
0x5b9: {  	v22 =	vld [tilespmem:$0x1F140]  }
0x5ba: {  	v23 =	vld.idx.msk [tilespmem:v25+s3+$0x0], $0xffff  }
0x5bb: {  	v16 =	vor.u32 v16, v6;
	v25 =	vld [tilespmem:$0x1F2F0];
	[tilespmem:v27+s13+$0x0] =	vst.idx.msk $0xffff, v26  }
0x5bc: {  	v26 =	vld.idx.msk [tilespmem:v29+s3+$0x0], $0xffff  }
0x5bd: {  	v27 =	vld [tilespmem:$0x1FF50]  }
0x5be: {  	v29 =	vld [tilespmem:$0x1F300];
	v21 =	vor.u32 v21, v0;
	v22 =	vor.u32 v22, v7;
	_ =	sdelay $0x1  }
0x5bf: {  	[tilespmem:v16+s13+$0x0] =	vst.idx.msk $0xffff, v20  }
0x5c0: {  	v25 =	vor.u32 v25, v5;
	v20 =	vld [tilespmem:$0x1FF90]  }
0x5c1: {  	v27 =	vor.u32 v27, v12  }
0x5c2: {  	v29 =	vor.u32 v29, v17;
	v16 =	vld.idx.msk [tilespmem:v22+s3+$0x0], $0xffff;
	[tilespmem:v21+s13+$0x0] =	vst.idx.msk $0xffff, v23  }
0x5c3: {  	v21 =	vld [tilespmem:$0x1FE00]  }
0x5c4: {  	v22 =	vld [tilespmem:$0x1F310]  }
0x5c5: {  	v20 =	vor.u32 v20, v6;
	v23 =	vld.idx.msk [tilespmem:v25+s3+$0x0], $0xffff  }
0x5c6: {  	v25 =	vld [tilespmem:$0x1F320];
	[tilespmem:v27+s13+$0x0] =	vst.idx.msk $0xffff, v26  }
0x5c7: {  	v26 =	vld.idx.msk [tilespmem:v29+s3+$0x0], $0xffff  }
0x5c8: {  	v27 =	vld [tilespmem:$0x1FFA0]  }
0x5c9: {  	v29 =	vld [tilespmem:$0x1F340];
	v21 =	vor.u32 v21, v0;
	v22 =	vor.u32 v22, v7  }
0x5ca: {  	[tilespmem:v20+s13+$0x0] =	vst.idx.msk $0xffff, v16  }
0x5cb: {  	v16 =	vld [tilespmem:$0x1F780]  }
0x5cc: {  	v25 =	vor.u32 v25, v5  }
0x5cd: {  	v27 =	vor.u32 v27, v12  }
0x5ce: {  	v29 =	vor.u32 v29, v17;
	v20 =	vld.idx.msk [tilespmem:v22+s3+$0x0], $0xffff;
	[tilespmem:v21+s13+$0x0] =	vst.idx.msk $0xffff, v23  }
0x5cf: {  	v21 =	vld [tilespmem:$0x1F350]  }
0x5d0: {  	v16 =	vor.u32 v16, v6;
	v23 =	vld [tilespmem:$0x1FE10]  }
0x5d1: {  	v22 =	vld.idx.msk [tilespmem:v25+s3+$0x0], $0xffff  }
0x5d2: {  	v25 =	vld [tilespmem:$0x1F380];
	[tilespmem:v27+s13+$0x0] =	vst.idx.msk $0xffff, v26  }
0x5d3: {  	v26 =	vld.idx.msk [tilespmem:v29+s3+$0x0], $0xffff  }
0x5d4: {  	v27 =	vld [tilespmem:$0x1FFB0]  }
0x5d5: {  	v29 =	vld [tilespmem:$0x1F390];
	[tilespmem:v16+s13+$0x0] =	vst.idx.msk $0xffff, v20;
	v23 =	vor.u32 v23, v0  }
0x5d6: {  	v16 =	vld [tilespmem:$0x1F790];
	_ =	sdelay $0x3  }
0x5d7: {  	v21 =	vor.u32 v21, v7;
	[tilespmem:v23+s13+$0x0] =	vst.idx.msk $0xffff, v22  }
0x5d8: {  	v30 =	vor.u32 v16, v6;
	v16 =	vld [tilespmem:$0x1F3A0];
	_ =	sdelay $0x3  }
0x5d9: {  	v20 =	vld.idx.msk [tilespmem:v21+s3+$0x0], $0xffff  }
0x5da: {  	v21 =	vor.u32 v16, v7;
	v16 =	vld [tilespmem:$0x1FE20];
	_ =	sdelay $0x3  }
0x5db: {  	v25 =	vor.u32 v25, v5;
	v27 =	vor.u32 v27, v12  }
0x5dc: {  	v23 =	vor.u32 v16, v0;
	v16 =	vld [tilespmem:$0x1F3D0];
	_ =	sdelay $0x3  }
0x5dd: {  	v22 =	vld.idx.msk [tilespmem:v25+s3+$0x0], $0xffff;
	[tilespmem:v27+s13+$0x0] =	vst.idx.msk $0xffff, v26  }
0x5de: {  	v25 =	vor.u32 v16, v5;
	v16 =	vld [tilespmem:$0x1FFC0];
	_ =	sdelay $0x3  }
0x5df: {  	v29 =	vor.u32 v29, v17  }
0x5e0: {  	v27 =	vor.u32 v16, v12;
	v16 =	vld [tilespmem:$0x1F3E0];
	[tilespmem:v30+s13+$0x0] =	vst.idx.msk $0xffff, v20  }
0x5e1: {  	v20 =	vld [tilespmem:$0x1F7A0];
	[tilespmem:v23+s13+$0x0] =	vst.idx.msk $0xffff, v22  }
0x5e2: {  	v22 =	vld [tilespmem:$0x1F410]  }
0x5e3: {  	v23 =	vld [tilespmem:$0x1FE30]  }
0x5e4: {  	v26 =	vld.idx.msk [tilespmem:v29+s3+$0x0], $0xffff;
	_ =	sdelay $0x1  }
0x5e5: {  	v29 =	vor.u32 v16, v17;
	v16 =	vld.idx.msk [tilespmem:v21+s3+$0x0], $0xffff;
	v20 =	vor.u32 v20, v6  }
0x5e6: {  	v22 =	vor.u32 v22, v7  }
0x5e7: {  	v21 =	vld.idx.msk [tilespmem:v25+s3+$0x0], $0xffff;
	v23 =	vor.u32 v23, v0  }
0x5e8: {  	[tilespmem:v27+s13+$0x0] =	vst.idx.msk $0xffff, v26  }
0x5e9: {  	v25 =	vld [tilespmem:$0x1F730]  }
0x5ea: {  	v27 =	vld [tilespmem:$0x1F420];
	[tilespmem:v20+s13+$0x0] =	vst.idx.msk $0xffff, v16  }
0x5eb: {  	v16 =	vld.idx.msk [tilespmem:v22+s3+$0x0], $0xffff  }
0x5ec: {  	v20 =	vld [tilespmem:$0x1F7B0];
	[tilespmem:v23+s13+$0x0] =	vst.idx.msk $0xffff, v21  }
0x5ed: {  	v21 =	vld [tilespmem:$0x1F6F0]  }
0x5ee: {  	v22 =	vld [tilespmem:$0x1FE40];
	_ =	sdelay $0x1  }
0x5ef: {  	v26 =	vld.idx.msk [tilespmem:v29+s3+$0x0], $0xffff;
	v25 =	vor.u32 v25, v12;
	_ =	sdelay $0x1  }
0x5f0: {  	v20 =	vor.u32 v20, v6  }
0x5f1: {  	v10 =	vld.idx.msk [tilespmem:v10+s3+$0x0], $0xffff;
	v21 =	vor.u32 v21, v7;
	v22 =	vor.u32 v22, v0;
	_ =	sdelay $0x1  }
0x5f2: {  	[tilespmem:v25+s13+$0x0] =	vst.idx.msk $0xffff, v26  }
0x5f3: {  	v23 =	vld [tilespmem:$0x1F740]  }
0x5f4: {  	v26 =	vld [tilespmem:$0x1F430];
	[tilespmem:v20+s13+$0x0] =	vst.idx.msk $0xffff, v16  }
0x5f5: {  	v27 =	vor.u32 v27, v17;
	v16 =	vld.idx.msk [tilespmem:v21+s3+$0x0], $0xffff;
	[tilespmem:v22+s13+$0x0] =	vst.idx.msk $0xffff, v10  }
0x5f6: {  	v10 =	vld [tilespmem:$0x1F7C0];
	[tilespmem:v28+s13+$0x0] =	vst.idx.msk $0xffff, v24  }
0x5f7: {  	v21 =	vld [tilespmem:$0x1FE50]  }
0x5f8: {  	v30 =	vld [tilespmem:$0x1FE90];
	_ =	sdelay $0x1  }
0x5f9: {  	v25 =	vld.idx.msk [tilespmem:v27+s3+$0x0], $0xffff;
	v23 =	vor.u32 v23, v12  }
0x5fa: {  	v20 =	vld [tilespmem:$0x1F460];
	v10 =	vor.u32 v10, v6  }
0x5fb: {  	v9 =	vld.idx.msk [tilespmem:v9+s3+$0x0], $0xffff;
	v21 =	vor.u32 v21, v0  }
0x5fc: {  	v26 =	vor.u32 v26, v17;
	v15 =	vld.idx.msk [tilespmem:v15+s3+$0x0], $0xffff;
	v22 =	vor.u32 v30, v1;
	_ =	sdelay $0x1  }
0x5fd: {  	[tilespmem:v23+s13+$0x0] =	vst.idx.msk $0xffff, v25  }
0x5fe: {  	v25 =	vld [tilespmem:$0x1F470];
	v20 =	vor.u32 v20, v7;
	[tilespmem:v10+s13+$0x0] =	vst.idx.msk $0xffff, v16  }
0x5ff: {  	v16 =	vld [tilespmem:$0x1F7D0];
	[tilespmem:v21+s13+$0x0] =	vst.idx.msk $0xffff, v9  }
0x600: {  	v24 =	vld.idx.msk [tilespmem:v26+s3+$0x0], $0xffff;
	[tilespmem:v22+s13+$0x0] =	vst.idx.msk $0xffff, v15  }
0x601: {  	v15 =	vld [tilespmem:$0x1FE60]  }
0x602: {  	v23 =	vor.u32 v38, v12;
	v28 =	vld [tilespmem:$0x1FEA0]  }
0x603: {  	v10 =	vld.idx.msk [tilespmem:v20+s3+$0x0], $0xffff  }
0x604: {  	v25 =	vor.u32 v25, v17;
	v9 =	vld [tilespmem:$0x1F4A0]  }
0x605: {  	v8 =	vld.idx.msk [tilespmem:v8+s3+$0x0], $0xffff;
	v16 =	vor.u32 v16, v6  }
0x606: {  	v11 =	vld.idx.msk [tilespmem:v11+s3+$0x0], $0xffff;
	v15 =	vor.u32 v15, v0  }
0x607: {  	v21 =	vld [tilespmem:$0x1F4B0];
	[tilespmem:v23+s13+$0x0] =	vst.idx.msk $0xffff, v24;
	v20 =	vor.u32 v28, v1  }
0x608: {  	v29 =	vld [tilespmem:$0x1F240]  }
0x609: {  	v24 =	vld.idx.msk [tilespmem:v25+s3+$0x0], $0xffff  }
0x60a: {  	v25 =	vld [tilespmem:$0x1F4C0];
	[tilespmem:v16+s13+$0x0] =	vst.idx.msk $0xffff, v10  }
0x60b: {  	[tilespmem:v15+s13+$0x0] =	vst.idx.msk $0xffff, v8  }
0x60c: {  	v8 =	vld [tilespmem:$0x1F7E0];
	[tilespmem:v20+s13+$0x0] =	vst.idx.msk $0xffff, v11  }
0x60d: {  	v9 =	vor.u32 v9, v7;
	v11 =	vld [tilespmem:$0x1F530]  }
0x60e: {  	v21 =	vor.u32 v21, v5;
	v15 =	vld [tilespmem:$0x1FE70]  }
0x60f: {  	v22 =	vor.u32 v29, v2;
	v26 =	vld [tilespmem:$0x1FEB0]  }
0x610: {  	v23 =	vor.u32 v41, v12  }
0x611: {  	v25 =	vor.u32 v25, v17  }
0x612: {  	v9 =	vld.idx.msk [tilespmem:v9+s3+$0x0], $0xffff;
	v8 =	vor.u32 v8, v6  }
0x613: {  	v10 =	vld.idx.msk [tilespmem:v21+s3+$0x0], $0xffff;
	v11 =	vor.u32 v11, v7;
	v15 =	vor.u32 v15, v0  }
0x614: {  	v20 =	vld.idx.msk [tilespmem:v22+s3+$0x0], $0xffff;
	v16 =	vor.u32 v26, v1  }
0x615: {  	[tilespmem:v23+s13+$0x0] =	vst.idx.msk $0xffff, v24  }
0x616: {  	v21 =	vor.u32 v40, v12;
	v22 =	vld.idx.msk [tilespmem:v25+s3+$0x0], $0xffff  }
0x617: {  	v23 =	vld [tilespmem:$0x1F660];
	[tilespmem:v8+s13+$0x0] =	vst.idx.msk $0xffff, v9  }
0x618: {  	[tilespmem:v15+s13+$0x0] =	vst.idx.msk $0xffff, v10;
	v8 =	vld.idx.msk [tilespmem:v11+s3+$0x0], $0xffff  }
0x619: {  	v9 =	vld [tilespmem:$0x1F7F0];
	[tilespmem:v16+s13+$0x0] =	vst.idx.msk $0xffff, v20  }
0x61a: {  	v10 =	vld [tilespmem:$0x1F680]  }
0x61b: {  	v11 =	vld [tilespmem:$0x1FE80];
	[tilespmem:v21+s13+$0x0] =	vst.idx.msk $0xffff, v22  }
0x61c: {  	v27 =	vld [tilespmem:$0x1FEC0];
	_ =	sdelay $0x2  }
0x61d: {  	v23 =	vor.u32 v23, v17;
	v9 =	vor.u32 v9, v6  }
0x61e: {  	v3 =	vld.idx.msk [tilespmem:v3+s3+$0x0], $0xffff;
	v10 =	vor.u32 v10, v7;
	v11 =	vor.u32 v11, v0  }
0x61f: {  	v16 =	vld.idx.msk [tilespmem:v63+s3+$0x0], $0xffff;
	v15 =	vor.u32 v27, v1;
	_ =	sdelay $0x2  }
0x620: {  	v21 =	vld.idx.msk [tilespmem:v23+s3+$0x0], $0xffff;
	[tilespmem:v9+s13+$0x0] =	vst.idx.msk $0xffff, v8  }
0x621: {  	v8 =	vld.idx.msk [tilespmem:v10+s3+$0x0], $0xffff;
	[tilespmem:v11+s13+$0x0] =	vst.idx.msk $0xffff, v3  }
0x622: {  	v20 =	vor.u32 v36, v12;
	[tilespmem:v15+s13+$0x0] =	vst.idx.msk $0xffff, v16;
	v9 =	vld.idx.msk [tilespmem:v61+s3+$0x0], $0xffff  }
0x623: {  	v3 =	vor.u32 v31, v6;
	v63 =	vld [tilespmem:$0x1F210]  }
0x624: {  	v11 =	vor.u32 v30, v0;
	v23 =	vld [tilespmem:$0x1FF40];
	_ =	sdelay $0x2  }
0x625: {  	[tilespmem:v20+s13+$0x0] =	vst.idx.msk $0xffff, v21  }
0x626: {  	[tilespmem:v3+s13+$0x0] =	vst.idx.msk $0xffff, v8  }
0x627: {  	v16 =	vld.idx.msk [tilespmem:v59+s3+$0x0], $0xffff;
	[tilespmem:v11+s13+$0x0] =	vst.idx.msk $0xffff, v9;
	v10 =	vor.u32 v63, v7;
	v15 =	vor.u32 v23, v1  }
0x628: {  	v30 =	vld [tilespmem:$0x1F810];
	_ =	sdelay $0x1  }
0x629: {  	v20 =	vor.u32 v34, v12;
	v14 =	vld.idx.msk [tilespmem:v14+s3+$0x0], $0xffff  }
0x62a: {  	v9 =	vld.idx.msk [tilespmem:v60+s3+$0x0], $0xffff  }
0x62b: {  	v21 =	vor.u32 v33, v17;
	v3 =	vld.idx.msk [tilespmem:v10+s3+$0x0], $0xffff;
	[tilespmem:v15+s13+$0x0] =	vst.idx.msk $0xffff, v16  }
0x62c: {  	v8 =	vor.u32 v30, v6;
	v24 =	vld [tilespmem:$0x1F230]  }
0x62d: {  	v10 =	vor.u32 v28, v0;
	v33 =	vld [tilespmem:$0x1FF30]  }
0x62e: {  	[tilespmem:v20+s13+$0x0] =	vst.idx.msk $0xffff, v14  }
0x62f: {  	v28 =	vld [tilespmem:$0x1F330]  }
0x630: {  	v20 =	vld.idx.msk [tilespmem:v21+s3+$0x0], $0xffff  }
0x631: {  	v22 =	vor.u32 v29, v5;
	v21 =	vld [tilespmem:$0x1F120];
	[tilespmem:v8+s13+$0x0] =	vst.idx.msk $0xffff, v3  }
0x632: {  	v16 =	vld.idx.msk [tilespmem:v56+s3+$0x0], $0xffff;
	[tilespmem:v10+s13+$0x0] =	vst.idx.msk $0xffff, v9;
	v11 =	vor.u32 v24, v7;
	v15 =	vor.u32 v33, v1  }
0x633: {  	v61 =	vld [tilespmem:$0x1F820];
	_ =	sdelay $0x1  }
0x634: {  	v14 =	vor.u32 v35, v12  }
0x635: {  	v10 =	vld.idx.msk [tilespmem:v22+s3+$0x0], $0xffff  }
0x636: {  	v9 =	vor.u32 v26, v0;
	v3 =	vld.idx.msk [tilespmem:v11+s3+$0x0], $0xffff;
	[tilespmem:v15+s13+$0x0] =	vst.idx.msk $0xffff, v16  }
0x637: {  	v2 =	vor.u32 v28, v2;
	v8 =	vor.u32 v61, v6;
	v26 =	vld [tilespmem:$0x1F270]  }
0x638: {  	v25 =	vld [tilespmem:$0x1FDB0]  }
0x639: {  	[tilespmem:v14+s13+$0x0] =	vst.idx.msk $0xffff, v20  }
0x63a: {  	v21 =	vor.u32 v21, v17;
	v14 =	vld [tilespmem:$0x1FF10]  }
0x63b: {  	v20 =	vld [tilespmem:$0x1F130];
	[tilespmem:v9+s13+$0x0] =	vst.idx.msk $0xffff, v10  }
0x63c: {  	v2 =	vld.idx.msk [tilespmem:v2+s3+$0x0], $0xffff;
	[tilespmem:v8+s13+$0x0] =	vst.idx.msk $0xffff, v3  }
0x63d: {  	v11 =	vor.u32 v26, v7;
	v15 =	vor.u32 v25, v1;
	v60 =	vld [tilespmem:$0x1F830];
	_ =	sdelay $0x1  }
0x63e: {  	v16 =	vld.idx.msk [tilespmem:v21+s3+$0x0], $0xffff;
	v14 =	vor.u32 v14, v12;
	_ =	sdelay $0x1  }
0x63f: {  	v10 =	vld.idx.msk [tilespmem:v57+s3+$0x0], $0xffff;
	v20 =	vor.u32 v20, v17  }
0x640: {  	v3 =	vld.idx.msk [tilespmem:v11+s3+$0x0], $0xffff;
	v8 =	vor.u32 v60, v6;
	[tilespmem:v15+s13+$0x0] =	vst.idx.msk $0xffff, v2  }
0x641: {  	v2 =	vor.u32 v27, v0;
	v59 =	vld [tilespmem:$0x1F2B0]  }
0x642: {  	v15 =	vld.idx.msk [tilespmem:v52+s3+$0x0], $0xffff;
	[tilespmem:v14+s13+$0x0] =	vst.idx.msk $0xffff, v16  }
0x643: {  	v14 =	vld [tilespmem:$0x1FF20]  }
0x644: {  	v16 =	vld.idx.msk [tilespmem:v20+s3+$0x0], $0xffff  }
0x645: {  	v11 =	vor.u32 v32, v1;
	v20 =	vld [tilespmem:$0x1F140];
	[tilespmem:v8+s13+$0x0] =	vst.idx.msk $0xffff, v3  }
0x646: {  	[tilespmem:v2+s13+$0x0] =	vst.idx.msk $0xffff, v10  }
0x647: {  	v9 =	vor.u32 v59, v7;
	v57 =	vld [tilespmem:$0x1F840];
	_ =	sdelay $0x1  }
0x648: {  	v14 =	vor.u32 v14, v12  }
0x649: {  	[tilespmem:v11+s13+$0x0] =	vst.idx.msk $0xffff, v15  }
0x64a: {  	v56 =	vld [tilespmem:$0x1F2F0]  }
0x64b: {  	v2 =	vor.u32 v57, v6;
	v3 =	vld.idx.msk [tilespmem:v9+s3+$0x0], $0xffff  }
0x64c: {  	v8 =	vor.u32 v23, v0;
	v10 =	vld.idx.msk [tilespmem:v53+s3+$0x0], $0xffff  }
0x64d: {  	v20 =	vor.u32 v20, v17;
	v11 =	vld.idx.msk [tilespmem:v49+s3+$0x0], $0xffff;
	[tilespmem:v14+s13+$0x0] =	vst.idx.msk $0xffff, v16  }
0x64e: {  	v15 =	vld [tilespmem:$0x1FF90];
	_ =	sdelay $0x1  }
0x64f: {  	v9 =	vor.u32 v56, v7;
	v16 =	vld [tilespmem:$0x1F310];
	[tilespmem:v2+s13+$0x0] =	vst.idx.msk $0xffff, v3  }
0x650: {  	v53 =	vld [tilespmem:$0x1FE00];
	[tilespmem:v8+s13+$0x0] =	vst.idx.msk $0xffff, v10  }
0x651: {  	v14 =	vld.idx.msk [tilespmem:v20+s3+$0x0], $0xffff;
	[tilespmem:v13+s13+$0x0] =	vst.idx.msk $0xffff, v11  }
0x652: {  	v15 =	vor.u32 v15, v12;
	v21 =	vld [tilespmem:$0x1FD70];
	_ =	sdelay $0x1  }
0x653: {  	v3 =	vld.idx.msk [tilespmem:v9+s3+$0x0], $0xffff;
	v16 =	vor.u32 v16, v17  }
0x654: {  	v8 =	vor.u32 v33, v0;
	v10 =	vld.idx.msk [tilespmem:v50+s3+$0x0], $0xffff  }
0x655: {  	v20 =	vor.u32 v28, v5;
	v52 =	vld [tilespmem:$0x1F320];
	v2 =	vor.u32 v53, v6  }
0x656: {  	v13 =	vld.idx.msk [tilespmem:v51+s3+$0x0], $0xffff;
	v11 =	vor.u32 v21, v1;
	[tilespmem:v15+s13+$0x0] =	vst.idx.msk $0xffff, v14  }
0x657: {  	v14 =	vld [tilespmem:$0x1F780]  }
0x658: {  	v15 =	vld.idx.msk [tilespmem:v16+s3+$0x0], $0xffff  }
0x659: {  	v16 =	vld [tilespmem:$0x1F350];
	[tilespmem:v8+s13+$0x0] =	vst.idx.msk $0xffff, v10  }
0x65a: {  	v9 =	vor.u32 v52, v7;
	v10 =	vld.idx.msk [tilespmem:v20+s3+$0x0], $0xffff;
	[tilespmem:v2+s13+$0x0] =	vst.idx.msk $0xffff, v3  }
0x65b: {  	v50 =	vld [tilespmem:$0x1FE10];
	[tilespmem:v11+s13+$0x0] =	vst.idx.msk $0xffff, v13  }
0x65c: {  	v20 =	vld [tilespmem:$0x1FD80]  }
0x65d: {  	v14 =	vor.u32 v14, v12;
	_ =	sdelay $0x1  }
0x65e: {  	v8 =	vor.u32 v25, v0;
	v2 =	vld.idx.msk [tilespmem:v9+s3+$0x0], $0xffff  }
0x65f: {  	v16 =	vor.u32 v16, v17;
	v49 =	vld [tilespmem:$0x1F380];
	v3 =	vor.u32 v50, v6  }
0x660: {  	v4 =	vld.idx.msk [tilespmem:v4+s3+$0x0], $0xffff;
	v11 =	vor.u32 v20, v1  }
0x661: {  	[tilespmem:v14+s13+$0x0] =	vst.idx.msk $0xffff, v15  }
0x662: {  	v13 =	vld [tilespmem:$0x1F790]  }
0x663: {  	v15 =	vld [tilespmem:$0x1F3A0];
	[tilespmem:v8+s13+$0x0] =	vst.idx.msk $0xffff, v10  }
0x664: {  	v14 =	vld.idx.msk [tilespmem:v16+s3+$0x0], $0xffff;
	[tilespmem:v3+s13+$0x0] =	vst.idx.msk $0xffff, v2  }
0x665: {  	v23 =	vmov v33;
	v9 =	vor.u32 v49, v7;
	v33 =	vld [tilespmem:$0x1FE20];
	[tilespmem:v11+s13+$0x0] =	vst.idx.msk $0xffff, v4  }
0x666: {  	v35 =	vld [tilespmem:$0x1F3D0]  }
0x667: {  	v13 =	vor.u32 v13, v12;
	v22 =	vld [tilespmem:$0x1FD90]  }
0x668: {  	v15 =	vor.u32 v15, v17;
	_ =	sdelay $0x1  }
0x669: {  	v2 =	vld.idx.msk [tilespmem:v9+s3+$0x0], $0xffff;
	v3 =	vor.u32 v33, v6  }
0x66a: {  	v4 =	vor.u32 v32, v0;
	v9 =	vld.idx.msk [tilespmem:v45+s3+$0x0], $0xffff;
	v8 =	vor.u32 v35, v7  }
0x66b: {  	v11 =	vld.idx.msk [tilespmem:v46+s3+$0x0], $0xffff;
	v10 =	vor.u32 v22, v1;
	[tilespmem:v13+s13+$0x0] =	vst.idx.msk $0xffff, v14  }
0x66c: {  	v13 =	vld.idx.msk [tilespmem:v15+s3+$0x0], $0xffff  }
0x66d: {  	v14 =	vld [tilespmem:$0x1F7A0]  }
0x66e: {  	v15 =	vld [tilespmem:$0x1F410];
	[tilespmem:v3+s13+$0x0] =	vst.idx.msk $0xffff, v2  }
0x66f: {  	[tilespmem:v4+s13+$0x0] =	vst.idx.msk $0xffff, v9;
	v2 =	vld.idx.msk [tilespmem:v8+s3+$0x0], $0xffff  }
0x670: {  	v34 =	vld [tilespmem:$0x1FE30];
	[tilespmem:v10+s13+$0x0] =	vst.idx.msk $0xffff, v11  }
0x671: {  	v10 =	vld [tilespmem:$0x1F500]  }
0x672: {  	v8 =	vld.idx.msk [tilespmem:v44+s3+$0x0], $0xffff;
	v14 =	vor.u32 v14, v12  }
0x673: {  	v16 =	vld [tilespmem:$0x1FD60]  }
0x674: {  	v44 =	vld [tilespmem:$0x1FDA0];
	_ =	sdelay $0x2  }
0x675: {  	v3 =	vor.u32 v34, v6;
	[tilespmem:v14+s13+$0x0] =	vst.idx.msk $0xffff, v13  }
0x676: {  	v15 =	vor.u32 v15, v17;
	v4 =	vor.u32 v16, v0;
	v13 =	vld [tilespmem:$0x1F7B0]  }
0x677: {  	v9 =	vor.u32 v44, v1;
	v10 =	vld.idx.msk [tilespmem:v10+s3+$0x0], $0xffff;
	_ =	sdelay $0x2  }
0x678: {  	v14 =	vld [tilespmem:$0x1F6F0];
	[tilespmem:v3+s13+$0x0] =	vst.idx.msk $0xffff, v2  }
0x679: {  	v11 =	vld.idx.msk [tilespmem:v15+s3+$0x0], $0xffff;
	[tilespmem:v4+s13+$0x0] =	vst.idx.msk $0xffff, v8;
	v13 =	vor.u32 v13, v12  }
0x67a: {  	v29 =	vld [tilespmem:$0x1FE40];
	[tilespmem:v9+s13+$0x0] =	vst.idx.msk $0xffff, v10  }
0x67b: {  	v8 =	vld [tilespmem:$0x1F560];
	_ =	sdelay $0x1  }
0x67c: {  	v15 =	vld [tilespmem:$0x1FD20]  }
0x67d: {  	v51 =	vld [tilespmem:$0x1F690];
	[tilespmem:v13+s13+$0x0] =	vst.idx.msk $0xffff, v11  }
0x67e: {  	v14 =	vor.u32 v14, v17;
	v11 =	vld [tilespmem:$0x1F7C0];
	_ =	sdelay $0x1  }
0x67f: {  	v2 =	vld.idx.msk [tilespmem:v43+s3+$0x0], $0xffff;
	v3 =	vor.u32 v29, v6  }
0x680: {  	v9 =	vld.idx.msk [tilespmem:v47+s3+$0x0], $0xffff;
	v1 =	vor.u32 v15, v1  }
0x681: {  	v4 =	vor.u32 v21, v0;
	v8 =	vld.idx.msk [tilespmem:v8+s3+$0x0], $0xffff  }
0x682: {  	v10 =	vld.idx.msk [tilespmem:v14+s3+$0x0], $0xffff;
	[tilespmem:v18+s13+$0x0] =	vst.idx.msk $0xffff, v19;
	v5 =	vor.u32 v51, v5;
	v11 =	vor.u32 v11, v12  }
0x683: {  	v13 =	vld [tilespmem:$0x1F460]  }
0x684: {  	[tilespmem:v3+s13+$0x0] =	vst.idx.msk $0xffff, v2  }
0x685: {  	[tilespmem:v1+s13+$0x0] =	vst.idx.msk $0xffff, v9  }
0x686: {  	[tilespmem:v4+s13+$0x0] =	vst.idx.msk $0xffff, v8  }
0x687: {  	[tilespmem:v11+s13+$0x0] =	vst.idx.msk $0xffff, v10;
	v1 =	vld.idx.msk [tilespmem:v5+s3+$0x0], $0xffff  }
0x688: {  	v13 =	vor.u32 v13, v17;
	v4 =	vld [tilespmem:$0x1F7D0]  }
0x689: {  	v5 =	vld [tilespmem:$0x1F4A0];
	_ =	sdelay $0x3  }
0x68a: {  	v3 =	vld.idx.msk [tilespmem:v13+s3+$0x0], $0xffff;
	v4 =	vor.u32 v4, v12  }
0x68b: {  	v5 =	vor.u32 v5, v17;
	_ =	sdelay $0x3  }
0x68c: {  	[tilespmem:v4+s13+$0x0] =	vst.idx.msk $0xffff, v3  }
0x68d: {  	v3 =	vld.idx.msk [tilespmem:v5+s3+$0x0], $0xffff  }
0x68e: {  	v4 =	vld [tilespmem:$0x1F7E0]  }
0x68f: {  	v5 =	vld [tilespmem:$0x1F530];
	_ =	sdelay $0x3  }
0x690: {  	v4 =	vor.u32 v4, v12  }
0x691: {  	v5 =	vor.u32 v5, v17;
	_ =	sdelay $0x3  }
0x692: {  	[tilespmem:v4+s13+$0x0] =	vst.idx.msk $0xffff, v3  }
0x693: {  	v3 =	vld.idx.msk [tilespmem:v5+s3+$0x0], $0xffff  }
0x694: {  	v4 =	vld [tilespmem:$0x1F7F0]  }
0x695: {  	v5 =	vld [tilespmem:$0x1F680];
	_ =	sdelay $0x3  }
0x696: {  	v4 =	vor.u32 v4, v12  }
0x697: {  	v5 =	vor.u32 v5, v17;
	_ =	sdelay $0x3  }
0x698: {  	[tilespmem:v4+s13+$0x0] =	vst.idx.msk $0xffff, v3  }
0x699: {  	v4 =	vor.u32 v31, v12;
	v3 =	vld.idx.msk [tilespmem:v5+s3+$0x0], $0xffff  }
0x69a: {  	v5 =	vor.u32 v63, v17;
	_ =	sdelay $0x3  }
0x69b: {  	[tilespmem:v4+s13+$0x0] =	vst.idx.msk $0xffff, v3  }
0x69c: {  	v4 =	vor.u32 v30, v12;
	v3 =	vld.idx.msk [tilespmem:v5+s3+$0x0], $0xffff  }
0x69d: {  	v5 =	vor.u32 v24, v17;
	_ =	sdelay $0x3  }
0x69e: {  	[tilespmem:v4+s13+$0x0] =	vst.idx.msk $0xffff, v3  }
0x69f: {  	v4 =	vor.u32 v61, v12;
	v3 =	vld.idx.msk [tilespmem:v5+s3+$0x0], $0xffff  }
0x6a0: {  	v5 =	vor.u32 v26, v17;
	_ =	sdelay $0x3  }
0x6a1: {  	[tilespmem:v4+s13+$0x0] =	vst.idx.msk $0xffff, v3  }
0x6a2: {  	v4 =	vor.u32 v60, v12;
	v3 =	vld.idx.msk [tilespmem:v5+s3+$0x0], $0xffff  }
0x6a3: {  	v5 =	vor.u32 v59, v17;
	_ =	sdelay $0x3  }
0x6a4: {  	[tilespmem:v4+s13+$0x0] =	vst.idx.msk $0xffff, v3  }
0x6a5: {  	v3 =	vor.u32 v57, v12;
	v4 =	vld.idx.msk [tilespmem:v5+s3+$0x0], $0xffff  }
0x6a6: {  	v5 =	vor.u32 v56, v17;
	_ =	sdelay $0x3  }
0x6a7: {  	[tilespmem:v3+s13+$0x0] =	vst.idx.msk $0xffff, v4  }
0x6a8: {  	v3 =	vor.u32 v53, v12;
	v4 =	vld.idx.msk [tilespmem:v5+s3+$0x0], $0xffff  }
0x6a9: {  	v5 =	vor.u32 v52, v17;
	_ =	sdelay $0x3  }
0x6aa: {  	[tilespmem:v3+s13+$0x0] =	vst.idx.msk $0xffff, v4  }
0x6ab: {  	v4 =	vor.u32 v50, v12;
	v3 =	vld.idx.msk [tilespmem:v5+s3+$0x0], $0xffff  }
0x6ac: {  	v5 =	vor.u32 v49, v17;
	_ =	sdelay $0x3  }
0x6ad: {  	[tilespmem:v4+s13+$0x0] =	vst.idx.msk $0xffff, v3  }
0x6ae: {  	v4 =	vor.u32 v33, v12;
	v3 =	vld.idx.msk [tilespmem:v5+s3+$0x0], $0xffff  }
0x6af: {  	v5 =	vor.u32 v35, v17;
	_ =	sdelay $0x3  }
0x6b0: {  	[tilespmem:v4+s13+$0x0] =	vst.idx.msk $0xffff, v3  }
0x6b1: {  	v3 =	vld.idx.msk [tilespmem:v5+s3+$0x0], $0xffff  }
0x6b2: {  	v5 =	vld [tilespmem:$0x1F540];
	_ =	sdelay $0x3  }
0x6b3: {  	v4 =	vor.u32 v34, v12  }
0x6b4: {  	v5 =	vor.u32 v5, v17;
	_ =	sdelay $0x3  }
0x6b5: {  	[tilespmem:v4+s13+$0x0] =	vst.idx.msk $0xffff, v3  }
0x6b6: {  	v3 =	vld.idx.msk [tilespmem:v5+s3+$0x0], $0xffff  }
0x6b7: {  	v5 =	vld [tilespmem:$0x1F570]  }
0x6b8: {  	v9 =	vld [tilespmem:$0x1FE50];
	_ =	sdelay $0x2  }
0x6b9: {  	v4 =	vor.u32 v29, v12  }
0x6ba: {  	v5 =	vor.u32 v5, v17  }
0x6bb: {  	v2 =	vld.idx.msk [tilespmem:v42+s3+$0x0], $0xffff;
	v8 =	vor.u32 v9, v6;
	_ =	sdelay $0x2  }
0x6bc: {  	[tilespmem:v4+s13+$0x0] =	vst.idx.msk $0xffff, v3  }
0x6bd: {  	v3 =	vld.idx.msk [tilespmem:v5+s3+$0x0], $0xffff  }
0x6be: {  	v5 =	vld [tilespmem:$0x1F580];
	[tilespmem:v8+s13+$0x0] =	vst.idx.msk $0xffff, v2  }
0x6bf: {  	v2 =	vld [tilespmem:$0x1F590];
	_ =	sdelay $0x2  }
0x6c0: {  	v4 =	vor.u32 v9, v12;
	v9 =	vld [tilespmem:$0x1FE60];
	_ =	sdelay $0x4  }
0x6c1: {  	[tilespmem:v4+s13+$0x0] =	vst.idx.msk $0xffff, v3;
	v8 =	vor.u32 v9, v6;
	v2 =	vld.idx.msk [tilespmem:v2+s3+$0x0], $0xffff  }
0x6c2: {  	v10 =	vld [tilespmem:$0x1F4B0];
	_ =	sdelay $0x3  }
0x6c3: {  	v5 =	vor.u32 v5, v17;
	[tilespmem:v8+s13+$0x0] =	vst.idx.msk $0xffff, v2  }
0x6c4: {  	v3 =	vor.u32 v10, v7;
	v8 =	vld [tilespmem:$0x1FE70];
	_ =	sdelay $0x3  }
0x6c5: {  	v4 =	vld.idx.msk [tilespmem:v5+s3+$0x0], $0xffff;
	v5 =	vor.u32 v9, v12  }
0x6c6: {  	v2 =	vld.idx.msk [tilespmem:v3+s3+$0x0], $0xffff;
	v3 =	vor.u32 v8, v6;
	_ =	sdelay $0x2  }
0x6c7: {  	v9 =	vor.u32 v10, v17  }
0x6c8: {  	[tilespmem:v5+s13+$0x0] =	vst.idx.msk $0xffff, v4  }
0x6c9: {  	v5 =	vor.u32 v8, v12;
	v8 =	vld [tilespmem:$0x1F5E0];
	[tilespmem:v3+s13+$0x0] =	vst.idx.msk $0xffff, v2  }
0x6ca: {  	v2 =	vld [tilespmem:$0x1F5F0];
	_ =	sdelay $0x1  }
0x6cb: {  	v4 =	vld.idx.msk [tilespmem:v9+s3+$0x0], $0xffff  }
0x6cc: {  	v9 =	vld [tilespmem:$0x1FE80];
	_ =	sdelay $0x1  }
0x6cd: {  	v8 =	vor.u32 v8, v17;
	_ =	sdelay $0x2  }
0x6ce: {  	v3 =	vor.u32 v9, v6;
	v2 =	vld.idx.msk [tilespmem:v2+s3+$0x0], $0xffff  }
0x6cf: {  	[tilespmem:v5+s13+$0x0] =	vst.idx.msk $0xffff, v4  }
0x6d0: {  	v4 =	vld.idx.msk [tilespmem:v8+s3+$0x0], $0xffff  }
0x6d1: {  	v8 =	vld [tilespmem:$0x1F610];
	_ =	sdelay $0x1  }
0x6d2: {  	[tilespmem:v3+s13+$0x0] =	vst.idx.msk $0xffff, v2  }
0x6d3: {  	v5 =	vor.u32 v9, v12;
	v9 =	vld [tilespmem:$0x1FE90];
	_ =	sdelay $0x1  }
0x6d4: {  	v8 =	vor.u32 v8, v17;
	_ =	sdelay $0x2  }
0x6d5: {  	v2 =	vld.idx.msk [tilespmem:v55+s3+$0x0], $0xffff;
	v3 =	vor.u32 v9, v6  }
0x6d6: {  	[tilespmem:v5+s13+$0x0] =	vst.idx.msk $0xffff, v4  }
0x6d7: {  	v4 =	vld.idx.msk [tilespmem:v8+s3+$0x0], $0xffff  }
0x6d8: {  	v8 =	vld [tilespmem:$0x1F640];
	_ =	sdelay $0x1  }
0x6d9: {  	[tilespmem:v3+s13+$0x0] =	vst.idx.msk $0xffff, v2  }
0x6da: {  	v5 =	vor.u32 v9, v12;
	v9 =	vld [tilespmem:$0x1FEA0];
	_ =	sdelay $0x1  }
0x6db: {  	v8 =	vor.u32 v8, v17;
	_ =	sdelay $0x2  }
0x6dc: {  	v2 =	vld.idx.msk [tilespmem:v54+s3+$0x0], $0xffff;
	[tilespmem:v5+s13+$0x0] =	vst.idx.msk $0xffff, v4;
	v3 =	vor.u32 v9, v6  }
0x6dd: {  	v10 =	vld [tilespmem:$0x1F240]  }
0x6de: {  	v5 =	vld.idx.msk [tilespmem:v8+s3+$0x0], $0xffff;
	v8 =	vor.u32 v9, v12;
	_ =	sdelay $0x2  }
0x6df: {  	[tilespmem:v3+s13+$0x0] =	vst.idx.msk $0xffff, v2  }
0x6e0: {  	v4 =	vor.u32 v10, v7;
	v9 =	vor.u32 v10, v17;
	v10 =	vld [tilespmem:$0x1FEB0]  }
0x6e1: {  	[tilespmem:v8+s13+$0x0] =	vst.idx.msk $0xffff, v5  }
0x6e2: {  	v8 =	vld [tilespmem:$0x1F650];
	_ =	sdelay $0x2  }
0x6e3: {  	v3 =	vld.idx.msk [tilespmem:v4+s3+$0x0], $0xffff;
	v2 =	vor.u32 v10, v6  }
0x6e4: {  	v5 =	vld.idx.msk [tilespmem:v9+s3+$0x0], $0xffff;
	v4 =	vor.u32 v10, v12  }
0x6e5: {  	v8 =	vor.u32 v8, v17;
	_ =	sdelay $0x2  }
0x6e6: {  	[tilespmem:v2+s13+$0x0] =	vst.idx.msk $0xffff, v3  }
0x6e7: {  	v2 =	vor.u32 v27, v6;
	[tilespmem:v4+s13+$0x0] =	vst.idx.msk $0xffff, v5;
	v3 =	vld.idx.msk [tilespmem:v58+s3+$0x0], $0xffff  }
0x6e8: {  	v5 =	vld.idx.msk [tilespmem:v8+s3+$0x0], $0xffff  }
0x6e9: {  	v8 =	vld [tilespmem:$0x1F670];
	_ =	sdelay $0x2  }
0x6ea: {  	[tilespmem:v2+s13+$0x0] =	vst.idx.msk $0xffff, v3  }
0x6eb: {  	v4 =	vor.u32 v27, v12;
	v9 =	vld [tilespmem:$0x1FF40]  }
0x6ec: {  	v8 =	vor.u32 v8, v17;
	_ =	sdelay $0x3  }
0x6ed: {  	v3 =	vld.idx.msk [tilespmem:v62+s3+$0x0], $0xffff;
	[tilespmem:v4+s13+$0x0] =	vst.idx.msk $0xffff, v5;
	v2 =	vor.u32 v9, v6  }
0x6ee: {  	v5 =	vld.idx.msk [tilespmem:v8+s3+$0x0], $0xffff;
	v4 =	vor.u32 v9, v12;
	_ =	sdelay $0x3  }
0x6ef: {  	[tilespmem:v2+s13+$0x0] =	vst.idx.msk $0xffff, v3  }
0x6f0: {  	[tilespmem:v4+s13+$0x0] =	vst.idx.msk $0xffff, v5  }
0x6f1: {  	v8 =	vld [tilespmem:$0x1F630];
	_ =	sdelay $0x6  }
0x6f2: {  	v2 =	vor.u32 v23, v6;
	v3 =	vld.idx.msk [tilespmem:v48+s3+$0x0], $0xffff  }
0x6f3: {  	v5 =	vor.u32 v23, v12;
	v8 =	vld.idx.msk [tilespmem:v8+s3+$0x0], $0xffff;
	_ =	sdelay $0x2  }
0x6f4: {  	v4 =	vor.u32 v28, v7  }
0x6f5: {  	v9 =	vor.u32 v28, v17;
	[tilespmem:v2+s13+$0x0] =	vst.idx.msk $0xffff, v3  }
0x6f6: {  	[tilespmem:v5+s13+$0x0] =	vst.idx.msk $0xffff, v8  }
0x6f7: {  	v10 =	vld [tilespmem:$0x1F510];
	_ =	sdelay $0x1  }
0x6f8: {  	v2 =	vor.u32 v25, v6;
	v3 =	vld.idx.msk [tilespmem:v4+s3+$0x0], $0xffff  }
0x6f9: {  	v5 =	vor.u32 v25, v12;
	v8 =	vld.idx.msk [tilespmem:v9+s3+$0x0], $0xffff;
	_ =	sdelay $0x1  }
0x6fa: {  	v4 =	vor.u32 v10, v7  }
0x6fb: {  	v9 =	vor.u32 v10, v17  }
0x6fc: {  	[tilespmem:v2+s13+$0x0] =	vst.idx.msk $0xffff, v3  }
0x6fd: {  	[tilespmem:v5+s13+$0x0] =	vst.idx.msk $0xffff, v8  }
0x6fe: {  	v10 =	vld [tilespmem:$0x1F520]  }
0x6ff: {  	v2 =	vor.u32 v32, v6;
	v3 =	vld.idx.msk [tilespmem:v4+s3+$0x0], $0xffff  }
0x700: {  	v5 =	vor.u32 v32, v12;
	v8 =	vld.idx.msk [tilespmem:v9+s3+$0x0], $0xffff;
	_ =	sdelay $0x3  }
0x701: {  	[tilespmem:v2+s13+$0x0] =	vst.idx.msk $0xffff, v3  }
0x702: {  	v4 =	vor.u32 v10, v7;
	[tilespmem:v5+s13+$0x0] =	vst.idx.msk $0xffff, v8  }
0x703: {  	v9 =	vor.u32 v10, v17;
	v10 =	vld [tilespmem:$0x1F550];
	_ =	sdelay $0x3  }
0x704: {  	v2 =	vor.u32 v16, v6;
	v3 =	vld.idx.msk [tilespmem:v4+s3+$0x0], $0xffff  }
0x705: {  	v5 =	vor.u32 v16, v12;
	v8 =	vld.idx.msk [tilespmem:v9+s3+$0x0], $0xffff;
	v4 =	vor.u32 v10, v7  }
0x706: {  	v9 =	vor.u32 v10, v17;
	_ =	sdelay $0x2  }
0x707: {  	[tilespmem:v2+s13+$0x0] =	vst.idx.msk $0xffff, v3  }
0x708: {  	v2 =	vor.u32 v21, v6;
	[tilespmem:v5+s13+$0x0] =	vst.idx.msk $0xffff, v8;
	v3 =	vld.idx.msk [tilespmem:v4+s3+$0x0], $0xffff  }
0x709: {  	v5 =	vor.u32 v21, v12;
	v4 =	vor.u32 v51, v7;
	v8 =	vld.idx.msk [tilespmem:v9+s3+$0x0], $0xffff  }
0x70a: {  	v10 =	vor.u32 v20, v0;
	_ =	sdelay $0x1  }
0x70b: {  	v9 =	vor.u32 v51, v17  }
0x70c: {  	[tilespmem:v2+s13+$0x0] =	vst.idx.msk $0xffff, v3  }
0x70d: {  	[tilespmem:v5+s13+$0x0] =	vst.idx.msk $0xffff, v8;
	v2 =	vld.idx.msk [tilespmem:v4+s3+$0x0], $0xffff  }
0x70e: {  	v11 =	vld [tilespmem:$0x1F5A0];
	[tilespmem:v10+s13+$0x0] =	vst.idx.msk $0xffff, v1  }
0x70f: {  	v3 =	vor.u32 v20, v6;
	v10 =	vld [tilespmem:$0x1F5B0]  }
0x710: {  	v8 =	vor.u32 v20, v12;
	v5 =	vld.idx.msk [tilespmem:v9+s3+$0x0], $0xffff;
	_ =	sdelay $0x2  }
0x711: {  	v4 =	vor.u32 v11, v7  }
0x712: {  	v9 =	vor.u32 v11, v17;
	[tilespmem:v3+s13+$0x0] =	vst.idx.msk $0xffff, v2  }
0x713: {  	[tilespmem:v8+s13+$0x0] =	vst.idx.msk $0xffff, v5  }
0x714: {  	v11 =	vld [tilespmem:$0x1F5C0]  }
0x715: {  	v1 =	vor.u32 v22, v0;
	v10 =	vld.idx.msk [tilespmem:v10+s3+$0x0], $0xffff  }
0x716: {  	v2 =	vor.u32 v22, v6;
	v3 =	vld.idx.msk [tilespmem:v4+s3+$0x0], $0xffff  }
0x717: {  	v5 =	vor.u32 v22, v12;
	v8 =	vld.idx.msk [tilespmem:v9+s3+$0x0], $0xffff;
	_ =	sdelay $0x2  }
0x718: {  	[tilespmem:v1+s13+$0x0] =	vst.idx.msk $0xffff, v10  }
0x719: {  	v10 =	vld [tilespmem:$0x1F5D0];
	[tilespmem:v2+s13+$0x0] =	vst.idx.msk $0xffff, v3  }
0x71a: {  	v4 =	vor.u32 v11, v7;
	[tilespmem:v5+s13+$0x0] =	vst.idx.msk $0xffff, v8  }
0x71b: {  	v9 =	vor.u32 v11, v17;
	v8 =	vld [tilespmem:$0x1F600];
	_ =	sdelay $0x3  }
0x71c: {  	v2 =	vor.u32 v44, v6;
	v3 =	vld.idx.msk [tilespmem:v4+s3+$0x0], $0xffff  }
0x71d: {  	v5 =	vor.u32 v44, v12;
	v4 =	vor.u32 v8, v7;
	v7 =	vld.idx.msk [tilespmem:v9+s3+$0x0], $0xffff  }
0x71e: {  	v1 =	vor.u32 v44, v0;
	v8 =	vor.u32 v8, v17;
	v10 =	vld.idx.msk [tilespmem:v10+s3+$0x0], $0xffff;
	_ =	sdelay $0x2  }
0x71f: {  	[tilespmem:v2+s13+$0x0] =	vst.idx.msk $0xffff, v3  }
0x720: {  	v3 =	vor.u32 v15, v6;
	v2 =	vld.idx.msk [tilespmem:v4+s3+$0x0], $0xffff;
	[tilespmem:v5+s13+$0x0] =	vst.idx.msk $0xffff, v7  }
0x721: {  	v5 =	vor.u32 v15, v12;
	v4 =	vld.idx.msk [tilespmem:v8+s3+$0x0], $0xffff;
	[tilespmem:v1+s13+$0x0] =	vst.idx.msk $0xffff, v10  }
0x722: {  	s25 =	sadd.s32 s6, s25;
	v0 =	vor.u32 v15, v0;
	v1 =	vld.idx.msk [tilespmem:v37+s3+$0x0], $0xffff  }
0x723: {  	s24 =	ssub.s32 s25, s24  }
0x724: {  	s23 =	sshll.u32 s23, $0x14;
	s24 =	sshll.u32 s24, $0xA  }
0x725: {  	s24 =	sadd.s32 s23, s24;
	[tilespmem:v3+s13+$0x0] =	vst.idx.msk $0xffff, v2  }
0x726: {  	s24 =	sshrl.u32 s24, $0x3;
	[tilespmem:v5+s13+$0x0] =	vst.idx.msk $0xffff, v4  }
0x727: {  	p0 =	seq.s32 s21, $0x27;
	s24 =	sadd.s32 s2, s24;
	[tilespmem:v0+s13+$0x0] =	vst.idx.msk $0xffff, v1  }
0x728: {  	[hbm4b:s24+s14] =	stream.strided.scatter [tilespmem:s13], [sflag:$0x3], $0x2000, s15, s14, $0x38;
	[tilespmem:$0x8200] =	vst v63  }
0x729: {  	s24 =	sand.u32 @!p0 $0x1, s21;
	_ =	swait.ge [sflag:s16], $0x2000  }
0x72a: {  	p1 =	seq.s32 @!p0 s24, $0x0;
	s24 =	sshll.u32 @!p0 s21, $0xA;
	[sflag:s16] =	ssyncset.done $0x0  }
0x72b: {  	s24 =	sadd.s32 @!p0 $0x400, s24;
	p1 =	por p1, p0;
	[sflag:s16] =	ssyncadd.s32 $0xFFFFE000  }
0x72c: {  	s25 =	sadd.s32 @!p1 s24, s5;
	s26 =	simm.s32 @!p1 $0x0;
	s28 =	simm.s32 @!p1 $0x8000  }
0x72d: {  	[tilespmem:s28], [sflag:$0x5] =	stream.linear.gather @!p1 [hbm4b:s25+s26], $0x200, $0x38;
	[tilespmem:$0x8200] =	vst v63  }
0x72e: {  	s25 =	simm.s32 @!p1 $0x5  }
0x72f: {  	_ =	swait.ge @!p1 [sflag:s25], $0x200  }
0x730: {  	s31 =	simm.s32 $0x0;
	v7 =	vlaneseq.u32;
	[sflag:s25] =	ssyncset.done @!p1 $0x0  }
0x731: {  	v0 =	vor.u32 s31, v7;
	[sflag:s25] =	ssyncadd.s32 @!p1 $0xFFFFFE00;
	s25 =	simm.s32 @!p0 $0x3  }
0x732: {  	v2 =	vshll.u32 v0, $0x6;
	_ =	swait.ge @!p0 [sflag:s25], $0x2000  }
0x733: {  	v1 =	vor.u32 v7, v2;
	v14 =	vld [tilespmem:$0x1FFD0]  }
0x734: {  	s24 =	sand.u32 @!p0 $0x400, s24  }
0x735: {  	s24 =	sshrl.u32 @!p0 s24, $0x2;
	s26 =	simm.s32 @!p0 $0x0;
	[sflag:s25] =	ssyncset.done @!p0 $0x0  }
0x736: {  	s24 =	sor.u32 @!p0 $0x8000, s24;
	[sflag:s25] =	ssyncadd.s32 @!p0 $0xFFFFE000;
	s25 =	simm.s32 @!p0 $0x80  }
0x737: {  	v0 =	vand.u32 $0x78, v0;
	[tilespmem:s26], [sflag:$0x1] =	stream.indirect.gather @!p0 [hbm4b:s4+s25], $0x40, s24, s25, $0xb8;
	[tilespmem:$0x8200] =	vst v63  }
0x738: {  	v1 =	vld.idx.msk [tilespmem:v1+s12+$0x0], $0xffff;
	v3 =	vor.u32 v14, v0  }
0x739: {  	v42 =	vld [tilespmem:$0x1FD30];
	_ =	sdelay $0x3  }
0x73a: {  	[tilespmem:v3+s17+$0x0] =	vst.idx.msk $0xffff, v1  }
0x73b: {  	v4 =	vor.u32 v42, v2;
	v46 =	vld [tilespmem:$0x1F6A0];
	_ =	sdelay $0x4  }
0x73c: {  	v1 =	vld.idx.msk [tilespmem:v4+s12+$0x0], $0xffff;
	v3 =	vor.u32 v46, v0  }
0x73d: {  	v55 =	vld [tilespmem:$0x1FD40];
	_ =	sdelay $0x3  }
0x73e: {  	[tilespmem:v3+s17+$0x0] =	vst.idx.msk $0xffff, v1  }
0x73f: {  	v4 =	vor.u32 v55, v2;
	v26 =	vld [tilespmem:$0x1F6B0]  }
0x740: {  	v54 =	vld [tilespmem:$0x1FDD0];
	_ =	sdelay $0x3  }
0x741: {  	v1 =	vld.idx.msk [tilespmem:v4+s12+$0x0], $0xffff;
	v3 =	vor.u32 v26, v0  }
0x742: {  	v4 =	vor.u32 v54, v2;
	_ =	sdelay $0x3  }
0x743: {  	[tilespmem:v3+s17+$0x0] =	vst.idx.msk $0xffff, v1  }
0x744: {  	v3 =	vor.u32 v39, v0;
	v1 =	vld.idx.msk [tilespmem:v4+s12+$0x0], $0xffff  }
0x745: {  	v37 =	vld [tilespmem:$0x1F6E0];
	_ =	sdelay $0x3  }
0x746: {  	[tilespmem:v3+s17+$0x0] =	vst.idx.msk $0xffff, v1  }
0x747: {  	v4 =	vor.u32 v37, v2;
	v60 =	vld [tilespmem:$0x1F860];
	_ =	sdelay $0x4  }
0x748: {  	v1 =	vld.idx.msk [tilespmem:v4+s12+$0x0], $0xffff;
	v3 =	vor.u32 v60, v0  }
0x749: {  	v53 =	vld [tilespmem:$0x1FDC0];
	_ =	sdelay $0x3  }
0x74a: {  	[tilespmem:v3+s17+$0x0] =	vst.idx.msk $0xffff, v1  }
0x74b: {  	v4 =	vor.u32 v53, v2;
	v45 =	vld [tilespmem:$0x1F890];
	_ =	sdelay $0x4  }
0x74c: {  	v1 =	vld.idx.msk [tilespmem:v4+s12+$0x0], $0xffff;
	v3 =	vor.u32 v45, v0  }
0x74d: {  	v30 =	vld [tilespmem:$0x1FDE0];
	_ =	sdelay $0x3  }
0x74e: {  	[tilespmem:v3+s17+$0x0] =	vst.idx.msk $0xffff, v1  }
0x74f: {  	v4 =	vor.u32 v30, v2;
	v48 =	vld [tilespmem:$0x1F720];
	_ =	sdelay $0x4  }
0x750: {  	v1 =	vld.idx.msk [tilespmem:v4+s12+$0x0], $0xffff;
	v3 =	vor.u32 v48, v0  }
0x751: {  	v62 =	vld [tilespmem:$0x1FED0];
	_ =	sdelay $0x3  }
0x752: {  	[tilespmem:v3+s17+$0x0] =	vst.idx.msk $0xffff, v1  }
0x753: {  	v4 =	vor.u32 v62, v2;
	v51 =	vld [tilespmem:$0x1FFF0];
	_ =	sdelay $0x4  }
0x754: {  	v3 =	vld.idx.msk [tilespmem:v4+s12+$0x0], $0xffff;
	v4 =	vor.u32 v51, v0  }
0x755: {  	v33 =	vld [tilespmem:$0x1FCF0]  }
0x756: {  	s26 =	simm.s32 $0x10  }
0x757: {  	v6 =	vor.u32 s26, v7  }
0x758: {  	v5 =	vshll.u32 v6, $0x6  }
0x759: {  	v7 =	vor.u32 v7, v5;
	[tilespmem:v4+s17+$0x0] =	vst.idx.msk $0xffff, v3  }
0x75a: {  	v8 =	vor.u32 v33, v2;
	v47 =	vld [tilespmem:$0x1FFE0];
	_ =	sdelay $0x2  }
0x75b: {  	v1 =	vand.u32 $0x78, v6  }
0x75c: {  	v6 =	vld.idx.msk [tilespmem:v7+s12+$0x0], $0xffff;
	v7 =	vor.u32 v14, v1  }
0x75d: {  	v3 =	vld.idx.msk [tilespmem:v8+s12+$0x0], $0xffff;
	v4 =	vor.u32 v47, v0  }
0x75e: {  	v43 =	vld [tilespmem:$0x1FD50];
	_ =	sdelay $0x2  }
0x75f: {  	[tilespmem:v7+s17+$0x0] =	vst.idx.msk $0xffff, v6  }
0x760: {  	v9 =	vor.u32 v42, v5;
	[tilespmem:v4+s17+$0x0] =	vst.idx.msk $0xffff, v3  }
0x761: {  	v8 =	vor.u32 v43, v2;
	v31 =	vld [tilespmem:$0x1FBE0];
	_ =	sdelay $0x3  }
0x762: {  	v7 =	vor.u32 v46, v1;
	v6 =	vld.idx.msk [tilespmem:v9+s12+$0x0], $0xffff  }
0x763: {  	v3 =	vld.idx.msk [tilespmem:v8+s12+$0x0], $0xffff;
	v4 =	vor.u32 v31, v0  }
0x764: {  	v44 =	vld [tilespmem:$0x1FEE0];
	_ =	sdelay $0x2  }
0x765: {  	[tilespmem:v7+s17+$0x0] =	vst.idx.msk $0xffff, v6  }
0x766: {  	v9 =	vor.u32 v55, v5;
	[tilespmem:v4+s17+$0x0] =	vst.idx.msk $0xffff, v3  }
0x767: {  	v8 =	vor.u32 v44, v2;
	v15 =	vld [tilespmem:$0x1FF80];
	_ =	sdelay $0x3  }
0x768: {  	v7 =	vor.u32 v26, v1;
	v6 =	vld.idx.msk [tilespmem:v9+s12+$0x0], $0xffff  }
0x769: {  	v3 =	vld.idx.msk [tilespmem:v8+s12+$0x0], $0xffff;
	v4 =	vor.u32 v15, v0  }
0x76a: {  	v49 =	vld [tilespmem:$0x1FDF0];
	_ =	sdelay $0x2  }
0x76b: {  	[tilespmem:v7+s17+$0x0] =	vst.idx.msk $0xffff, v6  }
0x76c: {  	v9 =	vor.u32 v54, v5;
	[tilespmem:v4+s17+$0x0] =	vst.idx.msk $0xffff, v3  }
0x76d: {  	v8 =	vor.u32 v49, v2;
	v63 =	vld [tilespmem:$0x1FF60];
	_ =	sdelay $0x3  }
0x76e: {  	v7 =	vor.u32 v39, v1;
	v6 =	vld.idx.msk [tilespmem:v9+s12+$0x0], $0xffff  }
0x76f: {  	v3 =	vld.idx.msk [tilespmem:v8+s12+$0x0], $0xffff;
	v4 =	vor.u32 v63, v0  }
0x770: {  	v52 =	vld [tilespmem:$0x1F280];
	_ =	sdelay $0x2  }
0x771: {  	[tilespmem:v7+s17+$0x0] =	vst.idx.msk $0xffff, v6  }
0x772: {  	v9 =	vor.u32 v37, v5;
	[tilespmem:v4+s17+$0x0] =	vst.idx.msk $0xffff, v3  }
0x773: {  	v8 =	vor.u32 v52, v2;
	v50 =	vld [tilespmem:$0x1FF70];
	_ =	sdelay $0x3  }
0x774: {  	v7 =	vor.u32 v60, v1;
	v6 =	vld.idx.msk [tilespmem:v9+s12+$0x0], $0xffff  }
0x775: {  	v3 =	vld.idx.msk [tilespmem:v8+s12+$0x0], $0xffff;
	v4 =	vor.u32 v50, v0  }
0x776: {  	v57 =	vld [tilespmem:$0x1F2C0];
	_ =	sdelay $0x2  }
0x777: {  	[tilespmem:v7+s17+$0x0] =	vst.idx.msk $0xffff, v6  }
0x778: {  	v9 =	vor.u32 v53, v5;
	[tilespmem:v4+s17+$0x0] =	vst.idx.msk $0xffff, v3  }
0x779: {  	v8 =	vor.u32 v57, v2;
	v59 =	vld [tilespmem:$0x1FF50];
	_ =	sdelay $0x3  }
0x77a: {  	v7 =	vor.u32 v45, v1;
	v6 =	vld.idx.msk [tilespmem:v9+s12+$0x0], $0xffff  }
0x77b: {  	v3 =	vld.idx.msk [tilespmem:v8+s12+$0x0], $0xffff;
	v4 =	vor.u32 v59, v0  }
0x77c: {  	v58 =	vld [tilespmem:$0x1F300];
	_ =	sdelay $0x2  }
0x77d: {  	[tilespmem:v7+s17+$0x0] =	vst.idx.msk $0xffff, v6  }
0x77e: {  	v9 =	vor.u32 v30, v5;
	[tilespmem:v4+s17+$0x0] =	vst.idx.msk $0xffff, v3  }
0x77f: {  	v8 =	vor.u32 v58, v2;
	v16 =	vld [tilespmem:$0x1FFA0];
	_ =	sdelay $0x3  }
0x780: {  	v7 =	vor.u32 v48, v1;
	v6 =	vld.idx.msk [tilespmem:v9+s12+$0x0], $0xffff  }
0x781: {  	v3 =	vld.idx.msk [tilespmem:v8+s12+$0x0], $0xffff;
	v4 =	vor.u32 v16, v0  }
0x782: {  	v22 =	vld [tilespmem:$0x1F340];
	_ =	sdelay $0x2  }
0x783: {  	[tilespmem:v7+s17+$0x0] =	vst.idx.msk $0xffff, v6  }
0x784: {  	v9 =	vor.u32 v62, v5;
	[tilespmem:v4+s17+$0x0] =	vst.idx.msk $0xffff, v3  }
0x785: {  	v8 =	vor.u32 v22, v2;
	v17 =	vld [tilespmem:$0x1FFB0];
	_ =	sdelay $0x3  }
0x786: {  	v7 =	vor.u32 v51, v1;
	v6 =	vld.idx.msk [tilespmem:v9+s12+$0x0], $0xffff  }
0x787: {  	v3 =	vld.idx.msk [tilespmem:v8+s12+$0x0], $0xffff;
	v4 =	vor.u32 v17, v0  }
0x788: {  	v21 =	vld [tilespmem:$0x1F390];
	_ =	sdelay $0x2  }
0x789: {  	[tilespmem:v7+s17+$0x0] =	vst.idx.msk $0xffff, v6  }
0x78a: {  	v9 =	vor.u32 v33, v5;
	[tilespmem:v4+s17+$0x0] =	vst.idx.msk $0xffff, v3  }
0x78b: {  	v8 =	vor.u32 v21, v2;
	v18 =	vld [tilespmem:$0x1FFC0];
	_ =	sdelay $0x3  }
0x78c: {  	v6 =	vld.idx.msk [tilespmem:v9+s12+$0x0], $0xffff;
	v9 =	vor.u32 v47, v1  }
0x78d: {  	v3 =	vld.idx.msk [tilespmem:v8+s12+$0x0], $0xffff;
	v4 =	vor.u32 v18, v0  }
0x78e: {  	v20 =	vld [tilespmem:$0x1F3E0];
	_ =	sdelay $0x2  }
0x78f: {  	[tilespmem:v9+s17+$0x0] =	vst.idx.msk $0xffff, v6  }
0x790: {  	v10 =	vor.u32 v43, v5;
	[tilespmem:v4+s17+$0x0] =	vst.idx.msk $0xffff, v3  }
0x791: {  	v12 =	vlaneseq.u32;
	s28 =	simm.s32 $0x20;
	v11 =	vor.u32 v20, v2;
	v19 =	vld [tilespmem:$0x1F730]  }
0x792: {  	v8 =	vor.u32 s28, v12  }
0x793: {  	v7 =	vshll.u32 v8, $0x6  }
0x794: {  	v12 =	vor.u32 v12, v7  }
0x795: {  	v9 =	vld.idx.msk [tilespmem:v10+s12+$0x0], $0xffff;
	v10 =	vor.u32 v31, v1  }
0x796: {  	v3 =	vld.idx.msk [tilespmem:v11+s12+$0x0], $0xffff;
	v4 =	vor.u32 v19, v0  }
0x797: {  	v29 =	vld [tilespmem:$0x1F420]  }
0x798: {  	v6 =	vand.u32 $0x78, v8  }
0x799: {  	v13 =	vor.u32 v44, v5;
	v11 =	vld.idx.msk [tilespmem:v12+s12+$0x0], $0xffff;
	v12 =	vor.u32 v14, v6  }
0x79a: {  	[tilespmem:v10+s17+$0x0] =	vst.idx.msk $0xffff, v9  }
0x79b: {  	v14 =	vor.u32 v42, v7;
	[tilespmem:v4+s17+$0x0] =	vst.idx.msk $0xffff, v3  }
0x79c: {  	v10 =	vor.u32 v15, v1;
	v8 =	vor.u32 v29, v2;
	v15 =	vld [tilespmem:$0x1F740];
	_ =	sdelay $0x1  }
0x79d: {  	v9 =	vld.idx.msk [tilespmem:v13+s12+$0x0], $0xffff;
	[tilespmem:v12+s17+$0x0] =	vst.idx.msk $0xffff, v11  }
0x79e: {  	v28 =	vld [tilespmem:$0x1F430]  }
0x79f: {  	v12 =	vor.u32 v46, v6;
	v11 =	vld.idx.msk [tilespmem:v14+s12+$0x0], $0xffff  }
0x7a0: {  	v4 =	vld.idx.msk [tilespmem:v8+s12+$0x0], $0xffff;
	v3 =	vor.u32 v15, v0;
	_ =	sdelay $0x1  }
0x7a1: {  	v13 =	vor.u32 v49, v5  }
0x7a2: {  	v14 =	vor.u32 v55, v7;
	[tilespmem:v10+s17+$0x0] =	vst.idx.msk $0xffff, v9  }
0x7a3: {  	v8 =	vor.u32 v28, v2;
	[tilespmem:v12+s17+$0x0] =	vst.idx.msk $0xffff, v11  }
0x7a4: {  	[tilespmem:v3+s17+$0x0] =	vst.idx.msk $0xffff, v4  }
0x7a5: {  	v27 =	vld [tilespmem:$0x1F470]  }
0x7a6: {  	v10 =	vor.u32 v63, v1;
	v9 =	vld.idx.msk [tilespmem:v13+s12+$0x0], $0xffff  }
0x7a7: {  	v12 =	vor.u32 v26, v6;
	v11 =	vld.idx.msk [tilespmem:v14+s12+$0x0], $0xffff  }
0x7a8: {  	v13 =	vor.u32 v52, v5;
	v4 =	vor.u32 v38, v0;
	v3 =	vld.idx.msk [tilespmem:v8+s12+$0x0], $0xffff;
	_ =	sdelay $0x1  }
0x7a9: {  	v8 =	vor.u32 v27, v2  }
0x7aa: {  	v14 =	vor.u32 v54, v7;
	[tilespmem:v10+s17+$0x0] =	vst.idx.msk $0xffff, v9  }
0x7ab: {  	[tilespmem:v12+s17+$0x0] =	vst.idx.msk $0xffff, v11  }
0x7ac: {  	v9 =	vld.idx.msk [tilespmem:v13+s12+$0x0], $0xffff;
	[tilespmem:v4+s17+$0x0] =	vst.idx.msk $0xffff, v3  }
0x7ad: {  	v35 =	vmov v26;
	v10 =	vor.u32 v50, v1;
	v26 =	vld [tilespmem:$0x1F4C0]  }
0x7ae: {  	v4 =	vor.u32 v41, v0;
	v3 =	vld.idx.msk [tilespmem:v8+s12+$0x0], $0xffff  }
0x7af: {  	v12 =	vor.u32 v39, v6;
	v11 =	vld.idx.msk [tilespmem:v14+s12+$0x0], $0xffff;
	_ =	sdelay $0x2  }
0x7b0: {  	[tilespmem:v10+s17+$0x0] =	vst.idx.msk $0xffff, v9  }
0x7b1: {  	v13 =	vor.u32 v57, v5;
	[tilespmem:v4+s17+$0x0] =	vst.idx.msk $0xffff, v3  }
0x7b2: {  	v8 =	vor.u32 v26, v2;
	[tilespmem:v12+s17+$0x0] =	vst.idx.msk $0xffff, v11  }
0x7b3: {  	v14 =	vor.u32 v37, v7;
	v24 =	vld [tilespmem:$0x1F660];
	_ =	sdelay $0x2  }
0x7b4: {  	v10 =	vor.u32 v59, v1;
	v9 =	vld.idx.msk [tilespmem:v13+s12+$0x0], $0xffff  }
0x7b5: {  	v13 =	vor.u32 v58, v5;
	v4 =	vor.u32 v40, v0;
	v3 =	vld.idx.msk [tilespmem:v8+s12+$0x0], $0xffff  }
0x7b6: {  	v12 =	vor.u32 v60, v6;
	v11 =	vld.idx.msk [tilespmem:v14+s12+$0x0], $0xffff;
	v8 =	vor.u32 v24, v2;
	_ =	sdelay $0x2  }
0x7b7: {  	[tilespmem:v10+s17+$0x0] =	vst.idx.msk $0xffff, v9  }
0x7b8: {  	v10 =	vor.u32 v16, v1;
	v9 =	vld.idx.msk [tilespmem:v13+s12+$0x0], $0xffff;
	[tilespmem:v4+s17+$0x0] =	vst.idx.msk $0xffff, v3  }
0x7b9: {  	v14 =	vor.u32 v53, v7;
	v4 =	vor.u32 v36, v0;
	[tilespmem:v12+s17+$0x0] =	vst.idx.msk $0xffff, v11;
	v3 =	vld.idx.msk [tilespmem:v8+s12+$0x0], $0xffff  }
0x7ba: {  	v34 =	vld [tilespmem:$0x1F4F0];
	_ =	sdelay $0x2  }
0x7bb: {  	[tilespmem:v10+s17+$0x0] =	vst.idx.msk $0xffff, v9  }
0x7bc: {  	v13 =	vor.u32 v22, v5;
	v11 =	vld.idx.msk [tilespmem:v14+s12+$0x0], $0xffff;
	[tilespmem:v4+s17+$0x0] =	vst.idx.msk $0xffff, v3  }
0x7bd: {  	v12 =	vor.u32 v45, v6;
	v8 =	vor.u32 v34, v2;
	v25 =	vld [tilespmem:$0x1FEF0];
	_ =	sdelay $0x3  }
0x7be: {  	v10 =	vor.u32 v17, v1;
	v9 =	vld.idx.msk [tilespmem:v13+s12+$0x0], $0xffff  }
0x7bf: {  	v14 =	vor.u32 v30, v7;
	v3 =	vld.idx.msk [tilespmem:v8+s12+$0x0], $0xffff;
	[tilespmem:v12+s17+$0x0] =	vst.idx.msk $0xffff, v11;
	v4 =	vor.u32 v25, v0  }
0x7c0: {  	v23 =	vld [tilespmem:$0x1F220];
	_ =	sdelay $0x2  }
0x7c1: {  	[tilespmem:v10+s17+$0x0] =	vst.idx.msk $0xffff, v9  }
0x7c2: {  	v13 =	vor.u32 v21, v5;
	v11 =	vld.idx.msk [tilespmem:v14+s12+$0x0], $0xffff;
	[tilespmem:v4+s17+$0x0] =	vst.idx.msk $0xffff, v3  }
0x7c3: {  	v12 =	vor.u32 v48, v6;
	v8 =	vor.u32 v23, v2;
	v22 =	vld [tilespmem:$0x1FF00];
	_ =	sdelay $0x3  }
0x7c4: {  	v10 =	vor.u32 v18, v1;
	v9 =	vld.idx.msk [tilespmem:v13+s12+$0x0], $0xffff  }
0x7c5: {  	v14 =	vor.u32 v62, v7;
	v3 =	vld.idx.msk [tilespmem:v8+s12+$0x0], $0xffff;
	[tilespmem:v12+s17+$0x0] =	vst.idx.msk $0xffff, v11;
	v4 =	vor.u32 v22, v0  }
0x7c6: {  	v63 =	vld [tilespmem:$0x1F120];
	_ =	sdelay $0x2  }
0x7c7: {  	[tilespmem:v10+s17+$0x0] =	vst.idx.msk $0xffff, v9  }
0x7c8: {  	v13 =	vor.u32 v20, v5;
	v11 =	vld.idx.msk [tilespmem:v14+s12+$0x0], $0xffff;
	[tilespmem:v4+s17+$0x0] =	vst.idx.msk $0xffff, v3  }
0x7c9: {  	v12 =	vor.u32 v51, v6;
	v8 =	vor.u32 v63, v2;
	v20 =	vld [tilespmem:$0x1FF10];
	_ =	sdelay $0x3  }
0x7ca: {  	v10 =	vor.u32 v19, v1;
	v9 =	vld.idx.msk [tilespmem:v13+s12+$0x0], $0xffff  }
0x7cb: {  	v14 =	vor.u32 v33, v7;
	v3 =	vld.idx.msk [tilespmem:v8+s12+$0x0], $0xffff;
	[tilespmem:v12+s17+$0x0] =	vst.idx.msk $0xffff, v11;
	v4 =	vor.u32 v20, v0  }
0x7cc: {  	v33 =	vld [tilespmem:$0x1F130];
	_ =	sdelay $0x2  }
0x7cd: {  	[tilespmem:v10+s17+$0x0] =	vst.idx.msk $0xffff, v9  }
0x7ce: {  	v13 =	vor.u32 v29, v5;
	v11 =	vld.idx.msk [tilespmem:v14+s12+$0x0], $0xffff;
	[tilespmem:v4+s17+$0x0] =	vst.idx.msk $0xffff, v3  }
0x7cf: {  	v61 =	vmovc v60;
	v60 =	vmov v30;
	v12 =	vor.u32 v47, v6;
	v8 =	vor.u32 v33, v2;
	v30 =	vld [tilespmem:$0x1FF20];
	_ =	sdelay $0x2  }
0x7d0: {  	v14 =	vor.u32 v43, v7  }
0x7d1: {  	v9 =	vor.u32 v15, v1;
	v10 =	vld.idx.msk [tilespmem:v13+s12+$0x0], $0xffff  }
0x7d2: {  	s29 =	simm.s32 $0x30;
	v16 =	vlaneseq.u32;
	v4 =	vld.idx.msk [tilespmem:v8+s12+$0x0], $0xffff;
	[tilespmem:v12+s17+$0x0] =	vst.idx.msk $0xffff, v11;
	v8 =	vor.u32 v30, v0  }
0x7d3: {  	v13 =	vor.u32 s29, v16;
	v29 =	vld [tilespmem:$0x1F140]  }
0x7d4: {  	v15 =	vor.u32 v28, v5;
	v17 =	vshll.u32 v13, $0x6  }
0x7d5: {  	v3 =	vor.u32 v16, v17;
	v16 =	vor.u32 v31, v6;
	v14 =	vld.idx.msk [tilespmem:v14+s12+$0x0], $0xffff  }
0x7d6: {  	[tilespmem:v9+s17+$0x0] =	vst.idx.msk $0xffff, v10  }
0x7d7: {  	v45 =	vmov v48;
	v48 =	vld [tilespmem:$0x1FFD0];
	[tilespmem:v8+s17+$0x0] =	vst.idx.msk $0xffff, v4  }
0x7d8: {  	v11 =	vor.u32 v29, v2;
	v56 =	vld [tilespmem:$0x1FF90]  }
0x7d9: {  	v9 =	vld.idx.msk [tilespmem:v15+s12+$0x0], $0xffff  }
0x7da: {  	v3 =	vld.idx.msk [tilespmem:v3+s12+$0x0], $0xffff;
	[tilespmem:v16+s17+$0x0] =	vst.idx.msk $0xffff, v14  }
0x7db: {  	v12 =	vand.u32 $0x78, v13;
	v10 =	vor.u32 v38, v1;
	v51 =	vld [tilespmem:$0x1F310]  }
0x7dc: {  	v18 =	vor.u32 v44, v7;
	v15 =	vor.u32 v48, v12;
	v44 =	vld [tilespmem:$0x1FF80]  }
0x7dd: {  	v8 =	vld.idx.msk [tilespmem:v11+s12+$0x0], $0xffff;
	v11 =	vor.u32 v56, v0;
	_ =	sdelay $0x1  }
0x7de: {  	v13 =	vor.u32 v27, v5  }
0x7df: {  	v4 =	vor.u32 v42, v17;
	[tilespmem:v10+s17+$0x0] =	vst.idx.msk $0xffff, v9  }
0x7e0: {  	v16 =	vld.idx.msk [tilespmem:v18+s12+$0x0], $0xffff;
	[tilespmem:v15+s17+$0x0] =	vst.idx.msk $0xffff, v3;
	v14 =	vor.u32 v51, v2;
	v18 =	vor.u32 v44, v6  }
0x7e1: {  	[tilespmem:v11+s17+$0x0] =	vst.idx.msk $0xffff, v8  }
0x7e2: {  	v21 =	vld [tilespmem:$0x1F780]  }
0x7e3: {  	v3 =	vld.idx.msk [tilespmem:v13+s12+$0x0], $0xffff  }
0x7e4: {  	v4 =	vld.idx.msk [tilespmem:v4+s12+$0x0], $0xffff  }
0x7e5: {  	v9 =	vor.u32 v41, v1;
	v11 =	vld.idx.msk [tilespmem:v14+s12+$0x0], $0xffff;
	[tilespmem:v18+s17+$0x0] =	vst.idx.msk $0xffff, v16  }
0x7e6: {  	v10 =	vor.u32 v46, v12;
	v31 =	vld [tilespmem:$0x1F350]  }
0x7e7: {  	v19 =	vor.u32 v49, v7;
	v47 =	vmov v43;
	v43 =	vld [tilespmem:$0x1FF60];
	v14 =	vor.u32 v21, v0;
	_ =	sdelay $0x2  }
0x7e8: {  	v13 =	vor.u32 v26, v5;
	[tilespmem:v9+s17+$0x0] =	vst.idx.msk $0xffff, v3  }
0x7e9: {  	v8 =	vor.u32 v55, v17;
	[tilespmem:v10+s17+$0x0] =	vst.idx.msk $0xffff, v4  }
0x7ea: {  	v16 =	vld.idx.msk [tilespmem:v19+s12+$0x0], $0xffff;
	v15 =	vor.u32 v31, v2;
	v18 =	vor.u32 v43, v6;
	[tilespmem:v14+s17+$0x0] =	vst.idx.msk $0xffff, v11  }
0x7eb: {  	v10 =	vor.u32 v24, v5;
	v24 =	vld [tilespmem:$0x1F790];
	_ =	sdelay $0x1  }
0x7ec: {  	v3 =	vld.idx.msk [tilespmem:v13+s12+$0x0], $0xffff  }
0x7ed: {  	v4 =	vor.u32 v40, v1;
	v8 =	vld.idx.msk [tilespmem:v8+s12+$0x0], $0xffff  }
0x7ee: {  	v19 =	vor.u32 v52, v7;
	v9 =	vor.u32 v35, v12;
	v13 =	vld.idx.msk [tilespmem:v15+s12+$0x0], $0xffff;
	[tilespmem:v18+s17+$0x0] =	vst.idx.msk $0xffff, v16  }
0x7ef: {  	v27 =	vld [tilespmem:$0x1F3A0];
	v14 =	vor.u32 v24, v0;
	_ =	sdelay $0x2  }
0x7f0: {  	[tilespmem:v4+s17+$0x0] =	vst.idx.msk $0xffff, v3  }
0x7f1: {  	v11 =	vor.u32 v54, v17;
	v16 =	vld.idx.msk [tilespmem:v19+s12+$0x0], $0xffff;
	[tilespmem:v9+s17+$0x0] =	vst.idx.msk $0xffff, v8  }
0x7f2: {  	v18 =	vor.u32 v50, v6;
	v3 =	vld.idx.msk [tilespmem:v10+s12+$0x0], $0xffff;
	v15 =	vor.u32 v27, v2;
	[tilespmem:v14+s17+$0x0] =	vst.idx.msk $0xffff, v13  }
0x7f3: {  	v10 =	vor.u32 v34, v5;
	v34 =	vld [tilespmem:$0x1F7A0];
	_ =	sdelay $0x1  }
0x7f4: {  	v19 =	vor.u32 v57, v7  }
0x7f5: {  	v4 =	vor.u32 v36, v1;
	v8 =	vld.idx.msk [tilespmem:v11+s12+$0x0], $0xffff  }
0x7f6: {  	v9 =	vor.u32 v39, v12;
	v13 =	vld.idx.msk [tilespmem:v15+s12+$0x0], $0xffff;
	[tilespmem:v18+s17+$0x0] =	vst.idx.msk $0xffff, v16  }
0x7f7: {  	v26 =	vld [tilespmem:$0x1F410];
	v14 =	vor.u32 v34, v0;
	_ =	sdelay $0x1  }
0x7f8: {  	v18 =	vor.u32 v59, v6;
	v16 =	vld.idx.msk [tilespmem:v19+s12+$0x0], $0xffff  }
0x7f9: {  	[tilespmem:v4+s17+$0x0] =	vst.idx.msk $0xffff, v3  }
0x7fa: {  	v11 =	vor.u32 v37, v17;
	[tilespmem:v9+s17+$0x0] =	vst.idx.msk $0xffff, v8  }
0x7fb: {  	v15 =	vor.u32 v26, v2;
	[tilespmem:v14+s17+$0x0] =	vst.idx.msk $0xffff, v13  }
0x7fc: {  	v9 =	vor.u32 v61, v12;
	v61 =	vld [tilespmem:$0x1F7B0]  }
0x7fd: {  	v19 =	vor.u32 v58, v7;
	v3 =	vld.idx.msk [tilespmem:v10+s12+$0x0], $0xffff;
	[tilespmem:v18+s17+$0x0] =	vst.idx.msk $0xffff, v16  }
0x7fe: {  	v55 =	vld [tilespmem:$0x1FFA0]  }
0x7ff: {  	v4 =	vor.u32 v25, v1;
	v8 =	vld.idx.msk [tilespmem:v11+s12+$0x0], $0xffff  }
0x800: {  	v10 =	vor.u32 v23, v5;
	v13 =	vld.idx.msk [tilespmem:v15+s12+$0x0], $0xffff  }
0x801: {  	v23 =	vld [tilespmem:$0x1F6F0];
	v14 =	vor.u32 v61, v0  }
0x802: {  	v16 =	vld.idx.msk [tilespmem:v19+s12+$0x0], $0xffff  }
0x803: {  	v54 =	vld [tilespmem:$0x1F340];
	v18 =	vor.u32 v55, v6  }
0x804: {  	[tilespmem:v4+s17+$0x0] =	vst.idx.msk $0xffff, v3  }
0x805: {  	v11 =	vor.u32 v53, v17;
	[tilespmem:v9+s17+$0x0] =	vst.idx.msk $0xffff, v8;
	v3 =	vld.idx.msk [tilespmem:v10+s12+$0x0], $0xffff  }
0x806: {  	v52 =	vld [tilespmem:$0x1F890];
	v15 =	vor.u32 v23, v2;
	[tilespmem:v14+s17+$0x0] =	vst.idx.msk $0xffff, v13  }
0x807: {  	v10 =	vor.u32 v63, v5;
	v63 =	vld [tilespmem:$0x1F7C0]  }
0x808: {  	v19 =	vor.u32 v54, v7;
	[tilespmem:v18+s17+$0x0] =	vst.idx.msk $0xffff, v16  }
0x809: {  	v57 =	vld [tilespmem:$0x1FFB0]  }
0x80a: {  	v4 =	vor.u32 v22, v1;
	v8 =	vld.idx.msk [tilespmem:v11+s12+$0x0], $0xffff  }
0x80b: {  	v9 =	vor.u32 v52, v12;
	v13 =	vld.idx.msk [tilespmem:v15+s12+$0x0], $0xffff  }
0x80c: {  	v28 =	vld [tilespmem:$0x1F460];
	v14 =	vor.u32 v63, v0  }
0x80d: {  	v16 =	vld.idx.msk [tilespmem:v19+s12+$0x0], $0xffff  }
0x80e: {  	v58 =	vld [tilespmem:$0x1F390];
	v18 =	vor.u32 v57, v6  }
0x80f: {  	[tilespmem:v4+s17+$0x0] =	vst.idx.msk $0xffff, v3  }
0x810: {  	v11 =	vor.u32 v60, v17;
	[tilespmem:v9+s17+$0x0] =	vst.idx.msk $0xffff, v8  }
0x811: {  	v15 =	vor.u32 v28, v2;
	[tilespmem:v14+s17+$0x0] =	vst.idx.msk $0xffff, v13  }
0x812: {  	v50 =	vld [tilespmem:$0x1F7D0]  }
0x813: {  	v3 =	vld.idx.msk [tilespmem:v10+s12+$0x0], $0xffff;
	v19 =	vor.u32 v58, v7;
	[tilespmem:v18+s17+$0x0] =	vst.idx.msk $0xffff, v16  }
0x814: {  	v4 =	vor.u32 v20, v1;
	v59 =	vld [tilespmem:$0x1FFC0]  }
0x815: {  	v9 =	vor.u32 v45, v12;
	v8 =	vld.idx.msk [tilespmem:v11+s12+$0x0], $0xffff;
	v10 =	vor.u32 v33, v5  }
0x816: {  	v13 =	vld.idx.msk [tilespmem:v15+s12+$0x0], $0xffff  }
0x817: {  	v11 =	vor.u32 v62, v17;
	v49 =	vld [tilespmem:$0x1F4A0];
	v14 =	vor.u32 v50, v0  }
0x818: {  	v16 =	vld.idx.msk [tilespmem:v19+s12+$0x0], $0xffff  }
0x819: {  	v62 =	vld [tilespmem:$0x1F3E0];
	[tilespmem:v4+s17+$0x0] =	vst.idx.msk $0xffff, v3;
	v18 =	vor.u32 v59, v6  }
0x81a: {  	[tilespmem:v9+s17+$0x0] =	vst.idx.msk $0xffff, v8;
	v3 =	vld.idx.msk [tilespmem:v10+s12+$0x0], $0xffff  }
0x81b: {  	v45 =	vld [tilespmem:$0x1FFF0]  }
0x81c: {  	v8 =	vld.idx.msk [tilespmem:v11+s12+$0x0], $0xffff;
	[tilespmem:v14+s17+$0x0] =	vst.idx.msk $0xffff, v13  }
0x81d: {  	v15 =	vor.u32 v49, v2;
	v35 =	vld [tilespmem:$0x1F7E0]  }
0x81e: {  	v46 =	vld [tilespmem:$0x1FCF0];
	[tilespmem:v18+s17+$0x0] =	vst.idx.msk $0xffff, v16  }
0x81f: {  	v4 =	vor.u32 v30, v1;
	v33 =	vld [tilespmem:$0x1F530]  }
0x820: {  	v19 =	vor.u32 v62, v7;
	v9 =	vor.u32 v45, v12;
	v42 =	vld [tilespmem:$0x1F730];
	_ =	sdelay $0x1  }
0x821: {  	v10 =	vor.u32 v29, v5;
	v13 =	vld.idx.msk [tilespmem:v15+s12+$0x0], $0xffff;
	v14 =	vor.u32 v35, v0;
	_ =	sdelay $0x1  }
0x822: {  	v60 =	vld [tilespmem:$0x1F420];
	[tilespmem:v4+s17+$0x0] =	vst.idx.msk $0xffff, v3;
	v11 =	vor.u32 v46, v17  }
0x823: {  	v16 =	vld.idx.msk [tilespmem:v19+s12+$0x0], $0xffff;
	[tilespmem:v9+s17+$0x0] =	vst.idx.msk $0xffff, v8;
	v15 =	vor.u32 v33, v2;
	v18 =	vor.u32 v42, v6  }
0x824: {  	v9 =	vld [tilespmem:$0x1FFE0]  }
0x825: {  	v3 =	vld.idx.msk [tilespmem:v10+s12+$0x0], $0xffff;
	[tilespmem:v14+s17+$0x0] =	vst.idx.msk $0xffff, v13  }
0x826: {  	v30 =	vld [tilespmem:$0x1F7F0]  }
0x827: {  	v8 =	vld.idx.msk [tilespmem:v11+s12+$0x0], $0xffff  }
0x828: {  	v4 =	vor.u32 v56, v1;
	v19 =	vor.u32 v60, v7;
	v13 =	vld.idx.msk [tilespmem:v15+s12+$0x0], $0xffff;
	[tilespmem:v18+s17+$0x0] =	vst.idx.msk $0xffff, v16  }
0x829: {  	v10 =	vor.u32 v51, v5;
	v9 =	vor.u32 v9, v12;
	v15 =	vld [tilespmem:$0x1F740]  }
0x82a: {  	v11 =	vor.u32 v47, v17;
	v29 =	vld [tilespmem:$0x1F680]  }
0x82b: {  	v14 =	vor.u32 v30, v0  }
0x82c: {  	v20 =	vld [tilespmem:$0x1F430]  }
0x82d: {  	v18 =	vld.idx.msk [tilespmem:v19+s12+$0x0], $0xffff;
	[tilespmem:v4+s17+$0x0] =	vst.idx.msk $0xffff, v3  }
0x82e: {  	v4 =	vld.idx.msk [tilespmem:v10+s12+$0x0], $0xffff;
	[tilespmem:v9+s17+$0x0] =	vst.idx.msk $0xffff, v8  }
0x82f: {  	v9 =	vld.idx.msk [tilespmem:v11+s12+$0x0], $0xffff;
	v15 =	vor.u32 v15, v6;
	v16 =	vor.u32 v29, v2  }
0x830: {  	v10 =	vld [tilespmem:$0x1FBE0];
	[tilespmem:v14+s17+$0x0] =	vst.idx.msk $0xffff, v13  }
0x831: {  	s30 =	simm.s32 $0x40;
	v22 =	vlaneseq.u32;
	v20 =	vor.u32 v20, v7;
	v13 =	vld [tilespmem:$0x1FEE0]  }
0x832: {  	v19 =	vor.u32 s30, v22;
	v11 =	vor.u32 v31, v5;
	v31 =	vld [tilespmem:$0x1F800]  }
0x833: {  	v25 =	vshll.u32 v19, $0x6  }
0x834: {  	v3 =	vor.u32 v22, v25;
	v8 =	vor.u32 v21, v1;
	v14 =	vld.idx.msk [tilespmem:v16+s12+$0x0], $0xffff;
	[tilespmem:v15+s17+$0x0] =	vst.idx.msk $0xffff, v18  }
0x835: {  	v37 =	vld [tilespmem:$0x1F210]  }
0x836: {  	v10 =	vor.u32 v10, v12;
	v18 =	vld.idx.msk [tilespmem:v20+s12+$0x0], $0xffff  }
0x837: {  	v20 =	vld [tilespmem:$0x1F470];
	v13 =	vor.u32 v13, v17;
	v16 =	vor.u32 v31, v0;
	_ =	sdelay $0x1  }
0x838: {  	v3 =	vld.idx.msk [tilespmem:v3+s12+$0x0], $0xffff;
	[tilespmem:v8+s17+$0x0] =	vst.idx.msk $0xffff, v4  }
0x839: {  	v22 =	vand.u32 $0x78, v19;
	v19 =	vor.u32 v38, v6;
	v4 =	vld [tilespmem:$0x1FD30];
	v15 =	vor.u32 v37, v2  }
0x83a: {  	v56 =	vmov v21;
	v8 =	vld.idx.msk [tilespmem:v11+s12+$0x0], $0xffff;
	[tilespmem:v10+s17+$0x0] =	vst.idx.msk $0xffff, v9  }
0x83b: {  	v21 =	vor.u32 v48, v22;
	v20 =	vor.u32 v20, v7;
	v10 =	vld.idx.msk [tilespmem:v13+s12+$0x0], $0xffff;
	[tilespmem:v16+s17+$0x0] =	vst.idx.msk $0xffff, v14  }
0x83c: {  	v14 =	vld [tilespmem:$0x1FDF0]  }
0x83d: {  	v9 =	vor.u32 v24, v1;
	v24 =	vld [tilespmem:$0x1F810]  }
0x83e: {  	v15 =	vld.idx.msk [tilespmem:v15+s12+$0x0], $0xffff;
	[tilespmem:v19+s17+$0x0] =	vst.idx.msk $0xffff, v18  }
0x83f: {  	v4 =	vor.u32 v4, v25;
	v13 =	vor.u32 v27, v5;
	v27 =	vld [tilespmem:$0x1F230]  }
0x840: {  	[tilespmem:v21+s17+$0x0] =	vst.idx.msk $0xffff, v3;
	v3 =	vld.idx.msk [tilespmem:v20+s12+$0x0], $0xffff  }
0x841: {  	v11 =	vor.u32 v44, v12;
	v20 =	vld [tilespmem:$0x1F6A0]  }
0x842: {  	v21 =	vld [tilespmem:$0x1F4C0];
	v14 =	vor.u32 v14, v17;
	v16 =	vor.u32 v24, v0;
	_ =	sdelay $0x1  }
0x843: {  	v4 =	vld.idx.msk [tilespmem:v4+s12+$0x0], $0xffff;
	[tilespmem:v9+s17+$0x0] =	vst.idx.msk $0xffff, v8  }
0x844: {  	v19 =	vor.u32 v41, v6;
	v8 =	vld [tilespmem:$0x1FD40];
	v18 =	vor.u32 v27, v2  }
0x845: {  	[tilespmem:v11+s17+$0x0] =	vst.idx.msk $0xffff, v10;
	v9 =	vld.idx.msk [tilespmem:v13+s12+$0x0], $0xffff  }
0x846: {  	v20 =	vor.u32 v20, v22;
	v21 =	vor.u32 v21, v7;
	v11 =	vld.idx.msk [tilespmem:v14+s12+$0x0], $0xffff;
	[tilespmem:v16+s17+$0x0] =	vst.idx.msk $0xffff, v15  }
0x847: {  	v53 =	vld [tilespmem:$0x1F820]  }
0x848: {  	v10 =	vor.u32 v34, v1;
	v15 =	vld [tilespmem:$0x1F280]  }
0x849: {  	v16 =	vld.idx.msk [tilespmem:v18+s12+$0x0], $0xffff;
	[tilespmem:v19+s17+$0x0] =	vst.idx.msk $0xffff, v3  }
0x84a: {  	v13 =	vor.u32 v43, v12;
	v8 =	vor.u32 v8, v25;
	v43 =	vld [tilespmem:$0x1F270]  }
0x84b: {  	v14 =	vor.u32 v26, v5;
	[tilespmem:v20+s17+$0x0] =	vst.idx.msk $0xffff, v4;
	v4 =	vld.idx.msk [tilespmem:v21+s12+$0x0], $0xffff  }
0x84c: {  	v20 =	vld [tilespmem:$0x1F6B0];
	v18 =	vor.u32 v53, v0  }
0x84d: {  	v21 =	vld [tilespmem:$0x1F660];
	[tilespmem:v10+s17+$0x0] =	vst.idx.msk $0xffff, v9  }
0x84e: {  	v9 =	vld [tilespmem:$0x1FDD0];
	v15 =	vor.u32 v15, v17  }
0x84f: {  	v8 =	vld.idx.msk [tilespmem:v8+s12+$0x0], $0xffff  }
0x850: {  	v19 =	vor.u32 v40, v6;
	[tilespmem:v13+s17+$0x0] =	vst.idx.msk $0xffff, v11;
	v10 =	vld.idx.msk [tilespmem:v14+s12+$0x0], $0xffff;
	v3 =	vor.u32 v43, v2  }
0x851: {  	v14 =	vld [tilespmem:$0x1FF70];
	[tilespmem:v18+s17+$0x0] =	vst.idx.msk $0xffff, v16  }
0x852: {  	v20 =	vor.u32 v20, v22;
	v21 =	vor.u32 v21, v7;
	v44 =	vld [tilespmem:$0x1F830]  }
0x853: {  	v9 =	vor.u32 v9, v25;
	v13 =	vld.idx.msk [tilespmem:v15+s12+$0x0], $0xffff  }
0x854: {  	v11 =	vor.u32 v61, v1;
	v16 =	vld [tilespmem:$0x1F2C0]  }
0x855: {  	v3 =	vld.idx.msk [tilespmem:v3+s12+$0x0], $0xffff;
	[tilespmem:v19+s17+$0x0] =	vst.idx.msk $0xffff, v4  }
0x856: {  	v14 =	vor.u32 v14, v12;
	v15 =	vor.u32 v23, v5;
	v47 =	vld [tilespmem:$0x1F2B0]  }
0x857: {  	[tilespmem:v20+s17+$0x0] =	vst.idx.msk $0xffff, v8;
	v8 =	vld.idx.msk [tilespmem:v21+s12+$0x0], $0xffff;
	v18 =	vor.u32 v44, v0  }
0x858: {  	v9 =	vld.idx.msk [tilespmem:v9+s12+$0x0], $0xffff  }
0x859: {  	v19 =	vor.u32 v36, v6;
	v21 =	vld [tilespmem:$0x1F4F0];
	[tilespmem:v11+s17+$0x0] =	vst.idx.msk $0xffff, v10  }
0x85a: {  	v20 =	vor.u32 v39, v22;
	v61 =	vld [tilespmem:$0x1F6E0]  }
0x85b: {  	[tilespmem:v14+s17+$0x0] =	vst.idx.msk $0xffff, v13;
	v11 =	vld.idx.msk [tilespmem:v15+s12+$0x0], $0xffff  }
0x85c: {  	v15 =	vld [tilespmem:$0x1FF50];
	[tilespmem:v18+s17+$0x0] =	vst.idx.msk $0xffff, v3  }
0x85d: {  	v3 =	vld [tilespmem:$0x1F300]  }
0x85e: {  	v16 =	vor.u32 v16, v17;
	v48 =	vld [tilespmem:$0x1F840];
	[tilespmem:v19+s17+$0x0] =	vst.idx.msk $0xffff, v8  }
0x85f: {  	v4 =	vor.u32 v47, v2;
	v51 =	vld [tilespmem:$0x1F2F0];
	[tilespmem:v20+s17+$0x0] =	vst.idx.msk $0xffff, v9  }
0x860: {  	v21 =	vor.u32 v21, v7;
	v19 =	vld [tilespmem:$0x1FEF0]  }
0x861: {  	v10 =	vor.u32 v61, v25;
	v20 =	vld [tilespmem:$0x1F860]  }
0x862: {  	v13 =	vor.u32 v63, v1  }
0x863: {  	v14 =	vld.idx.msk [tilespmem:v16+s12+$0x0], $0xffff;
	v15 =	vor.u32 v15, v12  }
0x864: {  	v16 =	vor.u32 v28, v5;
	v4 =	vld.idx.msk [tilespmem:v4+s12+$0x0], $0xffff;
	v18 =	vor.u32 v48, v0  }
0x865: {  	v9 =	vld.idx.msk [tilespmem:v21+s12+$0x0], $0xffff;
	v19 =	vor.u32 v19, v6  }
0x866: {  	v10 =	vld.idx.msk [tilespmem:v10+s12+$0x0], $0xffff;
	v20 =	vor.u32 v20, v22  }
0x867: {  	v21 =	vld [tilespmem:$0x1F220];
	[tilespmem:v13+s17+$0x0] =	vst.idx.msk $0xffff, v11  }
0x868: {  	v11 =	vld [tilespmem:$0x1FDC0];
	[tilespmem:v15+s17+$0x0] =	vst.idx.msk $0xffff, v14  }
0x869: {  	v13 =	vld.idx.msk [tilespmem:v16+s12+$0x0], $0xffff;
	[tilespmem:v18+s17+$0x0] =	vst.idx.msk $0xffff, v4  }
0x86a: {  	v3 =	vor.u32 v3, v17;
	v4 =	vor.u32 v54, v17;
	v54 =	vld [tilespmem:$0x1FE00];
	[tilespmem:v19+s17+$0x0] =	vst.idx.msk $0xffff, v9  }
0x86b: {  	v16 =	vor.u32 v49, v5;
	v8 =	vor.u32 v51, v2;
	v49 =	vld [tilespmem:$0x1F320];
	[tilespmem:v20+s17+$0x0] =	vst.idx.msk $0xffff, v10  }
0x86c: {  	v21 =	vor.u32 v21, v7;
	v19 =	vld [tilespmem:$0x1FF00]  }
0x86d: {  	v11 =	vor.u32 v11, v25  }
0x86e: {  	v14 =	vor.u32 v50, v1  }
0x86f: {  	v15 =	vor.u32 v55, v12;
	v3 =	vld.idx.msk [tilespmem:v3+s12+$0x0], $0xffff  }
0x870: {  	v8 =	vld.idx.msk [tilespmem:v8+s12+$0x0], $0xffff;
	v18 =	vor.u32 v54, v0  }
0x871: {  	v10 =	vld.idx.msk [tilespmem:v21+s12+$0x0], $0xffff;
	v19 =	vor.u32 v19, v6  }
0x872: {  	v20 =	vor.u32 v52, v22;
	v11 =	vld.idx.msk [tilespmem:v11+s12+$0x0], $0xffff  }
0x873: {  	v21 =	vld [tilespmem:$0x1F120];
	[tilespmem:v14+s17+$0x0] =	vst.idx.msk $0xffff, v13  }
0x874: {  	v13 =	vld [tilespmem:$0x1FDE0];
	[tilespmem:v15+s17+$0x0] =	vst.idx.msk $0xffff, v3  }
0x875: {  	v3 =	vld.idx.msk [tilespmem:v16+s12+$0x0], $0xffff;
	[tilespmem:v18+s17+$0x0] =	vst.idx.msk $0xffff, v8  }
0x876: {  	v16 =	vor.u32 v33, v5;
	v33 =	vld [tilespmem:$0x1FE10];
	[tilespmem:v19+s17+$0x0] =	vst.idx.msk $0xffff, v10  }
0x877: {  	v14 =	vor.u32 v35, v1;
	v9 =	vor.u32 v49, v2;
	v35 =	vld [tilespmem:$0x1F380];
	[tilespmem:v20+s17+$0x0] =	vst.idx.msk $0xffff, v11  }
0x878: {  	v21 =	vor.u32 v21, v7;
	v19 =	vld [tilespmem:$0x1FF10]  }
0x879: {  	v13 =	vor.u32 v13, v25;
	v20 =	vld [tilespmem:$0x1F720]  }
0x87a: {  	v4 =	vld.idx.msk [tilespmem:v4+s12+$0x0], $0xffff  }
0x87b: {  	v15 =	vor.u32 v57, v12;
	v8 =	vor.u32 v58, v17;
	v58 =	vld [tilespmem:$0x1F130]  }
0x87c: {  	v9 =	vld.idx.msk [tilespmem:v9+s12+$0x0], $0xffff;
	v18 =	vor.u32 v33, v0  }
0x87d: {  	v11 =	vld.idx.msk [tilespmem:v21+s12+$0x0], $0xffff;
	v19 =	vor.u32 v19, v6  }
0x87e: {  	v13 =	vld.idx.msk [tilespmem:v13+s12+$0x0], $0xffff;
	[tilespmem:v14+s17+$0x0] =	vst.idx.msk $0xffff, v3;
	v20 =	vor.u32 v20, v22  }
0x87f: {  	v3 =	vld [tilespmem:$0x1FED0]  }
0x880: {  	[tilespmem:v15+s17+$0x0] =	vst.idx.msk $0xffff, v4;
	v4 =	vld.idx.msk [tilespmem:v16+s12+$0x0], $0xffff;
	v21 =	vor.u32 v58, v7  }
0x881: {  	v8 =	vld.idx.msk [tilespmem:v8+s12+$0x0], $0xffff;
	[tilespmem:v18+s17+$0x0] =	vst.idx.msk $0xffff, v9  }
0x882: {  	v16 =	vor.u32 v29, v5;
	v10 =	vor.u32 v35, v2;
	v29 =	vld [tilespmem:$0x1FE20];
	[tilespmem:v19+s17+$0x0] =	vst.idx.msk $0xffff, v11  }
0x883: {  	v14 =	vor.u32 v30, v1;
	v30 =	vld [tilespmem:$0x1F3D0];
	[tilespmem:v20+s17+$0x0] =	vst.idx.msk $0xffff, v13  }
0x884: {  	v19 =	vld [tilespmem:$0x1FF20]  }
0x885: {  	v3 =	vor.u32 v3, v25;
	v13 =	vld.idx.msk [tilespmem:v21+s12+$0x0], $0xffff  }
0x886: {  	v15 =	vor.u32 v59, v12;
	v21 =	vld [tilespmem:$0x1F140]  }
0x887: {  	v9 =	vor.u32 v62, v17;
	v10 =	vld.idx.msk [tilespmem:v10+s12+$0x0], $0xffff;
	v18 =	vor.u32 v29, v0;
	_ =	sdelay $0x1  }
0x888: {  	v11 =	vor.u32 v30, v2;
	v19 =	vor.u32 v19, v6  }
0x889: {  	v3 =	vld.idx.msk [tilespmem:v3+s12+$0x0], $0xffff;
	[tilespmem:v14+s17+$0x0] =	vst.idx.msk $0xffff, v4  }
0x88a: {  	v20 =	vor.u32 v45, v22;
	[tilespmem:v15+s17+$0x0] =	vst.idx.msk $0xffff, v8;
	v8 =	vld.idx.msk [tilespmem:v16+s12+$0x0], $0xffff;
	v21 =	vor.u32 v21, v7  }
0x88b: {  	v9 =	vld.idx.msk [tilespmem:v9+s12+$0x0], $0xffff;
	[tilespmem:v18+s17+$0x0] =	vst.idx.msk $0xffff, v10  }
0x88c: {  	v14 =	vor.u32 v31, v1;
	v31 =	vld [tilespmem:$0x1FE30]  }
0x88d: {  	v11 =	vld.idx.msk [tilespmem:v11+s12+$0x0], $0xffff;
	[tilespmem:v19+s17+$0x0] =	vst.idx.msk $0xffff, v13  }
0x88e: {  	v45 =	vld [tilespmem:$0x1F540]  }
0x88f: {  	v4 =	vor.u32 v46, v25;
	[tilespmem:v20+s17+$0x0] =	vst.idx.msk $0xffff, v3;
	v3 =	vld.idx.msk [tilespmem:v21+s12+$0x0], $0xffff  }
0x890: {  	v15 =	vor.u32 v42, v12;
	v16 =	vor.u32 v37, v5;
	v19 =	vld [tilespmem:$0x1FF90]  }
0x891: {  	v42 =	vld [tilespmem:$0x1FFE0]  }
0x892: {  	v10 =	vor.u32 v60, v17;
	v18 =	vor.u32 v31, v0;
	v21 =	vld [tilespmem:$0x1F310];
	[tilespmem:v14+s17+$0x0] =	vst.idx.msk $0xffff, v8  }
0x893: {  	v8 =	vld [tilespmem:$0x1FD50]  }
0x894: {  	v4 =	vld.idx.msk [tilespmem:v4+s12+$0x0], $0xffff  }
0x895: {  	[tilespmem:v15+s17+$0x0] =	vst.idx.msk $0xffff, v9;
	v9 =	vld.idx.msk [tilespmem:v16+s12+$0x0], $0xffff;
	v13 =	vor.u32 v45, v2;
	v19 =	vor.u32 v19, v6  }
0x896: {  	v52 =	vld [tilespmem:$0x1F740]  }
0x897: {  	v10 =	vld.idx.msk [tilespmem:v10+s12+$0x0], $0xffff;
	[tilespmem:v18+s17+$0x0] =	vst.idx.msk $0xffff, v11;
	v20 =	vor.u32 v42, v22;
	v21 =	vor.u32 v21, v7  }
0x898: {  	v11 =	vld [tilespmem:$0x1F430];
	v8 =	vor.u32 v8, v25  }
0x899: {  	v37 =	vld [tilespmem:$0x1FE40]  }
0x89a: {  	v14 =	vor.u32 v24, v1;
	v13 =	vld.idx.msk [tilespmem:v13+s12+$0x0], $0xffff;
	[tilespmem:v19+s17+$0x0] =	vst.idx.msk $0xffff, v3  }
0x89b: {  	s31 =	simm.s32 $0x50;
	v24 =	vlaneseq.u32;
	v15 =	vor.u32 v27, v5;
	v55 =	vld [tilespmem:$0x1F570]  }
0x89c: {  	v23 =	vor.u32 s31, v24;
	v16 =	vor.u32 v52, v12;
	[tilespmem:v20+s17+$0x0] =	vst.idx.msk $0xffff, v4;
	v4 =	vld.idx.msk [tilespmem:v21+s12+$0x0], $0xffff  }
0x89d: {  	v26 =	vshll.u32 v23, $0x6;
	v11 =	vor.u32 v11, v17;
	v8 =	vld.idx.msk [tilespmem:v8+s12+$0x0], $0xffff  }
0x89e: {  	v18 =	vor.u32 v37, v0;
	v3 =	vor.u32 v24, v26;
	v21 =	vld [tilespmem:$0x1FBE0]  }
0x89f: {  	v24 =	vld [tilespmem:$0x1F350];
	[tilespmem:v14+s17+$0x0] =	vst.idx.msk $0xffff, v9  }
0x8a0: {  	v20 =	vor.u32 v56, v6;
	v9 =	vld [tilespmem:$0x1FEE0]  }
0x8a1: {  	[tilespmem:v16+s17+$0x0] =	vst.idx.msk $0xffff, v10;
	v10 =	vld.idx.msk [tilespmem:v15+s12+$0x0], $0xffff  }
0x8a2: {  	v11 =	vld.idx.msk [tilespmem:v11+s12+$0x0], $0xffff  }
0x8a3: {  	[tilespmem:v18+s17+$0x0] =	vst.idx.msk $0xffff, v13;
	v3 =	vld.idx.msk [tilespmem:v3+s12+$0x0], $0xffff;
	v19 =	vor.u32 v55, v2  }
0x8a4: {  	v13 =	vld [tilespmem:$0x1F470];
	v21 =	vor.u32 v21, v22;
	v24 =	vor.u32 v24, v7  }
0x8a5: {  	v57 =	vld [tilespmem:$0x1FFD0];
	[tilespmem:v20+s17+$0x0] =	vst.idx.msk $0xffff, v4  }
0x8a6: {  	v4 =	vld [tilespmem:$0x1FD30]  }
0x8a7: {  	v20 =	vld [tilespmem:$0x1FE50];
	v9 =	vor.u32 v9, v25  }
0x8a8: {  	v19 =	vld.idx.msk [tilespmem:v19+s12+$0x0], $0xffff  }
0x8a9: {  	v14 =	vor.u32 v53, v1;
	[tilespmem:v21+s17+$0x0] =	vst.idx.msk $0xffff, v8;
	v8 =	vld.idx.msk [tilespmem:v24+s12+$0x0], $0xffff  }
0x8aa: {  	v32 =	vor.u32 v27, v7;
	v21 =	vld [tilespmem:$0x1F790]  }
0x8ab: {  	v34 =	vmovc v27;
	v27 =	vand.u32 $0x78, v23;
	v15 =	vor.u32 v43, v5;
	v16 =	vor.u32 v38, v12;
	v23 =	vld [tilespmem:$0x1F580]  }
0x8ac: {  	v13 =	vor.u32 v13, v17;
	v18 =	vor.u32 v57, v27;
	v9 =	vld.idx.msk [tilespmem:v9+s12+$0x0], $0xffff  }
0x8ad: {  	v4 =	vor.u32 v4, v26;
	v20 =	vor.u32 v20, v0;
	v63 =	vld [tilespmem:$0x1FF80]  }
0x8ae: {  	v28 =	vld [tilespmem:$0x1F3A0];
	[tilespmem:v14+s17+$0x0] =	vst.idx.msk $0xffff, v10  }
0x8af: {  	v10 =	vld [tilespmem:$0x1FDF0]  }
0x8b0: {  	[tilespmem:v16+s17+$0x0] =	vst.idx.msk $0xffff, v11;
	v11 =	vld.idx.msk [tilespmem:v15+s12+$0x0], $0xffff;
	v21 =	vor.u32 v21, v6;
	v23 =	vor.u32 v23, v2  }
0x8b1: {  	[tilespmem:v18+s17+$0x0] =	vst.idx.msk $0xffff, v3;
	v3 =	vld.idx.msk [tilespmem:v13+s12+$0x0], $0xffff  }
0x8b2: {  	v4 =	vld.idx.msk [tilespmem:v4+s12+$0x0], $0xffff;
	[tilespmem:v20+s17+$0x0] =	vst.idx.msk $0xffff, v19  }
0x8b3: {  	v24 =	vor.u32 v63, v22;
	v28 =	vor.u32 v28, v7;
	v62 =	vld [tilespmem:$0x1F6A0]  }
0x8b4: {  	v18 =	vld [tilespmem:$0x1F4C0]  }
0x8b5: {  	[tilespmem:v21+s17+$0x0] =	vst.idx.msk $0xffff, v8;
	v8 =	vld.idx.msk [tilespmem:v23+s12+$0x0], $0xffff  }
0x8b6: {  	v10 =	vor.u32 v10, v25;
	v19 =	vld [tilespmem:$0x1FD40]  }
0x8b7: {  	v20 =	vld [tilespmem:$0x1FE60]  }
0x8b8: {  	v14 =	vor.u32 v44, v1;
	[tilespmem:v24+s17+$0x0] =	vst.idx.msk $0xffff, v9;
	v9 =	vld.idx.msk [tilespmem:v28+s12+$0x0], $0xffff  }
0x8b9: {  	v21 =	vld [tilespmem:$0x1F7A0]  }
0x8ba: {  	v15 =	vor.u32 v47, v5;
	v13 =	vor.u32 v41, v12;
	v23 =	vld [tilespmem:$0x1F4B0]  }
0x8bb: {  	v16 =	vor.u32 v62, v27;
	v18 =	vor.u32 v18, v17;
	v10 =	vld.idx.msk [tilespmem:v10+s12+$0x0], $0xffff  }
0x8bc: {  	v50 =	vld [tilespmem:$0x1FF60];
	v19 =	vor.u32 v19, v26;
	v20 =	vor.u32 v20, v0  }
0x8bd: {  	v28 =	vld [tilespmem:$0x1F410];
	[tilespmem:v14+s17+$0x0] =	vst.idx.msk $0xffff, v11  }
0x8be: {  	v11 =	vld [tilespmem:$0x1F280]  }
0x8bf: {  	[tilespmem:v13+s17+$0x0] =	vst.idx.msk $0xffff, v3;
	v3 =	vld.idx.msk [tilespmem:v15+s12+$0x0], $0xffff;
	v21 =	vor.u32 v21, v6;
	v23 =	vor.u32 v23, v2  }
0x8c0: {  	[tilespmem:v16+s17+$0x0] =	vst.idx.msk $0xffff, v4;
	v4 =	vld.idx.msk [tilespmem:v18+s12+$0x0], $0xffff  }
0x8c1: {  	v24 =	vor.u32 v50, v22;
	v16 =	vld.idx.msk [tilespmem:v19+s12+$0x0], $0xffff;
	[tilespmem:v20+s17+$0x0] =	vst.idx.msk $0xffff, v8  }
0x8c2: {  	v44 =	vld [tilespmem:$0x1F6B0]  }
0x8c3: {  	v18 =	vld [tilespmem:$0x1F660]  }
0x8c4: {  	[tilespmem:v21+s17+$0x0] =	vst.idx.msk $0xffff, v9;
	v9 =	vld.idx.msk [tilespmem:v23+s12+$0x0], $0xffff  }
0x8c5: {  	v19 =	vld [tilespmem:$0x1FDD0]  }
0x8c6: {  	v28 =	vor.u32 v28, v7;
	v20 =	vld [tilespmem:$0x1FE70];
	[tilespmem:v24+s17+$0x0] =	vst.idx.msk $0xffff, v10  }
0x8c7: {  	v13 =	vor.u32 v48, v1;
	v11 =	vor.u32 v11, v25;
	v21 =	vld [tilespmem:$0x1F7B0]  }
0x8c8: {  	v23 =	vld [tilespmem:$0x1F5E0]  }
0x8c9: {  	v14 =	vor.u32 v40, v12;
	v15 =	vor.u32 v51, v5;
	v48 =	vld [tilespmem:$0x1FF70]  }
0x8ca: {  	v56 =	vld [tilespmem:$0x1F6F0];
	v8 =	vor.u32 v44, v27;
	v18 =	vor.u32 v18, v17  }
0x8cb: {  	v10 =	vld.idx.msk [tilespmem:v28+s12+$0x0], $0xffff;
	v19 =	vor.u32 v19, v26;
	v20 =	vor.u32 v20, v0  }
0x8cc: {  	v11 =	vld.idx.msk [tilespmem:v11+s12+$0x0], $0xffff;
	[tilespmem:v13+s17+$0x0] =	vst.idx.msk $0xffff, v3  }
0x8cd: {  	v3 =	vld [tilespmem:$0x1F2C0];
	v21 =	vor.u32 v21, v6;
	v23 =	vor.u32 v23, v2  }
0x8ce: {  	[tilespmem:v14+s17+$0x0] =	vst.idx.msk $0xffff, v4;
	v4 =	vld.idx.msk [tilespmem:v15+s12+$0x0], $0xffff  }
0x8cf: {  	v24 =	vor.u32 v48, v22;
	v28 =	vor.u32 v56, v7;
	[tilespmem:v8+s17+$0x0] =	vst.idx.msk $0xffff, v16;
	v8 =	vld.idx.msk [tilespmem:v18+s12+$0x0], $0xffff  }
0x8d0: {  	v16 =	vld.idx.msk [tilespmem:v19+s12+$0x0], $0xffff;
	[tilespmem:v20+s17+$0x0] =	vst.idx.msk $0xffff, v9  }
0x8d1: {  	v18 =	vld [tilespmem:$0x1F4F0]  }
0x8d2: {  	v3 =	vor.u32 v3, v25;
	[tilespmem:v21+s17+$0x0] =	vst.idx.msk $0xffff, v10;
	v10 =	vld.idx.msk [tilespmem:v23+s12+$0x0], $0xffff  }
0x8d3: {  	v20 =	vld [tilespmem:$0x1FE80]  }
0x8d4: {  	v13 =	vor.u32 v54, v1;
	[tilespmem:v24+s17+$0x0] =	vst.idx.msk $0xffff, v11;
	v11 =	vld.idx.msk [tilespmem:v28+s12+$0x0], $0xffff  }
0x8d5: {  	v14 =	vor.u32 v36, v12;
	v21 =	vld [tilespmem:$0x1F7C0]  }
0x8d6: {  	v15 =	vor.u32 v49, v5;
	v9 =	vor.u32 v39, v27;
	v23 =	vld [tilespmem:$0x1F610]  }
0x8d7: {  	v3 =	vld.idx.msk [tilespmem:v3+s12+$0x0], $0xffff  }
0x8d8: {  	v19 =	vor.u32 v61, v26;
	v43 =	vld [tilespmem:$0x1FF50]  }
0x8d9: {  	v28 =	vld [tilespmem:$0x1F460];
	[tilespmem:v13+s17+$0x0] =	vst.idx.msk $0xffff, v4;
	v18 =	vor.u32 v18, v17;
	v20 =	vor.u32 v20, v0  }
0x8da: {  	v4 =	vld [tilespmem:$0x1F300];
	[tilespmem:v14+s17+$0x0] =	vst.idx.msk $0xffff, v8  }
0x8db: {  	v8 =	vld.idx.msk [tilespmem:v15+s12+$0x0], $0xffff;
	[tilespmem:v9+s17+$0x0] =	vst.idx.msk $0xffff, v16  }
0x8dc: {  	v14 =	vld [tilespmem:$0x1FEF0];
	v21 =	vor.u32 v21, v6;
	v23 =	vor.u32 v23, v2  }
0x8dd: {  	v16 =	vld.idx.msk [tilespmem:v19+s12+$0x0], $0xffff  }
0x8de: {  	v9 =	vld.idx.msk [tilespmem:v18+s12+$0x0], $0xffff;
	[tilespmem:v20+s17+$0x0] =	vst.idx.msk $0xffff, v10  }
0x8df: {  	v24 =	vor.u32 v43, v22;
	v28 =	vor.u32 v28, v7;
	v10 =	vld [tilespmem:$0x1F860]  }
0x8e0: {  	v18 =	vld [tilespmem:$0x1F220]  }
0x8e1: {  	[tilespmem:v21+s17+$0x0] =	vst.idx.msk $0xffff, v11;
	v11 =	vld.idx.msk [tilespmem:v23+s12+$0x0], $0xffff  }
0x8e2: {  	v4 =	vor.u32 v4, v25;
	v19 =	vld [tilespmem:$0x1FDC0]  }
0x8e3: {  	v20 =	vld [tilespmem:$0x1FE90]  }
0x8e4: {  	v13 =	vor.u32 v33, v1;
	[tilespmem:v24+s17+$0x0] =	vst.idx.msk $0xffff, v3;
	v3 =	vld.idx.msk [tilespmem:v28+s12+$0x0], $0xffff  }
0x8e5: {  	v21 =	vld [tilespmem:$0x1F7D0]  }
0x8e6: {  	v15 =	vor.u32 v35, v5;
	v14 =	vor.u32 v14, v12;
	v23 =	vld [tilespmem:$0x1F640]  }
0x8e7: {  	v4 =	vld.idx.msk [tilespmem:v4+s12+$0x0], $0xffff;
	v10 =	vor.u32 v10, v27;
	v18 =	vor.u32 v18, v17  }
0x8e8: {  	v35 =	vld [tilespmem:$0x1FFA0]  }
0x8e9: {  	v28 =	vld [tilespmem:$0x1F4A0];
	[tilespmem:v13+s17+$0x0] =	vst.idx.msk $0xffff, v8;
	v19 =	vor.u32 v19, v26;
	v20 =	vor.u32 v20, v0  }
0x8ea: {  	v8 =	vld [tilespmem:$0x1F340]  }
0x8eb: {  	[tilespmem:v14+s17+$0x0] =	vst.idx.msk $0xffff, v9;
	v9 =	vld.idx.msk [tilespmem:v15+s12+$0x0], $0xffff  }
0x8ec: {  	v21 =	vor.u32 v21, v6;
	v23 =	vor.u32 v23, v2;
	[tilespmem:v10+s17+$0x0] =	vst.idx.msk $0xffff, v16;
	v10 =	vld.idx.msk [tilespmem:v18+s12+$0x0], $0xffff  }
0x8ed: {  	v14 =	vld [tilespmem:$0x1FF00]  }
0x8ee: {  	v16 =	vld.idx.msk [tilespmem:v19+s12+$0x0], $0xffff;
	[tilespmem:v20+s17+$0x0] =	vst.idx.msk $0xffff, v11  }
0x8ef: {  	v24 =	vor.u32 v35, v22;
	v28 =	vor.u32 v28, v7;
	v59 =	vld [tilespmem:$0x1F890]  }
0x8f0: {  	v18 =	vld [tilespmem:$0x1F120]  }
0x8f1: {  	[tilespmem:v21+s17+$0x0] =	vst.idx.msk $0xffff, v3;
	v3 =	vld.idx.msk [tilespmem:v23+s12+$0x0], $0xffff  }
0x8f2: {  	v8 =	vor.u32 v8, v25;
	v19 =	vld [tilespmem:$0x1FDE0]  }
0x8f3: {  	v20 =	vld [tilespmem:$0x1FEA0]  }
0x8f4: {  	v13 =	vor.u32 v29, v1;
	[tilespmem:v24+s17+$0x0] =	vst.idx.msk $0xffff, v4;
	v4 =	vld.idx.msk [tilespmem:v28+s12+$0x0], $0xffff  }
0x8f5: {  	v21 =	vld [tilespmem:$0x1F7E0]  }
0x8f6: {  	v15 =	vor.u32 v30, v5;
	v23 =	vld [tilespmem:$0x1F240];
	v14 =	vor.u32 v14, v12  }
0x8f7: {  	v8 =	vld.idx.msk [tilespmem:v8+s12+$0x0], $0xffff;
	v11 =	vor.u32 v59, v27;
	v18 =	vor.u32 v18, v17  }
0x8f8: {  	v46 =	vld [tilespmem:$0x1FFB0]  }
0x8f9: {  	v28 =	vld [tilespmem:$0x1F530];
	[tilespmem:v13+s17+$0x0] =	vst.idx.msk $0xffff, v9;
	v19 =	vor.u32 v19, v26;
	v20 =	vor.u32 v20, v0  }
0x8fa: {  	v9 =	vld [tilespmem:$0x1F390]  }
0x8fb: {  	v21 =	vor.u32 v21, v6;
	v23 =	vor.u32 v23, v2;
	[tilespmem:v14+s17+$0x0] =	vst.idx.msk $0xffff, v10;
	v10 =	vld.idx.msk [tilespmem:v15+s12+$0x0], $0xffff  }
0x8fc: {  	[tilespmem:v11+s17+$0x0] =	vst.idx.msk $0xffff, v16;
	v11 =	vld.idx.msk [tilespmem:v18+s12+$0x0], $0xffff  }
0x8fd: {  	v14 =	vld [tilespmem:$0x1FF10]  }
0x8fe: {  	v24 =	vor.u32 v46, v22;
	v28 =	vor.u32 v28, v7;
	v16 =	vld.idx.msk [tilespmem:v19+s12+$0x0], $0xffff;
	[tilespmem:v20+s17+$0x0] =	vst.idx.msk $0xffff, v3  }
0x8ff: {  	v60 =	vld [tilespmem:$0x1F720]  }
0x900: {  	[tilespmem:v21+s17+$0x0] =	vst.idx.msk $0xffff, v4;
	v4 =	vld.idx.msk [tilespmem:v23+s12+$0x0], $0xffff  }
0x901: {  	v19 =	vld [tilespmem:$0x1FED0]  }
0x902: {  	v13 =	vor.u32 v31, v1;
	v20 =	vld [tilespmem:$0x1FEB0]  }
0x903: {  	[tilespmem:v24+s17+$0x0] =	vst.idx.msk $0xffff, v8;
	v8 =	vld.idx.msk [tilespmem:v28+s12+$0x0], $0xffff;
	v14 =	vor.u32 v14, v12  }
0x904: {  	v21 =	vld [tilespmem:$0x1F7F0];
	v3 =	vor.u32 v60, v27  }
0x905: {  	v23 =	vld [tilespmem:$0x1F650]  }
0x906: {  	v15 =	vor.u32 v45, v5;
	v45 =	vld [tilespmem:$0x1FFC0]  }
0x907: {  	v28 =	vld [tilespmem:$0x1F680];
	[tilespmem:v13+s17+$0x0] =	vst.idx.msk $0xffff, v10  }
0x908: {  	v10 =	vld [tilespmem:$0x1F3E0];
	[tilespmem:v14+s17+$0x0] =	vst.idx.msk $0xffff, v11  }
0x909: {  	v20 =	vor.u32 v20, v0;
	[tilespmem:v3+s17+$0x0] =	vst.idx.msk $0xffff, v16  }
0x90a: {  	v3 =	vld [tilespmem:$0x1FF20]  }
0x90b: {  	v9 =	vor.u32 v9, v25  }
0x90c: {  	v18 =	vor.u32 v58, v17  }
0x90d: {  	v19 =	vor.u32 v19, v26  }
0x90e: {  	v21 =	vor.u32 v21, v6;
	v11 =	vld.idx.msk [tilespmem:v15+s12+$0x0], $0xffff;
	[tilespmem:v20+s17+$0x0] =	vst.idx.msk $0xffff, v4  }
0x90f: {  	v15 =	vor.u32 v3, v12;
	v3 =	vld [tilespmem:$0x1F140]  }
0x910: {  	v9 =	vld.idx.msk [tilespmem:v9+s12+$0x0], $0xffff  }
0x911: {  	v14 =	vld.idx.msk [tilespmem:v18+s12+$0x0], $0xffff  }
0x912: {  	v23 =	vor.u32 v23, v2;
	v18 =	vld.idx.msk [tilespmem:v19+s12+$0x0], $0xffff  }
0x913: {  	v24 =	vor.u32 v45, v22;
	v54 =	vld [tilespmem:$0x1FFF0];
	[tilespmem:v21+s17+$0x0] =	vst.idx.msk $0xffff, v8  }
0x914: {  	v19 =	vor.u32 v3, v17;
	v3 =	vld [tilespmem:$0x1FEC0];
	_ =	sdelay $0x2  }
0x915: {  	v20 =	vld.idx.msk [tilespmem:v23+s12+$0x0], $0xffff  }
0x916: {  	v28 =	vor.u32 v28, v7;
	v53 =	vld [tilespmem:$0x1FCF0];
	[tilespmem:v24+s17+$0x0] =	vst.idx.msk $0xffff, v9  }
0x917: {  	v23 =	vor.u32 v3, v0;
	v3 =	vld [tilespmem:$0x1F800];
	_ =	sdelay $0x3  }
0x918: {  	v24 =	vld.idx.msk [tilespmem:v28+s12+$0x0], $0xffff  }
0x919: {  	v13 =	vor.u32 v37, v1;
	v28 =	vor.u32 v3, v6;
	v3 =	vld [tilespmem:$0x1F670];
	_ =	sdelay $0x1  }
0x91a: {  	v4 =	vor.u32 v54, v27;
	_ =	sdelay $0x1  }
0x91b: {  	v47 =	vld [tilespmem:$0x1F730]  }
0x91c: {  	v29 =	vor.u32 v3, v2;
	v3 =	vld [tilespmem:$0x1F210];
	[tilespmem:v13+s17+$0x0] =	vst.idx.msk $0xffff, v11  }
0x91d: {  	v8 =	vld [tilespmem:$0x1F420];
	[tilespmem:v15+s17+$0x0] =	vst.idx.msk $0xffff, v14  }
0x91e: {  	v10 =	vor.u32 v10, v25;
	[tilespmem:v4+s17+$0x0] =	vst.idx.msk $0xffff, v18  }
0x91f: {  	v16 =	vor.u32 v55, v5;
	[tilespmem:v23+s17+$0x0] =	vst.idx.msk $0xffff, v20  }
0x920: {  	v13 =	vld [tilespmem:$0x1FF90];
	[tilespmem:v28+s17+$0x0] =	vst.idx.msk $0xffff, v24  }
0x921: {  	v4 =	vld [tilespmem:$0x1F310];
	_ =	sdelay $0x1  }
0x922: {  	v30 =	vld.idx.msk [tilespmem:v10+s12+$0x0], $0xffff  }
0x923: {  	v11 =	vor.u32 v8, v25;
	v8 =	vld.idx.msk [tilespmem:v16+s12+$0x0], $0xffff  }
0x924: {  	v31 =	vor.u32 v47, v22;
	v16 =	vld.idx.msk [tilespmem:v19+s12+$0x0], $0xffff  }
0x925: {  	v19 =	vor.u32 v4, v17;
	v4 =	vld [tilespmem:$0x1FD50];
	_ =	sdelay $0x3  }
0x926: {  	[tilespmem:v31+s17+$0x0] =	vst.idx.msk $0xffff, v30  }
0x927: {  	v24 =	vor.u32 v4, v26;
	v4 =	vld [tilespmem:$0x1F810]  }
0x928: {  	v21 =	vor.u32 v53, v26;
	_ =	sdelay $0x1  }
0x929: {  	v41 =	vld.idx.msk [tilespmem:v29+s12+$0x0], $0xffff  }
0x92a: {  	v58 =	vor.u32 v3, v7;
	v29 =	vld [tilespmem:$0x1FF40]  }
0x92b: {  	v15 =	vor.u32 v4, v6;
	v4 =	vld [tilespmem:$0x1F620]  }
0x92c: {  	v51 =	vmovc v57;
	v36 =	vmov v52;
	v57 =	vmov v44;
	v44 =	vmov v50;
	v21 =	vld.idx.msk [tilespmem:v21+s12+$0x0], $0xffff  }
0x92d: {  	v50 =	vmovc v48;
	v48 =	vmovc v36;
	v37 =	vor.u32 v34, v25;
	v10 =	vmov v34;
	v18 =	vor.u32 v13, v12;
	v33 =	vld [tilespmem:$0x1FBE0]  }
0x92e: {  	v55 =	vmovc v61;
	v9 =	vor.u32 v52, v22;
	v40 =	vor.u32 v10, v26;
	v3 =	vor.u32 v34, v17;
	v34 =	vld [tilespmem:$0x1F780]  }
0x92f: {  	v10 =	vor.u32 v52, v27;
	v52 =	vmovc v42;
	v23 =	vor.u32 v42, v27;
	v14 =	vld.idx.msk [tilespmem:v58+s12+$0x0], $0xffff;
	v58 =	vmov v43  }
0x930: {  	s24 =	simm.s32 $0x60;
	v43 =	vmovc v35;
	v35 =	vmov v13;
	v20 =	vld.idx.msk [tilespmem:v11+s12+$0x0], $0xffff;
	v42 =	vor.u32 v29, v0;
	v4 =	vor.u32 v4, v2  }
.LBB2_5:
0x931: {  	_ = 	snop  }
0x932: {  	[tilespmem:v18+s17+$0x0] =	vst.idx.msk $0xffff, v16;
	v16 =	vld [tilespmem:$0x1F230]  }
0x933: {  	v31 =	vlaneseq.u32;
	v13 =	vmov v0;
	v0 =	vmov v1  }
0x934: {  	v1 =	vmovc v6;
	v6 =	vmovc v12;
	v12 =	vmov v22;
	v22 =	vmov v27;
	v27 =	vmov v9;
	v9 =	vld [tilespmem:$0x1F430]  }
0x935: {  	v28 =	vor.u32 s24, v31;
	[tilespmem:v23+s17+$0x0] =	vst.idx.msk $0xffff, v21  }
0x936: {  	v61 =	vmov v29;
	v11 =	vshll.u32 v28, $0x6;
	v18 =	vld.idx.msk [tilespmem:v24+s12+$0x0], $0xffff  }
0x937: {  	v29 =	vmov v37;
	v37 =	vmov v40;
	v40 =	vor.u32 v16, v11;
	v16 =	vld.idx.msk [tilespmem:v19+s12+$0x0], $0xffff;
	[tilespmem:v42+s17+$0x0] =	vst.idx.msk $0xffff, v41  }
0x938: {  	[tilespmem:v15+s17+$0x0] =	vst.idx.msk $0xffff, v14  }
0x939: {  	v30 =	vor.u32 v9, v25;
	v4 =	vld.idx.msk [tilespmem:v4+s12+$0x0], $0xffff  }
0x93a: {  	[tilespmem:v27+s17+$0x0] =	vst.idx.msk $0xffff, v20;
	v27 =	vld [tilespmem:$0x1F820];
	_ =	sdelay $0x1  }
0x93b: {  	v23 =	vld [tilespmem:$0x1F350]  }
0x93c: {  	v14 =	vld [tilespmem:$0x1FEE0]  }
0x93d: {  	v9 =	vmov v10;
	v10 =	vor.u32 v31, v11;
	v24 =	vld.idx.msk [tilespmem:v30+s12+$0x0], $0xffff  }
0x93e: {  	v30 =	vor.u32 v27, v1;
	v27 =	vld [tilespmem:$0x1F270]  }
0x93f: {  	v20 =	vld [tilespmem:$0x1FF30]  }
0x940: {  	v19 =	vor.u32 v34, v6;
	v15 =	vld.idx.msk [tilespmem:v32+s12+$0x0], $0xffff  }
0x941: {  	v32 =	vmov v3;
	v3 =	vmov v29;
	v29 =	vld [tilespmem:$0x1FDF0]  }
0x942: {  	v21 =	vor.u32 v33, v22;
	v34 =	vld.idx.msk [tilespmem:v10+s12+$0x0], $0xffff  }
0x943: {  	v23 =	vor.u32 v23, v17;
	v31 =	vor.u32 v27, v7;
	v27 =	vld [tilespmem:$0x1F330]  }
0x944: {  	v10 =	vld [tilespmem:$0x1F470]  }
0x945: {  	[tilespmem:v19+s17+$0x0] =	vst.idx.msk $0xffff, v16;
	v16 =	vld [tilespmem:$0x1FD30];
	v14 =	vor.u32 v14, v26  }
0x946: {  	v19 =	vld [tilespmem:$0x1FE50];
	v20 =	vor.u32 v20, v13  }
0x947: {  	[tilespmem:v21+s17+$0x0] =	vst.idx.msk $0xffff, v18;
	v21 =	vld [tilespmem:$0x1F790]  }
0x948: {  	v49 =	vmov v33;
	v18 =	vld.idx.msk [tilespmem:v23+s12+$0x0], $0xffff;
	v33 =	vor.u32 v27, v2  }
0x949: {  	v23 =	vld [tilespmem:$0x1F580];
	v27 =	vand.u32 $0x78, v28;
	v28 =	vor.u32 v38, v12  }
0x94a: {  	v14 =	vld.idx.msk [tilespmem:v14+s12+$0x0], $0xffff  }
0x94b: {  	[tilespmem:v20+s17+$0x0] =	vst.idx.msk $0xffff, v4;
	v20 =	vld [tilespmem:$0x1F3A0]  }
0x94c: {  	[tilespmem:v30+s17+$0x0] =	vst.idx.msk $0xffff, v15;
	v38 =	vld [tilespmem:$0x1F750];
	v36 =	vor.u32 v51, v27  }
0x94d: {  	v15 =	vld.idx.msk [tilespmem:v33+s12+$0x0], $0xffff  }
0x94e: {  	v42 =	vor.u32 v10, v25;
	[tilespmem:v28+s17+$0x0] =	vst.idx.msk $0xffff, v24;
	v28 =	vld [tilespmem:$0x1FDB0]  }
0x94f: {  	v16 =	vor.u32 v16, v11;
	v24 =	vld.idx.msk [tilespmem:v31+s12+$0x0], $0xffff  }
0x950: {  	v31 =	vld [tilespmem:$0x1F830]  }
0x951: {  	v19 =	vor.u32 v19, v0;
	[tilespmem:v36+s17+$0x0] =	vst.idx.msk $0xffff, v34;
	v36 =	vld [tilespmem:$0x1F510]  }
0x952: {  	v21 =	vor.u32 v21, v6;
	v34 =	vor.u32 v38, v12;
	v38 =	vld [tilespmem:$0x1F760]  }
0x953: {  	v23 =	vor.u32 v23, v5;
	v30 =	vld.idx.msk [tilespmem:v42+s12+$0x0], $0xffff  }
0x954: {  	v4 =	vor.u32 v63, v22;
	v16 =	vld.idx.msk [tilespmem:v16+s12+$0x0], $0xffff  }
0x955: {  	v42 =	vld [tilespmem:$0x1F2B0]  }
0x956: {  	v20 =	vor.u32 v20, v17;
	[tilespmem:v19+s17+$0x0] =	vst.idx.msk $0xffff, v8;
	v19 =	vld [tilespmem:$0x1F4C0]  }
0x957: {  	v29 =	vor.u32 v29, v26;
	[tilespmem:v21+s17+$0x0] =	vst.idx.msk $0xffff, v18;
	v21 =	vld [tilespmem:$0x1FD40]  }
0x958: {  	v18 =	vld.idx.msk [tilespmem:v23+s12+$0x0], $0xffff  }
0x959: {  	[tilespmem:v4+s17+$0x0] =	vst.idx.msk $0xffff, v14;
	v14 =	vld [tilespmem:$0x1FE60]  }
0x95a: {  	v23 =	vld [tilespmem:$0x1F7A0]  }
0x95b: {  	v28 =	vor.u32 v28, v13;
	v4 =	vld.idx.msk [tilespmem:v20+s12+$0x0], $0xffff  }
0x95c: {  	v20 =	vld.idx.msk [tilespmem:v29+s12+$0x0], $0xffff;
	v31 =	vor.u32 v31, v1  }
0x95d: {  	v29 =	vld [tilespmem:$0x1F4B0];
	v33 =	vor.u32 v36, v2  }
0x95e: {  	v36 =	vld [tilespmem:$0x1FD10]  }
0x95f: {  	v41 =	vmov v35;
	v35 =	vor.u32 v42, v7;
	v42 =	vld [tilespmem:$0x1F2F0]  }
0x960: {  	v8 =	vor.u32 v62, v27;
	[tilespmem:v28+s17+$0x0] =	vst.idx.msk $0xffff, v15;
	v28 =	vld [tilespmem:$0x1F410]  }
0x961: {  	[tilespmem:v31+s17+$0x0] =	vst.idx.msk $0xffff, v24;
	v31 =	vld [tilespmem:$0x1F280]  }
0x962: {  	v19 =	vor.u32 v19, v25;
	v24 =	vld.idx.msk [tilespmem:v33+s12+$0x0], $0xffff  }
0x963: {  	[tilespmem:v34+s17+$0x0] =	vst.idx.msk $0xffff, v30;
	v34 =	vor.u32 v38, v12;
	v38 =	vld [tilespmem:$0x1F770]  }
0x964: {  	v21 =	vor.u32 v21, v11;
	v30 =	vld.idx.msk [tilespmem:v35+s12+$0x0], $0xffff  }
0x965: {  	v14 =	vor.u32 v14, v0;
	[tilespmem:v8+s17+$0x0] =	vst.idx.msk $0xffff, v16;
	v16 =	vld [tilespmem:$0x1F840]  }
0x966: {  	v23 =	vor.u32 v23, v6;
	v35 =	vor.u32 v42, v7;
	v42 =	vld [tilespmem:$0x1F320]  }
0x967: {  	v29 =	vor.u32 v29, v5;
	v8 =	vld.idx.msk [tilespmem:v19+s12+$0x0], $0xffff  }
0x968: {  	v15 =	vor.u32 v44, v22;
	v19 =	vld [tilespmem:$0x1F520]  }
0x969: {  	v21 =	vld.idx.msk [tilespmem:v21+s12+$0x0], $0xffff  }
0x96a: {  	[tilespmem:v14+s17+$0x0] =	vst.idx.msk $0xffff, v18;
	v18 =	vld [tilespmem:$0x1F660];
	v28 =	vor.u32 v28, v17  }
0x96b: {  	[tilespmem:v23+s17+$0x0] =	vst.idx.msk $0xffff, v4;
	v23 =	vld [tilespmem:$0x1FDD0];
	v31 =	vor.u32 v31, v26  }
0x96c: {  	v33 =	vor.u32 v36, v13;
	v4 =	vld.idx.msk [tilespmem:v29+s12+$0x0], $0xffff  }
0x96d: {  	[tilespmem:v15+s17+$0x0] =	vst.idx.msk $0xffff, v20;
	v20 =	vld [tilespmem:$0x1FE70];
	v16 =	vor.u32 v16, v1  }
0x96e: {  	v29 =	vld [tilespmem:$0x1F7B0];
	v19 =	vor.u32 v19, v2  }
0x96f: {  	v15 =	vld.idx.msk [tilespmem:v28+s12+$0x0], $0xffff  }
0x970: {  	v28 =	vld.idx.msk [tilespmem:v31+s12+$0x0], $0xffff  }
0x971: {  	v31 =	vld [tilespmem:$0x1F5E0];
	[tilespmem:v33+s17+$0x0] =	vst.idx.msk $0xffff, v24  }
0x972: {  	v14 =	vor.u32 v57, v27;
	[tilespmem:v16+s17+$0x0] =	vst.idx.msk $0xffff, v30;
	v30 =	vld [tilespmem:$0x1FD60]  }
0x973: {  	v16 =	vld.idx.msk [tilespmem:v19+s12+$0x0], $0xffff  }
0x974: {  	v18 =	vor.u32 v18, v25;
	v19 =	vld [tilespmem:$0x1F2C0]  }
0x975: {  	[tilespmem:v34+s17+$0x0] =	vst.idx.msk $0xffff, v8;
	v34 =	vor.u32 v38, v12;
	v38 =	vld [tilespmem:$0x1FEF0]  }
0x976: {  	v23 =	vor.u32 v23, v11;
	v20 =	vor.u32 v20, v0;
	v8 =	vld.idx.msk [tilespmem:v35+s12+$0x0], $0xffff  }
0x977: {  	v29 =	vor.u32 v29, v6;
	[tilespmem:v14+s17+$0x0] =	vst.idx.msk $0xffff, v21;
	v21 =	vld [tilespmem:$0x1F550]  }
0x978: {  	v35 =	vor.u32 v42, v7;
	v42 =	vld [tilespmem:$0x1F380];
	v31 =	vor.u32 v31, v5  }
0x979: {  	v24 =	vor.u32 v50, v22;
	v14 =	vld.idx.msk [tilespmem:v18+s12+$0x0], $0xffff  }
0x97a: {  	v18 =	vld [tilespmem:$0x1FE00]  }
0x97b: {  	v36 =	vor.u32 v56, v17;
	v23 =	vld.idx.msk [tilespmem:v23+s12+$0x0], $0xffff;
	[tilespmem:v20+s17+$0x0] =	vst.idx.msk $0xffff, v4  }
0x97c: {  	v20 =	vld [tilespmem:$0x1F4F0];
	[tilespmem:v29+s17+$0x0] =	vst.idx.msk $0xffff, v15  }
0x97d: {  	v19 =	vor.u32 v19, v26;
	v15 =	vld.idx.msk [tilespmem:v31+s12+$0x0], $0xffff  }
0x97e: {  	v30 =	vor.u32 v30, v13;
	[tilespmem:v24+s17+$0x0] =	vst.idx.msk $0xffff, v28;
	v28 =	vld [tilespmem:$0x1FE80]  }
0x97f: {  	v18 =	vor.u32 v18, v1;
	v31 =	vld [tilespmem:$0x1F7C0]  }
0x980: {  	v21 =	vor.u32 v21, v2;
	v24 =	vld.idx.msk [tilespmem:v36+s12+$0x0], $0xffff  }
0x981: {  	v36 =	vld [tilespmem:$0x1F610]  }
0x982: {  	v19 =	vld.idx.msk [tilespmem:v19+s12+$0x0], $0xffff  }
0x983: {  	[tilespmem:v30+s17+$0x0] =	vst.idx.msk $0xffff, v16;
	v30 =	vld [tilespmem:$0x1F460]  }
0x984: {  	[tilespmem:v18+s17+$0x0] =	vst.idx.msk $0xffff, v8;
	v18 =	vld [tilespmem:$0x1F300]  }
0x985: {  	v4 =	vor.u32 v39, v27;
	v8 =	vld.idx.msk [tilespmem:v21+s12+$0x0], $0xffff  }
0x986: {  	v21 =	vld [tilespmem:$0x1FD70]  }
0x987: {  	v20 =	vor.u32 v20, v25;
	v33 =	vor.u32 v36, v5;
	v36 =	vld [tilespmem:$0x1F640]  }
0x988: {  	[tilespmem:v34+s17+$0x0] =	vst.idx.msk $0xffff, v14;
	v34 =	vor.u32 v38, v12;
	v38 =	vld [tilespmem:$0x1FF00]  }
0x989: {  	v29 =	vor.u32 v55, v11;
	v14 =	vld.idx.msk [tilespmem:v35+s12+$0x0], $0xffff  }
0x98a: {  	v28 =	vor.u32 v28, v0;
	[tilespmem:v4+s17+$0x0] =	vst.idx.msk $0xffff, v23;
	v23 =	vld [tilespmem:$0x1F690]  }
0x98b: {  	v35 =	vor.u32 v42, v7;
	v42 =	vld [tilespmem:$0x1F3D0]  }
0x98c: {  	v31 =	vor.u32 v31, v6;
	v4 =	vld.idx.msk [tilespmem:v20+s12+$0x0], $0xffff  }
0x98d: {  	v20 =	vld [tilespmem:$0x1FE10]  }
0x98e: {  	v16 =	vor.u32 v58, v22;
	v29 =	vld.idx.msk [tilespmem:v29+s12+$0x0], $0xffff  }
0x98f: {  	[tilespmem:v28+s17+$0x0] =	vst.idx.msk $0xffff, v15;
	v15 =	vld [tilespmem:$0x1F860]  }
0x990: {  	v30 =	vor.u32 v30, v17;
	v28 =	vld [tilespmem:$0x1F220]  }
0x991: {  	[tilespmem:v31+s17+$0x0] =	vst.idx.msk $0xffff, v24;
	v31 =	vld [tilespmem:$0x1FDC0]  }
0x992: {  	v18 =	vor.u32 v18, v26;
	v24 =	vld.idx.msk [tilespmem:v33+s12+$0x0], $0xffff  }
0x993: {  	v21 =	vor.u32 v21, v13;
	[tilespmem:v16+s17+$0x0] =	vst.idx.msk $0xffff, v19;
	v19 =	vld [tilespmem:$0x1FE90]  }
0x994: {  	v33 =	vor.u32 v36, v5;
	v36 =	vld [tilespmem:$0x1F240];
	v20 =	vor.u32 v20, v1  }
0x995: {  	v23 =	vor.u32 v23, v2;
	v16 =	vld.idx.msk [tilespmem:v30+s12+$0x0], $0xffff  }
0x996: {  	v30 =	vld [tilespmem:$0x1F7D0]  }
0x997: {  	v18 =	vld.idx.msk [tilespmem:v18+s12+$0x0], $0xffff  }
0x998: {  	[tilespmem:v21+s17+$0x0] =	vst.idx.msk $0xffff, v8;
	v21 =	vld [tilespmem:$0x1F4A0]  }
0x999: {  	v15 =	vor.u32 v15, v27;
	[tilespmem:v20+s17+$0x0] =	vst.idx.msk $0xffff, v14;
	v20 =	vld [tilespmem:$0x1F340]  }
0x99a: {  	v14 =	vld.idx.msk [tilespmem:v23+s12+$0x0], $0xffff  }
0x99b: {  	v28 =	vor.u32 v28, v25;
	v23 =	vld [tilespmem:$0x1FD80]  }
0x99c: {  	[tilespmem:v34+s17+$0x0] =	vst.idx.msk $0xffff, v4;
	v34 =	vor.u32 v38, v12;
	v38 =	vld [tilespmem:$0x1FF10]  }
0x99d: {  	v31 =	vor.u32 v31, v11;
	v4 =	vld.idx.msk [tilespmem:v35+s12+$0x0], $0xffff  }
0x99e: {  	v19 =	vor.u32 v19, v0;
	[tilespmem:v15+s17+$0x0] =	vst.idx.msk $0xffff, v29;
	v29 =	vld [tilespmem:$0x1F5A0]  }
0x99f: {  	v30 =	vor.u32 v30, v6;
	v35 =	vor.u32 v42, v7;
	v42 =	vld [tilespmem:$0x1F540]  }
0x9a0: {  	v15 =	vld.idx.msk [tilespmem:v28+s12+$0x0], $0xffff  }
0x9a1: {  	v8 =	vor.u32 v43, v22;
	v28 =	vld [tilespmem:$0x1FE20]  }
0x9a2: {  	v21 =	vor.u32 v21, v17;
	v31 =	vld.idx.msk [tilespmem:v31+s12+$0x0], $0xffff  }
0x9a3: {  	[tilespmem:v19+s17+$0x0] =	vst.idx.msk $0xffff, v24;
	v24 =	vld [tilespmem:$0x1F120]  }
0x9a4: {  	v20 =	vor.u32 v20, v26;
	[tilespmem:v30+s17+$0x0] =	vst.idx.msk $0xffff, v16;
	v30 =	vld [tilespmem:$0x1FDE0]  }
0x9a5: {  	v23 =	vor.u32 v23, v13;
	v16 =	vld.idx.msk [tilespmem:v33+s12+$0x0], $0xffff  }
0x9a6: {  	[tilespmem:v8+s17+$0x0] =	vst.idx.msk $0xffff, v18;
	v18 =	vld [tilespmem:$0x1FEA0];
	v28 =	vor.u32 v28, v1  }
0x9a7: {  	v29 =	vor.u32 v29, v2;
	v8 =	vld.idx.msk [tilespmem:v21+s12+$0x0], $0xffff  }
0x9a8: {  	v21 =	vld [tilespmem:$0x1F7E0]  }
0x9a9: {  	v20 =	vld.idx.msk [tilespmem:v20+s12+$0x0], $0xffff  }
0x9aa: {  	v19 =	vor.u32 v59, v27;
	[tilespmem:v23+s17+$0x0] =	vst.idx.msk $0xffff, v14;
	v23 =	vld [tilespmem:$0x1F530]  }
0x9ab: {  	v24 =	vor.u32 v24, v25;
	[tilespmem:v28+s17+$0x0] =	vst.idx.msk $0xffff, v4;
	v28 =	vld [tilespmem:$0x1F390]  }
0x9ac: {  	v4 =	vld.idx.msk [tilespmem:v29+s12+$0x0], $0xffff  }
0x9ad: {  	v30 =	vor.u32 v30, v11;
	[tilespmem:v34+s17+$0x0] =	vst.idx.msk $0xffff, v15;
	v29 =	vld [tilespmem:$0x1FD90]  }
0x9ae: {  	v18 =	vor.u32 v18, v0;
	v15 =	vld.idx.msk [tilespmem:v35+s12+$0x0], $0xffff  }
0x9af: {  	v21 =	vor.u32 v21, v6;
	[tilespmem:v19+s17+$0x0] =	vst.idx.msk $0xffff, v31;
	v31 =	vld [tilespmem:$0x1F5C0]  }
0x9b0: {  	v33 =	vor.u32 v36, v5;
	v19 =	vld.idx.msk [tilespmem:v24+s12+$0x0], $0xffff  }
0x9b1: {  	v14 =	vor.u32 v46, v22;
	v24 =	vld [tilespmem:$0x1FE30]  }
0x9b2: {  	v30 =	vld.idx.msk [tilespmem:v30+s12+$0x0], $0xffff  }
0x9b3: {  	[tilespmem:v18+s17+$0x0] =	vst.idx.msk $0xffff, v16;
	v18 =	vld [tilespmem:$0x1F130]  }
0x9b4: {  	v23 =	vor.u32 v23, v17;
	[tilespmem:v21+s17+$0x0] =	vst.idx.msk $0xffff, v8;
	v21 =	vld [tilespmem:$0x1FED0]  }
0x9b5: {  	v28 =	vor.u32 v28, v26;
	v29 =	vor.u32 v29, v13;
	v8 =	vld.idx.msk [tilespmem:v33+s12+$0x0], $0xffff  }
0x9b6: {  	[tilespmem:v14+s17+$0x0] =	vst.idx.msk $0xffff, v20;
	v20 =	vld [tilespmem:$0x1FEB0];
	v24 =	vor.u32 v24, v1  }
0x9b7: {  	v34 =	vor.u32 v38, v12;
	v31 =	vor.u32 v31, v2  }
0x9b8: {  	v36 =	vld [tilespmem:$0x1F650];
	v35 =	vor.u32 v42, v7;
	v16 =	vor.u32 v60, v27  }
0x9b9: {  	v18 =	vor.u32 v18, v25;
	v14 =	vld.idx.msk [tilespmem:v23+s12+$0x0], $0xffff  }
0x9ba: {  	v21 =	vor.u32 v21, v11;
	v23 =	vld.idx.msk [tilespmem:v28+s12+$0x0], $0xffff;
	[tilespmem:v29+s17+$0x0] =	vst.idx.msk $0xffff, v4  }
0x9bb: {  	v28 =	vld [tilespmem:$0x1F7F0];
	v20 =	vor.u32 v20, v0;
	[tilespmem:v24+s17+$0x0] =	vst.idx.msk $0xffff, v15  }
0x9bc: {  	v15 =	vld.idx.msk [tilespmem:v31+s12+$0x0], $0xffff;
	[tilespmem:v34+s17+$0x0] =	vst.idx.msk $0xffff, v19  }
0x9bd: {  	v19 =	vld.idx.msk [tilespmem:v35+s12+$0x0], $0xffff;
	[tilespmem:v16+s17+$0x0] =	vst.idx.msk $0xffff, v30  }
0x9be: {  	v16 =	vld.idx.msk [tilespmem:v18+s12+$0x0], $0xffff  }
0x9bf: {  	v21 =	vld.idx.msk [tilespmem:v21+s12+$0x0], $0xffff  }
0x9c0: {  	[tilespmem:v20+s17+$0x0] =	vst.idx.msk $0xffff, v8;
	v8 =	vld [tilespmem:$0x1F140];
	_ =	sdelay $0x1  }
0x9c1: {  	v29 =	vld [tilespmem:$0x1F680]  }
0x9c2: {  	v24 =	vld [tilespmem:$0x1F3E0];
	v28 =	vor.u32 v28, v6  }
0x9c3: {  	v33 =	vor.u32 v36, v5;
	v31 =	vld [tilespmem:$0x1FDA0]  }
0x9c4: {  	v4 =	vor.u32 v45, v22;
	v35 =	vor.u32 v8, v25;
	v8 =	vld [tilespmem:$0x1FEC0]  }
0x9c5: {  	v30 =	vld [tilespmem:$0x1F600]  }
0x9c6: {  	v18 =	vld [tilespmem:$0x1FE40]  }
0x9c7: {  	v29 =	vor.u32 v29, v17;
	[tilespmem:v28+s17+$0x0] =	vst.idx.msk $0xffff, v14  }
0x9c8: {  	v24 =	vor.u32 v24, v26;
	v14 =	vld.idx.msk [tilespmem:v33+s12+$0x0], $0xffff  }
0x9c9: {  	[tilespmem:v4+s17+$0x0] =	vst.idx.msk $0xffff, v23;
	v23 =	vor.u32 v8, v0;
	v8 =	vld [tilespmem:$0x1F800]  }
0x9ca: {  	v38 =	vld [tilespmem:$0x1F570];
	v31 =	vor.u32 v31, v13  }
0x9cb: {  	v2 =	vor.u32 v30, v2;
	v30 =	vld [tilespmem:$0x1FF20];
	v18 =	vor.u32 v18, v1  }
0x9cc: {  	v4 =	vld.idx.msk [tilespmem:v29+s12+$0x0], $0xffff  }
0x9cd: {  	v29 =	vld.idx.msk [tilespmem:v24+s12+$0x0], $0xffff  }
0x9ce: {  	v24 =	vor.u32 v8, v6;
	v8 =	vld [tilespmem:$0x1F670]  }
0x9cf: {  	[tilespmem:v31+s17+$0x0] =	vst.idx.msk $0xffff, v15  }
0x9d0: {  	[tilespmem:v18+s17+$0x0] =	vst.idx.msk $0xffff, v19  }
0x9d1: {  	v36 =	vld.idx.msk [tilespmem:v2+s12+$0x0], $0xffff  }
0x9d2: {  	v30 =	vor.u32 v30, v12;
	v2 =	vld [tilespmem:$0x1F420]  }
0x9d3: {  	v34 =	vor.u32 v38, v7;
	v20 =	vor.u32 v54, v27;
	v42 =	vor.u32 v8, v5;
	v8 =	vld [tilespmem:$0x1F210];
	_ =	sdelay $0x1  }
0x9d4: {  	v28 =	vor.u32 v53, v11;
	_ =	sdelay $0x1  }
0x9d5: {  	[tilespmem:v30+s17+$0x0] =	vst.idx.msk $0xffff, v16;
	v38 =	vor.u32 v2, v26;
	v2 =	vld [tilespmem:$0x1FD20]  }
0x9d6: {  	v31 =	vor.u32 v8, v17;
	v8 =	vld.idx.msk [tilespmem:v34+s12+$0x0], $0xffff;
	[tilespmem:v20+s17+$0x0] =	vst.idx.msk $0xffff, v21  }
0x9d7: {  	v16 =	vld.idx.msk [tilespmem:v35+s12+$0x0], $0xffff  }
0x9d8: {  	v21 =	vld.idx.msk [tilespmem:v28+s12+$0x0], $0xffff;
	[tilespmem:v23+s17+$0x0] =	vst.idx.msk $0xffff, v14  }
0x9d9: {  	[tilespmem:v24+s17+$0x0] =	vst.idx.msk $0xffff, v4;
	v4 =	vld [tilespmem:$0x1FD50];
	_ =	sdelay $0x1  }
0x9da: {  	v15 =	vor.u32 v47, v22;
	v13 =	vor.u32 v2, v13;
	v2 =	vmov v5  }
0x9db: {  	v5 =	vmovc v7;
	v7 =	vmovc v17;
	v17 =	vmov v25;
	v25 =	vmov v26;
	v26 =	vmov v11;
	v11 =	vld [tilespmem:$0x1F310]  }
0x9dc: {  	v28 =	vld [tilespmem:$0x1F810]  }
0x9dd: {  	p0 =	sne.s32 s24, $0x70;
	v24 =	vor.u32 v4, v26;
	v4 =	vld [tilespmem:$0x1F620]  }
.Ltmp1:
0x9de: {  	v34 =	vld [tilespmem:$0x1F780];
	(pc) =	sbr.rel @p0 .LBB2_5-.Ltmp1, $4  }
0x9df: {  	v18 =	vor.u32 v41, v12;
	v35 =	vmov v41;
	v41 =	vld.idx.msk [tilespmem:v42+s12+$0x0], $0xffff;
	[tilespmem:v15+s17+$0x0] =	vst.idx.msk $0xffff, v29  }
0x9e0: {  	v10 =	vor.u32 v48, v27;
	v33 =	vmov v49;
	v20 =	vld.idx.msk [tilespmem:v38+s12+$0x0], $0xffff  }
0x9e1: {  	v23 =	vor.u32 v52, v27;
	v29 =	vmovc v61;
	v42 =	vor.u32 v61, v0;
	v38 =	vld [tilespmem:$0x1FD00];
	v19 =	vor.u32 v11, v17  }
0x9e2: {  	s24 =	sadd.s32 $0x10, s24;
	v14 =	vld.idx.msk [tilespmem:v31+s12+$0x0], $0xffff;
	[tilespmem:v13+s17+$0x0] =	vst.idx.msk $0xffff, v36;
	v15 =	vor.u32 v28, v6;
	v4 =	vor.u32 v4, v2  }
0x9e3: {  	_ =	sdelay $0x3  }
0x9e4: {  	[tilespmem:v23+s17+$0x0] =	vst.idx.msk $0xffff, v21  }
0x9e5: {  	v11 =	vld.idx.msk [tilespmem:v24+s12+$0x0], $0xffff  }
0x9e6: {  	v13 =	vor.u32 v33, v27;
	v21 =	vld [tilespmem:$0x1FEE0];
	_ =	sdelay $0x4  }
0x9e7: {  	v21 =	vor.u32 v21, v26;
	[tilespmem:v13+s17+$0x0] =	vst.idx.msk $0xffff, v11  }
0x9e8: {  	v62 =	vld [tilespmem:$0x1FDF0];
	_ =	sdelay $0x3  }
0x9e9: {  	v13 =	vor.u32 v63, v27;
	v11 =	vld.idx.msk [tilespmem:v21+s12+$0x0], $0xffff  }
0x9ea: {  	v21 =	vor.u32 v62, v26;
	_ =	sdelay $0x3  }
0x9eb: {  	[tilespmem:v13+s17+$0x0] =	vst.idx.msk $0xffff, v11  }
0x9ec: {  	v11 =	vld.idx.msk [tilespmem:v21+s12+$0x0], $0xffff  }
0x9ed: {  	v13 =	vor.u32 v44, v27;
	v24 =	vld [tilespmem:$0x1F280];
	_ =	sdelay $0x4  }
0x9ee: {  	v21 =	vor.u32 v24, v26;
	[tilespmem:v13+s17+$0x0] =	vst.idx.msk $0xffff, v11  }
0x9ef: {  	v33 =	vld [tilespmem:$0x1F2C0];
	_ =	sdelay $0x3  }
0x9f0: {  	v13 =	vor.u32 v50, v27;
	v11 =	vld.idx.msk [tilespmem:v21+s12+$0x0], $0xffff  }
0x9f1: {  	v21 =	vor.u32 v33, v26;
	_ =	sdelay $0x3  }
0x9f2: {  	[tilespmem:v13+s17+$0x0] =	vst.idx.msk $0xffff, v11  }
0x9f3: {  	v11 =	vld.idx.msk [tilespmem:v21+s12+$0x0], $0xffff  }
0x9f4: {  	v13 =	vor.u32 v58, v27;
	v36 =	vld [tilespmem:$0x1F300];
	_ =	sdelay $0x4  }
0x9f5: {  	v21 =	vor.u32 v36, v26;
	[tilespmem:v13+s17+$0x0] =	vst.idx.msk $0xffff, v11  }
0x9f6: {  	v48 =	vld [tilespmem:$0x1F340];
	_ =	sdelay $0x3  }
0x9f7: {  	v13 =	vor.u32 v43, v27;
	v11 =	vld.idx.msk [tilespmem:v21+s12+$0x0], $0xffff  }
0x9f8: {  	v21 =	vor.u32 v48, v26;
	_ =	sdelay $0x3  }
0x9f9: {  	[tilespmem:v13+s17+$0x0] =	vst.idx.msk $0xffff, v11  }
0x9fa: {  	v11 =	vld.idx.msk [tilespmem:v21+s12+$0x0], $0xffff  }
0x9fb: {  	v13 =	vor.u32 v46, v27;
	v55 =	vld [tilespmem:$0x1F390];
	_ =	sdelay $0x4  }
0x9fc: {  	v21 =	vor.u32 v55, v26;
	[tilespmem:v13+s17+$0x0] =	vst.idx.msk $0xffff, v11  }
0x9fd: {  	v57 =	vld [tilespmem:$0x1F3E0];
	_ =	sdelay $0x3  }
0x9fe: {  	v13 =	vor.u32 v45, v27;
	v11 =	vld.idx.msk [tilespmem:v21+s12+$0x0], $0xffff  }
0x9ff: {  	v21 =	vor.u32 v57, v26;
	_ =	sdelay $0x3  }
0xa00: {  	[tilespmem:v13+s17+$0x0] =	vst.idx.msk $0xffff, v11  }
0xa01: {  	v13 =	vor.u32 v47, v27;
	v11 =	vld.idx.msk [tilespmem:v21+s12+$0x0], $0xffff  }
0xa02: {  	v61 =	vld [tilespmem:$0x1F420];
	_ =	sdelay $0x3  }
0xa03: {  	[tilespmem:v13+s17+$0x0] =	vst.idx.msk $0xffff, v11  }
0xa04: {  	v21 =	vor.u32 v61, v26;
	v62 =	vld [tilespmem:$0x1F430];
	_ =	sdelay $0x4  }
0xa05: {  	v11 =	vld.idx.msk [tilespmem:v21+s12+$0x0], $0xffff;
	v13 =	vor.u32 v62, v25  }
0xa06: {  	v21 =	vor.u32 v62, v26;
	_ =	sdelay $0x2  }
0xa07: {  	[tilespmem:v9+s17+$0x0] =	vst.idx.msk $0xffff, v20  }
0xa08: {  	v24 =	vor.u32 v38, v22;
	[tilespmem:v10+s17+$0x0] =	vst.idx.msk $0xffff, v11;
	v9 =	vld.idx.msk [tilespmem:v13+s12+$0x0], $0xffff  }
0xa09: {  	v20 =	vor.u32 v38, v27;
	v11 =	vld.idx.msk [tilespmem:v21+s12+$0x0], $0xffff  }
0xa0a: {  	v33 =	vld [tilespmem:$0x1F470];
	_ =	sdelay $0x2  }
0xa0b: {  	[tilespmem:v24+s17+$0x0] =	vst.idx.msk $0xffff, v9  }
0xa0c: {  	[tilespmem:v20+s17+$0x0] =	vst.idx.msk $0xffff, v11  }
0xa0d: {  	v13 =	vor.u32 v33, v25;
	v20 =	vld [tilespmem:$0x1F750]  }
0xa0e: {  	v21 =	vor.u32 v33, v26;
	_ =	sdelay $0x3  }
0xa0f: {  	v9 =	vld.idx.msk [tilespmem:v13+s12+$0x0], $0xffff;
	v36 =	vor.u32 v20, v22  }
0xa10: {  	v11 =	vld.idx.msk [tilespmem:v21+s12+$0x0], $0xffff;
	v20 =	vor.u32 v20, v27  }
0xa11: {  	v47 =	vld [tilespmem:$0x1F4C0];
	_ =	sdelay $0x2  }
0xa12: {  	[tilespmem:v36+s17+$0x0] =	vst.idx.msk $0xffff, v9  }
0xa13: {  	[tilespmem:v20+s17+$0x0] =	vst.idx.msk $0xffff, v11  }
0xa14: {  	v13 =	vor.u32 v47, v25;
	v20 =	vld [tilespmem:$0x1F760]  }
0xa15: {  	v21 =	vor.u32 v47, v26;
	_ =	sdelay $0x3  }
0xa16: {  	v9 =	vld.idx.msk [tilespmem:v13+s12+$0x0], $0xffff;
	v48 =	vor.u32 v20, v22  }
0xa17: {  	v11 =	vld.idx.msk [tilespmem:v21+s12+$0x0], $0xffff;
	v20 =	vor.u32 v20, v27  }
0xa18: {  	v55 =	vld [tilespmem:$0x1F660];
	_ =	sdelay $0x2  }
0xa19: {  	[tilespmem:v48+s17+$0x0] =	vst.idx.msk $0xffff, v9  }
0xa1a: {  	[tilespmem:v20+s17+$0x0] =	vst.idx.msk $0xffff, v11  }
0xa1b: {  	v13 =	vor.u32 v55, v25;
	v20 =	vld [tilespmem:$0x1F770]  }
0xa1c: {  	v21 =	vor.u32 v55, v26;
	_ =	sdelay $0x3  }
0xa1d: {  	v9 =	vld.idx.msk [tilespmem:v13+s12+$0x0], $0xffff;
	v57 =	vor.u32 v20, v22  }
0xa1e: {  	v11 =	vld.idx.msk [tilespmem:v21+s12+$0x0], $0xffff;
	v20 =	vor.u32 v20, v27  }
0xa1f: {  	v61 =	vld [tilespmem:$0x1F4F0];
	_ =	sdelay $0x2  }
0xa20: {  	[tilespmem:v57+s17+$0x0] =	vst.idx.msk $0xffff, v9  }
0xa21: {  	[tilespmem:v20+s17+$0x0] =	vst.idx.msk $0xffff, v11  }
0xa22: {  	v13 =	vor.u32 v61, v25;
	v20 =	vld [tilespmem:$0x1FEF0]  }
0xa23: {  	v21 =	vor.u32 v61, v26;
	_ =	sdelay $0x3  }
0xa24: {  	v9 =	vld.idx.msk [tilespmem:v13+s12+$0x0], $0xffff;
	v62 =	vor.u32 v20, v22  }
0xa25: {  	v11 =	vld.idx.msk [tilespmem:v21+s12+$0x0], $0xffff;
	v20 =	vor.u32 v20, v27  }
0xa26: {  	v24 =	vld [tilespmem:$0x1F220];
	_ =	sdelay $0x2  }
0xa27: {  	[tilespmem:v62+s17+$0x0] =	vst.idx.msk $0xffff, v9  }
0xa28: {  	[tilespmem:v20+s17+$0x0] =	vst.idx.msk $0xffff, v11  }
0xa29: {  	v13 =	vor.u32 v24, v25;
	v20 =	vld [tilespmem:$0x1FF00]  }
0xa2a: {  	v21 =	vor.u32 v24, v26;
	_ =	sdelay $0x3  }
0xa2b: {  	v9 =	vld.idx.msk [tilespmem:v13+s12+$0x0], $0xffff;
	v33 =	vor.u32 v20, v22  }
0xa2c: {  	v11 =	vld.idx.msk [tilespmem:v21+s12+$0x0], $0xffff;
	v20 =	vor.u32 v20, v27  }
0xa2d: {  	v36 =	vld [tilespmem:$0x1F120];
	_ =	sdelay $0x2  }
0xa2e: {  	[tilespmem:v33+s17+$0x0] =	vst.idx.msk $0xffff, v9  }
0xa2f: {  	[tilespmem:v20+s17+$0x0] =	vst.idx.msk $0xffff, v11  }
0xa30: {  	v13 =	vor.u32 v36, v25;
	v20 =	vld [tilespmem:$0x1FF10]  }
0xa31: {  	v21 =	vor.u32 v36, v26;
	_ =	sdelay $0x3  }
0xa32: {  	v9 =	vld.idx.msk [tilespmem:v13+s12+$0x0], $0xffff;
	v47 =	vor.u32 v20, v22  }
0xa33: {  	v11 =	vld.idx.msk [tilespmem:v21+s12+$0x0], $0xffff;
	v20 =	vor.u32 v20, v27  }
0xa34: {  	v48 =	vld [tilespmem:$0x1F130];
	_ =	sdelay $0x2  }
0xa35: {  	[tilespmem:v47+s17+$0x0] =	vst.idx.msk $0xffff, v9  }
0xa36: {  	[tilespmem:v20+s17+$0x0] =	vst.idx.msk $0xffff, v11  }
0xa37: {  	v13 =	vor.u32 v48, v25;
	v20 =	vld [tilespmem:$0x1FF20]  }
0xa38: {  	v21 =	vor.u32 v48, v26;
	v23 =	vld [tilespmem:$0x1F140];
	_ =	sdelay $0x3  }
0xa39: {  	v9 =	vld.idx.msk [tilespmem:v13+s12+$0x0], $0xffff;
	v55 =	vor.u32 v20, v22  }
0xa3a: {  	v13 =	vld.idx.msk [tilespmem:v21+s12+$0x0], $0xffff;
	v57 =	vor.u32 v23, v25;
	v20 =	vor.u32 v20, v27;
	_ =	sdelay $0x2  }
0xa3b: {  	v61 =	vor.u32 v23, v26  }
0xa3c: {  	[tilespmem:v55+s17+$0x0] =	vst.idx.msk $0xffff, v9  }
0xa3d: {  	v62 =	vor.u32 v35, v22;
	[tilespmem:v20+s17+$0x0] =	vst.idx.msk $0xffff, v13;
	v9 =	vld.idx.msk [tilespmem:v57+s12+$0x0], $0xffff  }
0xa3e: {  	v24 =	vld [tilespmem:$0x1F310];
	_ =	sdelay $0x1  }
0xa3f: {  	v20 =	vor.u32 v35, v27;
	v13 =	vld.idx.msk [tilespmem:v61+s12+$0x0], $0xffff;
	[tilespmem:v18+s17+$0x0] =	vst.idx.msk $0xffff, v16  }
0xa40: {  	v18 =	vor.u32 v34, v12;
	v16 =	vld.idx.msk [tilespmem:v19+s12+$0x0], $0xffff  }
0xa41: {  	[tilespmem:v62+s17+$0x0] =	vst.idx.msk $0xffff, v9  }
0xa42: {  	v33 =	vor.u32 v24, v25;
	v47 =	vld [tilespmem:$0x1F350];
	_ =	sdelay $0x1  }
0xa43: {  	[tilespmem:v20+s17+$0x0] =	vst.idx.msk $0xffff, v13  }
0xa44: {  	[tilespmem:v18+s17+$0x0] =	vst.idx.msk $0xffff, v16  }
0xa45: {  	v36 =	vor.u32 v24, v26;
	v61 =	vld [tilespmem:$0x1F790]  }
0xa46: {  	v55 =	vor.u32 v34, v22;
	v10 =	vld.idx.msk [tilespmem:v33+s12+$0x0], $0xffff;
	v48 =	vor.u32 v47, v17;
	_ =	sdelay $0x3  }
0xa47: {  	v20 =	vor.u32 v34, v27;
	v19 =	vld.idx.msk [tilespmem:v36+s12+$0x0], $0xffff  }
0xa48: {  	v13 =	vor.u32 v47, v25;
	v16 =	vor.u32 v61, v12;
	[tilespmem:v55+s17+$0x0] =	vst.idx.msk $0xffff, v10;
	v9 =	vld.idx.msk [tilespmem:v48+s12+$0x0], $0xffff  }
0xa49: {  	v62 =	vld [tilespmem:$0x1F3A0];
	_ =	sdelay $0x2  }
0xa4a: {  	[tilespmem:v20+s17+$0x0] =	vst.idx.msk $0xffff, v19  }
0xa4b: {  	v57 =	vor.u32 v47, v26;
	v11 =	vld.idx.msk [tilespmem:v13+s12+$0x0], $0xffff;
	[tilespmem:v16+s17+$0x0] =	vst.idx.msk $0xffff, v9  }
0xa4c: {  	v13 =	vor.u32 v61, v22;
	v33 =	vor.u32 v62, v17;
	v36 =	vld [tilespmem:$0x1F7A0];
	_ =	sdelay $0x3  }
0xa4d: {  	v20 =	vor.u32 v61, v27;
	v19 =	vld.idx.msk [tilespmem:v57+s12+$0x0], $0xffff  }
0xa4e: {  	[tilespmem:v13+s17+$0x0] =	vst.idx.msk $0xffff, v11;
	v9 =	vld.idx.msk [tilespmem:v33+s12+$0x0], $0xffff;
	v47 =	vor.u32 v36, v12  }
0xa4f: {  	v48 =	vld [tilespmem:$0x1F410];
	_ =	sdelay $0x2  }
0xa50: {  	v18 =	vor.u32 v62, v25;
	[tilespmem:v20+s17+$0x0] =	vst.idx.msk $0xffff, v19  }
0xa51: {  	v34 =	vor.u32 v62, v26;
	[tilespmem:v47+s17+$0x0] =	vst.idx.msk $0xffff, v9  }
0xa52: {  	v55 =	vor.u32 v48, v17;
	v61 =	vld [tilespmem:$0x1F7B0];
	_ =	sdelay $0x2  }
0xa53: {  	v13 =	vld.idx.msk [tilespmem:v18+s12+$0x0], $0xffff;
	v16 =	vor.u32 v36, v22  }
0xa54: {  	v19 =	vld.idx.msk [tilespmem:v34+s12+$0x0], $0xffff;
	v20 =	vor.u32 v36, v27  }
0xa55: {  	v18 =	vor.u32 v48, v25;
	v9 =	vld.idx.msk [tilespmem:v55+s12+$0x0], $0xffff;
	v62 =	vor.u32 v61, v12;
	_ =	sdelay $0x2  }
0xa56: {  	[tilespmem:v16+s17+$0x0] =	vst.idx.msk $0xffff, v13  }
0xa57: {  	[tilespmem:v20+s17+$0x0] =	vst.idx.msk $0xffff, v19  }
0xa58: {  	v57 =	vor.u32 v48, v26;
	v13 =	vld.idx.msk [tilespmem:v18+s12+$0x0], $0xffff;
	[tilespmem:v62+s17+$0x0] =	vst.idx.msk $0xffff, v9  }
0xa59: {  	v24 =	vor.u32 v56, v17;
	v16 =	vor.u32 v61, v22;
	v34 =	vld [tilespmem:$0x1F7C0];
	_ =	sdelay $0x3  }
0xa5a: {  	v19 =	vld.idx.msk [tilespmem:v57+s12+$0x0], $0xffff;
	v20 =	vor.u32 v61, v27  }
0xa5b: {  	v18 =	vor.u32 v56, v25;
	v9 =	vld.idx.msk [tilespmem:v24+s12+$0x0], $0xffff;
	[tilespmem:v16+s17+$0x0] =	vst.idx.msk $0xffff, v13;
	v36 =	vor.u32 v34, v12  }
0xa5c: {  	v47 =	vld [tilespmem:$0x1F460];
	_ =	sdelay $0x2  }
0xa5d: {  	[tilespmem:v20+s17+$0x0] =	vst.idx.msk $0xffff, v19  }
0xa5e: {  	v33 =	vor.u32 v56, v26;
	v13 =	vld.idx.msk [tilespmem:v18+s12+$0x0], $0xffff;
	[tilespmem:v36+s17+$0x0] =	vst.idx.msk $0xffff, v9  }
0xa5f: {  	v16 =	vor.u32 v34, v22;
	v48 =	vor.u32 v47, v17;
	v56 =	vld [tilespmem:$0x1F7D0];
	_ =	sdelay $0x3  }
0xa60: {  	v19 =	vld.idx.msk [tilespmem:v33+s12+$0x0], $0xffff;
	v20 =	vor.u32 v34, v27  }
0xa61: {  	v18 =	vor.u32 v47, v25;
	v9 =	vld.idx.msk [tilespmem:v48+s12+$0x0], $0xffff;
	[tilespmem:v16+s17+$0x0] =	vst.idx.msk $0xffff, v13;
	v57 =	vor.u32 v56, v12  }
0xa62: {  	v61 =	vld [tilespmem:$0x1F4A0];
	_ =	sdelay $0x2  }
0xa63: {  	[tilespmem:v20+s17+$0x0] =	vst.idx.msk $0xffff, v19  }
0xa64: {  	v55 =	vor.u32 v47, v26;
	v13 =	vld.idx.msk [tilespmem:v18+s12+$0x0], $0xffff;
	[tilespmem:v57+s17+$0x0] =	vst.idx.msk $0xffff, v9  }
0xa65: {  	v16 =	vor.u32 v56, v22;
	v62 =	vor.u32 v61, v17;
	v34 =	vld [tilespmem:$0x1F7E0];
	_ =	sdelay $0x3  }
0xa66: {  	v19 =	vld.idx.msk [tilespmem:v55+s12+$0x0], $0xffff;
	v20 =	vor.u32 v56, v27  }
0xa67: {  	v18 =	vor.u32 v61, v25;
	v9 =	vld.idx.msk [tilespmem:v62+s12+$0x0], $0xffff;
	[tilespmem:v16+s17+$0x0] =	vst.idx.msk $0xffff, v13;
	v36 =	vor.u32 v34, v12  }
0xa68: {  	v47 =	vld [tilespmem:$0x1F530];
	_ =	sdelay $0x2  }
0xa69: {  	[tilespmem:v20+s17+$0x0] =	vst.idx.msk $0xffff, v19  }
0xa6a: {  	v33 =	vor.u32 v61, v26;
	v13 =	vld.idx.msk [tilespmem:v18+s12+$0x0], $0xffff;
	[tilespmem:v36+s17+$0x0] =	vst.idx.msk $0xffff, v9  }
0xa6b: {  	v16 =	vor.u32 v34, v22;
	v48 =	vor.u32 v47, v17;
	v56 =	vld [tilespmem:$0x1F7F0];
	_ =	sdelay $0x1  }
0xa6c: {  	v18 =	vor.u32 v47, v25;
	_ =	sdelay $0x1  }
0xa6d: {  	v19 =	vld.idx.msk [tilespmem:v33+s12+$0x0], $0xffff;
	v20 =	vor.u32 v34, v27  }
0xa6e: {  	v9 =	vld.idx.msk [tilespmem:v48+s12+$0x0], $0xffff;
	[tilespmem:v16+s17+$0x0] =	vst.idx.msk $0xffff, v13;
	v57 =	vor.u32 v56, v12  }
0xa6f: {  	v61 =	vld [tilespmem:$0x1F680]  }
0xa70: {  	v55 =	vor.u32 v47, v26;
	v13 =	vld.idx.msk [tilespmem:v18+s12+$0x0], $0xffff;
	v16 =	vor.u32 v56, v22;
	_ =	sdelay $0x1  }
0xa71: {  	[tilespmem:v20+s17+$0x0] =	vst.idx.msk $0xffff, v19  }
0xa72: {  	[tilespmem:v57+s17+$0x0] =	vst.idx.msk $0xffff, v9  }
0xa73: {  	v62 =	vor.u32 v61, v17;
	v34 =	vld [tilespmem:$0x1F800]  }
0xa74: {  	v19 =	vld.idx.msk [tilespmem:v55+s12+$0x0], $0xffff;
	v20 =	vor.u32 v56, v27;
	v18 =	vor.u32 v61, v25;
	[tilespmem:v16+s17+$0x0] =	vst.idx.msk $0xffff, v13  }
0xa75: {  	v33 =	vor.u32 v61, v26;
	v47 =	vld [tilespmem:$0x1F210];
	_ =	sdelay $0x2  }
0xa76: {  	v9 =	vld.idx.msk [tilespmem:v62+s12+$0x0], $0xffff;
	v36 =	vor.u32 v34, v12  }
0xa77: {  	v13 =	vld.idx.msk [tilespmem:v18+s12+$0x0], $0xffff;
	[tilespmem:v20+s17+$0x0] =	vst.idx.msk $0xffff, v19;
	v16 =	vor.u32 v34, v22  }
0xa78: {  	v19 =	vld.idx.msk [tilespmem:v33+s12+$0x0], $0xffff;
	v20 =	vor.u32 v34, v27;
	v48 =	vor.u32 v47, v17;
	_ =	sdelay $0x1  }
0xa79: {  	[tilespmem:v15+s17+$0x0] =	vst.idx.msk $0xffff, v14  }
0xa7a: {  	[tilespmem:v36+s17+$0x0] =	vst.idx.msk $0xffff, v9  }
0xa7b: {  	v18 =	vor.u32 v47, v25;
	[tilespmem:v16+s17+$0x0] =	vst.idx.msk $0xffff, v13  }
0xa7c: {  	v55 =	vor.u32 v47, v26;
	[tilespmem:v20+s17+$0x0] =	vst.idx.msk $0xffff, v19;
	v9 =	vld.idx.msk [tilespmem:v48+s12+$0x0], $0xffff  }
0xa7d: {  	v56 =	vor.u32 v28, v12;
	v20 =	vld [tilespmem:$0x1F820];
	_ =	sdelay $0x2  }
0xa7e: {  	v13 =	vor.u32 v28, v22;
	v57 =	vld.idx.msk [tilespmem:v18+s12+$0x0], $0xffff  }
0xa7f: {  	v16 =	vld.idx.msk [tilespmem:v55+s12+$0x0], $0xffff;
	v18 =	vor.u32 v28, v27  }
0xa80: {  	v14 =	vld.idx.msk [tilespmem:v32+s12+$0x0], $0xffff;
	v15 =	vor.u32 v20, v6;
	[tilespmem:v56+s17+$0x0] =	vst.idx.msk $0xffff, v9  }
0xa81: {  	v61 =	vld [tilespmem:$0x1F270];
	_ =	sdelay $0x1  }
0xa82: {  	[tilespmem:v13+s17+$0x0] =	vst.idx.msk $0xffff, v57  }
0xa83: {  	v24 =	vor.u32 v20, v12;
	v3 =	vld.idx.msk [tilespmem:v3+s12+$0x0], $0xffff;
	[tilespmem:v18+s17+$0x0] =	vst.idx.msk $0xffff, v16  }
0xa84: {  	[tilespmem:v15+s17+$0x0] =	vst.idx.msk $0xffff, v14  }
0xa85: {  	v62 =	vor.u32 v61, v7;
	v33 =	vld [tilespmem:$0x1F830];
	_ =	sdelay $0x1  }
0xa86: {  	v13 =	vld.idx.msk [tilespmem:v37+s12+$0x0], $0xffff  }
0xa87: {  	v19 =	vor.u32 v20, v22;
	v18 =	vld.idx.msk [tilespmem:v40+s12+$0x0], $0xffff;
	[tilespmem:v24+s17+$0x0] =	vst.idx.msk $0xffff, v3  }
0xa88: {  	v20 =	vor.u32 v20, v27;
	v34 =	vld [tilespmem:$0x1F2B0]  }
0xa89: {  	v32 =	vor.u32 v61, v17;
	v9 =	vld.idx.msk [tilespmem:v62+s12+$0x0], $0xffff;
	v14 =	vor.u32 v33, v6;
	_ =	sdelay $0x2  }
0xa8a: {  	v16 =	vor.u32 v61, v25;
	[tilespmem:v19+s17+$0x0] =	vst.idx.msk $0xffff, v13  }
0xa8b: {  	v21 =	vor.u32 v61, v26;
	[tilespmem:v20+s17+$0x0] =	vst.idx.msk $0xffff, v18  }
0xa8c: {  	v10 =	vld.idx.msk [tilespmem:v32+s12+$0x0], $0xffff;
	v36 =	vor.u32 v33, v12;
	v3 =	vor.u32 v34, v7;
	[tilespmem:v14+s17+$0x0] =	vst.idx.msk $0xffff, v9  }
0xa8d: {  	v62 =	vld [tilespmem:$0x1F840];
	_ =	sdelay $0x1  }
0xa8e: {  	v15 =	vld.idx.msk [tilespmem:v16+s12+$0x0], $0xffff  }
0xa8f: {  	v16 =	vor.u32 v33, v22;
	v19 =	vld.idx.msk [tilespmem:v21+s12+$0x0], $0xffff  }
0xa90: {  	v20 =	vor.u32 v33, v27;
	v3 =	vld.idx.msk [tilespmem:v3+s12+$0x0], $0xffff;
	[tilespmem:v36+s17+$0x0] =	vst.idx.msk $0xffff, v10  }
0xa91: {  	v13 =	vor.u32 v34, v17;
	v47 =	vld [tilespmem:$0x1F2F0];
	v40 =	vor.u32 v62, v6;
	_ =	sdelay $0x2  }
0xa92: {  	v18 =	vor.u32 v34, v25;
	[tilespmem:v16+s17+$0x0] =	vst.idx.msk $0xffff, v15  }
0xa93: {  	v37 =	vor.u32 v34, v26;
	[tilespmem:v20+s17+$0x0] =	vst.idx.msk $0xffff, v19  }
0xa94: {  	v11 =	vld.idx.msk [tilespmem:v13+s12+$0x0], $0xffff;
	v13 =	vor.u32 v62, v12;
	v48 =	vor.u32 v47, v7;
	[tilespmem:v40+s17+$0x0] =	vst.idx.msk $0xffff, v3  }
0xa95: {  	v56 =	vld [tilespmem:$0x1FE00];
	_ =	sdelay $0x1  }
0xa96: {  	v15 =	vld.idx.msk [tilespmem:v18+s12+$0x0], $0xffff  }
0xa97: {  	v19 =	vld.idx.msk [tilespmem:v37+s12+$0x0], $0xffff;
	v16 =	vor.u32 v62, v22  }
0xa98: {  	v20 =	vor.u32 v62, v27;
	v3 =	vld.idx.msk [tilespmem:v48+s12+$0x0], $0xffff;
	[tilespmem:v13+s17+$0x0] =	vst.idx.msk $0xffff, v11  }
0xa99: {  	v14 =	vor.u32 v47, v17;
	v61 =	vld [tilespmem:$0x1F320];
	v57 =	vor.u32 v56, v6;
	_ =	sdelay $0x2  }
0xa9a: {  	v18 =	vor.u32 v47, v25;
	[tilespmem:v16+s17+$0x0] =	vst.idx.msk $0xffff, v15  }
0xa9b: {  	v55 =	vor.u32 v47, v26;
	[tilespmem:v20+s17+$0x0] =	vst.idx.msk $0xffff, v19  }
0xa9c: {  	v11 =	vld.idx.msk [tilespmem:v14+s12+$0x0], $0xffff;
	v13 =	vor.u32 v56, v12;
	v62 =	vor.u32 v61, v7;
	[tilespmem:v57+s17+$0x0] =	vst.idx.msk $0xffff, v3  }
0xa9d: {  	v33 =	vld [tilespmem:$0x1FE10];
	_ =	sdelay $0x1  }
0xa9e: {  	v15 =	vld.idx.msk [tilespmem:v18+s12+$0x0], $0xffff  }
0xa9f: {  	v19 =	vld.idx.msk [tilespmem:v55+s12+$0x0], $0xffff;
	v16 =	vor.u32 v56, v22  }
0xaa0: {  	v20 =	vor.u32 v56, v27;
	v3 =	vld.idx.msk [tilespmem:v62+s12+$0x0], $0xffff;
	[tilespmem:v13+s17+$0x0] =	vst.idx.msk $0xffff, v11  }
0xaa1: {  	v14 =	vor.u32 v61, v17;
	v36 =	vld [tilespmem:$0x1F380];
	v34 =	vor.u32 v33, v6;
	_ =	sdelay $0x2  }
0xaa2: {  	v18 =	vor.u32 v61, v25;
	[tilespmem:v16+s17+$0x0] =	vst.idx.msk $0xffff, v15  }
0xaa3: {  	v32 =	vor.u32 v61, v26;
	[tilespmem:v20+s17+$0x0] =	vst.idx.msk $0xffff, v19  }
0xaa4: {  	v11 =	vld.idx.msk [tilespmem:v14+s12+$0x0], $0xffff;
	v13 =	vor.u32 v33, v12;
	v37 =	vor.u32 v36, v7;
	[tilespmem:v34+s17+$0x0] =	vst.idx.msk $0xffff, v3  }
0xaa5: {  	v47 =	vld [tilespmem:$0x1FE20];
	_ =	sdelay $0x1  }
0xaa6: {  	v15 =	vld.idx.msk [tilespmem:v18+s12+$0x0], $0xffff  }
0xaa7: {  	v19 =	vld.idx.msk [tilespmem:v32+s12+$0x0], $0xffff;
	v16 =	vor.u32 v33, v22  }
0xaa8: {  	v20 =	vor.u32 v33, v27;
	v3 =	vld.idx.msk [tilespmem:v37+s12+$0x0], $0xffff;
	[tilespmem:v13+s17+$0x0] =	vst.idx.msk $0xffff, v11  }
0xaa9: {  	v14 =	vor.u32 v36, v17;
	v55 =	vld [tilespmem:$0x1F3D0];
	v48 =	vor.u32 v47, v6;
	_ =	sdelay $0x2  }
0xaaa: {  	v18 =	vor.u32 v36, v25;
	[tilespmem:v16+s17+$0x0] =	vst.idx.msk $0xffff, v15  }
0xaab: {  	v40 =	vor.u32 v36, v26;
	[tilespmem:v20+s17+$0x0] =	vst.idx.msk $0xffff, v19  }
0xaac: {  	v11 =	vld.idx.msk [tilespmem:v14+s12+$0x0], $0xffff;
	v13 =	vor.u32 v47, v12;
	v56 =	vor.u32 v55, v7;
	[tilespmem:v48+s17+$0x0] =	vst.idx.msk $0xffff, v3  }
0xaad: {  	v61 =	vld [tilespmem:$0x1FE30];
	_ =	sdelay $0x1  }
0xaae: {  	v15 =	vld.idx.msk [tilespmem:v18+s12+$0x0], $0xffff  }
0xaaf: {  	v19 =	vld.idx.msk [tilespmem:v40+s12+$0x0], $0xffff;
	v16 =	vor.u32 v47, v22;
	v14 =	vor.u32 v55, v17  }
0xab0: {  	v20 =	vor.u32 v47, v27;
	v18 =	vor.u32 v55, v25;
	v3 =	vld.idx.msk [tilespmem:v56+s12+$0x0], $0xffff;
	[tilespmem:v13+s17+$0x0] =	vst.idx.msk $0xffff, v11  }
0xab1: {  	v57 =	vor.u32 v55, v26;
	v32 =	vld [tilespmem:$0x1F540];
	v62 =	vor.u32 v61, v6;
	_ =	sdelay $0x2  }
0xab2: {  	v11 =	vld.idx.msk [tilespmem:v14+s12+$0x0], $0xffff;
	[tilespmem:v16+s17+$0x0] =	vst.idx.msk $0xffff, v15;
	v13 =	vor.u32 v61, v12  }
0xab3: {  	[tilespmem:v20+s17+$0x0] =	vst.idx.msk $0xffff, v19;
	v15 =	vld.idx.msk [tilespmem:v18+s12+$0x0], $0xffff;
	v16 =	vor.u32 v61, v22  }
0xab4: {  	v19 =	vld.idx.msk [tilespmem:v57+s12+$0x0], $0xffff;
	v20 =	vor.u32 v61, v27;
	v33 =	vor.u32 v32, v7;
	[tilespmem:v62+s17+$0x0] =	vst.idx.msk $0xffff, v3  }
0xab5: {  	v36 =	vld [tilespmem:$0x1FE40];
	_ =	sdelay $0x1  }
0xab6: {  	v14 =	vor.u32 v32, v17;
	[tilespmem:v13+s17+$0x0] =	vst.idx.msk $0xffff, v11  }
0xab7: {  	v18 =	vor.u32 v32, v25;
	v40 =	vld [tilespmem:$0x1F570];
	[tilespmem:v16+s17+$0x0] =	vst.idx.msk $0xffff, v15  }
0xab8: {  	v34 =	vor.u32 v32, v26;
	v3 =	vld.idx.msk [tilespmem:v33+s12+$0x0], $0xffff;
	[tilespmem:v20+s17+$0x0] =	vst.idx.msk $0xffff, v19  }
0xab9: {  	v30 =	vld [tilespmem:$0x1FE50];
	v37 =	vor.u32 v36, v6;
	_ =	sdelay $0x1  }
0xaba: {  	v11 =	vld.idx.msk [tilespmem:v14+s12+$0x0], $0xffff;
	v13 =	vor.u32 v36, v12  }
0xabb: {  	v15 =	vld.idx.msk [tilespmem:v18+s12+$0x0], $0xffff;
	v16 =	vor.u32 v36, v22;
	v47 =	vor.u32 v40, v7  }
0xabc: {  	v19 =	vld.idx.msk [tilespmem:v34+s12+$0x0], $0xffff;
	v20 =	vor.u32 v36, v27;
	v14 =	vor.u32 v40, v17  }
0xabd: {  	v18 =	vor.u32 v40, v25;
	v55 =	vor.u32 v30, v1;
	[tilespmem:v37+s17+$0x0] =	vst.idx.msk $0xffff, v3  }
0xabe: {  	v56 =	vld [tilespmem:$0x1F580]  }
0xabf: {  	[tilespmem:v13+s17+$0x0] =	vst.idx.msk $0xffff, v11  }
0xac0: {  	v9 =	vld.idx.msk [tilespmem:v47+s12+$0x0], $0xffff;
	[tilespmem:v16+s17+$0x0] =	vst.idx.msk $0xffff, v15  }
0xac1: {  	v48 =	vor.u32 v40, v26;
	v57 =	vor.u32 v30, v6;
	[tilespmem:v20+s17+$0x0] =	vst.idx.msk $0xffff, v19;
	v13 =	vld.idx.msk [tilespmem:v14+s12+$0x0], $0xffff  }
0xac2: {  	v62 =	vor.u32 v30, v27;
	v16 =	vld.idx.msk [tilespmem:v18+s12+$0x0], $0xffff;
	[tilespmem:v55+s17+$0x0] =	vst.idx.msk $0xffff, v8  }
0xac3: {  	v14 =	vor.u32 v30, v12;
	v18 =	vor.u32 v30, v22;
	v30 =	vld [tilespmem:$0x1FE60];
	v3 =	vor.u32 v56, v5;
	_ =	sdelay $0x2  }
0xac4: {  	v20 =	vld.idx.msk [tilespmem:v48+s12+$0x0], $0xffff;
	v61 =	vor.u32 v56, v7;
	[tilespmem:v57+s17+$0x0] =	vst.idx.msk $0xffff, v9  }
0xac5: {  	v15 =	vor.u32 v56, v17;
	v36 =	vld [tilespmem:$0x1F4B0]  }
0xac6: {  	v19 =	vor.u32 v56, v25;
	v34 =	vor.u32 v30, v1;
	v3 =	vld.idx.msk [tilespmem:v3+s12+$0x0], $0xffff;
	_ =	sdelay $0x1  }
0xac7: {  	[tilespmem:v14+s17+$0x0] =	vst.idx.msk $0xffff, v13  }
0xac8: {  	[tilespmem:v18+s17+$0x0] =	vst.idx.msk $0xffff, v16;
	v10 =	vld.idx.msk [tilespmem:v61+s12+$0x0], $0xffff  }
0xac9: {  	v33 =	vor.u32 v56, v26;
	[tilespmem:v62+s17+$0x0] =	vst.idx.msk $0xffff, v20;
	v14 =	vld.idx.msk [tilespmem:v15+s12+$0x0], $0xffff  }
0xaca: {  	v40 =	vor.u32 v30, v6;
	v18 =	vld.idx.msk [tilespmem:v19+s12+$0x0], $0xffff;
	v37 =	vor.u32 v36, v5;
	[tilespmem:v34+s17+$0x0] =	vst.idx.msk $0xffff, v3  }
0xacb: {  	v47 =	vor.u32 v30, v27;
	v15 =	vor.u32 v30, v12;
	v19 =	vor.u32 v30, v22;
	v30 =	vld [tilespmem:$0x1FE70];
	_ =	sdelay $0x2  }
0xacc: {  	v8 =	vld.idx.msk [tilespmem:v33+s12+$0x0], $0xffff  }
0xacd: {  	v9 =	vld.idx.msk [tilespmem:v37+s12+$0x0], $0xffff;
	[tilespmem:v40+s17+$0x0] =	vst.idx.msk $0xffff, v10  }
0xace: {  	v13 =	vor.u32 v36, v7;
	v55 =	vld [tilespmem:$0x1F5E0];
	v48 =	vor.u32 v30, v1;
	_ =	sdelay $0x1  }
0xacf: {  	v16 =	vor.u32 v36, v17;
	[tilespmem:v15+s17+$0x0] =	vst.idx.msk $0xffff, v14  }
0xad0: {  	v20 =	vor.u32 v36, v25;
	[tilespmem:v19+s17+$0x0] =	vst.idx.msk $0xffff, v18  }
0xad1: {  	v3 =	vor.u32 v36, v26;
	[tilespmem:v47+s17+$0x0] =	vst.idx.msk $0xffff, v8  }
0xad2: {  	v11 =	vld.idx.msk [tilespmem:v13+s12+$0x0], $0xffff;
	v13 =	vor.u32 v30, v6;
	v56 =	vor.u32 v55, v5;
	[tilespmem:v48+s17+$0x0] =	vst.idx.msk $0xffff, v9  }
0xad3: {  	v61 =	vld [tilespmem:$0x1FE80]  }
0xad4: {  	v15 =	vld.idx.msk [tilespmem:v16+s12+$0x0], $0xffff  }
0xad5: {  	v19 =	vld.idx.msk [tilespmem:v20+s12+$0x0], $0xffff;
	v16 =	vor.u32 v30, v12  }
0xad6: {  	v3 =	vld.idx.msk [tilespmem:v3+s12+$0x0], $0xffff;
	v20 =	vor.u32 v30, v22  }
0xad7: {  	v32 =	vor.u32 v30, v27;
	v10 =	vld.idx.msk [tilespmem:v56+s12+$0x0], $0xffff;
	[tilespmem:v13+s17+$0x0] =	vst.idx.msk $0xffff, v11  }
0xad8: {  	v14 =	vor.u32 v55, v7;
	v36 =	vld [tilespmem:$0x1F610];
	v34 =	vor.u32 v61, v1;
	_ =	sdelay $0x1  }
0xad9: {  	v18 =	vor.u32 v55, v17;
	[tilespmem:v16+s17+$0x0] =	vst.idx.msk $0xffff, v15  }
0xada: {  	v57 =	vor.u32 v55, v25;
	[tilespmem:v20+s17+$0x0] =	vst.idx.msk $0xffff, v19  }
0xadb: {  	v33 =	vor.u32 v55, v26;
	[tilespmem:v32+s17+$0x0] =	vst.idx.msk $0xffff, v3  }
0xadc: {  	v13 =	vld.idx.msk [tilespmem:v14+s12+$0x0], $0xffff;
	v14 =	vor.u32 v61, v6;
	v37 =	vor.u32 v36, v5;
	[tilespmem:v34+s17+$0x0] =	vst.idx.msk $0xffff, v10  }
0xadd: {  	v48 =	vld [tilespmem:$0x1FE90]  }
0xade: {  	v16 =	vld.idx.msk [tilespmem:v18+s12+$0x0], $0xffff  }
0xadf: {  	v8 =	vld.idx.msk [tilespmem:v57+s12+$0x0], $0xffff;
	v18 =	vor.u32 v61, v12  }
0xae0: {  	v9 =	vld.idx.msk [tilespmem:v33+s12+$0x0], $0xffff;
	v20 =	vor.u32 v61, v22  }
0xae1: {  	v40 =	vor.u32 v61, v27;
	v11 =	vld.idx.msk [tilespmem:v37+s12+$0x0], $0xffff;
	[tilespmem:v14+s17+$0x0] =	vst.idx.msk $0xffff, v13  }
0xae2: {  	v15 =	vor.u32 v36, v7;
	v56 =	vld [tilespmem:$0x1F640];
	v55 =	vor.u32 v48, v1;
	_ =	sdelay $0x1  }
0xae3: {  	v19 =	vor.u32 v36, v17;
	[tilespmem:v18+s17+$0x0] =	vst.idx.msk $0xffff, v16  }
0xae4: {  	v3 =	vor.u32 v36, v25;
	[tilespmem:v20+s17+$0x0] =	vst.idx.msk $0xffff, v8  }
0xae5: {  	v47 =	vor.u32 v36, v26;
	[tilespmem:v40+s17+$0x0] =	vst.idx.msk $0xffff, v9  }
0xae6: {  	v14 =	vld.idx.msk [tilespmem:v15+s12+$0x0], $0xffff;
	v15 =	vor.u32 v48, v6;
	v13 =	vor.u32 v56, v5;
	[tilespmem:v55+s17+$0x0] =	vst.idx.msk $0xffff, v11  }
0xae7: {  	v37 =	vld [tilespmem:$0x1FEA0]  }
0xae8: {  	v18 =	vld.idx.msk [tilespmem:v19+s12+$0x0], $0xffff  }
0xae9: {  	v3 =	vld.idx.msk [tilespmem:v3+s12+$0x0], $0xffff;
	v19 =	vor.u32 v48, v12  }
0xaea: {  	v10 =	vld.idx.msk [tilespmem:v47+s12+$0x0], $0xffff;
	v20 =	vor.u32 v48, v22  }
0xaeb: {  	v62 =	vor.u32 v48, v27;
	v13 =	vld.idx.msk [tilespmem:v13+s12+$0x0], $0xffff;
	[tilespmem:v15+s17+$0x0] =	vst.idx.msk $0xffff, v14  }
0xaec: {  	v16 =	vor.u32 v56, v7;
	v47 =	vld [tilespmem:$0x1F240];
	v40 =	vor.u32 v37, v1;
	_ =	sdelay $0x1  }
0xaed: {  	v57 =	vor.u32 v56, v17;
	[tilespmem:v19+s17+$0x0] =	vst.idx.msk $0xffff, v18  }
0xaee: {  	v61 =	vor.u32 v56, v25;
	[tilespmem:v20+s17+$0x0] =	vst.idx.msk $0xffff, v3  }
0xaef: {  	v36 =	vor.u32 v56, v26;
	[tilespmem:v62+s17+$0x0] =	vst.idx.msk $0xffff, v10  }
0xaf0: {  	v15 =	vld.idx.msk [tilespmem:v16+s12+$0x0], $0xffff;
	v16 =	vor.u32 v37, v6;
	v14 =	vor.u32 v47, v5;
	[tilespmem:v40+s17+$0x0] =	vst.idx.msk $0xffff, v13  }
0xaf1: {  	v30 =	vld [tilespmem:$0x1FEB0]  }
0xaf2: {  	v8 =	vld.idx.msk [tilespmem:v57+s12+$0x0], $0xffff;
	v18 =	vor.u32 v47, v7  }
0xaf3: {  	v9 =	vld.idx.msk [tilespmem:v61+s12+$0x0], $0xffff;
	v19 =	vor.u32 v37, v12  }
0xaf4: {  	v11 =	vld.idx.msk [tilespmem:v36+s12+$0x0], $0xffff;
	v20 =	vor.u32 v37, v22  }
0xaf5: {  	v55 =	vor.u32 v37, v27;
	v14 =	vld.idx.msk [tilespmem:v14+s12+$0x0], $0xffff;
	[tilespmem:v16+s17+$0x0] =	vst.idx.msk $0xffff, v15  }
0xaf6: {  	v3 =	vor.u32 v47, v17;
	v57 =	vld [tilespmem:$0x1F650];
	v56 =	vor.u32 v30, v1  }
0xaf7: {  	v16 =	vld.idx.msk [tilespmem:v18+s12+$0x0], $0xffff;
	v18 =	vor.u32 v30, v6  }
0xaf8: {  	[tilespmem:v19+s17+$0x0] =	vst.idx.msk $0xffff, v8  }
0xaf9: {  	v48 =	vor.u32 v47, v25;
	[tilespmem:v20+s17+$0x0] =	vst.idx.msk $0xffff, v9  }
0xafa: {  	v13 =	vor.u32 v47, v26;
	[tilespmem:v55+s17+$0x0] =	vst.idx.msk $0xffff, v11  }
0xafb: {  	v3 =	vld.idx.msk [tilespmem:v3+s12+$0x0], $0xffff;
	[tilespmem:v56+s17+$0x0] =	vst.idx.msk $0xffff, v14  }
0xafc: {  	v15 =	vor.u32 v57, v5;
	v36 =	vld [tilespmem:$0x1FEC0];
	[tilespmem:v18+s17+$0x0] =	vst.idx.msk $0xffff, v16  }
0xafd: {  	v19 =	vor.u32 v30, v12;
	v61 =	vor.u32 v57, v7;
	v31 =	vld [tilespmem:$0x1F670]  }
0xafe: {  	v10 =	vld.idx.msk [tilespmem:v48+s12+$0x0], $0xffff;
	v20 =	vor.u32 v30, v22;
	v62 =	vor.u32 v57, v17  }
0xaff: {  	v13 =	vld.idx.msk [tilespmem:v13+s12+$0x0], $0xffff;
	v34 =	vor.u32 v30, v27;
	v33 =	vor.u32 v57, v25  }
0xb00: {  	v14 =	vor.u32 v57, v26  }
0xb01: {  	v15 =	vld.idx.msk [tilespmem:v15+s12+$0x0], $0xffff;
	v37 =	vor.u32 v36, v1  }
0xb02: {  	v8 =	vld.idx.msk [tilespmem:v61+s12+$0x0], $0xffff;
	[tilespmem:v19+s17+$0x0] =	vst.idx.msk $0xffff, v3;
	v18 =	vor.u32 v36, v6;
	v16 =	vor.u32 v31, v5  }
0xb03: {  	[tilespmem:v20+s17+$0x0] =	vst.idx.msk $0xffff, v10;
	v9 =	vld.idx.msk [tilespmem:v62+s12+$0x0], $0xffff;
	v19 =	vor.u32 v36, v12  }
0xb04: {  	[tilespmem:v34+s17+$0x0] =	vst.idx.msk $0xffff, v13;
	v11 =	vld.idx.msk [tilespmem:v33+s12+$0x0], $0xffff;
	v20 =	vor.u32 v36, v22  }
0xb05: {  	v14 =	vld.idx.msk [tilespmem:v14+s12+$0x0], $0xffff;
	v47 =	vor.u32 v36, v27  }
0xb06: {  	[tilespmem:v37+s17+$0x0] =	vst.idx.msk $0xffff, v15  }
0xb07: {  	[tilespmem:v18+s17+$0x0] =	vst.idx.msk $0xffff, v8;
	v48 =	vld.idx.msk [tilespmem:v16+s12+$0x0], $0xffff;
	v16 =	vor.u32 v29, v1  }
0xb08: {  	v3 =	vor.u32 v31, v7;
	v40 =	vor.u32 v31, v17;
	[tilespmem:v19+s17+$0x0] =	vst.idx.msk $0xffff, v9  }
0xb09: {  	v13 =	vor.u32 v31, v25;
	v15 =	vor.u32 v31, v26;
	v31 =	vld [tilespmem:$0x1F620];
	[tilespmem:v20+s17+$0x0] =	vst.idx.msk $0xffff, v11  }
0xb0a: {  	[tilespmem:v47+s17+$0x0] =	vst.idx.msk $0xffff, v14  }
0xb0b: {  	[tilespmem:v42+s17+$0x0] =	vst.idx.msk $0xffff, v41  }
0xb0c: {  	[tilespmem:v16+s17+$0x0] =	vst.idx.msk $0xffff, v48  }
0xb0d: {  	v42 =	vld [tilespmem:$0x1FF30]  }
0xb0e: {  	v18 =	vor.u32 v29, v6;
	v3 =	vld.idx.msk [tilespmem:v3+s12+$0x0], $0xffff;
	v55 =	vor.u32 v31, v5  }
0xb0f: {  	v19 =	vor.u32 v29, v12;
	v10 =	vld.idx.msk [tilespmem:v40+s12+$0x0], $0xffff  }
0xb10: {  	v20 =	vor.u32 v29, v22;
	v13 =	vld.idx.msk [tilespmem:v13+s12+$0x0], $0xffff  }
0xb11: {  	v61 =	vor.u32 v29, v27;
	v15 =	vld.idx.msk [tilespmem:v15+s12+$0x0], $0xffff  }
0xb12: {  	v4 =	vld.idx.msk [tilespmem:v4+s12+$0x0], $0xffff;
	v56 =	vor.u32 v31, v7;
	v62 =	vor.u32 v42, v0  }
0xb13: {  	v14 =	vor.u32 v31, v17;
	[tilespmem:v18+s17+$0x0] =	vst.idx.msk $0xffff, v3;
	v9 =	vld.idx.msk [tilespmem:v55+s12+$0x0], $0xffff;
	v18 =	vor.u32 v42, v1  }
0xb14: {  	v57 =	vor.u32 v31, v25;
	v16 =	vor.u32 v31, v26;
	v31 =	vld [tilespmem:$0x1F330];
	[tilespmem:v19+s17+$0x0] =	vst.idx.msk $0xffff, v10  }
0xb15: {  	[tilespmem:v20+s17+$0x0] =	vst.idx.msk $0xffff, v13  }
0xb16: {  	[tilespmem:v61+s17+$0x0] =	vst.idx.msk $0xffff, v15  }
0xb17: {  	[tilespmem:v62+s17+$0x0] =	vst.idx.msk $0xffff, v4  }
0xb18: {  	[tilespmem:v18+s17+$0x0] =	vst.idx.msk $0xffff, v9  }
0xb19: {  	v3 =	vor.u32 v31, v2;
	v41 =	vld [tilespmem:$0x1FDB0]  }
0xb1a: {  	v11 =	vld.idx.msk [tilespmem:v56+s12+$0x0], $0xffff;
	v19 =	vor.u32 v42, v6;
	v24 =	vor.u32 v31, v5  }
0xb1b: {  	v14 =	vld.idx.msk [tilespmem:v14+s12+$0x0], $0xffff;
	v20 =	vor.u32 v42, v12  }
0xb1c: {  	v21 =	vld.idx.msk [tilespmem:v57+s12+$0x0], $0xffff;
	v33 =	vor.u32 v42, v22  }
0xb1d: {  	v34 =	vld.idx.msk [tilespmem:v16+s12+$0x0], $0xffff;
	v16 =	vor.u32 v42, v27  }
0xb1e: {  	v13 =	vor.u32 v31, v7;
	v3 =	vld.idx.msk [tilespmem:v3+s12+$0x0], $0xffff;
	v36 =	vor.u32 v41, v0  }
0xb1f: {  	v15 =	vor.u32 v31, v17;
	[tilespmem:v19+s17+$0x0] =	vst.idx.msk $0xffff, v11;
	v10 =	vld.idx.msk [tilespmem:v24+s12+$0x0], $0xffff;
	v19 =	vor.u32 v41, v1  }
0xb20: {  	v4 =	vor.u32 v31, v25;
	v18 =	vor.u32 v31, v26;
	v31 =	vld [tilespmem:$0x1F510];
	[tilespmem:v20+s17+$0x0] =	vst.idx.msk $0xffff, v14  }
0xb21: {  	[tilespmem:v33+s17+$0x0] =	vst.idx.msk $0xffff, v21  }
0xb22: {  	[tilespmem:v16+s17+$0x0] =	vst.idx.msk $0xffff, v34  }
0xb23: {  	[tilespmem:v36+s17+$0x0] =	vst.idx.msk $0xffff, v3  }
0xb24: {  	[tilespmem:v19+s17+$0x0] =	vst.idx.msk $0xffff, v10  }
0xb25: {  	v37 =	vor.u32 v31, v2;
	v57 =	vld [tilespmem:$0x1FD10]  }
0xb26: {  	v13 =	vld.idx.msk [tilespmem:v13+s12+$0x0], $0xffff;
	v20 =	vor.u32 v41, v6;
	v14 =	vor.u32 v31, v5  }
0xb27: {  	v15 =	vld.idx.msk [tilespmem:v15+s12+$0x0], $0xffff;
	v42 =	vor.u32 v41, v12  }
0xb28: {  	v4 =	vld.idx.msk [tilespmem:v4+s12+$0x0], $0xffff;
	v16 =	vor.u32 v41, v22  }
0xb29: {  	v48 =	vld.idx.msk [tilespmem:v18+s12+$0x0], $0xffff;
	v18 =	vor.u32 v41, v27  }
0xb2a: {  	v55 =	vld.idx.msk [tilespmem:v37+s12+$0x0], $0xffff;
	v56 =	vor.u32 v57, v0  }
0xb2b: {  	[tilespmem:v20+s17+$0x0] =	vst.idx.msk $0xffff, v13;
	v14 =	vld.idx.msk [tilespmem:v14+s12+$0x0], $0xffff;
	v20 =	vor.u32 v57, v1  }
0xb2c: {  	v61 =	vld [tilespmem:$0x1F520];
	[tilespmem:v42+s17+$0x0] =	vst.idx.msk $0xffff, v15  }
0xb2d: {  	v40 =	vor.u32 v31, v7;
	[tilespmem:v16+s17+$0x0] =	vst.idx.msk $0xffff, v4  }
0xb2e: {  	v47 =	vor.u32 v31, v17;
	[tilespmem:v18+s17+$0x0] =	vst.idx.msk $0xffff, v48  }
0xb2f: {  	v3 =	vor.u32 v31, v25;
	[tilespmem:v56+s17+$0x0] =	vst.idx.msk $0xffff, v55  }
0xb30: {  	v19 =	vor.u32 v31, v26;
	[tilespmem:v20+s17+$0x0] =	vst.idx.msk $0xffff, v14  }
0xb31: {  	v13 =	vor.u32 v61, v2;
	v31 =	vld [tilespmem:$0x1FD60]  }
0xb32: {  	v21 =	vld.idx.msk [tilespmem:v40+s12+$0x0], $0xffff;
	v62 =	vor.u32 v57, v6;
	v15 =	vor.u32 v61, v5  }
0xb33: {  	v8 =	vld.idx.msk [tilespmem:v47+s12+$0x0], $0xffff;
	v16 =	vor.u32 v57, v12  }
0xb34: {  	v3 =	vld.idx.msk [tilespmem:v3+s12+$0x0], $0xffff;
	v18 =	vor.u32 v57, v22  }
0xb35: {  	v34 =	vld.idx.msk [tilespmem:v19+s12+$0x0], $0xffff;
	v19 =	vor.u32 v57, v27  }
0xb36: {  	v13 =	vld.idx.msk [tilespmem:v13+s12+$0x0], $0xffff;
	v14 =	vor.u32 v31, v0  }
0xb37: {  	[tilespmem:v62+s17+$0x0] =	vst.idx.msk $0xffff, v21;
	v15 =	vld.idx.msk [tilespmem:v15+s12+$0x0], $0xffff;
	v40 =	vor.u32 v31, v1  }
0xb38: {  	v36 =	vld [tilespmem:$0x1F550];
	[tilespmem:v16+s17+$0x0] =	vst.idx.msk $0xffff, v8  }
0xb39: {  	v4 =	vor.u32 v61, v7;
	[tilespmem:v18+s17+$0x0] =	vst.idx.msk $0xffff, v3  }
0xb3a: {  	v24 =	vor.u32 v61, v17;
	[tilespmem:v19+s17+$0x0] =	vst.idx.msk $0xffff, v34  }
0xb3b: {  	v33 =	vor.u32 v61, v25;
	[tilespmem:v14+s17+$0x0] =	vst.idx.msk $0xffff, v13  }
0xb3c: {  	v20 =	vor.u32 v61, v26;
	[tilespmem:v40+s17+$0x0] =	vst.idx.msk $0xffff, v15  }
0xb3d: {  	v37 =	vor.u32 v36, v2;
	v47 =	vld [tilespmem:$0x1FD70]  }
0xb3e: {  	v4 =	vld.idx.msk [tilespmem:v4+s12+$0x0], $0xffff;
	v16 =	vor.u32 v31, v6;
	v41 =	vor.u32 v36, v5  }
0xb3f: {  	v9 =	vld.idx.msk [tilespmem:v24+s12+$0x0], $0xffff;
	v18 =	vor.u32 v31, v12  }
0xb40: {  	v10 =	vld.idx.msk [tilespmem:v33+s12+$0x0], $0xffff;
	v19 =	vor.u32 v31, v22  }
0xb41: {  	v14 =	vld.idx.msk [tilespmem:v20+s12+$0x0], $0xffff;
	v20 =	vor.u32 v31, v27  }
0xb42: {  	v15 =	vld.idx.msk [tilespmem:v37+s12+$0x0], $0xffff;
	v48 =	vor.u32 v47, v0  }
0xb43: {  	[tilespmem:v16+s17+$0x0] =	vst.idx.msk $0xffff, v4;
	v8 =	vld.idx.msk [tilespmem:v41+s12+$0x0], $0xffff;
	v16 =	vor.u32 v47, v1  }
0xb44: {  	v56 =	vld [tilespmem:$0x1F690];
	[tilespmem:v18+s17+$0x0] =	vst.idx.msk $0xffff, v9  }
0xb45: {  	v3 =	vor.u32 v36, v7;
	[tilespmem:v19+s17+$0x0] =	vst.idx.msk $0xffff, v10  }
0xb46: {  	v42 =	vor.u32 v36, v17;
	[tilespmem:v20+s17+$0x0] =	vst.idx.msk $0xffff, v14  }
0xb47: {  	v13 =	vor.u32 v36, v25;
	[tilespmem:v48+s17+$0x0] =	vst.idx.msk $0xffff, v15  }
0xb48: {  	v55 =	vor.u32 v36, v26;
	[tilespmem:v16+s17+$0x0] =	vst.idx.msk $0xffff, v8  }
0xb49: {  	v4 =	vor.u32 v56, v2;
	v32 =	vld [tilespmem:$0x1FD80]  }
0xb4a: {  	v3 =	vld.idx.msk [tilespmem:v3+s12+$0x0], $0xffff;
	v18 =	vor.u32 v47, v6;
	v57 =	vor.u32 v56, v5  }
0xb4b: {  	v11 =	vld.idx.msk [tilespmem:v42+s12+$0x0], $0xffff;
	v19 =	vor.u32 v47, v12  }
0xb4c: {  	v13 =	vld.idx.msk [tilespmem:v13+s12+$0x0], $0xffff;
	v20 =	vor.u32 v47, v22  }
0xb4d: {  	v62 =	vld.idx.msk [tilespmem:v55+s12+$0x0], $0xffff;
	v24 =	vor.u32 v47, v27  }
0xb4e: {  	v4 =	vld.idx.msk [tilespmem:v4+s12+$0x0], $0xffff;
	v33 =	vor.u32 v32, v0  }
0xb4f: {  	v61 =	vor.u32 v56, v7;
	[tilespmem:v18+s17+$0x0] =	vst.idx.msk $0xffff, v3;
	v9 =	vld.idx.msk [tilespmem:v57+s12+$0x0], $0xffff;
	v18 =	vor.u32 v32, v1  }
0xb50: {  	v34 =	vld [tilespmem:$0x1F5A0];
	[tilespmem:v19+s17+$0x0] =	vst.idx.msk $0xffff, v11  }
0xb51: {  	[tilespmem:v20+s17+$0x0] =	vst.idx.msk $0xffff, v13  }
0xb52: {  	v14 =	vor.u32 v56, v17;
	[tilespmem:v24+s17+$0x0] =	vst.idx.msk $0xffff, v62  }
0xb53: {  	v15 =	vor.u32 v56, v25;
	[tilespmem:v33+s17+$0x0] =	vst.idx.msk $0xffff, v4  }
0xb54: {  	v16 =	vor.u32 v56, v26;
	v10 =	vld.idx.msk [tilespmem:v61+s12+$0x0], $0xffff;
	[tilespmem:v18+s17+$0x0] =	vst.idx.msk $0xffff, v9  }
0xb55: {  	v3 =	vor.u32 v34, v2;
	v61 =	vld [tilespmem:$0x1FD90]  }
0xb56: {  	v19 =	vor.u32 v32, v6;
	v42 =	vor.u32 v34, v5  }
0xb57: {  	v14 =	vld.idx.msk [tilespmem:v14+s12+$0x0], $0xffff;
	v20 =	vor.u32 v32, v12  }
0xb58: {  	v15 =	vld.idx.msk [tilespmem:v15+s12+$0x0], $0xffff;
	v48 =	vor.u32 v32, v22  }
0xb59: {  	v57 =	vld.idx.msk [tilespmem:v16+s12+$0x0], $0xffff;
	v16 =	vor.u32 v32, v27  }
0xb5a: {  	v3 =	vld.idx.msk [tilespmem:v3+s12+$0x0], $0xffff;
	v62 =	vor.u32 v61, v0  }
0xb5b: {  	[tilespmem:v19+s17+$0x0] =	vst.idx.msk $0xffff, v10;
	v11 =	vld.idx.msk [tilespmem:v42+s12+$0x0], $0xffff;
	v19 =	vor.u32 v61, v1  }
0xb5c: {  	v55 =	vld [tilespmem:$0x1F5C0];
	[tilespmem:v20+s17+$0x0] =	vst.idx.msk $0xffff, v14  }
0xb5d: {  	v13 =	vor.u32 v34, v7;
	[tilespmem:v48+s17+$0x0] =	vst.idx.msk $0xffff, v15  }
0xb5e: {  	v47 =	vor.u32 v34, v17;
	[tilespmem:v16+s17+$0x0] =	vst.idx.msk $0xffff, v57  }
0xb5f: {  	v4 =	vor.u32 v34, v25;
	[tilespmem:v62+s17+$0x0] =	vst.idx.msk $0xffff, v3  }
0xb60: {  	v18 =	vor.u32 v34, v26;
	[tilespmem:v19+s17+$0x0] =	vst.idx.msk $0xffff, v11  }
0xb61: {  	v24 =	vor.u32 v55, v2;
	v36 =	vld [tilespmem:$0x1FDA0]  }
0xb62: {  	v13 =	vld.idx.msk [tilespmem:v13+s12+$0x0], $0xffff;
	v20 =	vor.u32 v61, v6;
	v14 =	vor.u32 v55, v5  }
0xb63: {  	v21 =	vld.idx.msk [tilespmem:v47+s12+$0x0], $0xffff;
	v32 =	vor.u32 v61, v12  }
0xb64: {  	v4 =	vld.idx.msk [tilespmem:v4+s12+$0x0], $0xffff;
	v16 =	vor.u32 v61, v22  }
0xb65: {  	v34 =	vld.idx.msk [tilespmem:v18+s12+$0x0], $0xffff;
	v18 =	vor.u32 v61, v27  }
0xb66: {  	v10 =	vld.idx.msk [tilespmem:v24+s12+$0x0], $0xffff;
	v37 =	vor.u32 v36, v0  }
0xb67: {  	[tilespmem:v20+s17+$0x0] =	vst.idx.msk $0xffff, v13;
	v13 =	vld.idx.msk [tilespmem:v14+s12+$0x0], $0xffff;
	v14 =	vor.u32 v36, v1  }
0xb68: {  	v41 =	vld [tilespmem:$0x1F600];
	[tilespmem:v32+s17+$0x0] =	vst.idx.msk $0xffff, v21  }
0xb69: {  	v15 =	vor.u32 v55, v7;
	[tilespmem:v16+s17+$0x0] =	vst.idx.msk $0xffff, v4  }
0xb6a: {  	v33 =	vor.u32 v55, v17;
	[tilespmem:v18+s17+$0x0] =	vst.idx.msk $0xffff, v34  }
0xb6b: {  	v3 =	vor.u32 v55, v25;
	[tilespmem:v37+s17+$0x0] =	vst.idx.msk $0xffff, v10  }
0xb6c: {  	v19 =	vor.u32 v55, v26;
	[tilespmem:v14+s17+$0x0] =	vst.idx.msk $0xffff, v13  }
0xb6d: {  	v2 =	vor.u32 v41, v2;
	v57 =	vld [tilespmem:$0x1FD20]  }
0xb6e: {  	v15 =	vld.idx.msk [tilespmem:v15+s12+$0x0], $0xffff;
	v20 =	vor.u32 v36, v6;
	v5 =	vor.u32 v41, v5  }
0xb6f: {  	v42 =	vor.u32 v36, v12;
	v4 =	vor.u32 v41, v7;
	v7 =	vld.idx.msk [tilespmem:v33+s12+$0x0], $0xffff  }
0xb70: {  	v3 =	vld.idx.msk [tilespmem:v3+s12+$0x0], $0xffff;
	v16 =	vor.u32 v36, v22;
	v47 =	vor.u32 v41, v17  }
0xb71: {  	v56 =	vld.idx.msk [tilespmem:v19+s12+$0x0], $0xffff;
	v48 =	vor.u32 v41, v25;
	v17 =	vor.u32 v36, v27  }
0xb72: {  	v13 =	vor.u32 v41, v26;
	v2 =	vld.idx.msk [tilespmem:v2+s12+$0x0], $0xffff;
	v0 =	vor.u32 v57, v0  }
0xb73: {  	[tilespmem:v20+s17+$0x0] =	vst.idx.msk $0xffff, v15;
	v5 =	vld.idx.msk [tilespmem:v5+s12+$0x0], $0xffff;
	v1 =	vor.u32 v57, v1  }
0xb74: {  	[tilespmem:v42+s17+$0x0] =	vst.idx.msk $0xffff, v7;
	v4 =	vld.idx.msk [tilespmem:v4+s12+$0x0], $0xffff;
	v6 =	vor.u32 v57, v6  }
0xb75: {  	[tilespmem:v16+s17+$0x0] =	vst.idx.msk $0xffff, v3;
	v3 =	vld.idx.msk [tilespmem:v47+s12+$0x0], $0xffff;
	v7 =	vor.u32 v57, v12  }
0xb76: {  	[tilespmem:v17+s17+$0x0] =	vst.idx.msk $0xffff, v56;
	v61 =	vld.idx.msk [tilespmem:v48+s12+$0x0], $0xffff;
	v62 =	vor.u32 v57, v22  }
0xb77: {  	[tilespmem:v0+s17+$0x0] =	vst.idx.msk $0xffff, v2;
	v0 =	vld.idx.msk [tilespmem:v13+s12+$0x0], $0xffff;
	v2 =	vor.u32 v57, v27  }
0xb78: {  	[tilespmem:v1+s17+$0x0] =	vst.idx.msk $0xffff, v5  }
0xb79: {  	[tilespmem:v6+s17+$0x0] =	vst.idx.msk $0xffff, v4  }
0xb7a: {  	[tilespmem:v7+s17+$0x0] =	vst.idx.msk $0xffff, v3  }
0xb7b: {  	[tilespmem:v62+s17+$0x0] =	vst.idx.msk $0xffff, v61  }
0xb7c: {  	[tilespmem:v2+s17+$0x0] =	vst.idx.msk $0xffff, v0  }
0xb7d: {  	v15 =	vld [tilespmem:$0x1FEF0]  }
0xb7e: {  	v13 =	vld [tilespmem:$0x1FF00]  }
0xb7f: {  	v17 =	vld [tilespmem:$0x1FF10]  }
0xb80: {  	v19 =	vld [tilespmem:$0x1FF20]  }
0xb81: {  	v2 =	vld [tilespmem:$0x1FD30]  }
0xb82: {  	v3 =	vld [tilespmem:$0x1FD40]  }
0xb83: {  	v4 =	vld [tilespmem:$0x1FDC0]  }
0xb84: {  	s21 =	sadd.s32 $0x1, s21;
	v5 =	vld [tilespmem:$0x1FDE0]  }
0xb85: {  	s22 =	sadd.s32 s6, s22;
	p0 =	sne.s32 s21, $0x28;
	v31 =	vld [tilespmem:$0x1FED0]  }
.Ltmp2:
0xb86: {  	s22 =	sshll.u32 s22, $0xA;
	v34 =	vld [tilespmem:$0x1FD50];
	(pc) =	sbr.rel @p0 .LBB2_2-.Ltmp2, $4  }
0xb87: {  	s22 =	sadd.s32 s23, s22;
	v32 =	vld [tilespmem:$0x1FDD0]  }
0xb88: {  	s22 =	sshrl.u32 s22, $0x3;
	v48 =	vld [tilespmem:$0x1FEE0]  }
0xb89: {  	s22 =	sadd.s32 s2, s22;
	v30 =	vmov v51;
	v36 =	vld [tilespmem:$0x1FDF0]  }
0xb8a: {  	v55 =	vmovc v45;
	v56 =	vmovc v50;
	v47 =	vmov v60;
	v60 =	vmov v46;
	v57 =	vmov v52;
	[hbm4b:s22+s14] =	stream.strided.scatter [tilespmem:s17], [sflag:$0x4], $0x2000, s15, s14, $0x38;
	v51 =	vld [tilespmem:$0x1F860]  }
0xb8b: {  	s20 =	sadd.s32 $0x1, s20  }
0xb8c: {  	_ =	swait.ge [sflag:s18], $0x2000;
	p0 =	sne.s32 s20, s7  }
.Ltmp3:
0xb8d: {  	[sflag:s18] =	ssyncset.done $0x0;
	(pc) =	sbr.rel @p0 .LBB2_1-.Ltmp3, $4  }
0xb8e: {  	[sflag:s18] =	ssyncadd.s32 $0xFFFFE000  }
0xb8f: {  	_ =	swait.ge [sflag:s19], $0x2000  }
0xb90: {  	[sflag:s19] =	ssyncset.done $0x0  }
0xb91: {  	[sflag:s19] =	ssyncadd.s32 $0xFFFFE000  }
0xb92: {  	_ =	sfence.sel $0x180000  }
0xb93: {  	[bflag:$0x0] =	sbarrier.arrive $0xFFFF  }
0xb94: {  	p0 =	sne.s32 s0, $0x0;
	_ =	strace $0x9000004A  }
0xb95: {  	s0 =	sadd.s32 @!p0 $0x100000, s1;
	[bflag:$0x2] =	sbarrier.arrive $0xFFFF  }
0xb96: {  	[sflag:s0] =	ssyncadd.tile.s32 @!p0 $0x1;
	_ =	shalt  }
.Lfunc_end2:
_tile_overlayer_lowered:
.L_overlay_start_2:
0xb97: {  	(tag) =	ssettag $0x2  }
0xb98: {  	s0 =	rddreg [dreg:$0x0];
	s2 =	stileid.u32  }
0xb99: {  	s1 =	rddreg [dreg:$0x1];
	p0 =	sne.s32 s2, $0x0  }
0xb9a: {  	s3 =	rddreg [dreg:$0x2];
	[bflag:$0x3] =	sbarrier.arrive $0xFFFF;
	s2 =	simm.s32 @!p0 $0x1C05  }
0xb9b: {  	[timem:s3], [sflag:s2] =	dma.local @!p0 [hbm:s0], s1  }
0xb9c: {  	s0 =	simm.s32 @!p0 $0x5  }
0xb9d: {  	_ =	swait.ge @!p0 [sflag:s0], s1  }
0xb9e: {  	s1 =	ssub.s32 @!p0 $0x0, s1;
	[sflag:s0] =	ssyncset.done @!p0 $0x0  }
0xb9f: {  	[sflag:s0] =	ssyncadd.s32 @!p0 s1  }
0xba0: {  	[bflag:$0x3] =	sbarrier.arrive $0xFFFF  }
0xba1: {  	_ =	shalt  }

// kernel: sparse-core-data-format-call.cloned.1.call-start
scs
called_computation_lowered:
.L_overlay_start_0:
0x0: {  	s2 =	sld [smem:$0x3FD9]  }
0x1: {  	s3 =	sld [smem:$0x3FFE];
	_ =	sdelay $0x1  }
0x2: {  	s1 =	srdreg.scid  }
0x3: {  	s0 =	sand.u32 $0x1, s1  }
0x4: {  	s18 =	sshll.u32 s0, $0xA;
	s2 =	sadd.s32 s3, s2  }
0x5: {  	s2 =	sadd.s32 s2, s18  }
0x6: {  	[smem:$0x3FC6] =	sst s2  }
0x7: {  	_ = 	snop  }
0x8: {  	s2 =	sld [smem:$0x3FC8];
	(tm) =	ssettm $0x1  }
0x9: {  	s19 =	sld [smem:$0x3FFB];
	_ =	sdelay $0x3  }
0xa: {  	_ =	strace s19  }
0xb: {  	s3 =	sld [smem:$0x3FFC];
	_ =	sdelay $0x3  }
0xc: {  	_ =	strace s3  }
0xd: {  	s3 =	sld [smem:$0x3FFD];
	_ =	sdelay $0x3  }
0xe: {  	_ =	strace s3  }
0xf: {  	_ =	strace $0x8FFFFFFF  }
0x10: {  	s20 =	sld [smem:$0x3FDB];
	_ =	sdelay $0x1  }
0x11: {  	s4 =	simm.s32 $_scs_section_size  }
0x12: {  	s5 =	simm.s32 $_size__tile_overlayer_lowered;
	s6 =	simm.s32 $_tile_overlayer_lowered  }
0x13: {  	s23 =	simm.s32 $0x1BFF;
	s22 =	sshll.u32 s6, $0x1;
	s3 =	sadd.s32 s4, s20  }
0x14: {  	s7 =	simm.s32 $0x0;
	s21 =	sshll.u32 s5, $0x1;
	s5 =	sadd.s32 s22, s3  }
0x15: {  	[timem:s7], [sflag:s23] =	dma.local [hbm:s5], s21  }
0x16: {  	_ =	swait.ge [sflag:s23], s21  }
0x17: {  	s4 =	ssub.s32 $0x0, s21;
	[sflag:s23] =	ssyncset.done $0x0  }
0x18: {  	[sflag:s23] =	ssyncadd.s32 s4;
	_ =	sdelay $0x1  }
0x19: {  	s24 =	simm.s32 $0x1B8B  }
0x1a: {  	_ =	swait.ge [sflag:s24], $0x1  }
0x1b: {  	[sflag:s24] =	ssyncset.done $0x0  }
0x1c: {  	s26 =	simm.s32 $0x1B8E;
	s25 =	sld [smem:$0x3FFE];
	[sflag:s24] =	ssyncadd.s32 $0xFFFFFFFF  }
0x1d: {  	s27 =	simm.s32 $execute0_lowered;
	[smem:$0x3FD2] =	sst s26  }
0x1e: {  	s5 =	sshll.u32 s27, $0x1;
	_ =	strace $0x80000046;
	[dreg:$0x1] =	wrdreg $0xFFFFFFFF  }
0x1f: {  	s28 =	simm.s32 $_size_execute0_lowered;
	s3 =	sadd.s32 s3, s5;
	[dreg:$0x0] =	wrdreg $0x0  }
0x20: {  	s5 =	sshll.u32 s28, $0x1;
	[dreg:$0x2] =	wrdreg s3  }
0x21: {  	[dreg:$0x3] =	wrdreg s5  }
0x22: {  	[dreg:$0x4] =	wrdreg $0xC0  }
0x23: {  	_ =	task [dreg:s7], $0x5FFFF  }
0x24: {  	[dreg:$0x1] =	wrdreg $0xFFFFFFFF  }
0x25: {  	[dreg:$0x0] =	wrdreg $0x60  }
0x26: {  	[dreg:$0x2] =	wrdreg s2  }
0x27: {  	[dreg:$0x3] =	wrdreg s25  }
0x28: {  	[dreg:$0x4] =	wrdreg $0x9  }
0x29: {  	_ =	task.clear_ibuf [dreg:s7], $0x5FFFF;
	_ =	strace $0x90000046  }
0x2a: {  	s29 =	simm.s32 $0x9;
	_ =	strace $0x80000048  }
0x2b: {  	_ =	swait.ge [sflag:s29], $0x1  }
0x2c: {  	[sflag:s29] =	ssyncadd.s32 $0xFFFFFFFF  }
0x2d: {  	_ =	strace $0x90000048  }
0x2e: {  	_ =	sfence  }
0x2f: {  	s30 =	sld [smem:$0x0];
	_ =	sdelay $0x2  }
0x30: {  	s31 =	sshll.u32 s1, $0xD;
	s1 =	sshrl.u32 s1, $0x2  }
0x31: {  	s3 =	sand.u32 $0x4000, s31;
	s1 =	sadd.s32 s1, s30  }
0x32: {  	s0 =	sor.u32 s3, s0;
	s1 =	sshll.u32 s1, $0x11  }
0x33: {  	s0 =	sor.u32 s1, s0  }
0x34: {  	s0 =	sadd.s32 $0x8F2B, s0  }
0x35: {  	[sflag:s0] =	ssyncadd.remote.s32 $0x1  }
0x36: {  	_ =	sfence.sel $0xFFFF  }
0x37: {  	[dreg:$0x0] =	wrdreg $0xFFFFFFFF;
	(pc) =	sbr.abs _section_cstart, $3  }
0x38: {  	[dreg:$0x1] =	wrdreg $0xFFFFFFFF  }
0x39: {  	_ =	task.clear_ibuf [dreg:s7], $0x2FFFF;
	_ =	strace $0x9FFFFFFF  }
0x3a: {  	(tm) =	ssettm $0x7FFFFFFF  }
0x3b: {  	_ =	shalt  }
tec
execute0_lowered:
.L_overlay_start_1:
0x0: {  	(tag) =	ssettag $0x1  }
0x1: {  	s0 =	srdreg.scid;
	s2 =	rddreg [dreg:$0x0]  }
0x2: {  	s5 =	rddreg [dreg:$0x1];
	s1 =	stileid.u32  }
0x3: {  	s4 =	simm.s32 $0x1;
	s6 =	simm.s32 $0x2;
	s15 =	simm.s32 $0x0  }
0x4: {  	p0 =	por $0x0, $0x0;
	s8 =	simm.s32 $0x80;
	s0 =	sshll.u32 s0, $0x4  }
0x5: {  	s14 =	simm.s32 $0x0;
	s9 =	simm.s32 $0x0;
	s3 =	sand.u32 $0x10, s0  }
.Ltmp0:
0x6: {  	s10 =	simm.s32 $0x0;
	s3 =	sor.u32 s1, s3;
	(pc) =	sbr.rel .LBB1_1-.Ltmp0, $4  }
0x7: {  	s0 =	rddreg [dreg:$0x2];
	_ =	strace $0x80000047;
	s3 =	sshll.u32 s3, $0x7  }
0x8: {  	s12 =	simm.s32 $0x0;
	[sflag:s4] =	ssyncpa.u1 $0x0;
	s7 =	ssub.s32 $0xF4200, s3  }
0x9: {  	s13 =	simm.s32 $0x0;
	[sflag:s6] =	ssyncpa.u1 $0x0;
	s6 =	sshrl.u32 s7, $0xC  }
0xa: {  	s5 =	sadd.s32 $0xA00, s5;
	s11 =	smov.u32 s3;
	s7 =	sadd.s32 $0x2, s6  }
.LBB1_5:
0xb: {  	p1 =	slt.u32 s13, $0x2  }
0xc: {  	s17 =	smov.u32 s15;
	p2 =	sgt.s32 @!p1 s15, $0xF41C0;
	s16 =	sshra.s32 @!p1 s15, $0x1F  }
0xd: {  	p3 =	sgt.s32 @!p1 s14, $0x40;
	s18 =	sshra.s32 @!p1 s14, $0x1F;
	p2 =	por !p2, p1  }
0xe: {  	s15 =	sand.u32 @!p1 s16, s15;
	p3 =	por !p3, p1;
	s16 =	smov.u32 s14  }
0xf: {  	s14 =	sand.u32 @!p1 s18, s14;
	s17 =	simm.s32 @p2 $0xF41C0;
	s16 =	simm.s32 @p3 $0x40  }
0x10: {  	s15 =	ssub.s32 @!p1 s17, s15;
	s14 =	ssub.s32 @!p1 s16, s14  }
0x11: {  	s18 =	smov.u32 s12;
	s16 =	sadd.s32 @!p1 $0xFFF0BE40, s15;
	s17 =	sadd.s32 @!p1 $0xFFFFFFC0, s14  }
0x12: {  	s15 =	ssub.s32 @!p1 $0xF4240, s15;
	p2 =	sgt.s32 @!p1 s16, $0x7F;
	p3 =	sgt.s32 @!p1 s17, $0x3F  }
0x13: {  	s14 =	ssub.s32 @!p1 $0x80, s14;
	p2 =	por !p2, p1;
	p3 =	por !p3, p1  }
0x14: {  	s16 =	sadd.s32 $0x1000, s11;
	s15 =	simm.s32 @!p2 $0x0;
	s14 =	simm.s32 @!p3 $0x0  }
0x15: {  	p2 =	sgt.s32 s16, $0xF423F;
	s14 =	smul.u32 @!p1 s14, s15;
	s15 =	sadd.s32 $0x40, s12  }
0x16: {  	s18 =	smov.u32 @p2 s15  }
0x17: {  	s16 =	smov.u32 @p2 s3;
	p2 =	sgt.s32 s18, $0x3F  }
0x18: {  	s18 =	simm.s32 @p2 $0x0;
	p2 =	sne.s32 s13, s7  }
.Ltmp1:
0x19: {  	p0 =	por !p0, !p0;
	s17 =	simm.s32 @!p1 $0x2;
	(pc) =	sbr.rel @!p2 .LBB1_6-.Ltmp1, $4  }
0x1a: {  	s15 =	smov.u32 s9;
	s9 =	smov.u32 s11;
	s14 =	sand.u32 @!p1 $0x3FFFFFFF, s14  }
0x1b: {  	s11 =	smov.u32 s16;
	_ =	swait.ge @!p1 [sflag:s17], s14;
	s19 =	ssub.s32 @!p1 $0x0, s14  }
0x1c: {  	s14 =	smov.u32 s10;
	s13 =	sadd.s32 $0x1, s13;
	[sflag:s17] =	ssyncset.done @!p1 $0x0  }
0x1d: {  	s10 =	smov.u32 s12;
	s12 =	smov.u32 s18;
	[sflag:s17] =	ssyncadd.s32 @!p1 s19  }
.LBB1_1:
0x1e: {  	p1 =	sgt.u32 s13, s6  }
0x1f: {  	s16 =	sshrl.u32 @!p1 s12, $0x3  }
0x20: {  	s17 =	sshll.u32 @!p1 s11, $0x3;
	s16 =	smul.u32 @!p1 $0x7A1400, s16  }
0x21: {  	s18 =	sshll.u32 @!p1 s12, $0x7;
	s17 =	sand.u32 @!p1 $0xFFFFFC00, s17  }
0x22: {  	s16 =	sadd.s32 @!p1 s16, s17;
	s17 =	sand.u32 @!p1 $0x380, s18  }
0x23: {  	s18 =	sand.u32 @!p1 $0x7F, s11;
	s16 =	sor.u32 @!p1 s17, s16  }
0x24: {  	s17 =	sor.u32 @!p1 s18, s16  }
0x25: {  	s18 =	smulhi.u32 @!p1 $0x218D6287, s17;
	_ =	sdelay $0x1  }
0x26: {  	s16 =	smulhi.u32 @!p1 $0x218D6287, s16;
	s18 =	sshrl.u32 @!p1 s18, $0x11  }
0x27: {  	s18 =	smul.u32 @!p1 $0xF4280, s18  }
0x28: {  	s19 =	sxor.u32 @!p1 $0xFFFFFFFF, s13;
	s16 =	sshrl.u32 @!p1 s16, $0x11  }
0x29: {  	s19 =	sshll.u32 @!p1 s19, $0xD;
	s16 =	sand.u32 @!p1 $0x3F, s16;
	s17 =	ssub.s32 @!p1 s17, s18  }
0x2a: {  	s16 =	smul.u32 @!p1 $0x1E850, s16;
	s18 =	sshrl.u32 @!p1 s17, $0x3;
	s17 =	sand.u32 @!p1 $0x7, s17  }
0x2b: {  	s19 =	sand.u32 @!p1 $0x2000, s19;
	s18 =	sadd.s32 @!p1 s2, s18;
	s17 =	sshll.u32 @!p1 s17, $0x12  }
0x2c: {  	s16 =	sadd.s32 @!p1 s16, s18;
	s17 =	sor.u32 @!p1 $0x400, s17;
	s18 =	simm.s32 @!p1 $0x7A1400  }
0x2d: {  	[tilespmem:s19], [sflag:$0x1] =	stream.strided.gather @!p1 [hbm4b:s16+s17], $0x2000, s18, s17, $0x38;
	[tilespmem:$0x8100] =	vst v63  }
0x2e: {  	p1 =	seq.s32 s13, $0x0  }
0x2f: {  	p2 =	sge.u32 @!p1 s13, s7  }
0x30: {  	p1 =	por p1, p2  }
.Ltmp2:
0x31: {  	_ = 	snop;
	(pc) =	sbr.rel @p1 .LBB1_5-.Ltmp2, $1  }
0x32: {  	_ =	sdelay $0x3  }
0x33: {  	s16 =	simm.s32 $0x1  }
0x34: {  	_ =	swait.ge [sflag:s4], $0x2000;
	s16 =	simm.s32 @!p0 $0x0  }
0x35: {  	[sflag:s4] =	ssyncset.done $0x0;
	s17 =	sshll.u32 s16, $0xD  }
0x36: {  	[sflag:s4] =	ssyncadd.s32 $0xFFFFE000;
	s17 =	sor.u32 $0x40, s17  }
0x37: {  	s16 =	smul.u32 $0x8200, s16;
	v0 =	vld [tilespmem:s17+$0x30]  }
0x38: {  	v1 =	vld [tilespmem:s17+$0xFFFFFFD0]  }
0x39: {  	s16 =	sshrl.u32 s16, $0x2;
	v5 =	vld [tilespmem:s17+$0xFFFFFFE0]  }
0x3a: {  	v6 =	vld [tilespmem:s17+$0xFFFFFFF0];
	s19 =	sor.u32 $0x4000, s16  }
0x3b: {  	s31 =	sand.u32 $0x1, s13;
	v4 =	vld [tilespmem:s17+$0x0];
	s18 =	sadd.s32 $0x0, s19  }
0x3c: {  	v3 =	vld [tilespmem:s17+$0x10];
	s16 =	smul.u32 $0x8200, s31;
	[tilespmem:s18+$0x1C70 ss:$0x41] =	vst.msk $0xffff, v0  }
0x3d: {  	v2 =	vld [tilespmem:s17+$0x20];
	[tilespmem:s18+$0x410 ss:$0x41] =	vst.msk $0xffff, v1  }
0x3e: {  	s16 =	sshrl.u32 s16, $0x2;
	v1 =	vld [tilespmem:s17+$0xFFFFFFC0];
	[tilespmem:s18+$0x820 ss:$0x41] =	vst.msk $0xffff, v5;
	s17 =	sadd.s32 $0x80, s17  }
0x3f: {  	s20 =	simm.s32 $0x4;
	s21 =	simm.s32 $0x8;
	s16 =	sor.u32 $0x4000, s16;
	[tilespmem:s18+$0xC30 ss:$0x41] =	vst.msk $0xffff, v6;
	v0 =	vld [tilespmem:s17+$0x30]  }
.LBB1_3:
0x40: {  	p1 =	sne.s32 s21, $0xFC;
	v5 =	vld [tilespmem:s17+$0xFFFFFFD0];
	[tilespmem:s18+$0x1040 ss:$0x41] =	vst.msk $0xffff, v4  }
0x41: {  	v6 =	vld [tilespmem:s17+$0xFFFFFFE0];
	[tilespmem:s18+$0x1450 ss:$0x41] =	vst.msk $0xffff, v3  }
0x42: {  	s22 =	sshra.s32 s20, $0x2;
	s20 =	smov.u32 s21;
	v7 =	vld [tilespmem:s17+$0xFFFFFFF0];
	[tilespmem:s18+$0x1860 ss:$0x41] =	vst.msk $0xffff, v2  }
.Ltmp3:
0x43: {  	v4 =	vld [tilespmem:s17+$0x0];
	[tilespmem:s18+$0x0 ss:$0x41] =	vst.msk $0xffff, v1;
	s18 =	sadd.s32 s22, s19;
	(pc) =	sbr.rel @p1 .LBB1_3-.Ltmp3, $4  }
0x44: {  	v3 =	vld [tilespmem:s17+$0x10];
	[tilespmem:s18+$0x1C70 ss:$0x41] =	vst.msk $0xffff, v0  }
0x45: {  	[tilespmem:s18+$0x410 ss:$0x41] =	vst.msk $0xffff, v5;
	v2 =	vld [tilespmem:s17+$0x20]  }
0x46: {  	v1 =	vld [tilespmem:s17+$0xFFFFFFC0];
	[tilespmem:s18+$0x820 ss:$0x41] =	vst.msk $0xffff, v6;
	s17 =	sadd.s32 $0x80, s17  }
0x47: {  	s21 =	sadd.s32 $0x4, s21;
	v0 =	vld [tilespmem:s17+$0x30];
	[tilespmem:s18+$0xC30 ss:$0x41] =	vst.msk $0xffff, v7  }
0x48: {  	s21 =	sshll.u32 s9, $0x7;
	s22 =	sshll.u32 s10, $0x3;
	s20 =	sshra.s32 s20, $0x2  }
0x49: {  	p1 =	sgt.s32 s9, $0xF41C0;
	s30 =	sshra.s32 s9, $0x1F;
	s25 =	sshra.s32 s10, $0x1F  }
0x4a: {  	v5 =	vld [tilespmem:s17+$0xFFFFFFD0];
	s28 =	sshrl.u32 s10, $0x3;
	s23 =	sand.u32 $0xFFFFFC00, s21;
	s22 =	sand.u32 $0xFFFFFC00, s22  }
0x4b: {  	[tilespmem:s18+$0x1040 ss:$0x41] =	vst.msk $0xffff, v4;
	v58 =	vld [tilespmem:s17+$0xFFFFFFE0];
	s21 =	sand.u32 $0x380, s21;
	s19 =	sadd.s32 s20, s19;
	s22 =	sadd.s32 s22, s23  }
0x4c: {  	v59 =	vld [tilespmem:s17+$0xFFFFFFF0];
	[tilespmem:s18+$0x1450 ss:$0x41] =	vst.msk $0xffff, v3;
	s29 =	sor.u32 s21, s22;
	s21 =	smov.u32 s9;
	s22 =	sand.u32 s30, s9  }
0x4d: {  	v60 =	vld [tilespmem:s17+$0x0];
	[tilespmem:s18+$0x1860 ss:$0x41] =	vst.msk $0xffff, v2;
	s30 =	sand.u32 $0x7, s10;
	s20 =	sshrl.u32 s29, $0x7;
	s21 =	simm.s32 @!p1 $0xF41C0  }
0x4e: {  	v61 =	vld [tilespmem:s17+$0x10];
	[tilespmem:s18+$0x0 ss:$0x41] =	vst.msk $0xffff, v1;
	p1 =	sgt.s32 s10, $0x40;
	s24 =	ssub.s32 s21, s22;
	s21 =	smov.u32 s10  }
0x4f: {  	v62 =	vld [tilespmem:s17+$0x20];
	[tilespmem:s19+$0x1C70 ss:$0x41] =	vst.msk $0xffff, v0;
	s31 =	smulhi.u32 $0x218DEF5, s20;
	s22 =	sand.u32 s25, s10;
	s21 =	simm.s32 @!p1 $0x40  }
0x50: {  	v63 =	vld [tilespmem:s17+$0xFFFFFFC0];
	[tilespmem:s19+$0x410 ss:$0x41] =	vst.msk $0xffff, v5;
	s26 =	sadd.s32 $0xFFF0BE40, s24;
	s17 =	ssub.s32 $0xF4240, s24;
	s21 =	ssub.s32 s21, s22  }
0x51: {  	[tilespmem:s19+$0x820 ss:$0x41] =	vst.msk $0xffff, v58;
	s23 =	sshrl.u32 s31, $0xD;
	p1 =	sgt.s32 s26, $0x7F;
	s27 =	sadd.s32 $0xFFFFFFC0, s21  }
0x52: {  	[tilespmem:s19+$0xC30 ss:$0x41] =	vst.msk $0xffff, v59;
	s23 =	smul.u32 $0xF4240, s23;
	s18 =	ssub.s32 $0x80, s21;
	p2 =	sgt.s32 s27, $0x3F  }
.Ltmp4:
0x53: {  	[tilespmem:s19+$0x1040 ss:$0x41] =	vst.msk $0xffff, v60;
	s17 =	simm.s32 @p1 $0x0;
	s18 =	simm.s32 @p2 $0x0;
	(pc) =	sbr.rel .LBB1_5-.Ltmp4, $4  }
0x54: {  	s29 =	sand.u32 $0xF, s28;
	[tilespmem:s19+$0x1450 ss:$0x41] =	vst.msk $0xffff, v61;
	s20 =	ssub.s32 s20, s23;
	s17 =	smul.u32 s18, s17  }
0x55: {  	[tilespmem:s19+$0x1860 ss:$0x41] =	vst.msk $0xffff, v62;
	s21 =	sshll.u32 s30, $0x12;
	s20 =	sshll.u32 s20, $0x4;
	s18 =	sadd.s32 s5, s29  }
0x56: {  	[tilespmem:s19+$0x0 ss:$0x41] =	vst.msk $0xffff, v63;
	s31 =	sor.u32 $0x40, s21;
	s18 =	sadd.s32 s20, s18;
	s17 =	sand.u32 $0x3FFFFFFF, s17  }
0x57: {  	[hbm4b:s18+s31] =	stream.strided.scatter [tilespmem:s16], [sflag:$0x2], s17, s8, s31, $0x18;
	[tilespmem:$0x8100] =	vst v63  }
.LBB1_6:
0x58: {  	_ =	sfence.sel $0x180000  }
0x59: {  	s2 =	simm.s32 $0x1;
	[bflag:$0x0] =	sbarrier.arrive $0xFFFF  }
0x5a: {  	s31 =	simm.s32 $0x2;
	[sflag:s2] =	ssyncpa.u1 $0x1  }
0x5b: {  	[sflag:s31] =	ssyncpa.u1 $0x1  }
0x5c: {  	p0 =	sne.s32 s1, $0x0;
	_ =	strace $0x90000047  }
0x5d: {  	s0 =	sadd.s32 @!p0 $0x100000, s0;
	[bflag:$0x2] =	sbarrier.arrive $0xFFFF  }
0x5e: {  	[sflag:s0] =	ssyncadd.tile.s32 @!p0 $0x1;
	_ =	shalt  }
.Lfunc_end1:
_tile_overlayer_lowered:
.L_overlay_start_2:
0x5f: {  	(tag) =	ssettag $0x2  }
0x60: {  	s0 =	rddreg [dreg:$0x0];
	s2 =	stileid.u32  }
0x61: {  	s1 =	rddreg [dreg:$0x1];
	p0 =	sne.s32 s2, $0x0  }
0x62: {  	s3 =	rddreg [dreg:$0x2];
	[bflag:$0x3] =	sbarrier.arrive $0xFFFF;
	s2 =	simm.s32 @!p0 $0x1C01  }
0x63: {  	[timem:s3], [sflag:s2] =	dma.local @!p0 [hbm:s0], s1  }
0x64: {  	s0 =	simm.s32 @!p0 $0x1  }
0x65: {  	_ =	swait.ge @!p0 [sflag:s0], s1  }
0x66: {  	s1 =	ssub.s32 @!p0 $0x0, s1;
	[sflag:s0] =	ssyncset.done @!p0 $0x0  }
0x67: {  	[sflag:s0] =	ssyncadd.s32 @!p0 s1  }
0x68: {  	[bflag:$0x3] =	sbarrier.arrive $0xFFFF  }
0x69: {  	_ =	shalt  }

</sc_bundles>
